<compile_context>
chip_gen: v7x
topology: tpu7x:2x2x1
jax: 0.10.2.dev20260603
libtpu: 0.0.44.dev20260713+nightly
codegen_flags: <defaults>
</compile_context>

<pallas_src>
import functools

import jax
import jax.numpy as jnp
from jax import lax
from jax.experimental import pallas as pl
from jax.experimental.pallas import tpu as pltpu
from jax.experimental.pallas import tpu_sc as plsc

ENTITY_SIZE = 1000000
EMB = 64
BATCH = 16384
TOTAL = 2 * BATCH
NENT = 2 * TOTAL
NREL = TOTAL

NC = 2
NS = 16
NW = NC * NS
L = 16

ENT_PER_W = NENT // NW
REL_PER_W = NREL // NW

CHUNK = 512
CSH = 9
NSL = 5
TAIL_K = 1952
TAIL_SL = 5
TAIL_BASE = ENTITY_SIZE - TAIL_SL * 128
WIN = NSL * 128

FLUSH = 128
NROW = 128
SCALE_COL = EMB
PRIME_BASE = NENT + NREL
STAGE_ROWS = PRIME_BASE + FLUSH


def _rsqrt_nr(x):
    i = plsc.bitcast(x, jnp.int32)
    i = jnp.int32(0x5F3759DF) - lax.shift_right_logical(i, 1)
    y = plsc.bitcast(i, jnp.float32)
    half = x * jnp.float32(0.5)
    for _ in range(3):
        y = y * (jnp.float32(1.5) - half * y * y)
    return y


def _extract(tab_hbm, tail_hbm, ids_v, stage_hbm, chunk_v, ring_v,
             sem, csem, n_lookups, obase, is_entity, lane):
    zeros = jnp.zeros((L,), jnp.float32)
    ones = jnp.full((L,), 1.0, jnp.float32)

    pltpu.async_copy(
        ring_v.at[pl.ds(0, FLUSH)],
        stage_hbm.at[pl.ds(PRIME_BASE, FLUSH)], sem,
    )

    def issue_window(kk, half):
        @pl.when(kk >= TAIL_K)
        def _():
            for c in range(NSL):
                pltpu.async_copy(
                    tail_hbm.at[:, pl.ds(c * 128, 128)],
                    chunk_v.at[half, c], csem,
                )

        @pl.when(kk < TAIL_K)
        def _():
            for c in range(NSL):
                start = pl.multiple_of(kk * CHUNK + c * 128, 128)
                pltpu.async_copy(
                    tab_hbm.at[:, pl.ds(start, 128)],
                    chunk_v.at[half, c], csem,
                )

    def drain_window():
        for _ in range(NSL):
            pltpu.make_async_copy(
                tail_hbm.at[:, pl.ds(0, 128)], chunk_v.at[0, 0], csem
            ).wait()

    issue_window(jnp.int32(TAIL_K), jnp.int32(1))

    def cond(carry):
        pos, _, _, _ = carry
        return pos < n_lookups

    def body(carry):
        pos, cur_k, nb, pk = carry
        ev16 = ids_v[pl.ds(pos, L)]
        e0 = ev16[0]
        k = e0 >> CSH
        tail = k >= TAIL_K
        base = jnp.where(tail, TAIL_BASE, k * CHUNK)
        half = k & 1

        @pl.when(k != cur_k)
        def _():
            drain_window()

            @pl.when(k != pk)
            def _():
                issue_window(k, half)
                drain_window()

            issue_window(k + 1, (k + 1) & 1)

        lanes = pos + lane
        inb = lanes < n_lookups
        e_v = ev16
        valid = inb & (e_v < base + WIN)
        o = jnp.where(valid, e_v - base, 0)
        oc = o >> 7
        ol = o & 127
        rrow = lanes & (2 * FLUSH - 1)

        hv = jnp.full((L,), 0, jnp.int32) + half

        def dims(db, acc):
            for u in range(4):
                d = db * 4 + u
                dv = jnp.full((L,), 0, jnp.int32) + d
                col = plsc.load_gather(chunk_v, [hv, oc, dv, ol])
                plsc.store_scatter(ring_v, [rrow, dv], col, mask=valid)
                acc = acc + col * col
            return acc

        acc = lax.fori_loop(0, EMB // 4, dims, zeros)
        if is_entity:
            scale = jnp.where(e_v == ENTITY_SIZE - 1, ones, _rsqrt_nr(acc))
        else:
            scale = ones
        plsc.store_scatter(
            ring_v, [rrow, jnp.full((L,), SCALE_COL, jnp.int32)], scale,
            mask=valid,
        )

        nvalid = jnp.sum(valid.astype(jnp.int32))
        pos_new = pos + nvalid

        @pl.when(pos_new >= (nb + 1) * FLUSH)
        def _():
            pltpu.make_async_copy(
                ring_v.at[pl.ds(0, FLUSH)],
                stage_hbm.at[pl.ds(PRIME_BASE, FLUSH)], sem,
            ).wait()
            fhalf = (nb & 1) * FLUSH
            pltpu.async_copy(
                ring_v.at[pl.ds(fhalf, FLUSH)],
                stage_hbm.at[pl.ds(obase + nb * FLUSH, FLUSH)], sem,
            )

        nb_new = jnp.where(pos_new >= (nb + 1) * FLUSH, nb + 1, nb)
        pk_new = jnp.where(k != cur_k, k + 1, pk)
        return pos_new, k, nb_new, pk_new

    lax.while_loop(
        cond, body,
        (jnp.int32(0), jnp.int32(-1), jnp.int32(0), jnp.int32(-2)),
    )

    pltpu.make_async_copy(
        ring_v.at[pl.ds(0, FLUSH)],
        stage_hbm.at[pl.ds(PRIME_BASE, FLUSH)], sem,
    ).wait()
    drain_window()


def _phase1_body(eids_hbm, rids_hbm, ent_hbm, rel_hbm,
                 ent_tail_hbm, rel_tail_hbm, stage_hbm,
                 eid_v, rid_v, chunk_v, ring_v, sem, csem):
    wid = lax.axis_index("s") * NC + lax.axis_index("c")
    lane = lax.broadcasted_iota(jnp.int32, (L,), 0)

    cps = [
        pltpu.async_copy(eids_hbm.at[pl.ds(wid * ENT_PER_W, ENT_PER_W)],
                         eid_v.at[pl.ds(0, ENT_PER_W)], csem),
        pltpu.async_copy(rids_hbm.at[pl.ds(wid * REL_PER_W, REL_PER_W)],
                         rid_v.at[pl.ds(0, REL_PER_W)], csem),
    ]
    for cp in cps:
        cp.wait()

    _extract(ent_hbm, ent_tail_hbm, eid_v, stage_hbm, chunk_v, ring_v,
             sem, csem, ENT_PER_W, wid * ENT_PER_W, True, lane)
    _extract(rel_hbm, rel_tail_hbm, rid_v, stage_hbm, chunk_v, ring_v,
             sem, csem, REL_PER_W, NENT + wid * REL_PER_W, False, lane)


TRIP_PER_W = TOTAL // NW
P2CH = 128


def _phase2_body(stage_hbm, hpos_hbm, tpos_hbm, rpos_hbm, out_hbm,
                 h_v, r_v, t_v, hp_v, tp_v, rp_v, out_v, p2sem):
    wid = lax.axis_index("s") * NC + lax.axis_index("c")
    lane = lax.broadcasted_iota(jnp.int32, (L,), 0)
    zeros = jnp.zeros((L,), jnp.float32)
    tb = wid * TRIP_PER_W

    cps = [
        pltpu.async_copy(hpos_hbm.at[pl.ds(tb, TRIP_PER_W)], hp_v, p2sem),
        pltpu.async_copy(tpos_hbm.at[pl.ds(tb, TRIP_PER_W)], tp_v, p2sem),
        pltpu.async_copy(rpos_hbm.at[pl.ds(tb, TRIP_PER_W)], rp_v, p2sem),
    ]
    for cp in cps:
        cp.wait()

    for c in range(TRIP_PER_W // P2CH):
        cps = [
            pltpu.async_copy(
                stage_hbm.at[hp_v.at[pl.ds(c * P2CH, P2CH)]], h_v, p2sem),
            pltpu.async_copy(
                stage_hbm.at[tp_v.at[pl.ds(c * P2CH, P2CH)]], t_v, p2sem),
            pltpu.async_copy(
                stage_hbm.at[rp_v.at[pl.ds(c * P2CH, P2CH)]], r_v, p2sem),
        ]
        for cp in cps:
            cp.wait()

        def group(g, carry):
            rows = g * L + lane
            scol = jnp.full((L,), SCALE_COL, jnp.int32)
            sh = plsc.load_gather(h_v, [rows, scol])
            st = plsc.load_gather(t_v, [rows, scol])

            def dims(db, acc):
                for u in range(4):
                    dv = jnp.full((L,), 0, jnp.int32) + (db * 4 + u)
                    gh = plsc.load_gather(h_v, [rows, dv])
                    gr = plsc.load_gather(r_v, [rows, dv])
                    gt = plsc.load_gather(t_v, [rows, dv])
                    d = gh * sh + gr - gt * st
                    acc = acc + d * d
                return acc

            acc = lax.fori_loop(0, EMB // 4, dims, zeros)
            dist = jnp.where(acc > 0, acc * _rsqrt_nr(acc), zeros)
            out_v[pl.ds(c * P2CH + g * L, L)] = dist
            return carry

        lax.fori_loop(0, P2CH // L, group, 0)

    pltpu.sync_copy(out_v, out_hbm.at[pl.ds(tb, TRIP_PER_W)])


@jax.jit
def _trans_e(eids_sorted, rids_sorted, hpos, tpos, rpos,
             ent_t, rel_t, ent_tail, rel_tail):
    mesh = plsc.VectorSubcoreMesh(core_axis_name="c", subcore_axis_name="s")
    params = pltpu.CompilerParams(
        needs_layout_passes=False, use_tc_tiling_on_sc=True
    )
    stage = functools.partial(
        pl.kernel,
        out_type=jax.ShapeDtypeStruct((STAGE_ROWS, NROW), jnp.float32),
        mesh=mesh,
        scratch_types=[
            pltpu.VMEM((ENT_PER_W + L,), jnp.int32),
            pltpu.VMEM((REL_PER_W + L,), jnp.int32),
            pltpu.VMEM((2, NSL, EMB, 128), jnp.float32),
            pltpu.VMEM((2 * FLUSH, NROW), jnp.float32),
            pltpu.SemaphoreType.DMA,
            pltpu.SemaphoreType.DMA,
        ],
        compiler_params=params,
    )(_phase1_body)(eids_sorted, rids_sorted, ent_t, rel_t,
                    ent_tail, rel_tail)

    return functools.partial(
        pl.kernel,
        out_type=jax.ShapeDtypeStruct((TOTAL,), jnp.float32),
        mesh=mesh,
        scratch_types=[
            pltpu.VMEM((P2CH, NROW), jnp.float32),
            pltpu.VMEM((P2CH, NROW), jnp.float32),
            pltpu.VMEM((P2CH, NROW), jnp.float32),
            pltpu.VMEM((TRIP_PER_W,), jnp.int32),
            pltpu.VMEM((TRIP_PER_W,), jnp.int32),
            pltpu.VMEM((TRIP_PER_W,), jnp.int32),
            pltpu.VMEM((TRIP_PER_W,), jnp.float32),
            pltpu.SemaphoreType.DMA,
        ],
        compiler_params=params,
    )(_phase2_body)(stage, hpos, tpos, rpos)


def kernel(positive_triplets, negative_triplets, entity_emb, relation_emb):
    trip = jnp.concatenate([positive_triplets, negative_triplets], axis=0)
    trip = trip.astype(jnp.int32)
    eids = jnp.concatenate([trip[:, 0], trip[:, 2]])
    rids = trip[:, 1]
    eorder = jnp.argsort(eids).astype(jnp.int32)
    rorder = jnp.argsort(rids).astype(jnp.int32)
    arange_e = jnp.arange(NENT, dtype=jnp.int32)
    arange_r = jnp.arange(NREL, dtype=jnp.int32)
    inv_e = jnp.zeros((NENT,), jnp.int32).at[eorder].set(arange_e)
    inv_r = jnp.zeros((NREL,), jnp.int32).at[rorder].set(arange_r)
    out = _trans_e(
        eids[eorder], rids[rorder],
        inv_e[:TOTAL], inv_e[TOTAL:], inv_r + jnp.int32(NENT),
        entity_emb.T, relation_emb.T,
        entity_emb[TAIL_BASE:].T, relation_emb[TAIL_BASE:].T,
    )
    return out[:BATCH], out[BATCH:]

# --- scband reference (transcript-rebuilt; emitter-appended) ---
"""Pipeline reference for scband-trans-e-79139067396692 (READ-ONLY COPY).

The authoritative reference and input builder live on the scoring server;
editing this copy changes nothing except your own understanding.
"""

import jax, jax.numpy as jnp
import numpy as np

ENTITY_SIZE = 1000000
RELATION_SIZE = 1000000
EMB_DIM = 64
NORM = 2
BATCH = 16384


def _init_table(key, num, dim):
    bound = 6.0 / np.sqrt(dim)
    w = jax.random.uniform(key, (num, dim), dtype=jnp.float32, minval=-bound, maxval=bound)
    l1 = jnp.sum(jnp.abs(w[:-1]), axis=1, keepdims=True)
    w = w.at[:-1].set(w[:-1] / l1)
    return w


def setup_inputs(seed: int = 0) -> dict:
    key = jax.random.key(seed)
    k1, k2, k3, k4 = jax.random.split(key, 4)
    positive_triplets = jax.random.randint(k1, (BATCH, 3), 0, ENTITY_SIZE, dtype=jnp.int64) if jax.config.jax_enable_x64 else jax.random.randint(k1, (BATCH, 3), 0, ENTITY_SIZE).astype(jnp.int32)
    negative_triplets = jax.random.randint(k2, (BATCH, 3), 0, ENTITY_SIZE, dtype=jnp.int64) if jax.config.jax_enable_x64 else jax.random.randint(k2, (BATCH, 3), 0, ENTITY_SIZE).astype(jnp.int32)
    entity_emb = _init_table(k3, ENTITY_SIZE, EMB_DIM)
    relation_emb = _init_table(k4, RELATION_SIZE, EMB_DIM)
    return {
        "positive_triplets": positive_triplets,
        "negative_triplets": negative_triplets,
        "entity_emb": entity_emb,
        "relation_emb": relation_emb,
    }


def reference(positive_triplets, negative_triplets, entity_emb, relation_emb):
    # forward() first renormalizes entity embeddings (all rows except last) to unit L2 norm
    l2 = jnp.linalg.norm(entity_emb[:-1], ord=2, axis=1, keepdims=True)
    entity_emb = entity_emb.at[:-1].set(entity_emb[:-1] / l2)

    def distance(triplets):
        h = jnp.take(entity_emb, triplets[:, 0], axis=0)
        r = jnp.take(relation_emb, triplets[:, 1], axis=0)
        t = jnp.take(entity_emb, triplets[:, 2], axis=0)
        return jnp.linalg.norm(h + r - t, ord=NORM, axis=1)

    positive_distance = distance(positive_triplets)
    negative_distance = distance(negative_triplets)
    return (positive_distance, negative_distance)

if __name__ == "__main__":
    import jax
    _d = setup_inputs()
    print(jax.jit(kernel)(*tuple(_d.values())))

</pallas_src>

<mosaic_0001>
#map = affine_map<(d0, d1) -> (0, 0)>
#map1 = affine_map<(d0, d1) -> (0)>
module attributes {stable_mosaic.version = 14 : i64} {
  func.func @_phase2_body(%arg0: i32, %arg1: i32, %arg2: memref<98432x128xf32, #tpu.memory_space<hbm>>, %arg3: memref<32768xi32, #tpu.memory_space<hbm>>, %arg4: memref<32768xi32, #tpu.memory_space<hbm>>, %arg5: memref<32768xi32, #tpu.memory_space<hbm>>, %arg6: memref<32768xf32, #tpu.memory_space<hbm>>, %arg7: memref<128x128xf32, #tpu.memory_space<vmem>>, %arg8: memref<128x128xf32, #tpu.memory_space<vmem>>, %arg9: memref<128x128xf32, #tpu.memory_space<vmem>>, %arg10: memref<1024xi32, #tpu.memory_space<vmem>>, %arg11: memref<1024xi32, #tpu.memory_space<vmem>>, %arg12: memref<1024xi32, #tpu.memory_space<vmem>>, %arg13: memref<1024xf32, #tpu.memory_space<vmem>>, %arg14: memref<!tpu.dma_semaphore, #tpu.memory_space<semaphore_mem>>) attributes {dimension_semantics = [#tpu.dimension_semantics<core_parallel>, #tpu.dimension_semantics<subcore_parallel>], iteration_bounds = array<i64: 2, 16>, scalar_prefetch = 0 : i64, scratch_operands = 8 : i64, tpu.core_type = #tpu.core_type<sc_vector_subcore>, window_params = [{transform_indices = #map}, {transform_indices = #map1}, {transform_indices = #map1}, {transform_indices = #map1}, {transform_indices = #map1}]} {
    %mul3A = arith.constant 2 : i32
    %mul3A_0 = arith.muli %arg1, %mul3A : i32
    %add3A = arith.addi %mul3A_0, %arg0 : i32
    %iota3A = tpu.iota {dimensions = array<i32: 0>} : vector<16xi32>
    %broadcast_in_dim3A = arith.constant 0.000000e+00 : f32
    %broadcast_in_dim3A_1 = vector.broadcast %broadcast_in_dim3A : f32 to vector<16xf32>
    %mul3A_2 = arith.constant 1024 : i32
    %mul3A_3 = arith.muli %add3A, %mul3A_2 : i32
    %dma_start3A = tpu.memref_slice %arg3[%mul3A_3] : memref<32768xi32, #tpu.memory_space<hbm>> -> memref<1024xi32, #tpu.memory_space<hbm>>
    %dma_start3A_4 = tpu.memref_slice %arg3[%mul3A_3] : memref<32768xi32, #tpu.memory_space<hbm>> -> memref<1024xi32, #tpu.memory_space<hbm>>
    tpu.enqueue_dma source(%dma_start3A_4 : memref<1024xi32, #tpu.memory_space<hbm>>) target(%arg10 : memref<1024xi32, #tpu.memory_space<vmem>>) target_semaphore(%arg14 : memref<!tpu.dma_semaphore, #tpu.memory_space<semaphore_mem>>)
    %dma_start3A_5 = tpu.memref_slice %arg4[%mul3A_3] : memref<32768xi32, #tpu.memory_space<hbm>> -> memref<1024xi32, #tpu.memory_space<hbm>>
    %dma_start3A_6 = tpu.memref_slice %arg4[%mul3A_3] : memref<32768xi32, #tpu.memory_space<hbm>> -> memref<1024xi32, #tpu.memory_space<hbm>>
    tpu.enqueue_dma source(%dma_start3A_6 : memref<1024xi32, #tpu.memory_space<hbm>>) target(%arg11 : memref<1024xi32, #tpu.memory_space<vmem>>) target_semaphore(%arg14 : memref<!tpu.dma_semaphore, #tpu.memory_space<semaphore_mem>>)
    %dma_start3A_7 = tpu.memref_slice %arg5[%mul3A_3] : memref<32768xi32, #tpu.memory_space<hbm>> -> memref<1024xi32, #tpu.memory_space<hbm>>
    %dma_start3A_8 = tpu.memref_slice %arg5[%mul3A_3] : memref<32768xi32, #tpu.memory_space<hbm>> -> memref<1024xi32, #tpu.memory_space<hbm>>
    tpu.enqueue_dma source(%dma_start3A_8 : memref<1024xi32, #tpu.memory_space<hbm>>) target(%arg12 : memref<1024xi32, #tpu.memory_space<vmem>>) target_semaphore(%arg14 : memref<!tpu.dma_semaphore, #tpu.memory_space<semaphore_mem>>)
    %dma_wait3A = tpu.memref_slice %arg3[%mul3A_3] : memref<32768xi32, #tpu.memory_space<hbm>> -> memref<1024xi32, #tpu.memory_space<hbm>>
    %dma_wait3A_9 = tpu.memref_slice %arg3[%mul3A_3] : memref<32768xi32, #tpu.memory_space<hbm>> -> memref<1024xi32, #tpu.memory_space<hbm>>
    tpu.wait_dma2 semaphore(%arg14 : memref<!tpu.dma_semaphore, #tpu.memory_space<semaphore_mem>>) src(%dma_wait3A_9 : memref<1024xi32, #tpu.memory_space<hbm>>) dst(%arg10 : memref<1024xi32, #tpu.memory_space<vmem>>)
    %dma_wait3A_10 = tpu.memref_slice %arg4[%mul3A_3] : memref<32768xi32, #tpu.memory_space<hbm>> -> memref<1024xi32, #tpu.memory_space<hbm>>
    %dma_wait3A_11 = tpu.memref_slice %arg4[%mul3A_3] : memref<32768xi32, #tpu.memory_space<hbm>> -> memref<1024xi32, #tpu.memory_space<hbm>>
    tpu.wait_dma2 semaphore(%arg14 : memref<!tpu.dma_semaphore, #tpu.memory_space<semaphore_mem>>) src(%dma_wait3A_11 : memref<1024xi32, #tpu.memory_space<hbm>>) dst(%arg11 : memref<1024xi32, #tpu.memory_space<vmem>>)
    %dma_wait3A_12 = tpu.memref_slice %arg5[%mul3A_3] : memref<32768xi32, #tpu.memory_space<hbm>> -> memref<1024xi32, #tpu.memory_space<hbm>>
    %dma_wait3A_13 = tpu.memref_slice %arg5[%mul3A_3] : memref<32768xi32, #tpu.memory_space<hbm>> -> memref<1024xi32, #tpu.memory_space<hbm>>
    tpu.wait_dma2 semaphore(%arg14 : memref<!tpu.dma_semaphore, #tpu.memory_space<semaphore_mem>>) src(%dma_wait3A_13 : memref<1024xi32, #tpu.memory_space<hbm>>) dst(%arg12 : memref<1024xi32, #tpu.memory_space<vmem>>)
    %dma_start3A_14 = arith.constant 0 : i32
    %dma_start3A_15 = tpu.memref_slice %arg10[%dma_start3A_14] : memref<1024xi32, #tpu.memory_space<vmem>> -> memref<128xi32, #tpu.memory_space<vmem>>
    %dma_start3A_16 = arith.constant 0 : i32
    %dma_start3A_17 = arith.constant 0 : i32
    %dma_start3A_18 = tpu.memref_slice %arg2[%dma_start3A_16, %dma_start3A_17] : memref<98432x128xf32, #tpu.memory_space<hbm>> -> memref<98432x128xf32, #tpu.memory_space<hbm>>
    tpu.enqueue_indirect_dma source(%dma_start3A_18 : memref<98432x128xf32, #tpu.memory_space<hbm>>) target(%arg7 : memref<128x128xf32, #tpu.memory_space<vmem>>) offsets(%dma_start3A_15 : memref<128xi32, #tpu.memory_space<vmem>>) semaphore(%arg14 : memref<!tpu.dma_semaphore, #tpu.memory_space<semaphore_mem>>)
    %dma_start3A_19 = arith.constant 0 : i32
    %dma_start3A_20 = tpu.memref_slice %arg11[%dma_start3A_19] : memref<1024xi32, #tpu.memory_space<vmem>> -> memref<128xi32, #tpu.memory_space<vmem>>
    %dma_start3A_21 = arith.constant 0 : i32
    %dma_start3A_22 = arith.constant 0 : i32
    %dma_start3A_23 = tpu.memref_slice %arg2[%dma_start3A_21, %dma_start3A_22] : memref<98432x128xf32, #tpu.memory_space<hbm>> -> memref<98432x128xf32, #tpu.memory_space<hbm>>
    tpu.enqueue_indirect_dma source(%dma_start3A_23 : memref<98432x128xf32, #tpu.memory_space<hbm>>) target(%arg9 : memref<128x128xf32, #tpu.memory_space<vmem>>) offsets(%dma_start3A_20 : memref<128xi32, #tpu.memory_space<vmem>>) semaphore(%arg14 : memref<!tpu.dma_semaphore, #tpu.memory_space<semaphore_mem>>)
    %dma_start3A_24 = arith.constant 0 : i32
    %dma_start3A_25 = tpu.memref_slice %arg12[%dma_start3A_24] : memref<1024xi32, #tpu.memory_space<vmem>> -> memref<128xi32, #tpu.memory_space<vmem>>
    %dma_start3A_26 = arith.constant 0 : i32
    %dma_start3A_27 = arith.constant 0 : i32
    %dma_start3A_28 = tpu.memref_slice %arg2[%dma_start3A_26, %dma_start3A_27] : memref<98432x128xf32, #tpu.memory_space<hbm>> -> memref<98432x128xf32, #tpu.memory_space<hbm>>
    tpu.enqueue_indirect_dma source(%dma_start3A_28 : memref<98432x128xf32, #tpu.memory_space<hbm>>) target(%arg8 : memref<128x128xf32, #tpu.memory_space<vmem>>) offsets(%dma_start3A_25 : memref<128xi32, #tpu.memory_space<vmem>>) semaphore(%arg14 : memref<!tpu.dma_semaphore, #tpu.memory_space<semaphore_mem>>)
    %dma_wait3A_29 = arith.constant 0 : i32
    %dma_wait3A_30 = tpu.memref_slice %arg10[%dma_wait3A_29] : memref<1024xi32, #tpu.memory_space<vmem>> -> memref<128xi32, #tpu.memory_space<vmem>>
    %dma_wait3A_31 = arith.constant 0 : i32
    %dma_wait3A_32 = arith.constant 0 : i32
    %dma_wait3A_33 = tpu.memref_slice %arg2[%dma_wait3A_31, %dma_wait3A_32] : memref<98432x128xf32, #tpu.memory_space<hbm>> -> memref<98432x128xf32, #tpu.memory_space<hbm>>
    tpu.wait_indirect_dma semaphore(%arg14 : memref<!tpu.dma_semaphore, #tpu.memory_space<semaphore_mem>>) src(%dma_wait3A_33 : memref<98432x128xf32, #tpu.memory_space<hbm>>) dst(%arg7 : memref<128x128xf32, #tpu.memory_space<vmem>>)
    %dma_wait3A_34 = arith.constant 0 : i32
    %dma_wait3A_35 = tpu.memref_slice %arg11[%dma_wait3A_34] : memref<1024xi32, #tpu.memory_space<vmem>> -> memref<128xi32, #tpu.memory_space<vmem>>
    %dma_wait3A_36 = arith.constant 0 : i32
    %dma_wait3A_37 = arith.constant 0 : i32
    %dma_wait3A_38 = tpu.memref_slice %arg2[%dma_wait3A_36, %dma_wait3A_37] : memref<98432x128xf32, #tpu.memory_space<hbm>> -> memref<98432x128xf32, #tpu.memory_space<hbm>>
    tpu.wait_indirect_dma semaphore(%arg14 : memref<!tpu.dma_semaphore, #tpu.memory_space<semaphore_mem>>) src(%dma_wait3A_38 : memref<98432x128xf32, #tpu.memory_space<hbm>>) dst(%arg9 : memref<128x128xf32, #tpu.memory_space<vmem>>)
    %dma_wait3A_39 = arith.constant 0 : i32
    %dma_wait3A_40 = tpu.memref_slice %arg12[%dma_wait3A_39] : memref<1024xi32, #tpu.memory_space<vmem>> -> memref<128xi32, #tpu.memory_space<vmem>>
    %dma_wait3A_41 = arith.constant 0 : i32
    %dma_wait3A_42 = arith.constant 0 : i32
    %dma_wait3A_43 = tpu.memref_slice %arg2[%dma_wait3A_41, %dma_wait3A_42] : memref<98432x128xf32, #tpu.memory_space<hbm>> -> memref<98432x128xf32, #tpu.memory_space<hbm>>
    tpu.wait_indirect_dma semaphore(%arg14 : memref<!tpu.dma_semaphore, #tpu.memory_space<semaphore_mem>>) src(%dma_wait3A_43 : memref<98432x128xf32, #tpu.memory_space<hbm>>) dst(%arg8 : memref<128x128xf32, #tpu.memory_space<vmem>>)
    %scan3A = arith.constant 0 : i32
    %scan3A_44 = arith.constant 0 : i32
    %scan3A_45 = arith.constant 8 : i32
    %scan3A_46 = arith.addi %scan3A_44, %scan3A_45 : i32
    %scan3A_47 = arith.constant 1 : i32
    scf.for %scan3A_301 = %scan3A_44 to %scan3A_46 step %scan3A_47  : i32 {
      %mul3A_302 = arith.constant 16 : i32
      %mul3A_303 = arith.muli %scan3A_301, %mul3A_302 : i32
      %add3A_304 = vector.broadcast %mul3A_303 : i32 to vector<16xi32>
      %add3A_305 = arith.addi %add3A_304, %iota3A : vector<16xi32>
      %broadcast_in_dim3A_306 = arith.constant 64 : i32
      %broadcast_in_dim3A_307 = vector.broadcast %broadcast_in_dim3A_306 : i32 to vector<16xi32>
      %gather3A = tpu.vector_load_idx %arg7[%add3A_305, %broadcast_in_dim3A_307] : memref<128x128xf32, #tpu.memory_space<vmem>>[vector<16xi32>, vector<16xi32>], vector<16xf32>,
      %gather3A_308 = tpu.vector_load_idx %arg9[%add3A_305, %broadcast_in_dim3A_307] : memref<128x128xf32, #tpu.memory_space<vmem>>[vector<16xi32>, vector<16xi32>], vector<16xf32>,
      %scan3A_309 = arith.constant 0 : i32
      %scan3A_310 = arith.constant 16 : i32
      %scan3A_311 = arith.addi %scan3A_309, %scan3A_310 : i32
      %scan3A_312 = arith.constant 1 : i32
      %scan3A_313 = scf.for %scan3A_349 = %scan3A_309 to %scan3A_311 step %scan3A_312 iter_args(%scan3A_350 = %broadcast_in_dim3A_1) -> (vector<16xf32>)  : i32 {
        %broadcast_in_dim3A_351 = arith.constant 0 : i32
        %broadcast_in_dim3A_352 = vector.broadcast %broadcast_in_dim3A_351 : i32 to vector<16xi32>
        %mul3A_353 = arith.constant 4 : i32
        %mul3A_354 = arith.muli %scan3A_349, %mul3A_353 : i32
        %add3A_355 = arith.constant 0 : i32
        %add3A_356 = arith.addi %mul3A_354, %add3A_355 : i32
        %add3A_357 = vector.broadcast %add3A_356 : i32 to vector<16xi32>
        %add3A_358 = arith.addi %broadcast_in_dim3A_352, %add3A_357 : vector<16xi32>
        %gather3A_359 = tpu.vector_load_idx %arg7[%add3A_305, %add3A_358] : memref<128x128xf32, #tpu.memory_space<vmem>>[vector<16xi32>, vector<16xi32>], vector<16xf32>,
        %gather3A_360 = tpu.vector_load_idx %arg8[%add3A_305, %add3A_358] : memref<128x128xf32, #tpu.memory_space<vmem>>[vector<16xi32>, vector<16xi32>], vector<16xf32>,
        %gather3A_361 = tpu.vector_load_idx %arg9[%add3A_305, %add3A_358] : memref<128x128xf32, #tpu.memory_space<vmem>>[vector<16xi32>, vector<16xi32>], vector<16xf32>,
        %mul3A_362 = arith.mulf %gather3A_359, %gather3A : vector<16xf32>
        %add3A_363 = arith.addf %mul3A_362, %gather3A_360 : vector<16xf32>
        %mul3A_364 = arith.mulf %gather3A_361, %gather3A_308 : vector<16xf32>
        %sub3A_365 = arith.subf %add3A_363, %mul3A_364 : vector<16xf32>
        %mul3A_366 = arith.mulf %sub3A_365, %sub3A_365 : vector<16xf32>
        %add3A_367 = arith.addf %scan3A_350, %mul3A_366 : vector<16xf32>
        %broadcast_in_dim3A_368 = arith.constant 0 : i32
        %broadcast_in_dim3A_369 = vector.broadcast %broadcast_in_dim3A_368 : i32 to vector<16xi32>
        %mul3A_370 = arith.constant 4 : i32
        %mul3A_371 = arith.muli %scan3A_349, %mul3A_370 : i32
        %add3A_372 = arith.constant 1 : i32
        %add3A_373 = arith.addi %mul3A_371, %add3A_372 : i32
        %add3A_374 = vector.broadcast %add3A_373 : i32 to vector<16xi32>
        %add3A_375 = arith.addi %broadcast_in_dim3A_369, %add3A_374 : vector<16xi32>
        %gather3A_376 = tpu.vector_load_idx %arg7[%add3A_305, %add3A_375] : memref<128x128xf32, #tpu.memory_space<vmem>>[vector<16xi32>, vector<16xi32>], vector<16xf32>,
        %gather3A_377 = tpu.vector_load_idx %arg8[%add3A_305, %add3A_375] : memref<128x128xf32, #tpu.memory_space<vmem>>[vector<16xi32>, vector<16xi32>], vector<16xf32>,
        %gather3A_378 = tpu.vector_load_idx %arg9[%add3A_305, %add3A_375] : memref<128x128xf32, #tpu.memory_space<vmem>>[vector<16xi32>, vector<16xi32>], vector<16xf32>,
        %mul3A_379 = arith.mulf %gather3A_376, %gather3A : vector<16xf32>
        %add3A_380 = arith.addf %mul3A_379, %gather3A_377 : vector<16xf32>
        %mul3A_381 = arith.mulf %gather3A_378, %gather3A_308 : vector<16xf32>
        %sub3A_382 = arith.subf %add3A_380, %mul3A_381 : vector<16xf32>
        %mul3A_383 = arith.mulf %sub3A_382, %sub3A_382 : vector<16xf32>
        %add3A_384 = arith.addf %add3A_367, %mul3A_383 : vector<16xf32>
        %broadcast_in_dim3A_385 = arith.constant 0 : i32
        %broadcast_in_dim3A_386 = vector.broadcast %broadcast_in_dim3A_385 : i32 to vector<16xi32>
        %mul3A_387 = arith.constant 4 : i32
        %mul3A_388 = arith.muli %scan3A_349, %mul3A_387 : i32
        %add3A_389 = arith.constant 2 : i32
        %add3A_390 = arith.addi %mul3A_388, %add3A_389 : i32
        %add3A_391 = vector.broadcast %add3A_390 : i32 to vector<16xi32>
        %add3A_392 = arith.addi %broadcast_in_dim3A_386, %add3A_391 : vector<16xi32>
        %gather3A_393 = tpu.vector_load_idx %arg7[%add3A_305, %add3A_392] : memref<128x128xf32, #tpu.memory_space<vmem>>[vector<16xi32>, vector<16xi32>], vector<16xf32>,
        %gather3A_394 = tpu.vector_load_idx %arg8[%add3A_305, %add3A_392] : memref<128x128xf32, #tpu.memory_space<vmem>>[vector<16xi32>, vector<16xi32>], vector<16xf32>,
        %gather3A_395 = tpu.vector_load_idx %arg9[%add3A_305, %add3A_392] : memref<128x128xf32, #tpu.memory_space<vmem>>[vector<16xi32>, vector<16xi32>], vector<16xf32>,
        %mul3A_396 = arith.mulf %gather3A_393, %gather3A : vector<16xf32>
        %add3A_397 = arith.addf %mul3A_396, %gather3A_394 : vector<16xf32>
        %mul3A_398 = arith.mulf %gather3A_395, %gather3A_308 : vector<16xf32>
        %sub3A_399 = arith.subf %add3A_397, %mul3A_398 : vector<16xf32>
        %mul3A_400 = arith.mulf %sub3A_399, %sub3A_399 : vector<16xf32>
        %add3A_401 = arith.addf %add3A_384, %mul3A_400 : vector<16xf32>
        %broadcast_in_dim3A_402 = arith.constant 0 : i32
        %broadcast_in_dim3A_403 = vector.broadcast %broadcast_in_dim3A_402 : i32 to vector<16xi32>
        %mul3A_404 = arith.constant 4 : i32
        %mul3A_405 = arith.muli %scan3A_349, %mul3A_404 : i32
        %add3A_406 = arith.constant 3 : i32
        %add3A_407 = arith.addi %mul3A_405, %add3A_406 : i32
        %add3A_408 = vector.broadcast %add3A_407 : i32 to vector<16xi32>
        %add3A_409 = arith.addi %broadcast_in_dim3A_403, %add3A_408 : vector<16xi32>
        %gather3A_410 = tpu.vector_load_idx %arg7[%add3A_305, %add3A_409] : memref<128x128xf32, #tpu.memory_space<vmem>>[vector<16xi32>, vector<16xi32>], vector<16xf32>,
        %gather3A_411 = tpu.vector_load_idx %arg8[%add3A_305, %add3A_409] : memref<128x128xf32, #tpu.memory_space<vmem>>[vector<16xi32>, vector<16xi32>], vector<16xf32>,
        %gather3A_412 = tpu.vector_load_idx %arg9[%add3A_305, %add3A_409] : memref<128x128xf32, #tpu.memory_space<vmem>>[vector<16xi32>, vector<16xi32>], vector<16xf32>,
        %mul3A_413 = arith.mulf %gather3A_410, %gather3A : vector<16xf32>
        %add3A_414 = arith.addf %mul3A_413, %gather3A_411 : vector<16xf32>
        %mul3A_415 = arith.mulf %gather3A_412, %gather3A_308 : vector<16xf32>
        %sub3A_416 = arith.subf %add3A_414, %mul3A_415 : vector<16xf32>
        %mul3A_417 = arith.mulf %sub3A_416, %sub3A_416 : vector<16xf32>
        %add3A_418 = arith.addf %add3A_401, %mul3A_417 : vector<16xf32>
        scf.yield %add3A_418 : vector<16xf32>
      }
      %scan3A_314 = arith.constant 16 : i32
      %gt3A = arith.constant 0.000000e+00 : f32
      %gt3A_315 = vector.broadcast %gt3A : f32 to vector<16xf32>
      %gt3A_316 = arith.cmpf ogt, %scan3A_313, %gt3A_315 : vector<16xf32>
      %bitcast3A = vector.bitcast %scan3A_313 : vector<16xf32> to vector<16xi32>
      %shift_right_logical3A = arith.constant 1 : i32
      %shift_right_logical3A_317 = vector.broadcast %shift_right_logical3A : i32 to vector<16xi32>
      %shift_right_logical3A_318 = arith.shrui %bitcast3A, %shift_right_logical3A_317 : vector<16xi32>
      %sub3A = arith.constant 1597463007 : i32
      %sub3A_319 = vector.broadcast %sub3A : i32 to vector<16xi32>
      %sub3A_320 = arith.subi %sub3A_319, %shift_right_logical3A_318 : vector<16xi32>
      %bitcast3A_321 = vector.bitcast %sub3A_320 : vector<16xi32> to vector<16xf32>
      %mul3A_322 = arith.constant 5.000000e-01 : f32
      %mul3A_323 = vector.broadcast %mul3A_322 : f32 to vector<16xf32>
      %mul3A_324 = arith.mulf %scan3A_313, %mul3A_323 : vector<16xf32>
      %mul3A_325 = arith.mulf %mul3A_324, %bitcast3A_321 : vector<16xf32>
      %mul3A_326 = arith.mulf %mul3A_325, %bitcast3A_321 : vector<16xf32>
      %sub3A_327 = arith.constant 1.500000e+00 : f32
      %sub3A_328 = vector.broadcast %sub3A_327 : f32 to vector<16xf32>
      %sub3A_329 = arith.subf %sub3A_328, %mul3A_326 : vector<16xf32>
      %mul3A_330 = arith.mulf %bitcast3A_321, %sub3A_329 : vector<16xf32>
      %mul3A_331 = arith.mulf %mul3A_324, %mul3A_330 : vector<16xf32>
      %mul3A_332 = arith.mulf %mul3A_331, %mul3A_330 : vector<16xf32>
      %sub3A_333 = arith.constant 1.500000e+00 : f32
      %sub3A_334 = vector.broadcast %sub3A_333 : f32 to vector<16xf32>
      %sub3A_335 = arith.subf %sub3A_334, %mul3A_332 : vector<16xf32>
      %mul3A_336 = arith.mulf %mul3A_330, %sub3A_335 : vector<16xf32>
      %mul3A_337 = arith.mulf %mul3A_324, %mul3A_336 : vector<16xf32>
      %mul3A_338 = arith.mulf %mul3A_337, %mul3A_336 : vector<16xf32>
      %sub3A_339 = arith.constant 1.500000e+00 : f32
      %sub3A_340 = vector.broadcast %sub3A_339 : f32 to vector<16xf32>
      %sub3A_341 = arith.subf %sub3A_340, %mul3A_338 : vector<16xf32>
      %mul3A_342 = arith.mulf %mul3A_336, %sub3A_341 : vector<16xf32>
      %mul3A_343 = arith.mulf %scan3A_313, %mul3A_342 : vector<16xf32>
      %select_n3A = arith.select %gt3A_316, %mul3A_343, %broadcast_in_dim3A_1 : vector<16xi1>, vector<16xf32>
      %mul3A_344 = arith.constant 16 : i32
      %mul3A_345 = arith.muli %scan3A_301, %mul3A_344 : i32
      %add3A_346 = arith.constant 0 : i32
      %add3A_347 = arith.addi %add3A_346, %mul3A_345 : i32
      %swap3A = arith.index_cast %add3A_347 : i32 to index
      %swap3A_348 = tpu.vector_load %arg13[%swap3A] {strides = array<i32>} : memref<1024xf32, #tpu.memory_space<vmem>>, vector<16xf32>,
      tpu.vector_store %arg13[%swap3A], %select_n3A {strides = array<i32>} : memref<1024xf32, #tpu.memory_space<vmem>>, vector<16xf32>,
    }
    %scan3A_48 = arith.constant 8 : i32
    %dma_start3A_49 = arith.constant 128 : i32
    %dma_start3A_50 = tpu.memref_slice %arg10[%dma_start3A_49] : memref<1024xi32, #tpu.memory_space<vmem>> -> memref<128xi32, #tpu.memory_space<vmem>>
    %dma_start3A_51 = arith.constant 0 : i32
    %dma_start3A_52 = arith.constant 0 : i32
    %dma_start3A_53 = tpu.memref_slice %arg2[%dma_start3A_51, %dma_start3A_52] : memref<98432x128xf32, #tpu.memory_space<hbm>> -> memref<98432x128xf32, #tpu.memory_space<hbm>>
    tpu.enqueue_indirect_dma source(%dma_start3A_53 : memref<98432x128xf32, #tpu.memory_space<hbm>>) target(%arg7 : memref<128x128xf32, #tpu.memory_space<vmem>>) offsets(%dma_start3A_50 : memref<128xi32, #tpu.memory_space<vmem>>) semaphore(%arg14 : memref<!tpu.dma_semaphore, #tpu.memory_space<semaphore_mem>>)
    %dma_start3A_54 = arith.constant 128 : i32
    %dma_start3A_55 = tpu.memref_slice %arg11[%dma_start3A_54] : memref<1024xi32, #tpu.memory_space<vmem>> -> memref<128xi32, #tpu.memory_space<vmem>>
    %dma_start3A_56 = arith.constant 0 : i32
    %dma_start3A_57 = arith.constant 0 : i32
    %dma_start3A_58 = tpu.memref_slice %arg2[%dma_start3A_56, %dma_start3A_57] : memref<98432x128xf32, #tpu.memory_space<hbm>> -> memref<98432x128xf32, #tpu.memory_space<hbm>>
    tpu.enqueue_indirect_dma source(%dma_start3A_58 : memref<98432x128xf32, #tpu.memory_space<hbm>>) target(%arg9 : memref<128x128xf32, #tpu.memory_space<vmem>>) offsets(%dma_start3A_55 : memref<128xi32, #tpu.memory_space<vmem>>) semaphore(%arg14 : memref<!tpu.dma_semaphore, #tpu.memory_space<semaphore_mem>>)
    %dma_start3A_59 = arith.constant 128 : i32
    %dma_start3A_60 = tpu.memref_slice %arg12[%dma_start3A_59] : memref<1024xi32, #tpu.memory_space<vmem>> -> memref<128xi32, #tpu.memory_space<vmem>>
    %dma_start3A_61 = arith.constant 0 : i32
    %dma_start3A_62 = arith.constant 0 : i32
    %dma_start3A_63 = tpu.memref_slice %arg2[%dma_start3A_61, %dma_start3A_62] : memref<98432x128xf32, #tpu.memory_space<hbm>> -> memref<98432x128xf32, #tpu.memory_space<hbm>>
    tpu.enqueue_indirect_dma source(%dma_start3A_63 : memref<98432x128xf32, #tpu.memory_space<hbm>>) target(%arg8 : memref<128x128xf32, #tpu.memory_space<vmem>>) offsets(%dma_start3A_60 : memref<128xi32, #tpu.memory_space<vmem>>) semaphore(%arg14 : memref<!tpu.dma_semaphore, #tpu.memory_space<semaphore_mem>>)
    %dma_wait3A_64 = arith.constant 128 : i32
    %dma_wait3A_65 = tpu.memref_slice %arg10[%dma_wait3A_64] : memref<1024xi32, #tpu.memory_space<vmem>> -> memref<128xi32, #tpu.memory_space<vmem>>
    %dma_wait3A_66 = arith.constant 0 : i32
    %dma_wait3A_67 = arith.constant 0 : i32
    %dma_wait3A_68 = tpu.memref_slice %arg2[%dma_wait3A_66, %dma_wait3A_67] : memref<98432x128xf32, #tpu.memory_space<hbm>> -> memref<98432x128xf32, #tpu.memory_space<hbm>>
    tpu.wait_indirect_dma semaphore(%arg14 : memref<!tpu.dma_semaphore, #tpu.memory_space<semaphore_mem>>) src(%dma_wait3A_68 : memref<98432x128xf32, #tpu.memory_space<hbm>>) dst(%arg7 : memref<128x128xf32, #tpu.memory_space<vmem>>)
    %dma_wait3A_69 = arith.constant 128 : i32
    %dma_wait3A_70 = tpu.memref_slice %arg11[%dma_wait3A_69] : memref<1024xi32, #tpu.memory_space<vmem>> -> memref<128xi32, #tpu.memory_space<vmem>>
    %dma_wait3A_71 = arith.constant 0 : i32
    %dma_wait3A_72 = arith.constant 0 : i32
    %dma_wait3A_73 = tpu.memref_slice %arg2[%dma_wait3A_71, %dma_wait3A_72] : memref<98432x128xf32, #tpu.memory_space<hbm>> -> memref<98432x128xf32, #tpu.memory_space<hbm>>
    tpu.wait_indirect_dma semaphore(%arg14 : memref<!tpu.dma_semaphore, #tpu.memory_space<semaphore_mem>>) src(%dma_wait3A_73 : memref<98432x128xf32, #tpu.memory_space<hbm>>) dst(%arg9 : memref<128x128xf32, #tpu.memory_space<vmem>>)
    %dma_wait3A_74 = arith.constant 128 : i32
    %dma_wait3A_75 = tpu.memref_slice %arg12[%dma_wait3A_74] : memref<1024xi32, #tpu.memory_space<vmem>> -> memref<128xi32, #tpu.memory_space<vmem>>
    %dma_wait3A_76 = arith.constant 0 : i32
    %dma_wait3A_77 = arith.constant 0 : i32
    %dma_wait3A_78 = tpu.memref_slice %arg2[%dma_wait3A_76, %dma_wait3A_77] : memref<98432x128xf32, #tpu.memory_space<hbm>> -> memref<98432x128xf32, #tpu.memory_space<hbm>>
    tpu.wait_indirect_dma semaphore(%arg14 : memref<!tpu.dma_semaphore, #tpu.memory_space<semaphore_mem>>) src(%dma_wait3A_78 : memref<98432x128xf32, #tpu.memory_space<hbm>>) dst(%arg8 : memref<128x128xf32, #tpu.memory_space<vmem>>)
    %scan3A_79 = arith.constant 0 : i32
    %scan3A_80 = arith.constant 0 : i32
    %scan3A_81 = arith.constant 8 : i32
    %scan3A_82 = arith.addi %scan3A_80, %scan3A_81 : i32
    %scan3A_83 = arith.constant 1 : i32
    scf.for %scan3A_301 = %scan3A_80 to %scan3A_82 step %scan3A_83  : i32 {
      %mul3A_302 = arith.constant 16 : i32
      %mul3A_303 = arith.muli %scan3A_301, %mul3A_302 : i32
      %add3A_304 = vector.broadcast %mul3A_303 : i32 to vector<16xi32>
      %add3A_305 = arith.addi %add3A_304, %iota3A : vector<16xi32>
      %broadcast_in_dim3A_306 = arith.constant 64 : i32
      %broadcast_in_dim3A_307 = vector.broadcast %broadcast_in_dim3A_306 : i32 to vector<16xi32>
      %gather3A = tpu.vector_load_idx %arg7[%add3A_305, %broadcast_in_dim3A_307] : memref<128x128xf32, #tpu.memory_space<vmem>>[vector<16xi32>, vector<16xi32>], vector<16xf32>,
      %gather3A_308 = tpu.vector_load_idx %arg9[%add3A_305, %broadcast_in_dim3A_307] : memref<128x128xf32, #tpu.memory_space<vmem>>[vector<16xi32>, vector<16xi32>], vector<16xf32>,
      %scan3A_309 = arith.constant 0 : i32
      %scan3A_310 = arith.constant 16 : i32
      %scan3A_311 = arith.addi %scan3A_309, %scan3A_310 : i32
      %scan3A_312 = arith.constant 1 : i32
      %scan3A_313 = scf.for %scan3A_349 = %scan3A_309 to %scan3A_311 step %scan3A_312 iter_args(%scan3A_350 = %broadcast_in_dim3A_1) -> (vector<16xf32>)  : i32 {
        %broadcast_in_dim3A_351 = arith.constant 0 : i32
        %broadcast_in_dim3A_352 = vector.broadcast %broadcast_in_dim3A_351 : i32 to vector<16xi32>
        %mul3A_353 = arith.constant 4 : i32
        %mul3A_354 = arith.muli %scan3A_349, %mul3A_353 : i32
        %add3A_355 = arith.constant 0 : i32
        %add3A_356 = arith.addi %mul3A_354, %add3A_355 : i32
        %add3A_357 = vector.broadcast %add3A_356 : i32 to vector<16xi32>
        %add3A_358 = arith.addi %broadcast_in_dim3A_352, %add3A_357 : vector<16xi32>
        %gather3A_359 = tpu.vector_load_idx %arg7[%add3A_305, %add3A_358] : memref<128x128xf32, #tpu.memory_space<vmem>>[vector<16xi32>, vector<16xi32>], vector<16xf32>,
        %gather3A_360 = tpu.vector_load_idx %arg8[%add3A_305, %add3A_358] : memref<128x128xf32, #tpu.memory_space<vmem>>[vector<16xi32>, vector<16xi32>], vector<16xf32>,
        %gather3A_361 = tpu.vector_load_idx %arg9[%add3A_305, %add3A_358] : memref<128x128xf32, #tpu.memory_space<vmem>>[vector<16xi32>, vector<16xi32>], vector<16xf32>,
        %mul3A_362 = arith.mulf %gather3A_359, %gather3A : vector<16xf32>
        %add3A_363 = arith.addf %mul3A_362, %gather3A_360 : vector<16xf32>
        %mul3A_364 = arith.mulf %gather3A_361, %gather3A_308 : vector<16xf32>
        %sub3A_365 = arith.subf %add3A_363, %mul3A_364 : vector<16xf32>
        %mul3A_366 = arith.mulf %sub3A_365, %sub3A_365 : vector<16xf32>
        %add3A_367 = arith.addf %scan3A_350, %mul3A_366 : vector<16xf32>
        %broadcast_in_dim3A_368 = arith.constant 0 : i32
        %broadcast_in_dim3A_369 = vector.broadcast %broadcast_in_dim3A_368 : i32 to vector<16xi32>
        %mul3A_370 = arith.constant 4 : i32
        %mul3A_371 = arith.muli %scan3A_349, %mul3A_370 : i32
        %add3A_372 = arith.constant 1 : i32
        %add3A_373 = arith.addi %mul3A_371, %add3A_372 : i32
        %add3A_374 = vector.broadcast %add3A_373 : i32 to vector<16xi32>
        %add3A_375 = arith.addi %broadcast_in_dim3A_369, %add3A_374 : vector<16xi32>
        %gather3A_376 = tpu.vector_load_idx %arg7[%add3A_305, %add3A_375] : memref<128x128xf32, #tpu.memory_space<vmem>>[vector<16xi32>, vector<16xi32>], vector<16xf32>,
        %gather3A_377 = tpu.vector_load_idx %arg8[%add3A_305, %add3A_375] : memref<128x128xf32, #tpu.memory_space<vmem>>[vector<16xi32>, vector<16xi32>], vector<16xf32>,
        %gather3A_378 = tpu.vector_load_idx %arg9[%add3A_305, %add3A_375] : memref<128x128xf32, #tpu.memory_space<vmem>>[vector<16xi32>, vector<16xi32>], vector<16xf32>,
        %mul3A_379 = arith.mulf %gather3A_376, %gather3A : vector<16xf32>
        %add3A_380 = arith.addf %mul3A_379, %gather3A_377 : vector<16xf32>
        %mul3A_381 = arith.mulf %gather3A_378, %gather3A_308 : vector<16xf32>
        %sub3A_382 = arith.subf %add3A_380, %mul3A_381 : vector<16xf32>
        %mul3A_383 = arith.mulf %sub3A_382, %sub3A_382 : vector<16xf32>
        %add3A_384 = arith.addf %add3A_367, %mul3A_383 : vector<16xf32>
        %broadcast_in_dim3A_385 = arith.constant 0 : i32
        %broadcast_in_dim3A_386 = vector.broadcast %broadcast_in_dim3A_385 : i32 to vector<16xi32>
        %mul3A_387 = arith.constant 4 : i32
        %mul3A_388 = arith.muli %scan3A_349, %mul3A_387 : i32
        %add3A_389 = arith.constant 2 : i32
        %add3A_390 = arith.addi %mul3A_388, %add3A_389 : i32
        %add3A_391 = vector.broadcast %add3A_390 : i32 to vector<16xi32>
        %add3A_392 = arith.addi %broadcast_in_dim3A_386, %add3A_391 : vector<16xi32>
        %gather3A_393 = tpu.vector_load_idx %arg7[%add3A_305, %add3A_392] : memref<128x128xf32, #tpu.memory_space<vmem>>[vector<16xi32>, vector<16xi32>], vector<16xf32>,
        %gather3A_394 = tpu.vector_load_idx %arg8[%add3A_305, %add3A_392] : memref<128x128xf32, #tpu.memory_space<vmem>>[vector<16xi32>, vector<16xi32>], vector<16xf32>,
        %gather3A_395 = tpu.vector_load_idx %arg9[%add3A_305, %add3A_392] : memref<128x128xf32, #tpu.memory_space<vmem>>[vector<16xi32>, vector<16xi32>], vector<16xf32>,
        %mul3A_396 = arith.mulf %gather3A_393, %gather3A : vector<16xf32>
        %add3A_397 = arith.addf %mul3A_396, %gather3A_394 : vector<16xf32>
        %mul3A_398 = arith.mulf %gather3A_395, %gather3A_308 : vector<16xf32>
        %sub3A_399 = arith.subf %add3A_397, %mul3A_398 : vector<16xf32>
        %mul3A_400 = arith.mulf %sub3A_399, %sub3A_399 : vector<16xf32>
        %add3A_401 = arith.addf %add3A_384, %mul3A_400 : vector<16xf32>
        %broadcast_in_dim3A_402 = arith.constant 0 : i32
        %broadcast_in_dim3A_403 = vector.broadcast %broadcast_in_dim3A_402 : i32 to vector<16xi32>
        %mul3A_404 = arith.constant 4 : i32
        %mul3A_405 = arith.muli %scan3A_349, %mul3A_404 : i32
        %add3A_406 = arith.constant 3 : i32
        %add3A_407 = arith.addi %mul3A_405, %add3A_406 : i32
        %add3A_408 = vector.broadcast %add3A_407 : i32 to vector<16xi32>
        %add3A_409 = arith.addi %broadcast_in_dim3A_403, %add3A_408 : vector<16xi32>
        %gather3A_410 = tpu.vector_load_idx %arg7[%add3A_305, %add3A_409] : memref<128x128xf32, #tpu.memory_space<vmem>>[vector<16xi32>, vector<16xi32>], vector<16xf32>,
        %gather3A_411 = tpu.vector_load_idx %arg8[%add3A_305, %add3A_409] : memref<128x128xf32, #tpu.memory_space<vmem>>[vector<16xi32>, vector<16xi32>], vector<16xf32>,
        %gather3A_412 = tpu.vector_load_idx %arg9[%add3A_305, %add3A_409] : memref<128x128xf32, #tpu.memory_space<vmem>>[vector<16xi32>, vector<16xi32>], vector<16xf32>,
        %mul3A_413 = arith.mulf %gather3A_410, %gather3A : vector<16xf32>
        %add3A_414 = arith.addf %mul3A_413, %gather3A_411 : vector<16xf32>
        %mul3A_415 = arith.mulf %gather3A_412, %gather3A_308 : vector<16xf32>
        %sub3A_416 = arith.subf %add3A_414, %mul3A_415 : vector<16xf32>
        %mul3A_417 = arith.mulf %sub3A_416, %sub3A_416 : vector<16xf32>
        %add3A_418 = arith.addf %add3A_401, %mul3A_417 : vector<16xf32>
        scf.yield %add3A_418 : vector<16xf32>
      }
      %scan3A_314 = arith.constant 16 : i32
      %gt3A = arith.constant 0.000000e+00 : f32
      %gt3A_315 = vector.broadcast %gt3A : f32 to vector<16xf32>
      %gt3A_316 = arith.cmpf ogt, %scan3A_313, %gt3A_315 : vector<16xf32>
      %bitcast3A = vector.bitcast %scan3A_313 : vector<16xf32> to vector<16xi32>
      %shift_right_logical3A = arith.constant 1 : i32
      %shift_right_logical3A_317 = vector.broadcast %shift_right_logical3A : i32 to vector<16xi32>
      %shift_right_logical3A_318 = arith.shrui %bitcast3A, %shift_right_logical3A_317 : vector<16xi32>
      %sub3A = arith.constant 1597463007 : i32
      %sub3A_319 = vector.broadcast %sub3A : i32 to vector<16xi32>
      %sub3A_320 = arith.subi %sub3A_319, %shift_right_logical3A_318 : vector<16xi32>
      %bitcast3A_321 = vector.bitcast %sub3A_320 : vector<16xi32> to vector<16xf32>
      %mul3A_322 = arith.constant 5.000000e-01 : f32
      %mul3A_323 = vector.broadcast %mul3A_322 : f32 to vector<16xf32>
      %mul3A_324 = arith.mulf %scan3A_313, %mul3A_323 : vector<16xf32>
      %mul3A_325 = arith.mulf %mul3A_324, %bitcast3A_321 : vector<16xf32>
      %mul3A_326 = arith.mulf %mul3A_325, %bitcast3A_321 : vector<16xf32>
      %sub3A_327 = arith.constant 1.500000e+00 : f32
      %sub3A_328 = vector.broadcast %sub3A_327 : f32 to vector<16xf32>
      %sub3A_329 = arith.subf %sub3A_328, %mul3A_326 : vector<16xf32>
      %mul3A_330 = arith.mulf %bitcast3A_321, %sub3A_329 : vector<16xf32>
      %mul3A_331 = arith.mulf %mul3A_324, %mul3A_330 : vector<16xf32>
      %mul3A_332 = arith.mulf %mul3A_331, %mul3A_330 : vector<16xf32>
      %sub3A_333 = arith.constant 1.500000e+00 : f32
      %sub3A_334 = vector.broadcast %sub3A_333 : f32 to vector<16xf32>
      %sub3A_335 = arith.subf %sub3A_334, %mul3A_332 : vector<16xf32>
      %mul3A_336 = arith.mulf %mul3A_330, %sub3A_335 : vector<16xf32>
      %mul3A_337 = arith.mulf %mul3A_324, %mul3A_336 : vector<16xf32>
      %mul3A_338 = arith.mulf %mul3A_337, %mul3A_336 : vector<16xf32>
      %sub3A_339 = arith.constant 1.500000e+00 : f32
      %sub3A_340 = vector.broadcast %sub3A_339 : f32 to vector<16xf32>
      %sub3A_341 = arith.subf %sub3A_340, %mul3A_338 : vector<16xf32>
      %mul3A_342 = arith.mulf %mul3A_336, %sub3A_341 : vector<16xf32>
      %mul3A_343 = arith.mulf %scan3A_313, %mul3A_342 : vector<16xf32>
      %select_n3A = arith.select %gt3A_316, %mul3A_343, %broadcast_in_dim3A_1 : vector<16xi1>, vector<16xf32>
      %mul3A_344 = arith.constant 16 : i32
      %mul3A_345 = arith.muli %scan3A_301, %mul3A_344 : i32
      %add3A_346 = arith.constant 128 : i32
      %add3A_347 = arith.addi %add3A_346, %mul3A_345 : i32
      %swap3A = arith.index_cast %add3A_347 : i32 to index
      %swap3A_348 = tpu.vector_load %arg13[%swap3A] {strides = array<i32>} : memref<1024xf32, #tpu.memory_space<vmem>>, vector<16xf32>,
      tpu.vector_store %arg13[%swap3A], %select_n3A {strides = array<i32>} : memref<1024xf32, #tpu.memory_space<vmem>>, vector<16xf32>,
    }
    %scan3A_84 = arith.constant 8 : i32
    %dma_start3A_85 = arith.constant 256 : i32
    %dma_start3A_86 = tpu.memref_slice %arg10[%dma_start3A_85] : memref<1024xi32, #tpu.memory_space<vmem>> -> memref<128xi32, #tpu.memory_space<vmem>>
    %dma_start3A_87 = arith.constant 0 : i32
    %dma_start3A_88 = arith.constant 0 : i32
    %dma_start3A_89 = tpu.memref_slice %arg2[%dma_start3A_87, %dma_start3A_88] : memref<98432x128xf32, #tpu.memory_space<hbm>> -> memref<98432x128xf32, #tpu.memory_space<hbm>>
    tpu.enqueue_indirect_dma source(%dma_start3A_89 : memref<98432x128xf32, #tpu.memory_space<hbm>>) target(%arg7 : memref<128x128xf32, #tpu.memory_space<vmem>>) offsets(%dma_start3A_86 : memref<128xi32, #tpu.memory_space<vmem>>) semaphore(%arg14 : memref<!tpu.dma_semaphore, #tpu.memory_space<semaphore_mem>>)
    %dma_start3A_90 = arith.constant 256 : i32
    %dma_start3A_91 = tpu.memref_slice %arg11[%dma_start3A_90] : memref<1024xi32, #tpu.memory_space<vmem>> -> memref<128xi32, #tpu.memory_space<vmem>>
    %dma_start3A_92 = arith.constant 0 : i32
    %dma_start3A_93 = arith.constant 0 : i32
    %dma_start3A_94 = tpu.memref_slice %arg2[%dma_start3A_92, %dma_start3A_93] : memref<98432x128xf32, #tpu.memory_space<hbm>> -> memref<98432x128xf32, #tpu.memory_space<hbm>>
    tpu.enqueue_indirect_dma source(%dma_start3A_94 : memref<98432x128xf32, #tpu.memory_space<hbm>>) target(%arg9 : memref<128x128xf32, #tpu.memory_space<vmem>>) offsets(%dma_start3A_91 : memref<128xi32, #tpu.memory_space<vmem>>) semaphore(%arg14 : memref<!tpu.dma_semaphore, #tpu.memory_space<semaphore_mem>>)
    %dma_start3A_95 = arith.constant 256 : i32
    %dma_start3A_96 = tpu.memref_slice %arg12[%dma_start3A_95] : memref<1024xi32, #tpu.memory_space<vmem>> -> memref<128xi32, #tpu.memory_space<vmem>>
    %dma_start3A_97 = arith.constant 0 : i32
    %dma_start3A_98 = arith.constant 0 : i32
    %dma_start3A_99 = tpu.memref_slice %arg2[%dma_start3A_97, %dma_start3A_98] : memref<98432x128xf32, #tpu.memory_space<hbm>> -> memref<98432x128xf32, #tpu.memory_space<hbm>>
    tpu.enqueue_indirect_dma source(%dma_start3A_99 : memref<98432x128xf32, #tpu.memory_space<hbm>>) target(%arg8 : memref<128x128xf32, #tpu.memory_space<vmem>>) offsets(%dma_start3A_96 : memref<128xi32, #tpu.memory_space<vmem>>) semaphore(%arg14 : memref<!tpu.dma_semaphore, #tpu.memory_space<semaphore_mem>>)
    %dma_wait3A_100 = arith.constant 256 : i32
    %dma_wait3A_101 = tpu.memref_slice %arg10[%dma_wait3A_100] : memref<1024xi32, #tpu.memory_space<vmem>> -> memref<128xi32, #tpu.memory_space<vmem>>
    %dma_wait3A_102 = arith.constant 0 : i32
    %dma_wait3A_103 = arith.constant 0 : i32
    %dma_wait3A_104 = tpu.memref_slice %arg2[%dma_wait3A_102, %dma_wait3A_103] : memref<98432x128xf32, #tpu.memory_space<hbm>> -> memref<98432x128xf32, #tpu.memory_space<hbm>>
    tpu.wait_indirect_dma semaphore(%arg14 : memref<!tpu.dma_semaphore, #tpu.memory_space<semaphore_mem>>) src(%dma_wait3A_104 : memref<98432x128xf32, #tpu.memory_space<hbm>>) dst(%arg7 : memref<128x128xf32, #tpu.memory_space<vmem>>)
    %dma_wait3A_105 = arith.constant 256 : i32
    %dma_wait3A_106 = tpu.memref_slice %arg11[%dma_wait3A_105] : memref<1024xi32, #tpu.memory_space<vmem>> -> memref<128xi32, #tpu.memory_space<vmem>>
    %dma_wait3A_107 = arith.constant 0 : i32
    %dma_wait3A_108 = arith.constant 0 : i32
    %dma_wait3A_109 = tpu.memref_slice %arg2[%dma_wait3A_107, %dma_wait3A_108] : memref<98432x128xf32, #tpu.memory_space<hbm>> -> memref<98432x128xf32, #tpu.memory_space<hbm>>
    tpu.wait_indirect_dma semaphore(%arg14 : memref<!tpu.dma_semaphore, #tpu.memory_space<semaphore_mem>>) src(%dma_wait3A_109 : memref<98432x128xf32, #tpu.memory_space<hbm>>) dst(%arg9 : memref<128x128xf32, #tpu.memory_space<vmem>>)
    %dma_wait3A_110 = arith.constant 256 : i32
    %dma_wait3A_111 = tpu.memref_slice %arg12[%dma_wait3A_110] : memref<1024xi32, #tpu.memory_space<vmem>> -> memref<128xi32, #tpu.memory_space<vmem>>
    %dma_wait3A_112 = arith.constant 0 : i32
    %dma_wait3A_113 = arith.constant 0 : i32
    %dma_wait3A_114 = tpu.memref_slice %arg2[%dma_wait3A_112, %dma_wait3A_113] : memref<98432x128xf32, #tpu.memory_space<hbm>> -> memref<98432x128xf32, #tpu.memory_space<hbm>>
    tpu.wait_indirect_dma semaphore(%arg14 : memref<!tpu.dma_semaphore, #tpu.memory_space<semaphore_mem>>) src(%dma_wait3A_114 : memref<98432x128xf32, #tpu.memory_space<hbm>>) dst(%arg8 : memref<128x128xf32, #tpu.memory_space<vmem>>)
    %scan3A_115 = arith.constant 0 : i32
    %scan3A_116 = arith.constant 0 : i32
    %scan3A_117 = arith.constant 8 : i32
    %scan3A_118 = arith.addi %scan3A_116, %scan3A_117 : i32
    %scan3A_119 = arith.constant 1 : i32
    scf.for %scan3A_301 = %scan3A_116 to %scan3A_118 step %scan3A_119  : i32 {
      %mul3A_302 = arith.constant 16 : i32
      %mul3A_303 = arith.muli %scan3A_301, %mul3A_302 : i32
      %add3A_304 = vector.broadcast %mul3A_303 : i32 to vector<16xi32>
      %add3A_305 = arith.addi %add3A_304, %iota3A : vector<16xi32>
      %broadcast_in_dim3A_306 = arith.constant 64 : i32
      %broadcast_in_dim3A_307 = vector.broadcast %broadcast_in_dim3A_306 : i32 to vector<16xi32>
      %gather3A = tpu.vector_load_idx %arg7[%add3A_305, %broadcast_in_dim3A_307] : memref<128x128xf32, #tpu.memory_space<vmem>>[vector<16xi32>, vector<16xi32>], vector<16xf32>,
      %gather3A_308 = tpu.vector_load_idx %arg9[%add3A_305, %broadcast_in_dim3A_307] : memref<128x128xf32, #tpu.memory_space<vmem>>[vector<16xi32>, vector<16xi32>], vector<16xf32>,
      %scan3A_309 = arith.constant 0 : i32
      %scan3A_310 = arith.constant 16 : i32
      %scan3A_311 = arith.addi %scan3A_309, %scan3A_310 : i32
      %scan3A_312 = arith.constant 1 : i32
      %scan3A_313 = scf.for %scan3A_349 = %scan3A_309 to %scan3A_311 step %scan3A_312 iter_args(%scan3A_350 = %broadcast_in_dim3A_1) -> (vector<16xf32>)  : i32 {
        %broadcast_in_dim3A_351 = arith.constant 0 : i32
        %broadcast_in_dim3A_352 = vector.broadcast %broadcast_in_dim3A_351 : i32 to vector<16xi32>
        %mul3A_353 = arith.constant 4 : i32
        %mul3A_354 = arith.muli %scan3A_349, %mul3A_353 : i32
        %add3A_355 = arith.constant 0 : i32
        %add3A_356 = arith.addi %mul3A_354, %add3A_355 : i32
        %add3A_357 = vector.broadcast %add3A_356 : i32 to vector<16xi32>
        %add3A_358 = arith.addi %broadcast_in_dim3A_352, %add3A_357 : vector<16xi32>
        %gather3A_359 = tpu.vector_load_idx %arg7[%add3A_305, %add3A_358] : memref<128x128xf32, #tpu.memory_space<vmem>>[vector<16xi32>, vector<16xi32>], vector<16xf32>,
        %gather3A_360 = tpu.vector_load_idx %arg8[%add3A_305, %add3A_358] : memref<128x128xf32, #tpu.memory_space<vmem>>[vector<16xi32>, vector<16xi32>], vector<16xf32>,
        %gather3A_361 = tpu.vector_load_idx %arg9[%add3A_305, %add3A_358] : memref<128x128xf32, #tpu.memory_space<vmem>>[vector<16xi32>, vector<16xi32>], vector<16xf32>,
        %mul3A_362 = arith.mulf %gather3A_359, %gather3A : vector<16xf32>
        %add3A_363 = arith.addf %mul3A_362, %gather3A_360 : vector<16xf32>
        %mul3A_364 = arith.mulf %gather3A_361, %gather3A_308 : vector<16xf32>
        %sub3A_365 = arith.subf %add3A_363, %mul3A_364 : vector<16xf32>
        %mul3A_366 = arith.mulf %sub3A_365, %sub3A_365 : vector<16xf32>
        %add3A_367 = arith.addf %scan3A_350, %mul3A_366 : vector<16xf32>
        %broadcast_in_dim3A_368 = arith.constant 0 : i32
        %broadcast_in_dim3A_369 = vector.broadcast %broadcast_in_dim3A_368 : i32 to vector<16xi32>
        %mul3A_370 = arith.constant 4 : i32
        %mul3A_371 = arith.muli %scan3A_349, %mul3A_370 : i32
        %add3A_372 = arith.constant 1 : i32
        %add3A_373 = arith.addi %mul3A_371, %add3A_372 : i32
        %add3A_374 = vector.broadcast %add3A_373 : i32 to vector<16xi32>
        %add3A_375 = arith.addi %broadcast_in_dim3A_369, %add3A_374 : vector<16xi32>
        %gather3A_376 = tpu.vector_load_idx %arg7[%add3A_305, %add3A_375] : memref<128x128xf32, #tpu.memory_space<vmem>>[vector<16xi32>, vector<16xi32>], vector<16xf32>,
        %gather3A_377 = tpu.vector_load_idx %arg8[%add3A_305, %add3A_375] : memref<128x128xf32, #tpu.memory_space<vmem>>[vector<16xi32>, vector<16xi32>], vector<16xf32>,
        %gather3A_378 = tpu.vector_load_idx %arg9[%add3A_305, %add3A_375] : memref<128x128xf32, #tpu.memory_space<vmem>>[vector<16xi32>, vector<16xi32>], vector<16xf32>,
        %mul3A_379 = arith.mulf %gather3A_376, %gather3A : vector<16xf32>
        %add3A_380 = arith.addf %mul3A_379, %gather3A_377 : vector<16xf32>
        %mul3A_381 = arith.mulf %gather3A_378, %gather3A_308 : vector<16xf32>
        %sub3A_382 = arith.subf %add3A_380, %mul3A_381 : vector<16xf32>
        %mul3A_383 = arith.mulf %sub3A_382, %sub3A_382 : vector<16xf32>
        %add3A_384 = arith.addf %add3A_367, %mul3A_383 : vector<16xf32>
        %broadcast_in_dim3A_385 = arith.constant 0 : i32
        %broadcast_in_dim3A_386 = vector.broadcast %broadcast_in_dim3A_385 : i32 to vector<16xi32>
        %mul3A_387 = arith.constant 4 : i32
        %mul3A_388 = arith.muli %scan3A_349, %mul3A_387 : i32
        %add3A_389 = arith.constant 2 : i32
        %add3A_390 = arith.addi %mul3A_388, %add3A_389 : i32
        %add3A_391 = vector.broadcast %add3A_390 : i32 to vector<16xi32>
        %add3A_392 = arith.addi %broadcast_in_dim3A_386, %add3A_391 : vector<16xi32>
        %gather3A_393 = tpu.vector_load_idx %arg7[%add3A_305, %add3A_392] : memref<128x128xf32, #tpu.memory_space<vmem>>[vector<16xi32>, vector<16xi32>], vector<16xf32>,
        %gather3A_394 = tpu.vector_load_idx %arg8[%add3A_305, %add3A_392] : memref<128x128xf32, #tpu.memory_space<vmem>>[vector<16xi32>, vector<16xi32>], vector<16xf32>,
        %gather3A_395 = tpu.vector_load_idx %arg9[%add3A_305, %add3A_392] : memref<128x128xf32, #tpu.memory_space<vmem>>[vector<16xi32>, vector<16xi32>], vector<16xf32>,
        %mul3A_396 = arith.mulf %gather3A_393, %gather3A : vector<16xf32>
        %add3A_397 = arith.addf %mul3A_396, %gather3A_394 : vector<16xf32>
        %mul3A_398 = arith.mulf %gather3A_395, %gather3A_308 : vector<16xf32>
        %sub3A_399 = arith.subf %add3A_397, %mul3A_398 : vector<16xf32>
        %mul3A_400 = arith.mulf %sub3A_399, %sub3A_399 : vector<16xf32>
        %add3A_401 = arith.addf %add3A_384, %mul3A_400 : vector<16xf32>
        %broadcast_in_dim3A_402 = arith.constant 0 : i32
        %broadcast_in_dim3A_403 = vector.broadcast %broadcast_in_dim3A_402 : i32 to vector<16xi32>
        %mul3A_404 = arith.constant 4 : i32
        %mul3A_405 = arith.muli %scan3A_349, %mul3A_404 : i32
        %add3A_406 = arith.constant 3 : i32
        %add3A_407 = arith.addi %mul3A_405, %add3A_406 : i32
        %add3A_408 = vector.broadcast %add3A_407 : i32 to vector<16xi32>
        %add3A_409 = arith.addi %broadcast_in_dim3A_403, %add3A_408 : vector<16xi32>
        %gather3A_410 = tpu.vector_load_idx %arg7[%add3A_305, %add3A_409] : memref<128x128xf32, #tpu.memory_space<vmem>>[vector<16xi32>, vector<16xi32>], vector<16xf32>,
        %gather3A_411 = tpu.vector_load_idx %arg8[%add3A_305, %add3A_409] : memref<128x128xf32, #tpu.memory_space<vmem>>[vector<16xi32>, vector<16xi32>], vector<16xf32>,
        %gather3A_412 = tpu.vector_load_idx %arg9[%add3A_305, %add3A_409] : memref<128x128xf32, #tpu.memory_space<vmem>>[vector<16xi32>, vector<16xi32>], vector<16xf32>,
        %mul3A_413 = arith.mulf %gather3A_410, %gather3A : vector<16xf32>
        %add3A_414 = arith.addf %mul3A_413, %gather3A_411 : vector<16xf32>
        %mul3A_415 = arith.mulf %gather3A_412, %gather3A_308 : vector<16xf32>
        %sub3A_416 = arith.subf %add3A_414, %mul3A_415 : vector<16xf32>
        %mul3A_417 = arith.mulf %sub3A_416, %sub3A_416 : vector<16xf32>
        %add3A_418 = arith.addf %add3A_401, %mul3A_417 : vector<16xf32>
        scf.yield %add3A_418 : vector<16xf32>
      }
      %scan3A_314 = arith.constant 16 : i32
      %gt3A = arith.constant 0.000000e+00 : f32
      %gt3A_315 = vector.broadcast %gt3A : f32 to vector<16xf32>
      %gt3A_316 = arith.cmpf ogt, %scan3A_313, %gt3A_315 : vector<16xf32>
      %bitcast3A = vector.bitcast %scan3A_313 : vector<16xf32> to vector<16xi32>
      %shift_right_logical3A = arith.constant 1 : i32
      %shift_right_logical3A_317 = vector.broadcast %shift_right_logical3A : i32 to vector<16xi32>
      %shift_right_logical3A_318 = arith.shrui %bitcast3A, %shift_right_logical3A_317 : vector<16xi32>
      %sub3A = arith.constant 1597463007 : i32
      %sub3A_319 = vector.broadcast %sub3A : i32 to vector<16xi32>
      %sub3A_320 = arith.subi %sub3A_319, %shift_right_logical3A_318 : vector<16xi32>
      %bitcast3A_321 = vector.bitcast %sub3A_320 : vector<16xi32> to vector<16xf32>
      %mul3A_322 = arith.constant 5.000000e-01 : f32
      %mul3A_323 = vector.broadcast %mul3A_322 : f32 to vector<16xf32>
      %mul3A_324 = arith.mulf %scan3A_313, %mul3A_323 : vector<16xf32>
      %mul3A_325 = arith.mulf %mul3A_324, %bitcast3A_321 : vector<16xf32>
      %mul3A_326 = arith.mulf %mul3A_325, %bitcast3A_321 : vector<16xf32>
      %sub3A_327 = arith.constant 1.500000e+00 : f32
      %sub3A_328 = vector.broadcast %sub3A_327 : f32 to vector<16xf32>
      %sub3A_329 = arith.subf %sub3A_328, %mul3A_326 : vector<16xf32>
      %mul3A_330 = arith.mulf %bitcast3A_321, %sub3A_329 : vector<16xf32>
      %mul3A_331 = arith.mulf %mul3A_324, %mul3A_330 : vector<16xf32>
      %mul3A_332 = arith.mulf %mul3A_331, %mul3A_330 : vector<16xf32>
      %sub3A_333 = arith.constant 1.500000e+00 : f32
      %sub3A_334 = vector.broadcast %sub3A_333 : f32 to vector<16xf32>
      %sub3A_335 = arith.subf %sub3A_334, %mul3A_332 : vector<16xf32>
      %mul3A_336 = arith.mulf %mul3A_330, %sub3A_335 : vector<16xf32>
      %mul3A_337 = arith.mulf %mul3A_324, %mul3A_336 : vector<16xf32>
      %mul3A_338 = arith.mulf %mul3A_337, %mul3A_336 : vector<16xf32>
      %sub3A_339 = arith.constant 1.500000e+00 : f32
      %sub3A_340 = vector.broadcast %sub3A_339 : f32 to vector<16xf32>
      %sub3A_341 = arith.subf %sub3A_340, %mul3A_338 : vector<16xf32>
      %mul3A_342 = arith.mulf %mul3A_336, %sub3A_341 : vector<16xf32>
      %mul3A_343 = arith.mulf %scan3A_313, %mul3A_342 : vector<16xf32>
      %select_n3A = arith.select %gt3A_316, %mul3A_343, %broadcast_in_dim3A_1 : vector<16xi1>, vector<16xf32>
      %mul3A_344 = arith.constant 16 : i32
      %mul3A_345 = arith.muli %scan3A_301, %mul3A_344 : i32
      %add3A_346 = arith.constant 256 : i32
      %add3A_347 = arith.addi %add3A_346, %mul3A_345 : i32
      %swap3A = arith.index_cast %add3A_347 : i32 to index
      %swap3A_348 = tpu.vector_load %arg13[%swap3A] {strides = array<i32>} : memref<1024xf32, #tpu.memory_space<vmem>>, vector<16xf32>,
      tpu.vector_store %arg13[%swap3A], %select_n3A {strides = array<i32>} : memref<1024xf32, #tpu.memory_space<vmem>>, vector<16xf32>,
    }
    %scan3A_120 = arith.constant 8 : i32
    %dma_start3A_121 = arith.constant 384 : i32
    %dma_start3A_122 = tpu.memref_slice %arg10[%dma_start3A_121] : memref<1024xi32, #tpu.memory_space<vmem>> -> memref<128xi32, #tpu.memory_space<vmem>>
    %dma_start3A_123 = arith.constant 0 : i32
    %dma_start3A_124 = arith.constant 0 : i32
    %dma_start3A_125 = tpu.memref_slice %arg2[%dma_start3A_123, %dma_start3A_124] : memref<98432x128xf32, #tpu.memory_space<hbm>> -> memref<98432x128xf32, #tpu.memory_space<hbm>>
    tpu.enqueue_indirect_dma source(%dma_start3A_125 : memref<98432x128xf32, #tpu.memory_space<hbm>>) target(%arg7 : memref<128x128xf32, #tpu.memory_space<vmem>>) offsets(%dma_start3A_122 : memref<128xi32, #tpu.memory_space<vmem>>) semaphore(%arg14 : memref<!tpu.dma_semaphore, #tpu.memory_space<semaphore_mem>>)
    %dma_start3A_126 = arith.constant 384 : i32
    %dma_start3A_127 = tpu.memref_slice %arg11[%dma_start3A_126] : memref<1024xi32, #tpu.memory_space<vmem>> -> memref<128xi32, #tpu.memory_space<vmem>>
    %dma_start3A_128 = arith.constant 0 : i32
    %dma_start3A_129 = arith.constant 0 : i32
    %dma_start3A_130 = tpu.memref_slice %arg2[%dma_start3A_128, %dma_start3A_129] : memref<98432x128xf32, #tpu.memory_space<hbm>> -> memref<98432x128xf32, #tpu.memory_space<hbm>>
    tpu.enqueue_indirect_dma source(%dma_start3A_130 : memref<98432x128xf32, #tpu.memory_space<hbm>>) target(%arg9 : memref<128x128xf32, #tpu.memory_space<vmem>>) offsets(%dma_start3A_127 : memref<128xi32, #tpu.memory_space<vmem>>) semaphore(%arg14 : memref<!tpu.dma_semaphore, #tpu.memory_space<semaphore_mem>>)
    %dma_start3A_131 = arith.constant 384 : i32
    %dma_start3A_132 = tpu.memref_slice %arg12[%dma_start3A_131] : memref<1024xi32, #tpu.memory_space<vmem>> -> memref<128xi32, #tpu.memory_space<vmem>>
    %dma_start3A_133 = arith.constant 0 : i32
    %dma_start3A_134 = arith.constant 0 : i32
    %dma_start3A_135 = tpu.memref_slice %arg2[%dma_start3A_133, %dma_start3A_134] : memref<98432x128xf32, #tpu.memory_space<hbm>> -> memref<98432x128xf32, #tpu.memory_space<hbm>>
    tpu.enqueue_indirect_dma source(%dma_start3A_135 : memref<98432x128xf32, #tpu.memory_space<hbm>>) target(%arg8 : memref<128x128xf32, #tpu.memory_space<vmem>>) offsets(%dma_start3A_132 : memref<128xi32, #tpu.memory_space<vmem>>) semaphore(%arg14 : memref<!tpu.dma_semaphore, #tpu.memory_space<semaphore_mem>>)
    %dma_wait3A_136 = arith.constant 384 : i32
    %dma_wait3A_137 = tpu.memref_slice %arg10[%dma_wait3A_136] : memref<1024xi32, #tpu.memory_space<vmem>> -> memref<128xi32, #tpu.memory_space<vmem>>
    %dma_wait3A_138 = arith.constant 0 : i32
    %dma_wait3A_139 = arith.constant 0 : i32
    %dma_wait3A_140 = tpu.memref_slice %arg2[%dma_wait3A_138, %dma_wait3A_139] : memref<98432x128xf32, #tpu.memory_space<hbm>> -> memref<98432x128xf32, #tpu.memory_space<hbm>>
    tpu.wait_indirect_dma semaphore(%arg14 : memref<!tpu.dma_semaphore, #tpu.memory_space<semaphore_mem>>) src(%dma_wait3A_140 : memref<98432x128xf32, #tpu.memory_space<hbm>>) dst(%arg7 : memref<128x128xf32, #tpu.memory_space<vmem>>)
    %dma_wait3A_141 = arith.constant 384 : i32
    %dma_wait3A_142 = tpu.memref_slice %arg11[%dma_wait3A_141] : memref<1024xi32, #tpu.memory_space<vmem>> -> memref<128xi32, #tpu.memory_space<vmem>>
    %dma_wait3A_143 = arith.constant 0 : i32
    %dma_wait3A_144 = arith.constant 0 : i32
    %dma_wait3A_145 = tpu.memref_slice %arg2[%dma_wait3A_143, %dma_wait3A_144] : memref<98432x128xf32, #tpu.memory_space<hbm>> -> memref<98432x128xf32, #tpu.memory_space<hbm>>
    tpu.wait_indirect_dma semaphore(%arg14 : memref<!tpu.dma_semaphore, #tpu.memory_space<semaphore_mem>>) src(%dma_wait3A_145 : memref<98432x128xf32, #tpu.memory_space<hbm>>) dst(%arg9 : memref<128x128xf32, #tpu.memory_space<vmem>>)
    %dma_wait3A_146 = arith.constant 384 : i32
    %dma_wait3A_147 = tpu.memref_slice %arg12[%dma_wait3A_146] : memref<1024xi32, #tpu.memory_space<vmem>> -> memref<128xi32, #tpu.memory_space<vmem>>
    %dma_wait3A_148 = arith.constant 0 : i32
    %dma_wait3A_149 = arith.constant 0 : i32
    %dma_wait3A_150 = tpu.memref_slice %arg2[%dma_wait3A_148, %dma_wait3A_149] : memref<98432x128xf32, #tpu.memory_space<hbm>> -> memref<98432x128xf32, #tpu.memory_space<hbm>>
    tpu.wait_indirect_dma semaphore(%arg14 : memref<!tpu.dma_semaphore, #tpu.memory_space<semaphore_mem>>) src(%dma_wait3A_150 : memref<98432x128xf32, #tpu.memory_space<hbm>>) dst(%arg8 : memref<128x128xf32, #tpu.memory_space<vmem>>)
    %scan3A_151 = arith.constant 0 : i32
    %scan3A_152 = arith.constant 0 : i32
    %scan3A_153 = arith.constant 8 : i32
    %scan3A_154 = arith.addi %scan3A_152, %scan3A_153 : i32
    %scan3A_155 = arith.constant 1 : i32
    scf.for %scan3A_301 = %scan3A_152 to %scan3A_154 step %scan3A_155  : i32 {
      %mul3A_302 = arith.constant 16 : i32
      %mul3A_303 = arith.muli %scan3A_301, %mul3A_302 : i32
      %add3A_304 = vector.broadcast %mul3A_303 : i32 to vector<16xi32>
      %add3A_305 = arith.addi %add3A_304, %iota3A : vector<16xi32>
      %broadcast_in_dim3A_306 = arith.constant 64 : i32
      %broadcast_in_dim3A_307 = vector.broadcast %broadcast_in_dim3A_306 : i32 to vector<16xi32>
      %gather3A = tpu.vector_load_idx %arg7[%add3A_305, %broadcast_in_dim3A_307] : memref<128x128xf32, #tpu.memory_space<vmem>>[vector<16xi32>, vector<16xi32>], vector<16xf32>,
      %gather3A_308 = tpu.vector_load_idx %arg9[%add3A_305, %broadcast_in_dim3A_307] : memref<128x128xf32, #tpu.memory_space<vmem>>[vector<16xi32>, vector<16xi32>], vector<16xf32>,
      %scan3A_309 = arith.constant 0 : i32
      %scan3A_310 = arith.constant 16 : i32
      %scan3A_311 = arith.addi %scan3A_309, %scan3A_310 : i32
      %scan3A_312 = arith.constant 1 : i32
      %scan3A_313 = scf.for %scan3A_349 = %scan3A_309 to %scan3A_311 step %scan3A_312 iter_args(%scan3A_350 = %broadcast_in_dim3A_1) -> (vector<16xf32>)  : i32 {
        %broadcast_in_dim3A_351 = arith.constant 0 : i32
        %broadcast_in_dim3A_352 = vector.broadcast %broadcast_in_dim3A_351 : i32 to vector<16xi32>
        %mul3A_353 = arith.constant 4 : i32
        %mul3A_354 = arith.muli %scan3A_349, %mul3A_353 : i32
        %add3A_355 = arith.constant 0 : i32
        %add3A_356 = arith.addi %mul3A_354, %add3A_355 : i32
        %add3A_357 = vector.broadcast %add3A_356 : i32 to vector<16xi32>
        %add3A_358 = arith.addi %broadcast_in_dim3A_352, %add3A_357 : vector<16xi32>
        %gather3A_359 = tpu.vector_load_idx %arg7[%add3A_305, %add3A_358] : memref<128x128xf32, #tpu.memory_space<vmem>>[vector<16xi32>, vector<16xi32>], vector<16xf32>,
        %gather3A_360 = tpu.vector_load_idx %arg8[%add3A_305, %add3A_358] : memref<128x128xf32, #tpu.memory_space<vmem>>[vector<16xi32>, vector<16xi32>], vector<16xf32>,
        %gather3A_361 = tpu.vector_load_idx %arg9[%add3A_305, %add3A_358] : memref<128x128xf32, #tpu.memory_space<vmem>>[vector<16xi32>, vector<16xi32>], vector<16xf32>,
        %mul3A_362 = arith.mulf %gather3A_359, %gather3A : vector<16xf32>
        %add3A_363 = arith.addf %mul3A_362, %gather3A_360 : vector<16xf32>
        %mul3A_364 = arith.mulf %gather3A_361, %gather3A_308 : vector<16xf32>
        %sub3A_365 = arith.subf %add3A_363, %mul3A_364 : vector<16xf32>
        %mul3A_366 = arith.mulf %sub3A_365, %sub3A_365 : vector<16xf32>
        %add3A_367 = arith.addf %scan3A_350, %mul3A_366 : vector<16xf32>
        %broadcast_in_dim3A_368 = arith.constant 0 : i32
        %broadcast_in_dim3A_369 = vector.broadcast %broadcast_in_dim3A_368 : i32 to vector<16xi32>
        %mul3A_370 = arith.constant 4 : i32
        %mul3A_371 = arith.muli %scan3A_349, %mul3A_370 : i32
        %add3A_372 = arith.constant 1 : i32
        %add3A_373 = arith.addi %mul3A_371, %add3A_372 : i32
        %add3A_374 = vector.broadcast %add3A_373 : i32 to vector<16xi32>
        %add3A_375 = arith.addi %broadcast_in_dim3A_369, %add3A_374 : vector<16xi32>
        %gather3A_376 = tpu.vector_load_idx %arg7[%add3A_305, %add3A_375] : memref<128x128xf32, #tpu.memory_space<vmem>>[vector<16xi32>, vector<16xi32>], vector<16xf32>,
        %gather3A_377 = tpu.vector_load_idx %arg8[%add3A_305, %add3A_375] : memref<128x128xf32, #tpu.memory_space<vmem>>[vector<16xi32>, vector<16xi32>], vector<16xf32>,
        %gather3A_378 = tpu.vector_load_idx %arg9[%add3A_305, %add3A_375] : memref<128x128xf32, #tpu.memory_space<vmem>>[vector<16xi32>, vector<16xi32>], vector<16xf32>,
        %mul3A_379 = arith.mulf %gather3A_376, %gather3A : vector<16xf32>
        %add3A_380 = arith.addf %mul3A_379, %gather3A_377 : vector<16xf32>
        %mul3A_381 = arith.mulf %gather3A_378, %gather3A_308 : vector<16xf32>
        %sub3A_382 = arith.subf %add3A_380, %mul3A_381 : vector<16xf32>
        %mul3A_383 = arith.mulf %sub3A_382, %sub3A_382 : vector<16xf32>
        %add3A_384 = arith.addf %add3A_367, %mul3A_383 : vector<16xf32>
        %broadcast_in_dim3A_385 = arith.constant 0 : i32
        %broadcast_in_dim3A_386 = vector.broadcast %broadcast_in_dim3A_385 : i32 to vector<16xi32>
        %mul3A_387 = arith.constant 4 : i32
        %mul3A_388 = arith.muli %scan3A_349, %mul3A_387 : i32
        %add3A_389 = arith.constant 2 : i32
        %add3A_390 = arith.addi %mul3A_388, %add3A_389 : i32
        %add3A_391 = vector.broadcast %add3A_390 : i32 to vector<16xi32>
        %add3A_392 = arith.addi %broadcast_in_dim3A_386, %add3A_391 : vector<16xi32>
        %gather3A_393 = tpu.vector_load_idx %arg7[%add3A_305, %add3A_392] : memref<128x128xf32, #tpu.memory_space<vmem>>[vector<16xi32>, vector<16xi32>], vector<16xf32>,
        %gather3A_394 = tpu.vector_load_idx %arg8[%add3A_305, %add3A_392] : memref<128x128xf32, #tpu.memory_space<vmem>>[vector<16xi32>, vector<16xi32>], vector<16xf32>,
        %gather3A_395 = tpu.vector_load_idx %arg9[%add3A_305, %add3A_392] : memref<128x128xf32, #tpu.memory_space<vmem>>[vector<16xi32>, vector<16xi32>], vector<16xf32>,
        %mul3A_396 = arith.mulf %gather3A_393, %gather3A : vector<16xf32>
        %add3A_397 = arith.addf %mul3A_396, %gather3A_394 : vector<16xf32>
        %mul3A_398 = arith.mulf %gather3A_395, %gather3A_308 : vector<16xf32>
        %sub3A_399 = arith.subf %add3A_397, %mul3A_398 : vector<16xf32>
        %mul3A_400 = arith.mulf %sub3A_399, %sub3A_399 : vector<16xf32>
        %add3A_401 = arith.addf %add3A_384, %mul3A_400 : vector<16xf32>
        %broadcast_in_dim3A_402 = arith.constant 0 : i32
        %broadcast_in_dim3A_403 = vector.broadcast %broadcast_in_dim3A_402 : i32 to vector<16xi32>
        %mul3A_404 = arith.constant 4 : i32
        %mul3A_405 = arith.muli %scan3A_349, %mul3A_404 : i32
        %add3A_406 = arith.constant 3 : i32
        %add3A_407 = arith.addi %mul3A_405, %add3A_406 : i32
        %add3A_408 = vector.broadcast %add3A_407 : i32 to vector<16xi32>
        %add3A_409 = arith.addi %broadcast_in_dim3A_403, %add3A_408 : vector<16xi32>
        %gather3A_410 = tpu.vector_load_idx %arg7[%add3A_305, %add3A_409] : memref<128x128xf32, #tpu.memory_space<vmem>>[vector<16xi32>, vector<16xi32>], vector<16xf32>,
        %gather3A_411 = tpu.vector_load_idx %arg8[%add3A_305, %add3A_409] : memref<128x128xf32, #tpu.memory_space<vmem>>[vector<16xi32>, vector<16xi32>], vector<16xf32>,
        %gather3A_412 = tpu.vector_load_idx %arg9[%add3A_305, %add3A_409] : memref<128x128xf32, #tpu.memory_space<vmem>>[vector<16xi32>, vector<16xi32>], vector<16xf32>,
        %mul3A_413 = arith.mulf %gather3A_410, %gather3A : vector<16xf32>
        %add3A_414 = arith.addf %mul3A_413, %gather3A_411 : vector<16xf32>
        %mul3A_415 = arith.mulf %gather3A_412, %gather3A_308 : vector<16xf32>
        %sub3A_416 = arith.subf %add3A_414, %mul3A_415 : vector<16xf32>
        %mul3A_417 = arith.mulf %sub3A_416, %sub3A_416 : vector<16xf32>
        %add3A_418 = arith.addf %add3A_401, %mul3A_417 : vector<16xf32>
        scf.yield %add3A_418 : vector<16xf32>
      }
      %scan3A_314 = arith.constant 16 : i32
      %gt3A = arith.constant 0.000000e+00 : f32
      %gt3A_315 = vector.broadcast %gt3A : f32 to vector<16xf32>
      %gt3A_316 = arith.cmpf ogt, %scan3A_313, %gt3A_315 : vector<16xf32>
      %bitcast3A = vector.bitcast %scan3A_313 : vector<16xf32> to vector<16xi32>
      %shift_right_logical3A = arith.constant 1 : i32
      %shift_right_logical3A_317 = vector.broadcast %shift_right_logical3A : i32 to vector<16xi32>
      %shift_right_logical3A_318 = arith.shrui %bitcast3A, %shift_right_logical3A_317 : vector<16xi32>
      %sub3A = arith.constant 1597463007 : i32
      %sub3A_319 = vector.broadcast %sub3A : i32 to vector<16xi32>
      %sub3A_320 = arith.subi %sub3A_319, %shift_right_logical3A_318 : vector<16xi32>
      %bitcast3A_321 = vector.bitcast %sub3A_320 : vector<16xi32> to vector<16xf32>
      %mul3A_322 = arith.constant 5.000000e-01 : f32
      %mul3A_323 = vector.broadcast %mul3A_322 : f32 to vector<16xf32>
      %mul3A_324 = arith.mulf %scan3A_313, %mul3A_323 : vector<16xf32>
      %mul3A_325 = arith.mulf %mul3A_324, %bitcast3A_321 : vector<16xf32>
      %mul3A_326 = arith.mulf %mul3A_325, %bitcast3A_321 : vector<16xf32>
      %sub3A_327 = arith.constant 1.500000e+00 : f32
      %sub3A_328 = vector.broadcast %sub3A_327 : f32 to vector<16xf32>
      %sub3A_329 = arith.subf %sub3A_328, %mul3A_326 : vector<16xf32>
      %mul3A_330 = arith.mulf %bitcast3A_321, %sub3A_329 : vector<16xf32>
      %mul3A_331 = arith.mulf %mul3A_324, %mul3A_330 : vector<16xf32>
      %mul3A_332 = arith.mulf %mul3A_331, %mul3A_330 : vector<16xf32>
      %sub3A_333 = arith.constant 1.500000e+00 : f32
      %sub3A_334 = vector.broadcast %sub3A_333 : f32 to vector<16xf32>
      %sub3A_335 = arith.subf %sub3A_334, %mul3A_332 : vector<16xf32>
      %mul3A_336 = arith.mulf %mul3A_330, %sub3A_335 : vector<16xf32>
      %mul3A_337 = arith.mulf %mul3A_324, %mul3A_336 : vector<16xf32>
      %mul3A_338 = arith.mulf %mul3A_337, %mul3A_336 : vector<16xf32>
      %sub3A_339 = arith.constant 1.500000e+00 : f32
      %sub3A_340 = vector.broadcast %sub3A_339 : f32 to vector<16xf32>
      %sub3A_341 = arith.subf %sub3A_340, %mul3A_338 : vector<16xf32>
      %mul3A_342 = arith.mulf %mul3A_336, %sub3A_341 : vector<16xf32>
      %mul3A_343 = arith.mulf %scan3A_313, %mul3A_342 : vector<16xf32>
      %select_n3A = arith.select %gt3A_316, %mul3A_343, %broadcast_in_dim3A_1 : vector<16xi1>, vector<16xf32>
      %mul3A_344 = arith.constant 16 : i32
      %mul3A_345 = arith.muli %scan3A_301, %mul3A_344 : i32
      %add3A_346 = arith.constant 384 : i32
      %add3A_347 = arith.addi %add3A_346, %mul3A_345 : i32
      %swap3A = arith.index_cast %add3A_347 : i32 to index
      %swap3A_348 = tpu.vector_load %arg13[%swap3A] {strides = array<i32>} : memref<1024xf32, #tpu.memory_space<vmem>>, vector<16xf32>,
      tpu.vector_store %arg13[%swap3A], %select_n3A {strides = array<i32>} : memref<1024xf32, #tpu.memory_space<vmem>>, vector<16xf32>,
    }
    %scan3A_156 = arith.constant 8 : i32
    %dma_start3A_157 = arith.constant 512 : i32
    %dma_start3A_158 = tpu.memref_slice %arg10[%dma_start3A_157] : memref<1024xi32, #tpu.memory_space<vmem>> -> memref<128xi32, #tpu.memory_space<vmem>>
    %dma_start3A_159 = arith.constant 0 : i32
    %dma_start3A_160 = arith.constant 0 : i32
    %dma_start3A_161 = tpu.memref_slice %arg2[%dma_start3A_159, %dma_start3A_160] : memref<98432x128xf32, #tpu.memory_space<hbm>> -> memref<98432x128xf32, #tpu.memory_space<hbm>>
    tpu.enqueue_indirect_dma source(%dma_start3A_161 : memref<98432x128xf32, #tpu.memory_space<hbm>>) target(%arg7 : memref<128x128xf32, #tpu.memory_space<vmem>>) offsets(%dma_start3A_158 : memref<128xi32, #tpu.memory_space<vmem>>) semaphore(%arg14 : memref<!tpu.dma_semaphore, #tpu.memory_space<semaphore_mem>>)
    %dma_start3A_162 = arith.constant 512 : i32
    %dma_start3A_163 = tpu.memref_slice %arg11[%dma_start3A_162] : memref<1024xi32, #tpu.memory_space<vmem>> -> memref<128xi32, #tpu.memory_space<vmem>>
    %dma_start3A_164 = arith.constant 0 : i32
    %dma_start3A_165 = arith.constant 0 : i32
    %dma_start3A_166 = tpu.memref_slice %arg2[%dma_start3A_164, %dma_start3A_165] : memref<98432x128xf32, #tpu.memory_space<hbm>> -> memref<98432x128xf32, #tpu.memory_space<hbm>>
    tpu.enqueue_indirect_dma source(%dma_start3A_166 : memref<98432x128xf32, #tpu.memory_space<hbm>>) target(%arg9 : memref<128x128xf32, #tpu.memory_space<vmem>>) offsets(%dma_start3A_163 : memref<128xi32, #tpu.memory_space<vmem>>) semaphore(%arg14 : memref<!tpu.dma_semaphore, #tpu.memory_space<semaphore_mem>>)
    %dma_start3A_167 = arith.constant 512 : i32
    %dma_start3A_168 = tpu.memref_slice %arg12[%dma_start3A_167] : memref<1024xi32, #tpu.memory_space<vmem>> -> memref<128xi32, #tpu.memory_space<vmem>>
    %dma_start3A_169 = arith.constant 0 : i32
    %dma_start3A_170 = arith.constant 0 : i32
    %dma_start3A_171 = tpu.memref_slice %arg2[%dma_start3A_169, %dma_start3A_170] : memref<98432x128xf32, #tpu.memory_space<hbm>> -> memref<98432x128xf32, #tpu.memory_space<hbm>>
    tpu.enqueue_indirect_dma source(%dma_start3A_171 : memref<98432x128xf32, #tpu.memory_space<hbm>>) target(%arg8 : memref<128x128xf32, #tpu.memory_space<vmem>>) offsets(%dma_start3A_168 : memref<128xi32, #tpu.memory_space<vmem>>) semaphore(%arg14 : memref<!tpu.dma_semaphore, #tpu.memory_space<semaphore_mem>>)
    %dma_wait3A_172 = arith.constant 512 : i32
    %dma_wait3A_173 = tpu.memref_slice %arg10[%dma_wait3A_172] : memref<1024xi32, #tpu.memory_space<vmem>> -> memref<128xi32, #tpu.memory_space<vmem>>
    %dma_wait3A_174 = arith.constant 0 : i32
    %dma_wait3A_175 = arith.constant 0 : i32
    %dma_wait3A_176 = tpu.memref_slice %arg2[%dma_wait3A_174, %dma_wait3A_175] : memref<98432x128xf32, #tpu.memory_space<hbm>> -> memref<98432x128xf32, #tpu.memory_space<hbm>>
    tpu.wait_indirect_dma semaphore(%arg14 : memref<!tpu.dma_semaphore, #tpu.memory_space<semaphore_mem>>) src(%dma_wait3A_176 : memref<98432x128xf32, #tpu.memory_space<hbm>>) dst(%arg7 : memref<128x128xf32, #tpu.memory_space<vmem>>)
    %dma_wait3A_177 = arith.constant 512 : i32
    %dma_wait3A_178 = tpu.memref_slice %arg11[%dma_wait3A_177] : memref<1024xi32, #tpu.memory_space<vmem>> -> memref<128xi32, #tpu.memory_space<vmem>>
    %dma_wait3A_179 = arith.constant 0 : i32
    %dma_wait3A_180 = arith.constant 0 : i32
    %dma_wait3A_181 = tpu.memref_slice %arg2[%dma_wait3A_179, %dma_wait3A_180] : memref<98432x128xf32, #tpu.memory_space<hbm>> -> memref<98432x128xf32, #tpu.memory_space<hbm>>
    tpu.wait_indirect_dma semaphore(%arg14 : memref<!tpu.dma_semaphore, #tpu.memory_space<semaphore_mem>>) src(%dma_wait3A_181 : memref<98432x128xf32, #tpu.memory_space<hbm>>) dst(%arg9 : memref<128x128xf32, #tpu.memory_space<vmem>>)
    %dma_wait3A_182 = arith.constant 512 : i32
    %dma_wait3A_183 = tpu.memref_slice %arg12[%dma_wait3A_182] : memref<1024xi32, #tpu.memory_space<vmem>> -> memref<128xi32, #tpu.memory_space<vmem>>
    %dma_wait3A_184 = arith.constant 0 : i32
    %dma_wait3A_185 = arith.constant 0 : i32
    %dma_wait3A_186 = tpu.memref_slice %arg2[%dma_wait3A_184, %dma_wait3A_185] : memref<98432x128xf32, #tpu.memory_space<hbm>> -> memref<98432x128xf32, #tpu.memory_space<hbm>>
    tpu.wait_indirect_dma semaphore(%arg14 : memref<!tpu.dma_semaphore, #tpu.memory_space<semaphore_mem>>) src(%dma_wait3A_186 : memref<98432x128xf32, #tpu.memory_space<hbm>>) dst(%arg8 : memref<128x128xf32, #tpu.memory_space<vmem>>)
    %scan3A_187 = arith.constant 0 : i32
    %scan3A_188 = arith.constant 0 : i32
    %scan3A_189 = arith.constant 8 : i32
    %scan3A_190 = arith.addi %scan3A_188, %scan3A_189 : i32
    %scan3A_191 = arith.constant 1 : i32
    scf.for %scan3A_301 = %scan3A_188 to %scan3A_190 step %scan3A_191  : i32 {
      %mul3A_302 = arith.constant 16 : i32
      %mul3A_303 = arith.muli %scan3A_301, %mul3A_302 : i32
      %add3A_304 = vector.broadcast %mul3A_303 : i32 to vector<16xi32>
      %add3A_305 = arith.addi %add3A_304, %iota3A : vector<16xi32>
      %broadcast_in_dim3A_306 = arith.constant 64 : i32
      %broadcast_in_dim3A_307 = vector.broadcast %broadcast_in_dim3A_306 : i32 to vector<16xi32>
      %gather3A = tpu.vector_load_idx %arg7[%add3A_305, %broadcast_in_dim3A_307] : memref<128x128xf32, #tpu.memory_space<vmem>>[vector<16xi32>, vector<16xi32>], vector<16xf32>,
      %gather3A_308 = tpu.vector_load_idx %arg9[%add3A_305, %broadcast_in_dim3A_307] : memref<128x128xf32, #tpu.memory_space<vmem>>[vector<16xi32>, vector<16xi32>], vector<16xf32>,
      %scan3A_309 = arith.constant 0 : i32
      %scan3A_310 = arith.constant 16 : i32
      %scan3A_311 = arith.addi %scan3A_309, %scan3A_310 : i32
      %scan3A_312 = arith.constant 1 : i32
      %scan3A_313 = scf.for %scan3A_349 = %scan3A_309 to %scan3A_311 step %scan3A_312 iter_args(%scan3A_350 = %broadcast_in_dim3A_1) -> (vector<16xf32>)  : i32 {
        %broadcast_in_dim3A_351 = arith.constant 0 : i32
        %broadcast_in_dim3A_352 = vector.broadcast %broadcast_in_dim3A_351 : i32 to vector<16xi32>
        %mul3A_353 = arith.constant 4 : i32
        %mul3A_354 = arith.muli %scan3A_349, %mul3A_353 : i32
        %add3A_355 = arith.constant 0 : i32
        %add3A_356 = arith.addi %mul3A_354, %add3A_355 : i32
        %add3A_357 = vector.broadcast %add3A_356 : i32 to vector<16xi32>
        %add3A_358 = arith.addi %broadcast_in_dim3A_352, %add3A_357 : vector<16xi32>
        %gather3A_359 = tpu.vector_load_idx %arg7[%add3A_305, %add3A_358] : memref<128x128xf32, #tpu.memory_space<vmem>>[vector<16xi32>, vector<16xi32>], vector<16xf32>,
        %gather3A_360 = tpu.vector_load_idx %arg8[%add3A_305, %add3A_358] : memref<128x128xf32, #tpu.memory_space<vmem>>[vector<16xi32>, vector<16xi32>], vector<16xf32>,
        %gather3A_361 = tpu.vector_load_idx %arg9[%add3A_305, %add3A_358] : memref<128x128xf32, #tpu.memory_space<vmem>>[vector<16xi32>, vector<16xi32>], vector<16xf32>,
        %mul3A_362 = arith.mulf %gather3A_359, %gather3A : vector<16xf32>
        %add3A_363 = arith.addf %mul3A_362, %gather3A_360 : vector<16xf32>
        %mul3A_364 = arith.mulf %gather3A_361, %gather3A_308 : vector<16xf32>
        %sub3A_365 = arith.subf %add3A_363, %mul3A_364 : vector<16xf32>
        %mul3A_366 = arith.mulf %sub3A_365, %sub3A_365 : vector<16xf32>
        %add3A_367 = arith.addf %scan3A_350, %mul3A_366 : vector<16xf32>
        %broadcast_in_dim3A_368 = arith.constant 0 : i32
        %broadcast_in_dim3A_369 = vector.broadcast %broadcast_in_dim3A_368 : i32 to vector<16xi32>
        %mul3A_370 = arith.constant 4 : i32
        %mul3A_371 = arith.muli %scan3A_349, %mul3A_370 : i32
        %add3A_372 = arith.constant 1 : i32
        %add3A_373 = arith.addi %mul3A_371, %add3A_372 : i32
        %add3A_374 = vector.broadcast %add3A_373 : i32 to vector<16xi32>
        %add3A_375 = arith.addi %broadcast_in_dim3A_369, %add3A_374 : vector<16xi32>
        %gather3A_376 = tpu.vector_load_idx %arg7[%add3A_305, %add3A_375] : memref<128x128xf32, #tpu.memory_space<vmem>>[vector<16xi32>, vector<16xi32>], vector<16xf32>,
        %gather3A_377 = tpu.vector_load_idx %arg8[%add3A_305, %add3A_375] : memref<128x128xf32, #tpu.memory_space<vmem>>[vector<16xi32>, vector<16xi32>], vector<16xf32>,
        %gather3A_378 = tpu.vector_load_idx %arg9[%add3A_305, %add3A_375] : memref<128x128xf32, #tpu.memory_space<vmem>>[vector<16xi32>, vector<16xi32>], vector<16xf32>,
        %mul3A_379 = arith.mulf %gather3A_376, %gather3A : vector<16xf32>
        %add3A_380 = arith.addf %mul3A_379, %gather3A_377 : vector<16xf32>
        %mul3A_381 = arith.mulf %gather3A_378, %gather3A_308 : vector<16xf32>
        %sub3A_382 = arith.subf %add3A_380, %mul3A_381 : vector<16xf32>
        %mul3A_383 = arith.mulf %sub3A_382, %sub3A_382 : vector<16xf32>
        %add3A_384 = arith.addf %add3A_367, %mul3A_383 : vector<16xf32>
        %broadcast_in_dim3A_385 = arith.constant 0 : i32
        %broadcast_in_dim3A_386 = vector.broadcast %broadcast_in_dim3A_385 : i32 to vector<16xi32>
        %mul3A_387 = arith.constant 4 : i32
        %mul3A_388 = arith.muli %scan3A_349, %mul3A_387 : i32
        %add3A_389 = arith.constant 2 : i32
        %add3A_390 = arith.addi %mul3A_388, %add3A_389 : i32
        %add3A_391 = vector.broadcast %add3A_390 : i32 to vector<16xi32>
        %add3A_392 = arith.addi %broadcast_in_dim3A_386, %add3A_391 : vector<16xi32>
        %gather3A_393 = tpu.vector_load_idx %arg7[%add3A_305, %add3A_392] : memref<128x128xf32, #tpu.memory_space<vmem>>[vector<16xi32>, vector<16xi32>], vector<16xf32>,
        %gather3A_394 = tpu.vector_load_idx %arg8[%add3A_305, %add3A_392] : memref<128x128xf32, #tpu.memory_space<vmem>>[vector<16xi32>, vector<16xi32>], vector<16xf32>,
        %gather3A_395 = tpu.vector_load_idx %arg9[%add3A_305, %add3A_392] : memref<128x128xf32, #tpu.memory_space<vmem>>[vector<16xi32>, vector<16xi32>], vector<16xf32>,
        %mul3A_396 = arith.mulf %gather3A_393, %gather3A : vector<16xf32>
        %add3A_397 = arith.addf %mul3A_396, %gather3A_394 : vector<16xf32>
        %mul3A_398 = arith.mulf %gather3A_395, %gather3A_308 : vector<16xf32>
        %sub3A_399 = arith.subf %add3A_397, %mul3A_398 : vector<16xf32>
        %mul3A_400 = arith.mulf %sub3A_399, %sub3A_399 : vector<16xf32>
        %add3A_401 = arith.addf %add3A_384, %mul3A_400 : vector<16xf32>
        %broadcast_in_dim3A_402 = arith.constant 0 : i32
        %broadcast_in_dim3A_403 = vector.broadcast %broadcast_in_dim3A_402 : i32 to vector<16xi32>
        %mul3A_404 = arith.constant 4 : i32
        %mul3A_405 = arith.muli %scan3A_349, %mul3A_404 : i32
        %add3A_406 = arith.constant 3 : i32
        %add3A_407 = arith.addi %mul3A_405, %add3A_406 : i32
        %add3A_408 = vector.broadcast %add3A_407 : i32 to vector<16xi32>
        %add3A_409 = arith.addi %broadcast_in_dim3A_403, %add3A_408 : vector<16xi32>
        %gather3A_410 = tpu.vector_load_idx %arg7[%add3A_305, %add3A_409] : memref<128x128xf32, #tpu.memory_space<vmem>>[vector<16xi32>, vector<16xi32>], vector<16xf32>,
        %gather3A_411 = tpu.vector_load_idx %arg8[%add3A_305, %add3A_409] : memref<128x128xf32, #tpu.memory_space<vmem>>[vector<16xi32>, vector<16xi32>], vector<16xf32>,
        %gather3A_412 = tpu.vector_load_idx %arg9[%add3A_305, %add3A_409] : memref<128x128xf32, #tpu.memory_space<vmem>>[vector<16xi32>, vector<16xi32>], vector<16xf32>,
        %mul3A_413 = arith.mulf %gather3A_410, %gather3A : vector<16xf32>
        %add3A_414 = arith.addf %mul3A_413, %gather3A_411 : vector<16xf32>
        %mul3A_415 = arith.mulf %gather3A_412, %gather3A_308 : vector<16xf32>
        %sub3A_416 = arith.subf %add3A_414, %mul3A_415 : vector<16xf32>
        %mul3A_417 = arith.mulf %sub3A_416, %sub3A_416 : vector<16xf32>
        %add3A_418 = arith.addf %add3A_401, %mul3A_417 : vector<16xf32>
        scf.yield %add3A_418 : vector<16xf32>
      }
      %scan3A_314 = arith.constant 16 : i32
      %gt3A = arith.constant 0.000000e+00 : f32
      %gt3A_315 = vector.broadcast %gt3A : f32 to vector<16xf32>
      %gt3A_316 = arith.cmpf ogt, %scan3A_313, %gt3A_315 : vector<16xf32>
      %bitcast3A = vector.bitcast %scan3A_313 : vector<16xf32> to vector<16xi32>
      %shift_right_logical3A = arith.constant 1 : i32
      %shift_right_logical3A_317 = vector.broadcast %shift_right_logical3A : i32 to vector<16xi32>
      %shift_right_logical3A_318 = arith.shrui %bitcast3A, %shift_right_logical3A_317 : vector<16xi32>
      %sub3A = arith.constant 1597463007 : i32
      %sub3A_319 = vector.broadcast %sub3A : i32 to vector<16xi32>
      %sub3A_320 = arith.subi %sub3A_319, %shift_right_logical3A_318 : vector<16xi32>
      %bitcast3A_321 = vector.bitcast %sub3A_320 : vector<16xi32> to vector<16xf32>
      %mul3A_322 = arith.constant 5.000000e-01 : f32
      %mul3A_323 = vector.broadcast %mul3A_322 : f32 to vector<16xf32>
      %mul3A_324 = arith.mulf %scan3A_313, %mul3A_323 : vector<16xf32>
      %mul3A_325 = arith.mulf %mul3A_324, %bitcast3A_321 : vector<16xf32>
      %mul3A_326 = arith.mulf %mul3A_325, %bitcast3A_321 : vector<16xf32>
      %sub3A_327 = arith.constant 1.500000e+00 : f32
      %sub3A_328 = vector.broadcast %sub3A_327 : f32 to vector<16xf32>
      %sub3A_329 = arith.subf %sub3A_328, %mul3A_326 : vector<16xf32>
      %mul3A_330 = arith.mulf %bitcast3A_321, %sub3A_329 : vector<16xf32>
      %mul3A_331 = arith.mulf %mul3A_324, %mul3A_330 : vector<16xf32>
      %mul3A_332 = arith.mulf %mul3A_331, %mul3A_330 : vector<16xf32>
      %sub3A_333 = arith.constant 1.500000e+00 : f32
      %sub3A_334 = vector.broadcast %sub3A_333 : f32 to vector<16xf32>
      %sub3A_335 = arith.subf %sub3A_334, %mul3A_332 : vector<16xf32>
      %mul3A_336 = arith.mulf %mul3A_330, %sub3A_335 : vector<16xf32>
      %mul3A_337 = arith.mulf %mul3A_324, %mul3A_336 : vector<16xf32>
      %mul3A_338 = arith.mulf %mul3A_337, %mul3A_336 : vector<16xf32>
      %sub3A_339 = arith.constant 1.500000e+00 : f32
      %sub3A_340 = vector.broadcast %sub3A_339 : f32 to vector<16xf32>
      %sub3A_341 = arith.subf %sub3A_340, %mul3A_338 : vector<16xf32>
      %mul3A_342 = arith.mulf %mul3A_336, %sub3A_341 : vector<16xf32>
      %mul3A_343 = arith.mulf %scan3A_313, %mul3A_342 : vector<16xf32>
      %select_n3A = arith.select %gt3A_316, %mul3A_343, %broadcast_in_dim3A_1 : vector<16xi1>, vector<16xf32>
      %mul3A_344 = arith.constant 16 : i32
      %mul3A_345 = arith.muli %scan3A_301, %mul3A_344 : i32
      %add3A_346 = arith.constant 512 : i32
      %add3A_347 = arith.addi %add3A_346, %mul3A_345 : i32
      %swap3A = arith.index_cast %add3A_347 : i32 to index
      %swap3A_348 = tpu.vector_load %arg13[%swap3A] {strides = array<i32>} : memref<1024xf32, #tpu.memory_space<vmem>>, vector<16xf32>,
      tpu.vector_store %arg13[%swap3A], %select_n3A {strides = array<i32>} : memref<1024xf32, #tpu.memory_space<vmem>>, vector<16xf32>,
    }
    %scan3A_192 = arith.constant 8 : i32
    %dma_start3A_193 = arith.constant 640 : i32
    %dma_start3A_194 = tpu.memref_slice %arg10[%dma_start3A_193] : memref<1024xi32, #tpu.memory_space<vmem>> -> memref<128xi32, #tpu.memory_space<vmem>>
    %dma_start3A_195 = arith.constant 0 : i32
    %dma_start3A_196 = arith.constant 0 : i32
    %dma_start3A_197 = tpu.memref_slice %arg2[%dma_start3A_195, %dma_start3A_196] : memref<98432x128xf32, #tpu.memory_space<hbm>> -> memref<98432x128xf32, #tpu.memory_space<hbm>>
    tpu.enqueue_indirect_dma source(%dma_start3A_197 : memref<98432x128xf32, #tpu.memory_space<hbm>>) target(%arg7 : memref<128x128xf32, #tpu.memory_space<vmem>>) offsets(%dma_start3A_194 : memref<128xi32, #tpu.memory_space<vmem>>) semaphore(%arg14 : memref<!tpu.dma_semaphore, #tpu.memory_space<semaphore_mem>>)
    %dma_start3A_198 = arith.constant 640 : i32
    %dma_start3A_199 = tpu.memref_slice %arg11[%dma_start3A_198] : memref<1024xi32, #tpu.memory_space<vmem>> -> memref<128xi32, #tpu.memory_space<vmem>>
    %dma_start3A_200 = arith.constant 0 : i32
    %dma_start3A_201 = arith.constant 0 : i32
    %dma_start3A_202 = tpu.memref_slice %arg2[%dma_start3A_200, %dma_start3A_201] : memref<98432x128xf32, #tpu.memory_space<hbm>> -> memref<98432x128xf32, #tpu.memory_space<hbm>>
    tpu.enqueue_indirect_dma source(%dma_start3A_202 : memref<98432x128xf32, #tpu.memory_space<hbm>>) target(%arg9 : memref<128x128xf32, #tpu.memory_space<vmem>>) offsets(%dma_start3A_199 : memref<128xi32, #tpu.memory_space<vmem>>) semaphore(%arg14 : memref<!tpu.dma_semaphore, #tpu.memory_space<semaphore_mem>>)
    %dma_start3A_203 = arith.constant 640 : i32
    %dma_start3A_204 = tpu.memref_slice %arg12[%dma_start3A_203] : memref<1024xi32, #tpu.memory_space<vmem>> -> memref<128xi32, #tpu.memory_space<vmem>>
    %dma_start3A_205 = arith.constant 0 : i32
    %dma_start3A_206 = arith.constant 0 : i32
    %dma_start3A_207 = tpu.memref_slice %arg2[%dma_start3A_205, %dma_start3A_206] : memref<98432x128xf32, #tpu.memory_space<hbm>> -> memref<98432x128xf32, #tpu.memory_space<hbm>>
    tpu.enqueue_indirect_dma source(%dma_start3A_207 : memref<98432x128xf32, #tpu.memory_space<hbm>>) target(%arg8 : memref<128x128xf32, #tpu.memory_space<vmem>>) offsets(%dma_start3A_204 : memref<128xi32, #tpu.memory_space<vmem>>) semaphore(%arg14 : memref<!tpu.dma_semaphore, #tpu.memory_space<semaphore_mem>>)
    %dma_wait3A_208 = arith.constant 640 : i32
    %dma_wait3A_209 = tpu.memref_slice %arg10[%dma_wait3A_208] : memref<1024xi32, #tpu.memory_space<vmem>> -> memref<128xi32, #tpu.memory_space<vmem>>
    %dma_wait3A_210 = arith.constant 0 : i32
    %dma_wait3A_211 = arith.constant 0 : i32
    %dma_wait3A_212 = tpu.memref_slice %arg2[%dma_wait3A_210, %dma_wait3A_211] : memref<98432x128xf32, #tpu.memory_space<hbm>> -> memref<98432x128xf32, #tpu.memory_space<hbm>>
    tpu.wait_indirect_dma semaphore(%arg14 : memref<!tpu.dma_semaphore, #tpu.memory_space<semaphore_mem>>) src(%dma_wait3A_212 : memref<98432x128xf32, #tpu.memory_space<hbm>>) dst(%arg7 : memref<128x128xf32, #tpu.memory_space<vmem>>)
    %dma_wait3A_213 = arith.constant 640 : i32
    %dma_wait3A_214 = tpu.memref_slice %arg11[%dma_wait3A_213] : memref<1024xi32, #tpu.memory_space<vmem>> -> memref<128xi32, #tpu.memory_space<vmem>>
    %dma_wait3A_215 = arith.constant 0 : i32
    %dma_wait3A_216 = arith.constant 0 : i32
    %dma_wait3A_217 = tpu.memref_slice %arg2[%dma_wait3A_215, %dma_wait3A_216] : memref<98432x128xf32, #tpu.memory_space<hbm>> -> memref<98432x128xf32, #tpu.memory_space<hbm>>
    tpu.wait_indirect_dma semaphore(%arg14 : memref<!tpu.dma_semaphore, #tpu.memory_space<semaphore_mem>>) src(%dma_wait3A_217 : memref<98432x128xf32, #tpu.memory_space<hbm>>) dst(%arg9 : memref<128x128xf32, #tpu.memory_space<vmem>>)
    %dma_wait3A_218 = arith.constant 640 : i32
    %dma_wait3A_219 = tpu.memref_slice %arg12[%dma_wait3A_218] : memref<1024xi32, #tpu.memory_space<vmem>> -> memref<128xi32, #tpu.memory_space<vmem>>
    %dma_wait3A_220 = arith.constant 0 : i32
    %dma_wait3A_221 = arith.constant 0 : i32
    %dma_wait3A_222 = tpu.memref_slice %arg2[%dma_wait3A_220, %dma_wait3A_221] : memref<98432x128xf32, #tpu.memory_space<hbm>> -> memref<98432x128xf32, #tpu.memory_space<hbm>>
    tpu.wait_indirect_dma semaphore(%arg14 : memref<!tpu.dma_semaphore, #tpu.memory_space<semaphore_mem>>) src(%dma_wait3A_222 : memref<98432x128xf32, #tpu.memory_space<hbm>>) dst(%arg8 : memref<128x128xf32, #tpu.memory_space<vmem>>)
    %scan3A_223 = arith.constant 0 : i32
    %scan3A_224 = arith.constant 0 : i32
    %scan3A_225 = arith.constant 8 : i32
    %scan3A_226 = arith.addi %scan3A_224, %scan3A_225 : i32
    %scan3A_227 = arith.constant 1 : i32
    scf.for %scan3A_301 = %scan3A_224 to %scan3A_226 step %scan3A_227  : i32 {
      %mul3A_302 = arith.constant 16 : i32
      %mul3A_303 = arith.muli %scan3A_301, %mul3A_302 : i32
      %add3A_304 = vector.broadcast %mul3A_303 : i32 to vector<16xi32>
      %add3A_305 = arith.addi %add3A_304, %iota3A : vector<16xi32>
      %broadcast_in_dim3A_306 = arith.constant 64 : i32
      %broadcast_in_dim3A_307 = vector.broadcast %broadcast_in_dim3A_306 : i32 to vector<16xi32>
      %gather3A = tpu.vector_load_idx %arg7[%add3A_305, %broadcast_in_dim3A_307] : memref<128x128xf32, #tpu.memory_space<vmem>>[vector<16xi32>, vector<16xi32>], vector<16xf32>,
      %gather3A_308 = tpu.vector_load_idx %arg9[%add3A_305, %broadcast_in_dim3A_307] : memref<128x128xf32, #tpu.memory_space<vmem>>[vector<16xi32>, vector<16xi32>], vector<16xf32>,
      %scan3A_309 = arith.constant 0 : i32
      %scan3A_310 = arith.constant 16 : i32
      %scan3A_311 = arith.addi %scan3A_309, %scan3A_310 : i32
      %scan3A_312 = arith.constant 1 : i32
      %scan3A_313 = scf.for %scan3A_349 = %scan3A_309 to %scan3A_311 step %scan3A_312 iter_args(%scan3A_350 = %broadcast_in_dim3A_1) -> (vector<16xf32>)  : i32 {
        %broadcast_in_dim3A_351 = arith.constant 0 : i32
        %broadcast_in_dim3A_352 = vector.broadcast %broadcast_in_dim3A_351 : i32 to vector<16xi32>
        %mul3A_353 = arith.constant 4 : i32
        %mul3A_354 = arith.muli %scan3A_349, %mul3A_353 : i32
        %add3A_355 = arith.constant 0 : i32
        %add3A_356 = arith.addi %mul3A_354, %add3A_355 : i32
        %add3A_357 = vector.broadcast %add3A_356 : i32 to vector<16xi32>
        %add3A_358 = arith.addi %broadcast_in_dim3A_352, %add3A_357 : vector<16xi32>
        %gather3A_359 = tpu.vector_load_idx %arg7[%add3A_305, %add3A_358] : memref<128x128xf32, #tpu.memory_space<vmem>>[vector<16xi32>, vector<16xi32>], vector<16xf32>,
        %gather3A_360 = tpu.vector_load_idx %arg8[%add3A_305, %add3A_358] : memref<128x128xf32, #tpu.memory_space<vmem>>[vector<16xi32>, vector<16xi32>], vector<16xf32>,
        %gather3A_361 = tpu.vector_load_idx %arg9[%add3A_305, %add3A_358] : memref<128x128xf32, #tpu.memory_space<vmem>>[vector<16xi32>, vector<16xi32>], vector<16xf32>,
        %mul3A_362 = arith.mulf %gather3A_359, %gather3A : vector<16xf32>
        %add3A_363 = arith.addf %mul3A_362, %gather3A_360 : vector<16xf32>
        %mul3A_364 = arith.mulf %gather3A_361, %gather3A_308 : vector<16xf32>
        %sub3A_365 = arith.subf %add3A_363, %mul3A_364 : vector<16xf32>
        %mul3A_366 = arith.mulf %sub3A_365, %sub3A_365 : vector<16xf32>
        %add3A_367 = arith.addf %scan3A_350, %mul3A_366 : vector<16xf32>
        %broadcast_in_dim3A_368 = arith.constant 0 : i32
        %broadcast_in_dim3A_369 = vector.broadcast %broadcast_in_dim3A_368 : i32 to vector<16xi32>
        %mul3A_370 = arith.constant 4 : i32
        %mul3A_371 = arith.muli %scan3A_349, %mul3A_370 : i32
        %add3A_372 = arith.constant 1 : i32
        %add3A_373 = arith.addi %mul3A_371, %add3A_372 : i32
        %add3A_374 = vector.broadcast %add3A_373 : i32 to vector<16xi32>
        %add3A_375 = arith.addi %broadcast_in_dim3A_369, %add3A_374 : vector<16xi32>
        %gather3A_376 = tpu.vector_load_idx %arg7[%add3A_305, %add3A_375] : memref<128x128xf32, #tpu.memory_space<vmem>>[vector<16xi32>, vector<16xi32>], vector<16xf32>,
        %gather3A_377 = tpu.vector_load_idx %arg8[%add3A_305, %add3A_375] : memref<128x128xf32, #tpu.memory_space<vmem>>[vector<16xi32>, vector<16xi32>], vector<16xf32>,
        %gather3A_378 = tpu.vector_load_idx %arg9[%add3A_305, %add3A_375] : memref<128x128xf32, #tpu.memory_space<vmem>>[vector<16xi32>, vector<16xi32>], vector<16xf32>,
        %mul3A_379 = arith.mulf %gather3A_376, %gather3A : vector<16xf32>
        %add3A_380 = arith.addf %mul3A_379, %gather3A_377 : vector<16xf32>
        %mul3A_381 = arith.mulf %gather3A_378, %gather3A_308 : vector<16xf32>
        %sub3A_382 = arith.subf %add3A_380, %mul3A_381 : vector<16xf32>
        %mul3A_383 = arith.mulf %sub3A_382, %sub3A_382 : vector<16xf32>
        %add3A_384 = arith.addf %add3A_367, %mul3A_383 : vector<16xf32>
        %broadcast_in_dim3A_385 = arith.constant 0 : i32
        %broadcast_in_dim3A_386 = vector.broadcast %broadcast_in_dim3A_385 : i32 to vector<16xi32>
        %mul3A_387 = arith.constant 4 : i32
        %mul3A_388 = arith.muli %scan3A_349, %mul3A_387 : i32
        %add3A_389 = arith.constant 2 : i32
        %add3A_390 = arith.addi %mul3A_388, %add3A_389 : i32
        %add3A_391 = vector.broadcast %add3A_390 : i32 to vector<16xi32>
        %add3A_392 = arith.addi %broadcast_in_dim3A_386, %add3A_391 : vector<16xi32>
        %gather3A_393 = tpu.vector_load_idx %arg7[%add3A_305, %add3A_392] : memref<128x128xf32, #tpu.memory_space<vmem>>[vector<16xi32>, vector<16xi32>], vector<16xf32>,
        %gather3A_394 = tpu.vector_load_idx %arg8[%add3A_305, %add3A_392] : memref<128x128xf32, #tpu.memory_space<vmem>>[vector<16xi32>, vector<16xi32>], vector<16xf32>,
        %gather3A_395 = tpu.vector_load_idx %arg9[%add3A_305, %add3A_392] : memref<128x128xf32, #tpu.memory_space<vmem>>[vector<16xi32>, vector<16xi32>], vector<16xf32>,
        %mul3A_396 = arith.mulf %gather3A_393, %gather3A : vector<16xf32>
        %add3A_397 = arith.addf %mul3A_396, %gather3A_394 : vector<16xf32>
        %mul3A_398 = arith.mulf %gather3A_395, %gather3A_308 : vector<16xf32>
        %sub3A_399 = arith.subf %add3A_397, %mul3A_398 : vector<16xf32>
        %mul3A_400 = arith.mulf %sub3A_399, %sub3A_399 : vector<16xf32>
        %add3A_401 = arith.addf %add3A_384, %mul3A_400 : vector<16xf32>
        %broadcast_in_dim3A_402 = arith.constant 0 : i32
        %broadcast_in_dim3A_403 = vector.broadcast %broadcast_in_dim3A_402 : i32 to vector<16xi32>
        %mul3A_404 = arith.constant 4 : i32
        %mul3A_405 = arith.muli %scan3A_349, %mul3A_404 : i32
        %add3A_406 = arith.constant 3 : i32
        %add3A_407 = arith.addi %mul3A_405, %add3A_406 : i32
        %add3A_408 = vector.broadcast %add3A_407 : i32 to vector<16xi32>
        %add3A_409 = arith.addi %broadcast_in_dim3A_403, %add3A_408 : vector<16xi32>
        %gather3A_410 = tpu.vector_load_idx %arg7[%add3A_305, %add3A_409] : memref<128x128xf32, #tpu.memory_space<vmem>>[vector<16xi32>, vector<16xi32>], vector<16xf32>,
        %gather3A_411 = tpu.vector_load_idx %arg8[%add3A_305, %add3A_409] : memref<128x128xf32, #tpu.memory_space<vmem>>[vector<16xi32>, vector<16xi32>], vector<16xf32>,
        %gather3A_412 = tpu.vector_load_idx %arg9[%add3A_305, %add3A_409] : memref<128x128xf32, #tpu.memory_space<vmem>>[vector<16xi32>, vector<16xi32>], vector<16xf32>,
        %mul3A_413 = arith.mulf %gather3A_410, %gather3A : vector<16xf32>
        %add3A_414 = arith.addf %mul3A_413, %gather3A_411 : vector<16xf32>
        %mul3A_415 = arith.mulf %gather3A_412, %gather3A_308 : vector<16xf32>
        %sub3A_416 = arith.subf %add3A_414, %mul3A_415 : vector<16xf32>
        %mul3A_417 = arith.mulf %sub3A_416, %sub3A_416 : vector<16xf32>
        %add3A_418 = arith.addf %add3A_401, %mul3A_417 : vector<16xf32>
        scf.yield %add3A_418 : vector<16xf32>
      }
      %scan3A_314 = arith.constant 16 : i32
      %gt3A = arith.constant 0.000000e+00 : f32
      %gt3A_315 = vector.broadcast %gt3A : f32 to vector<16xf32>
      %gt3A_316 = arith.cmpf ogt, %scan3A_313, %gt3A_315 : vector<16xf32>
      %bitcast3A = vector.bitcast %scan3A_313 : vector<16xf32> to vector<16xi32>
      %shift_right_logical3A = arith.constant 1 : i32
      %shift_right_logical3A_317 = vector.broadcast %shift_right_logical3A : i32 to vector<16xi32>
      %shift_right_logical3A_318 = arith.shrui %bitcast3A, %shift_right_logical3A_317 : vector<16xi32>
      %sub3A = arith.constant 1597463007 : i32
      %sub3A_319 = vector.broadcast %sub3A : i32 to vector<16xi32>
      %sub3A_320 = arith.subi %sub3A_319, %shift_right_logical3A_318 : vector<16xi32>
      %bitcast3A_321 = vector.bitcast %sub3A_320 : vector<16xi32> to vector<16xf32>
      %mul3A_322 = arith.constant 5.000000e-01 : f32
      %mul3A_323 = vector.broadcast %mul3A_322 : f32 to vector<16xf32>
      %mul3A_324 = arith.mulf %scan3A_313, %mul3A_323 : vector<16xf32>
      %mul3A_325 = arith.mulf %mul3A_324, %bitcast3A_321 : vector<16xf32>
      %mul3A_326 = arith.mulf %mul3A_325, %bitcast3A_321 : vector<16xf32>
      %sub3A_327 = arith.constant 1.500000e+00 : f32
      %sub3A_328 = vector.broadcast %sub3A_327 : f32 to vector<16xf32>
      %sub3A_329 = arith.subf %sub3A_328, %mul3A_326 : vector<16xf32>
      %mul3A_330 = arith.mulf %bitcast3A_321, %sub3A_329 : vector<16xf32>
      %mul3A_331 = arith.mulf %mul3A_324, %mul3A_330 : vector<16xf32>
      %mul3A_332 = arith.mulf %mul3A_331, %mul3A_330 : vector<16xf32>
      %sub3A_333 = arith.constant 1.500000e+00 : f32
      %sub3A_334 = vector.broadcast %sub3A_333 : f32 to vector<16xf32>
      %sub3A_335 = arith.subf %sub3A_334, %mul3A_332 : vector<16xf32>
      %mul3A_336 = arith.mulf %mul3A_330, %sub3A_335 : vector<16xf32>
      %mul3A_337 = arith.mulf %mul3A_324, %mul3A_336 : vector<16xf32>
      %mul3A_338 = arith.mulf %mul3A_337, %mul3A_336 : vector<16xf32>
      %sub3A_339 = arith.constant 1.500000e+00 : f32
      %sub3A_340 = vector.broadcast %sub3A_339 : f32 to vector<16xf32>
      %sub3A_341 = arith.subf %sub3A_340, %mul3A_338 : vector<16xf32>
      %mul3A_342 = arith.mulf %mul3A_336, %sub3A_341 : vector<16xf32>
      %mul3A_343 = arith.mulf %scan3A_313, %mul3A_342 : vector<16xf32>
      %select_n3A = arith.select %gt3A_316, %mul3A_343, %broadcast_in_dim3A_1 : vector<16xi1>, vector<16xf32>
      %mul3A_344 = arith.constant 16 : i32
      %mul3A_345 = arith.muli %scan3A_301, %mul3A_344 : i32
      %add3A_346 = arith.constant 640 : i32
      %add3A_347 = arith.addi %add3A_346, %mul3A_345 : i32
      %swap3A = arith.index_cast %add3A_347 : i32 to index
      %swap3A_348 = tpu.vector_load %arg13[%swap3A] {strides = array<i32>} : memref<1024xf32, #tpu.memory_space<vmem>>, vector<16xf32>,
      tpu.vector_store %arg13[%swap3A], %select_n3A {strides = array<i32>} : memref<1024xf32, #tpu.memory_space<vmem>>, vector<16xf32>,
    }
    %scan3A_228 = arith.constant 8 : i32
    %dma_start3A_229 = arith.constant 768 : i32
    %dma_start3A_230 = tpu.memref_slice %arg10[%dma_start3A_229] : memref<1024xi32, #tpu.memory_space<vmem>> -> memref<128xi32, #tpu.memory_space<vmem>>
    %dma_start3A_231 = arith.constant 0 : i32
    %dma_start3A_232 = arith.constant 0 : i32
    %dma_start3A_233 = tpu.memref_slice %arg2[%dma_start3A_231, %dma_start3A_232] : memref<98432x128xf32, #tpu.memory_space<hbm>> -> memref<98432x128xf32, #tpu.memory_space<hbm>>
    tpu.enqueue_indirect_dma source(%dma_start3A_233 : memref<98432x128xf32, #tpu.memory_space<hbm>>) target(%arg7 : memref<128x128xf32, #tpu.memory_space<vmem>>) offsets(%dma_start3A_230 : memref<128xi32, #tpu.memory_space<vmem>>) semaphore(%arg14 : memref<!tpu.dma_semaphore, #tpu.memory_space<semaphore_mem>>)
    %dma_start3A_234 = arith.constant 768 : i32
    %dma_start3A_235 = tpu.memref_slice %arg11[%dma_start3A_234] : memref<1024xi32, #tpu.memory_space<vmem>> -> memref<128xi32, #tpu.memory_space<vmem>>
    %dma_start3A_236 = arith.constant 0 : i32
    %dma_start3A_237 = arith.constant 0 : i32
    %dma_start3A_238 = tpu.memref_slice %arg2[%dma_start3A_236, %dma_start3A_237] : memref<98432x128xf32, #tpu.memory_space<hbm>> -> memref<98432x128xf32, #tpu.memory_space<hbm>>
    tpu.enqueue_indirect_dma source(%dma_start3A_238 : memref<98432x128xf32, #tpu.memory_space<hbm>>) target(%arg9 : memref<128x128xf32, #tpu.memory_space<vmem>>) offsets(%dma_start3A_235 : memref<128xi32, #tpu.memory_space<vmem>>) semaphore(%arg14 : memref<!tpu.dma_semaphore, #tpu.memory_space<semaphore_mem>>)
    %dma_start3A_239 = arith.constant 768 : i32
    %dma_start3A_240 = tpu.memref_slice %arg12[%dma_start3A_239] : memref<1024xi32, #tpu.memory_space<vmem>> -> memref<128xi32, #tpu.memory_space<vmem>>
    %dma_start3A_241 = arith.constant 0 : i32
    %dma_start3A_242 = arith.constant 0 : i32
    %dma_start3A_243 = tpu.memref_slice %arg2[%dma_start3A_241, %dma_start3A_242] : memref<98432x128xf32, #tpu.memory_space<hbm>> -> memref<98432x128xf32, #tpu.memory_space<hbm>>
    tpu.enqueue_indirect_dma source(%dma_start3A_243 : memref<98432x128xf32, #tpu.memory_space<hbm>>) target(%arg8 : memref<128x128xf32, #tpu.memory_space<vmem>>) offsets(%dma_start3A_240 : memref<128xi32, #tpu.memory_space<vmem>>) semaphore(%arg14 : memref<!tpu.dma_semaphore, #tpu.memory_space<semaphore_mem>>)
    %dma_wait3A_244 = arith.constant 768 : i32
    %dma_wait3A_245 = tpu.memref_slice %arg10[%dma_wait3A_244] : memref<1024xi32, #tpu.memory_space<vmem>> -> memref<128xi32, #tpu.memory_space<vmem>>
    %dma_wait3A_246 = arith.constant 0 : i32
    %dma_wait3A_247 = arith.constant 0 : i32
    %dma_wait3A_248 = tpu.memref_slice %arg2[%dma_wait3A_246, %dma_wait3A_247] : memref<98432x128xf32, #tpu.memory_space<hbm>> -> memref<98432x128xf32, #tpu.memory_space<hbm>>
    tpu.wait_indirect_dma semaphore(%arg14 : memref<!tpu.dma_semaphore, #tpu.memory_space<semaphore_mem>>) src(%dma_wait3A_248 : memref<98432x128xf32, #tpu.memory_space<hbm>>) dst(%arg7 : memref<128x128xf32, #tpu.memory_space<vmem>>)
    %dma_wait3A_249 = arith.constant 768 : i32
    %dma_wait3A_250 = tpu.memref_slice %arg11[%dma_wait3A_249] : memref<1024xi32, #tpu.memory_space<vmem>> -> memref<128xi32, #tpu.memory_space<vmem>>
    %dma_wait3A_251 = arith.constant 0 : i32
    %dma_wait3A_252 = arith.constant 0 : i32
    %dma_wait3A_253 = tpu.memref_slice %arg2[%dma_wait3A_251, %dma_wait3A_252] : memref<98432x128xf32, #tpu.memory_space<hbm>> -> memref<98432x128xf32, #tpu.memory_space<hbm>>
    tpu.wait_indirect_dma semaphore(%arg14 : memref<!tpu.dma_semaphore, #tpu.memory_space<semaphore_mem>>) src(%dma_wait3A_253 : memref<98432x128xf32, #tpu.memory_space<hbm>>) dst(%arg9 : memref<128x128xf32, #tpu.memory_space<vmem>>)
    %dma_wait3A_254 = arith.constant 768 : i32
    %dma_wait3A_255 = tpu.memref_slice %arg12[%dma_wait3A_254] : memref<1024xi32, #tpu.memory_space<vmem>> -> memref<128xi32, #tpu.memory_space<vmem>>
    %dma_wait3A_256 = arith.constant 0 : i32
    %dma_wait3A_257 = arith.constant 0 : i32
    %dma_wait3A_258 = tpu.memref_slice %arg2[%dma_wait3A_256, %dma_wait3A_257] : memref<98432x128xf32, #tpu.memory_space<hbm>> -> memref<98432x128xf32, #tpu.memory_space<hbm>>
    tpu.wait_indirect_dma semaphore(%arg14 : memref<!tpu.dma_semaphore, #tpu.memory_space<semaphore_mem>>) src(%dma_wait3A_258 : memref<98432x128xf32, #tpu.memory_space<hbm>>) dst(%arg8 : memref<128x128xf32, #tpu.memory_space<vmem>>)
    %scan3A_259 = arith.constant 0 : i32
    %scan3A_260 = arith.constant 0 : i32
    %scan3A_261 = arith.constant 8 : i32
    %scan3A_262 = arith.addi %scan3A_260, %scan3A_261 : i32
    %scan3A_263 = arith.constant 1 : i32
    scf.for %scan3A_301 = %scan3A_260 to %scan3A_262 step %scan3A_263  : i32 {
      %mul3A_302 = arith.constant 16 : i32
      %mul3A_303 = arith.muli %scan3A_301, %mul3A_302 : i32
      %add3A_304 = vector.broadcast %mul3A_303 : i32 to vector<16xi32>
      %add3A_305 = arith.addi %add3A_304, %iota3A : vector<16xi32>
      %broadcast_in_dim3A_306 = arith.constant 64 : i32
      %broadcast_in_dim3A_307 = vector.broadcast %broadcast_in_dim3A_306 : i32 to vector<16xi32>
      %gather3A = tpu.vector_load_idx %arg7[%add3A_305, %broadcast_in_dim3A_307] : memref<128x128xf32, #tpu.memory_space<vmem>>[vector<16xi32>, vector<16xi32>], vector<16xf32>,
      %gather3A_308 = tpu.vector_load_idx %arg9[%add3A_305, %broadcast_in_dim3A_307] : memref<128x128xf32, #tpu.memory_space<vmem>>[vector<16xi32>, vector<16xi32>], vector<16xf32>,
      %scan3A_309 = arith.constant 0 : i32
      %scan3A_310 = arith.constant 16 : i32
      %scan3A_311 = arith.addi %scan3A_309, %scan3A_310 : i32
      %scan3A_312 = arith.constant 1 : i32
      %scan3A_313 = scf.for %scan3A_349 = %scan3A_309 to %scan3A_311 step %scan3A_312 iter_args(%scan3A_350 = %broadcast_in_dim3A_1) -> (vector<16xf32>)  : i32 {
        %broadcast_in_dim3A_351 = arith.constant 0 : i32
        %broadcast_in_dim3A_352 = vector.broadcast %broadcast_in_dim3A_351 : i32 to vector<16xi32>
        %mul3A_353 = arith.constant 4 : i32
        %mul3A_354 = arith.muli %scan3A_349, %mul3A_353 : i32
        %add3A_355 = arith.constant 0 : i32
        %add3A_356 = arith.addi %mul3A_354, %add3A_355 : i32
        %add3A_357 = vector.broadcast %add3A_356 : i32 to vector<16xi32>
        %add3A_358 = arith.addi %broadcast_in_dim3A_352, %add3A_357 : vector<16xi32>
        %gather3A_359 = tpu.vector_load_idx %arg7[%add3A_305, %add3A_358] : memref<128x128xf32, #tpu.memory_space<vmem>>[vector<16xi32>, vector<16xi32>], vector<16xf32>,
        %gather3A_360 = tpu.vector_load_idx %arg8[%add3A_305, %add3A_358] : memref<128x128xf32, #tpu.memory_space<vmem>>[vector<16xi32>, vector<16xi32>], vector<16xf32>,
        %gather3A_361 = tpu.vector_load_idx %arg9[%add3A_305, %add3A_358] : memref<128x128xf32, #tpu.memory_space<vmem>>[vector<16xi32>, vector<16xi32>], vector<16xf32>,
        %mul3A_362 = arith.mulf %gather3A_359, %gather3A : vector<16xf32>
        %add3A_363 = arith.addf %mul3A_362, %gather3A_360 : vector<16xf32>
        %mul3A_364 = arith.mulf %gather3A_361, %gather3A_308 : vector<16xf32>
        %sub3A_365 = arith.subf %add3A_363, %mul3A_364 : vector<16xf32>
        %mul3A_366 = arith.mulf %sub3A_365, %sub3A_365 : vector<16xf32>
        %add3A_367 = arith.addf %scan3A_350, %mul3A_366 : vector<16xf32>
        %broadcast_in_dim3A_368 = arith.constant 0 : i32
        %broadcast_in_dim3A_369 = vector.broadcast %broadcast_in_dim3A_368 : i32 to vector<16xi32>
        %mul3A_370 = arith.constant 4 : i32
        %mul3A_371 = arith.muli %scan3A_349, %mul3A_370 : i32
        %add3A_372 = arith.constant 1 : i32
        %add3A_373 = arith.addi %mul3A_371, %add3A_372 : i32
        %add3A_374 = vector.broadcast %add3A_373 : i32 to vector<16xi32>
        %add3A_375 = arith.addi %broadcast_in_dim3A_369, %add3A_374 : vector<16xi32>
        %gather3A_376 = tpu.vector_load_idx %arg7[%add3A_305, %add3A_375] : memref<128x128xf32, #tpu.memory_space<vmem>>[vector<16xi32>, vector<16xi32>], vector<16xf32>,
        %gather3A_377 = tpu.vector_load_idx %arg8[%add3A_305, %add3A_375] : memref<128x128xf32, #tpu.memory_space<vmem>>[vector<16xi32>, vector<16xi32>], vector<16xf32>,
        %gather3A_378 = tpu.vector_load_idx %arg9[%add3A_305, %add3A_375] : memref<128x128xf32, #tpu.memory_space<vmem>>[vector<16xi32>, vector<16xi32>], vector<16xf32>,
        %mul3A_379 = arith.mulf %gather3A_376, %gather3A : vector<16xf32>
        %add3A_380 = arith.addf %mul3A_379, %gather3A_377 : vector<16xf32>
        %mul3A_381 = arith.mulf %gather3A_378, %gather3A_308 : vector<16xf32>
        %sub3A_382 = arith.subf %add3A_380, %mul3A_381 : vector<16xf32>
        %mul3A_383 = arith.mulf %sub3A_382, %sub3A_382 : vector<16xf32>
        %add3A_384 = arith.addf %add3A_367, %mul3A_383 : vector<16xf32>
        %broadcast_in_dim3A_385 = arith.constant 0 : i32
        %broadcast_in_dim3A_386 = vector.broadcast %broadcast_in_dim3A_385 : i32 to vector<16xi32>
        %mul3A_387 = arith.constant 4 : i32
        %mul3A_388 = arith.muli %scan3A_349, %mul3A_387 : i32
        %add3A_389 = arith.constant 2 : i32
        %add3A_390 = arith.addi %mul3A_388, %add3A_389 : i32
        %add3A_391 = vector.broadcast %add3A_390 : i32 to vector<16xi32>
        %add3A_392 = arith.addi %broadcast_in_dim3A_386, %add3A_391 : vector<16xi32>
        %gather3A_393 = tpu.vector_load_idx %arg7[%add3A_305, %add3A_392] : memref<128x128xf32, #tpu.memory_space<vmem>>[vector<16xi32>, vector<16xi32>], vector<16xf32>,
        %gather3A_394 = tpu.vector_load_idx %arg8[%add3A_305, %add3A_392] : memref<128x128xf32, #tpu.memory_space<vmem>>[vector<16xi32>, vector<16xi32>], vector<16xf32>,
        %gather3A_395 = tpu.vector_load_idx %arg9[%add3A_305, %add3A_392] : memref<128x128xf32, #tpu.memory_space<vmem>>[vector<16xi32>, vector<16xi32>], vector<16xf32>,
        %mul3A_396 = arith.mulf %gather3A_393, %gather3A : vector<16xf32>
        %add3A_397 = arith.addf %mul3A_396, %gather3A_394 : vector<16xf32>
        %mul3A_398 = arith.mulf %gather3A_395, %gather3A_308 : vector<16xf32>
        %sub3A_399 = arith.subf %add3A_397, %mul3A_398 : vector<16xf32>
        %mul3A_400 = arith.mulf %sub3A_399, %sub3A_399 : vector<16xf32>
        %add3A_401 = arith.addf %add3A_384, %mul3A_400 : vector<16xf32>
        %broadcast_in_dim3A_402 = arith.constant 0 : i32
        %broadcast_in_dim3A_403 = vector.broadcast %broadcast_in_dim3A_402 : i32 to vector<16xi32>
        %mul3A_404 = arith.constant 4 : i32
        %mul3A_405 = arith.muli %scan3A_349, %mul3A_404 : i32
        %add3A_406 = arith.constant 3 : i32
        %add3A_407 = arith.addi %mul3A_405, %add3A_406 : i32
        %add3A_408 = vector.broadcast %add3A_407 : i32 to vector<16xi32>
        %add3A_409 = arith.addi %broadcast_in_dim3A_403, %add3A_408 : vector<16xi32>
        %gather3A_410 = tpu.vector_load_idx %arg7[%add3A_305, %add3A_409] : memref<128x128xf32, #tpu.memory_space<vmem>>[vector<16xi32>, vector<16xi32>], vector<16xf32>,
        %gather3A_411 = tpu.vector_load_idx %arg8[%add3A_305, %add3A_409] : memref<128x128xf32, #tpu.memory_space<vmem>>[vector<16xi32>, vector<16xi32>], vector<16xf32>,
        %gather3A_412 = tpu.vector_load_idx %arg9[%add3A_305, %add3A_409] : memref<128x128xf32, #tpu.memory_space<vmem>>[vector<16xi32>, vector<16xi32>], vector<16xf32>,
        %mul3A_413 = arith.mulf %gather3A_410, %gather3A : vector<16xf32>
        %add3A_414 = arith.addf %mul3A_413, %gather3A_411 : vector<16xf32>
        %mul3A_415 = arith.mulf %gather3A_412, %gather3A_308 : vector<16xf32>
        %sub3A_416 = arith.subf %add3A_414, %mul3A_415 : vector<16xf32>
        %mul3A_417 = arith.mulf %sub3A_416, %sub3A_416 : vector<16xf32>
        %add3A_418 = arith.addf %add3A_401, %mul3A_417 : vector<16xf32>
        scf.yield %add3A_418 : vector<16xf32>
      }
      %scan3A_314 = arith.constant 16 : i32
      %gt3A = arith.constant 0.000000e+00 : f32
      %gt3A_315 = vector.broadcast %gt3A : f32 to vector<16xf32>
      %gt3A_316 = arith.cmpf ogt, %scan3A_313, %gt3A_315 : vector<16xf32>
      %bitcast3A = vector.bitcast %scan3A_313 : vector<16xf32> to vector<16xi32>
      %shift_right_logical3A = arith.constant 1 : i32
      %shift_right_logical3A_317 = vector.broadcast %shift_right_logical3A : i32 to vector<16xi32>
      %shift_right_logical3A_318 = arith.shrui %bitcast3A, %shift_right_logical3A_317 : vector<16xi32>
      %sub3A = arith.constant 1597463007 : i32
      %sub3A_319 = vector.broadcast %sub3A : i32 to vector<16xi32>
      %sub3A_320 = arith.subi %sub3A_319, %shift_right_logical3A_318 : vector<16xi32>
      %bitcast3A_321 = vector.bitcast %sub3A_320 : vector<16xi32> to vector<16xf32>
      %mul3A_322 = arith.constant 5.000000e-01 : f32
      %mul3A_323 = vector.broadcast %mul3A_322 : f32 to vector<16xf32>
      %mul3A_324 = arith.mulf %scan3A_313, %mul3A_323 : vector<16xf32>
      %mul3A_325 = arith.mulf %mul3A_324, %bitcast3A_321 : vector<16xf32>
      %mul3A_326 = arith.mulf %mul3A_325, %bitcast3A_321 : vector<16xf32>
      %sub3A_327 = arith.constant 1.500000e+00 : f32
      %sub3A_328 = vector.broadcast %sub3A_327 : f32 to vector<16xf32>
      %sub3A_329 = arith.subf %sub3A_328, %mul3A_326 : vector<16xf32>
      %mul3A_330 = arith.mulf %bitcast3A_321, %sub3A_329 : vector<16xf32>
      %mul3A_331 = arith.mulf %mul3A_324, %mul3A_330 : vector<16xf32>
      %mul3A_332 = arith.mulf %mul3A_331, %mul3A_330 : vector<16xf32>
      %sub3A_333 = arith.constant 1.500000e+00 : f32
      %sub3A_334 = vector.broadcast %sub3A_333 : f32 to vector<16xf32>
      %sub3A_335 = arith.subf %sub3A_334, %mul3A_332 : vector<16xf32>
      %mul3A_336 = arith.mulf %mul3A_330, %sub3A_335 : vector<16xf32>
      %mul3A_337 = arith.mulf %mul3A_324, %mul3A_336 : vector<16xf32>
      %mul3A_338 = arith.mulf %mul3A_337, %mul3A_336 : vector<16xf32>
      %sub3A_339 = arith.constant 1.500000e+00 : f32
      %sub3A_340 = vector.broadcast %sub3A_339 : f32 to vector<16xf32>
      %sub3A_341 = arith.subf %sub3A_340, %mul3A_338 : vector<16xf32>
      %mul3A_342 = arith.mulf %mul3A_336, %sub3A_341 : vector<16xf32>
      %mul3A_343 = arith.mulf %scan3A_313, %mul3A_342 : vector<16xf32>
      %select_n3A = arith.select %gt3A_316, %mul3A_343, %broadcast_in_dim3A_1 : vector<16xi1>, vector<16xf32>
      %mul3A_344 = arith.constant 16 : i32
      %mul3A_345 = arith.muli %scan3A_301, %mul3A_344 : i32
      %add3A_346 = arith.constant 768 : i32
      %add3A_347 = arith.addi %add3A_346, %mul3A_345 : i32
      %swap3A = arith.index_cast %add3A_347 : i32 to index
      %swap3A_348 = tpu.vector_load %arg13[%swap3A] {strides = array<i32>} : memref<1024xf32, #tpu.memory_space<vmem>>, vector<16xf32>,
      tpu.vector_store %arg13[%swap3A], %select_n3A {strides = array<i32>} : memref<1024xf32, #tpu.memory_space<vmem>>, vector<16xf32>,
    }
    %scan3A_264 = arith.constant 8 : i32
    %dma_start3A_265 = arith.constant 896 : i32
    %dma_start3A_266 = tpu.memref_slice %arg10[%dma_start3A_265] : memref<1024xi32, #tpu.memory_space<vmem>> -> memref<128xi32, #tpu.memory_space<vmem>>
    %dma_start3A_267 = arith.constant 0 : i32
    %dma_start3A_268 = arith.constant 0 : i32
    %dma_start3A_269 = tpu.memref_slice %arg2[%dma_start3A_267, %dma_start3A_268] : memref<98432x128xf32, #tpu.memory_space<hbm>> -> memref<98432x128xf32, #tpu.memory_space<hbm>>
    tpu.enqueue_indirect_dma source(%dma_start3A_269 : memref<98432x128xf32, #tpu.memory_space<hbm>>) target(%arg7 : memref<128x128xf32, #tpu.memory_space<vmem>>) offsets(%dma_start3A_266 : memref<128xi32, #tpu.memory_space<vmem>>) semaphore(%arg14 : memref<!tpu.dma_semaphore, #tpu.memory_space<semaphore_mem>>)
    %dma_start3A_270 = arith.constant 896 : i32
    %dma_start3A_271 = tpu.memref_slice %arg11[%dma_start3A_270] : memref<1024xi32, #tpu.memory_space<vmem>> -> memref<128xi32, #tpu.memory_space<vmem>>
    %dma_start3A_272 = arith.constant 0 : i32
    %dma_start3A_273 = arith.constant 0 : i32
    %dma_start3A_274 = tpu.memref_slice %arg2[%dma_start3A_272, %dma_start3A_273] : memref<98432x128xf32, #tpu.memory_space<hbm>> -> memref<98432x128xf32, #tpu.memory_space<hbm>>
    tpu.enqueue_indirect_dma source(%dma_start3A_274 : memref<98432x128xf32, #tpu.memory_space<hbm>>) target(%arg9 : memref<128x128xf32, #tpu.memory_space<vmem>>) offsets(%dma_start3A_271 : memref<128xi32, #tpu.memory_space<vmem>>) semaphore(%arg14 : memref<!tpu.dma_semaphore, #tpu.memory_space<semaphore_mem>>)
    %dma_start3A_275 = arith.constant 896 : i32
    %dma_start3A_276 = tpu.memref_slice %arg12[%dma_start3A_275] : memref<1024xi32, #tpu.memory_space<vmem>> -> memref<128xi32, #tpu.memory_space<vmem>>
    %dma_start3A_277 = arith.constant 0 : i32
    %dma_start3A_278 = arith.constant 0 : i32
    %dma_start3A_279 = tpu.memref_slice %arg2[%dma_start3A_277, %dma_start3A_278] : memref<98432x128xf32, #tpu.memory_space<hbm>> -> memref<98432x128xf32, #tpu.memory_space<hbm>>
    tpu.enqueue_indirect_dma source(%dma_start3A_279 : memref<98432x128xf32, #tpu.memory_space<hbm>>) target(%arg8 : memref<128x128xf32, #tpu.memory_space<vmem>>) offsets(%dma_start3A_276 : memref<128xi32, #tpu.memory_space<vmem>>) semaphore(%arg14 : memref<!tpu.dma_semaphore, #tpu.memory_space<semaphore_mem>>)
    %dma_wait3A_280 = arith.constant 896 : i32
    %dma_wait3A_281 = tpu.memref_slice %arg10[%dma_wait3A_280] : memref<1024xi32, #tpu.memory_space<vmem>> -> memref<128xi32, #tpu.memory_space<vmem>>
    %dma_wait3A_282 = arith.constant 0 : i32
    %dma_wait3A_283 = arith.constant 0 : i32
    %dma_wait3A_284 = tpu.memref_slice %arg2[%dma_wait3A_282, %dma_wait3A_283] : memref<98432x128xf32, #tpu.memory_space<hbm>> -> memref<98432x128xf32, #tpu.memory_space<hbm>>
    tpu.wait_indirect_dma semaphore(%arg14 : memref<!tpu.dma_semaphore, #tpu.memory_space<semaphore_mem>>) src(%dma_wait3A_284 : memref<98432x128xf32, #tpu.memory_space<hbm>>) dst(%arg7 : memref<128x128xf32, #tpu.memory_space<vmem>>)
    %dma_wait3A_285 = arith.constant 896 : i32
    %dma_wait3A_286 = tpu.memref_slice %arg11[%dma_wait3A_285] : memref<1024xi32, #tpu.memory_space<vmem>> -> memref<128xi32, #tpu.memory_space<vmem>>
    %dma_wait3A_287 = arith.constant 0 : i32
    %dma_wait3A_288 = arith.constant 0 : i32
    %dma_wait3A_289 = tpu.memref_slice %arg2[%dma_wait3A_287, %dma_wait3A_288] : memref<98432x128xf32, #tpu.memory_space<hbm>> -> memref<98432x128xf32, #tpu.memory_space<hbm>>
    tpu.wait_indirect_dma semaphore(%arg14 : memref<!tpu.dma_semaphore, #tpu.memory_space<semaphore_mem>>) src(%dma_wait3A_289 : memref<98432x128xf32, #tpu.memory_space<hbm>>) dst(%arg9 : memref<128x128xf32, #tpu.memory_space<vmem>>)
    %dma_wait3A_290 = arith.constant 896 : i32
    %dma_wait3A_291 = tpu.memref_slice %arg12[%dma_wait3A_290] : memref<1024xi32, #tpu.memory_space<vmem>> -> memref<128xi32, #tpu.memory_space<vmem>>
    %dma_wait3A_292 = arith.constant 0 : i32
    %dma_wait3A_293 = arith.constant 0 : i32
    %dma_wait3A_294 = tpu.memref_slice %arg2[%dma_wait3A_292, %dma_wait3A_293] : memref<98432x128xf32, #tpu.memory_space<hbm>> -> memref<98432x128xf32, #tpu.memory_space<hbm>>
    tpu.wait_indirect_dma semaphore(%arg14 : memref<!tpu.dma_semaphore, #tpu.memory_space<semaphore_mem>>) src(%dma_wait3A_294 : memref<98432x128xf32, #tpu.memory_space<hbm>>) dst(%arg8 : memref<128x128xf32, #tpu.memory_space<vmem>>)
    %scan3A_295 = arith.constant 0 : i32
    %scan3A_296 = arith.constant 0 : i32
    %scan3A_297 = arith.constant 8 : i32
    %scan3A_298 = arith.addi %scan3A_296, %scan3A_297 : i32
    %scan3A_299 = arith.constant 1 : i32
    scf.for %scan3A_301 = %scan3A_296 to %scan3A_298 step %scan3A_299  : i32 {
      %mul3A_302 = arith.constant 16 : i32
      %mul3A_303 = arith.muli %scan3A_301, %mul3A_302 : i32
      %add3A_304 = vector.broadcast %mul3A_303 : i32 to vector<16xi32>
      %add3A_305 = arith.addi %add3A_304, %iota3A : vector<16xi32>
      %broadcast_in_dim3A_306 = arith.constant 64 : i32
      %broadcast_in_dim3A_307 = vector.broadcast %broadcast_in_dim3A_306 : i32 to vector<16xi32>
      %gather3A = tpu.vector_load_idx %arg7[%add3A_305, %broadcast_in_dim3A_307] : memref<128x128xf32, #tpu.memory_space<vmem>>[vector<16xi32>, vector<16xi32>], vector<16xf32>,
      %gather3A_308 = tpu.vector_load_idx %arg9[%add3A_305, %broadcast_in_dim3A_307] : memref<128x128xf32, #tpu.memory_space<vmem>>[vector<16xi32>, vector<16xi32>], vector<16xf32>,
      %scan3A_309 = arith.constant 0 : i32
      %scan3A_310 = arith.constant 16 : i32
      %scan3A_311 = arith.addi %scan3A_309, %scan3A_310 : i32
      %scan3A_312 = arith.constant 1 : i32
      %scan3A_313 = scf.for %scan3A_349 = %scan3A_309 to %scan3A_311 step %scan3A_312 iter_args(%scan3A_350 = %broadcast_in_dim3A_1) -> (vector<16xf32>)  : i32 {
        %broadcast_in_dim3A_351 = arith.constant 0 : i32
        %broadcast_in_dim3A_352 = vector.broadcast %broadcast_in_dim3A_351 : i32 to vector<16xi32>
        %mul3A_353 = arith.constant 4 : i32
        %mul3A_354 = arith.muli %scan3A_349, %mul3A_353 : i32
        %add3A_355 = arith.constant 0 : i32
        %add3A_356 = arith.addi %mul3A_354, %add3A_355 : i32
        %add3A_357 = vector.broadcast %add3A_356 : i32 to vector<16xi32>
        %add3A_358 = arith.addi %broadcast_in_dim3A_352, %add3A_357 : vector<16xi32>
        %gather3A_359 = tpu.vector_load_idx %arg7[%add3A_305, %add3A_358] : memref<128x128xf32, #tpu.memory_space<vmem>>[vector<16xi32>, vector<16xi32>], vector<16xf32>,
        %gather3A_360 = tpu.vector_load_idx %arg8[%add3A_305, %add3A_358] : memref<128x128xf32, #tpu.memory_space<vmem>>[vector<16xi32>, vector<16xi32>], vector<16xf32>,
        %gather3A_361 = tpu.vector_load_idx %arg9[%add3A_305, %add3A_358] : memref<128x128xf32, #tpu.memory_space<vmem>>[vector<16xi32>, vector<16xi32>], vector<16xf32>,
        %mul3A_362 = arith.mulf %gather3A_359, %gather3A : vector<16xf32>
        %add3A_363 = arith.addf %mul3A_362, %gather3A_360 : vector<16xf32>
        %mul3A_364 = arith.mulf %gather3A_361, %gather3A_308 : vector<16xf32>
        %sub3A_365 = arith.subf %add3A_363, %mul3A_364 : vector<16xf32>
        %mul3A_366 = arith.mulf %sub3A_365, %sub3A_365 : vector<16xf32>
        %add3A_367 = arith.addf %scan3A_350, %mul3A_366 : vector<16xf32>
        %broadcast_in_dim3A_368 = arith.constant 0 : i32
        %broadcast_in_dim3A_369 = vector.broadcast %broadcast_in_dim3A_368 : i32 to vector<16xi32>
        %mul3A_370 = arith.constant 4 : i32
        %mul3A_371 = arith.muli %scan3A_349, %mul3A_370 : i32
        %add3A_372 = arith.constant 1 : i32
        %add3A_373 = arith.addi %mul3A_371, %add3A_372 : i32
        %add3A_374 = vector.broadcast %add3A_373 : i32 to vector<16xi32>
        %add3A_375 = arith.addi %broadcast_in_dim3A_369, %add3A_374 : vector<16xi32>
        %gather3A_376 = tpu.vector_load_idx %arg7[%add3A_305, %add3A_375] : memref<128x128xf32, #tpu.memory_space<vmem>>[vector<16xi32>, vector<16xi32>], vector<16xf32>,
        %gather3A_377 = tpu.vector_load_idx %arg8[%add3A_305, %add3A_375] : memref<128x128xf32, #tpu.memory_space<vmem>>[vector<16xi32>, vector<16xi32>], vector<16xf32>,
        %gather3A_378 = tpu.vector_load_idx %arg9[%add3A_305, %add3A_375] : memref<128x128xf32, #tpu.memory_space<vmem>>[vector<16xi32>, vector<16xi32>], vector<16xf32>,
        %mul3A_379 = arith.mulf %gather3A_376, %gather3A : vector<16xf32>
        %add3A_380 = arith.addf %mul3A_379, %gather3A_377 : vector<16xf32>
        %mul3A_381 = arith.mulf %gather3A_378, %gather3A_308 : vector<16xf32>
        %sub3A_382 = arith.subf %add3A_380, %mul3A_381 : vector<16xf32>
        %mul3A_383 = arith.mulf %sub3A_382, %sub3A_382 : vector<16xf32>
        %add3A_384 = arith.addf %add3A_367, %mul3A_383 : vector<16xf32>
        %broadcast_in_dim3A_385 = arith.constant 0 : i32
        %broadcast_in_dim3A_386 = vector.broadcast %broadcast_in_dim3A_385 : i32 to vector<16xi32>
        %mul3A_387 = arith.constant 4 : i32
        %mul3A_388 = arith.muli %scan3A_349, %mul3A_387 : i32
        %add3A_389 = arith.constant 2 : i32
        %add3A_390 = arith.addi %mul3A_388, %add3A_389 : i32
        %add3A_391 = vector.broadcast %add3A_390 : i32 to vector<16xi32>
        %add3A_392 = arith.addi %broadcast_in_dim3A_386, %add3A_391 : vector<16xi32>
        %gather3A_393 = tpu.vector_load_idx %arg7[%add3A_305, %add3A_392] : memref<128x128xf32, #tpu.memory_space<vmem>>[vector<16xi32>, vector<16xi32>], vector<16xf32>,
        %gather3A_394 = tpu.vector_load_idx %arg8[%add3A_305, %add3A_392] : memref<128x128xf32, #tpu.memory_space<vmem>>[vector<16xi32>, vector<16xi32>], vector<16xf32>,
        %gather3A_395 = tpu.vector_load_idx %arg9[%add3A_305, %add3A_392] : memref<128x128xf32, #tpu.memory_space<vmem>>[vector<16xi32>, vector<16xi32>], vector<16xf32>,
        %mul3A_396 = arith.mulf %gather3A_393, %gather3A : vector<16xf32>
        %add3A_397 = arith.addf %mul3A_396, %gather3A_394 : vector<16xf32>
        %mul3A_398 = arith.mulf %gather3A_395, %gather3A_308 : vector<16xf32>
        %sub3A_399 = arith.subf %add3A_397, %mul3A_398 : vector<16xf32>
        %mul3A_400 = arith.mulf %sub3A_399, %sub3A_399 : vector<16xf32>
        %add3A_401 = arith.addf %add3A_384, %mul3A_400 : vector<16xf32>
        %broadcast_in_dim3A_402 = arith.constant 0 : i32
        %broadcast_in_dim3A_403 = vector.broadcast %broadcast_in_dim3A_402 : i32 to vector<16xi32>
        %mul3A_404 = arith.constant 4 : i32
        %mul3A_405 = arith.muli %scan3A_349, %mul3A_404 : i32
        %add3A_406 = arith.constant 3 : i32
        %add3A_407 = arith.addi %mul3A_405, %add3A_406 : i32
        %add3A_408 = vector.broadcast %add3A_407 : i32 to vector<16xi32>
        %add3A_409 = arith.addi %broadcast_in_dim3A_403, %add3A_408 : vector<16xi32>
        %gather3A_410 = tpu.vector_load_idx %arg7[%add3A_305, %add3A_409] : memref<128x128xf32, #tpu.memory_space<vmem>>[vector<16xi32>, vector<16xi32>], vector<16xf32>,
        %gather3A_411 = tpu.vector_load_idx %arg8[%add3A_305, %add3A_409] : memref<128x128xf32, #tpu.memory_space<vmem>>[vector<16xi32>, vector<16xi32>], vector<16xf32>,
        %gather3A_412 = tpu.vector_load_idx %arg9[%add3A_305, %add3A_409] : memref<128x128xf32, #tpu.memory_space<vmem>>[vector<16xi32>, vector<16xi32>], vector<16xf32>,
        %mul3A_413 = arith.mulf %gather3A_410, %gather3A : vector<16xf32>
        %add3A_414 = arith.addf %mul3A_413, %gather3A_411 : vector<16xf32>
        %mul3A_415 = arith.mulf %gather3A_412, %gather3A_308 : vector<16xf32>
        %sub3A_416 = arith.subf %add3A_414, %mul3A_415 : vector<16xf32>
        %mul3A_417 = arith.mulf %sub3A_416, %sub3A_416 : vector<16xf32>
        %add3A_418 = arith.addf %add3A_401, %mul3A_417 : vector<16xf32>
        scf.yield %add3A_418 : vector<16xf32>
      }
      %scan3A_314 = arith.constant 16 : i32
      %gt3A = arith.constant 0.000000e+00 : f32
      %gt3A_315 = vector.broadcast %gt3A : f32 to vector<16xf32>
      %gt3A_316 = arith.cmpf ogt, %scan3A_313, %gt3A_315 : vector<16xf32>
      %bitcast3A = vector.bitcast %scan3A_313 : vector<16xf32> to vector<16xi32>
      %shift_right_logical3A = arith.constant 1 : i32
      %shift_right_logical3A_317 = vector.broadcast %shift_right_logical3A : i32 to vector<16xi32>
      %shift_right_logical3A_318 = arith.shrui %bitcast3A, %shift_right_logical3A_317 : vector<16xi32>
      %sub3A = arith.constant 1597463007 : i32
      %sub3A_319 = vector.broadcast %sub3A : i32 to vector<16xi32>
      %sub3A_320 = arith.subi %sub3A_319, %shift_right_logical3A_318 : vector<16xi32>
      %bitcast3A_321 = vector.bitcast %sub3A_320 : vector<16xi32> to vector<16xf32>
      %mul3A_322 = arith.constant 5.000000e-01 : f32
      %mul3A_323 = vector.broadcast %mul3A_322 : f32 to vector<16xf32>
      %mul3A_324 = arith.mulf %scan3A_313, %mul3A_323 : vector<16xf32>
      %mul3A_325 = arith.mulf %mul3A_324, %bitcast3A_321 : vector<16xf32>
      %mul3A_326 = arith.mulf %mul3A_325, %bitcast3A_321 : vector<16xf32>
      %sub3A_327 = arith.constant 1.500000e+00 : f32
      %sub3A_328 = vector.broadcast %sub3A_327 : f32 to vector<16xf32>
      %sub3A_329 = arith.subf %sub3A_328, %mul3A_326 : vector<16xf32>
      %mul3A_330 = arith.mulf %bitcast3A_321, %sub3A_329 : vector<16xf32>
      %mul3A_331 = arith.mulf %mul3A_324, %mul3A_330 : vector<16xf32>
      %mul3A_332 = arith.mulf %mul3A_331, %mul3A_330 : vector<16xf32>
      %sub3A_333 = arith.constant 1.500000e+00 : f32
      %sub3A_334 = vector.broadcast %sub3A_333 : f32 to vector<16xf32>
      %sub3A_335 = arith.subf %sub3A_334, %mul3A_332 : vector<16xf32>
      %mul3A_336 = arith.mulf %mul3A_330, %sub3A_335 : vector<16xf32>
      %mul3A_337 = arith.mulf %mul3A_324, %mul3A_336 : vector<16xf32>
      %mul3A_338 = arith.mulf %mul3A_337, %mul3A_336 : vector<16xf32>
      %sub3A_339 = arith.constant 1.500000e+00 : f32
      %sub3A_340 = vector.broadcast %sub3A_339 : f32 to vector<16xf32>
      %sub3A_341 = arith.subf %sub3A_340, %mul3A_338 : vector<16xf32>
      %mul3A_342 = arith.mulf %mul3A_336, %sub3A_341 : vector<16xf32>
      %mul3A_343 = arith.mulf %scan3A_313, %mul3A_342 : vector<16xf32>
      %select_n3A = arith.select %gt3A_316, %mul3A_343, %broadcast_in_dim3A_1 : vector<16xi1>, vector<16xf32>
      %mul3A_344 = arith.constant 16 : i32
      %mul3A_345 = arith.muli %scan3A_301, %mul3A_344 : i32
      %add3A_346 = arith.constant 896 : i32
      %add3A_347 = arith.addi %add3A_346, %mul3A_345 : i32
      %swap3A = arith.index_cast %add3A_347 : i32 to index
      %swap3A_348 = tpu.vector_load %arg13[%swap3A] {strides = array<i32>} : memref<1024xf32, #tpu.memory_space<vmem>>, vector<16xf32>,
      tpu.vector_store %arg13[%swap3A], %select_n3A {strides = array<i32>} : memref<1024xf32, #tpu.memory_space<vmem>>, vector<16xf32>,
    }
    %scan3A_300 = arith.constant 8 : i32
    "tpu.region"() ({
      %run_scoped3A = tpu.sem_alloc : memref<!tpu.dma_semaphore, #tpu.memory_space<semaphore_mem>>
      %dma_start3A_301 = tpu.memref_slice %arg6[%mul3A_3] : memref<32768xf32, #tpu.memory_space<hbm>> -> memref<1024xf32, #tpu.memory_space<hbm>>
      %dma_start3A_302 = tpu.memref_slice %arg6[%mul3A_3] : memref<32768xf32, #tpu.memory_space<hbm>> -> memref<1024xf32, #tpu.memory_space<hbm>>
      tpu.enqueue_dma source(%arg13 : memref<1024xf32, #tpu.memory_space<vmem>>) target(%dma_start3A_302 : memref<1024xf32, #tpu.memory_space<hbm>>) target_semaphore(%run_scoped3A : memref<!tpu.dma_semaphore, #tpu.memory_space<semaphore_mem>>)
      %dma_wait3A_303 = tpu.memref_slice %arg6[%mul3A_3] : memref<32768xf32, #tpu.memory_space<hbm>> -> memref<1024xf32, #tpu.memory_space<hbm>>
      %dma_wait3A_304 = tpu.memref_slice %arg6[%mul3A_3] : memref<32768xf32, #tpu.memory_space<hbm>> -> memref<1024xf32, #tpu.memory_space<hbm>>
      tpu.wait_dma2 semaphore(%run_scoped3A : memref<!tpu.dma_semaphore, #tpu.memory_space<semaphore_mem>>) src(%arg13 : memref<1024xf32, #tpu.memory_space<vmem>>) dst(%dma_wait3A_304 : memref<1024xf32, #tpu.memory_space<hbm>>)
      tpu.yield
    }) : () -> ()
    return
  }
}

#map = affine_map<(d0, d1) -> (0)>
#map1 = affine_map<(d0, d1) -> (0, 0)>
module attributes {stable_mosaic.version = 14 : i64} {
  func.func @_phase1_body(%arg0: i32, %arg1: i32, %arg2: memref<65536xi32, #tpu.memory_space<hbm>>, %arg3: memref<32768xi32, #tpu.memory_space<hbm>>, %arg4: memref<64x1000000xf32, #tpu.memory_space<hbm>>, %arg5: memref<64x1000000xf32, #tpu.memory_space<hbm>>, %arg6: memref<64x640xf32, #tpu.memory_space<hbm>>, %arg7: memref<64x640xf32, #tpu.memory_space<hbm>>, %arg8: memref<98432x128xf32, #tpu.memory_space<hbm>>, %arg9: memref<2064xi32, #tpu.memory_space<vmem>>, %arg10: memref<1040xi32, #tpu.memory_space<vmem>>, %arg11: memref<2x5x64x128xf32, #tpu.memory_space<vmem>>, %arg12: memref<256x128xf32, #tpu.memory_space<vmem>>, %arg13: memref<!tpu.dma_semaphore, #tpu.memory_space<semaphore_mem>>, %arg14: memref<!tpu.dma_semaphore, #tpu.memory_space<semaphore_mem>>) attributes {dimension_semantics = [#tpu.dimension_semantics<core_parallel>, #tpu.dimension_semantics<subcore_parallel>], iteration_bounds = array<i64: 2, 16>, scalar_prefetch = 0 : i64, scratch_operands = 6 : i64, tpu.core_type = #tpu.core_type<sc_vector_subcore>, window_params = [{transform_indices = #map}, {transform_indices = #map}, {transform_indices = #map1}, {transform_indices = #map1}, {transform_indices = #map1}, {transform_indices = #map1}, {transform_indices = #map1}]} {
    %mul3A = arith.constant 2 : i32
    %mul3A_0 = arith.muli %arg1, %mul3A : i32
    %add3A = arith.addi %mul3A_0, %arg0 : i32
    %iota3A = tpu.iota {dimensions = array<i32: 0>} : vector<16xi32>
    %mul3A_1 = arith.constant 2048 : i32
    %mul3A_2 = arith.muli %add3A, %mul3A_1 : i32
    %dma_start3A = arith.constant 0 : i32
    %dma_start3A_3 = tpu.memref_slice %arg9[%dma_start3A] : memref<2064xi32, #tpu.memory_space<vmem>> -> memref<2048xi32, #tpu.memory_space<vmem>>
    %dma_start3A_4 = tpu.memref_slice %arg2[%mul3A_2] : memref<65536xi32, #tpu.memory_space<hbm>> -> memref<2048xi32, #tpu.memory_space<hbm>>
    %dma_start3A_5 = arith.constant 0 : i32
    %dma_start3A_6 = tpu.memref_slice %arg9[%dma_start3A_5] : memref<2064xi32, #tpu.memory_space<vmem>> -> memref<2048xi32, #tpu.memory_space<vmem>>
    %dma_start3A_7 = tpu.memref_slice %arg2[%mul3A_2] : memref<65536xi32, #tpu.memory_space<hbm>> -> memref<2048xi32, #tpu.memory_space<hbm>>
    tpu.enqueue_dma source(%dma_start3A_7 : memref<2048xi32, #tpu.memory_space<hbm>>) target(%dma_start3A_6 : memref<2048xi32, #tpu.memory_space<vmem>>) target_semaphore(%arg14 : memref<!tpu.dma_semaphore, #tpu.memory_space<semaphore_mem>>)
    %mul3A_8 = arith.constant 1024 : i32
    %mul3A_9 = arith.muli %add3A, %mul3A_8 : i32
    %dma_start3A_10 = arith.constant 0 : i32
    %dma_start3A_11 = tpu.memref_slice %arg10[%dma_start3A_10] : memref<1040xi32, #tpu.memory_space<vmem>> -> memref<1024xi32, #tpu.memory_space<vmem>>
    %dma_start3A_12 = tpu.memref_slice %arg3[%mul3A_9] : memref<32768xi32, #tpu.memory_space<hbm>> -> memref<1024xi32, #tpu.memory_space<hbm>>
    %dma_start3A_13 = arith.constant 0 : i32
    %dma_start3A_14 = tpu.memref_slice %arg10[%dma_start3A_13] : memref<1040xi32, #tpu.memory_space<vmem>> -> memref<1024xi32, #tpu.memory_space<vmem>>
    %dma_start3A_15 = tpu.memref_slice %arg3[%mul3A_9] : memref<32768xi32, #tpu.memory_space<hbm>> -> memref<1024xi32, #tpu.memory_space<hbm>>
    tpu.enqueue_dma source(%dma_start3A_15 : memref<1024xi32, #tpu.memory_space<hbm>>) target(%dma_start3A_14 : memref<1024xi32, #tpu.memory_space<vmem>>) target_semaphore(%arg14 : memref<!tpu.dma_semaphore, #tpu.memory_space<semaphore_mem>>)
    %dma_wait3A = arith.constant 0 : i32
    %dma_wait3A_16 = tpu.memref_slice %arg9[%dma_wait3A] : memref<2064xi32, #tpu.memory_space<vmem>> -> memref<2048xi32, #tpu.memory_space<vmem>>
    %dma_wait3A_17 = tpu.memref_slice %arg2[%mul3A_2] : memref<65536xi32, #tpu.memory_space<hbm>> -> memref<2048xi32, #tpu.memory_space<hbm>>
    %dma_wait3A_18 = arith.constant 0 : i32
    %dma_wait3A_19 = tpu.memref_slice %arg9[%dma_wait3A_18] : memref<2064xi32, #tpu.memory_space<vmem>> -> memref<2048xi32, #tpu.memory_space<vmem>>
    %dma_wait3A_20 = tpu.memref_slice %arg2[%mul3A_2] : memref<65536xi32, #tpu.memory_space<hbm>> -> memref<2048xi32, #tpu.memory_space<hbm>>
    tpu.wait_dma2 semaphore(%arg14 : memref<!tpu.dma_semaphore, #tpu.memory_space<semaphore_mem>>) src(%dma_wait3A_20 : memref<2048xi32, #tpu.memory_space<hbm>>) dst(%dma_wait3A_19 : memref<2048xi32, #tpu.memory_space<vmem>>)
    %dma_wait3A_21 = arith.constant 0 : i32
    %dma_wait3A_22 = tpu.memref_slice %arg10[%dma_wait3A_21] : memref<1040xi32, #tpu.memory_space<vmem>> -> memref<1024xi32, #tpu.memory_space<vmem>>
    %dma_wait3A_23 = tpu.memref_slice %arg3[%mul3A_9] : memref<32768xi32, #tpu.memory_space<hbm>> -> memref<1024xi32, #tpu.memory_space<hbm>>
    %dma_wait3A_24 = arith.constant 0 : i32
    %dma_wait3A_25 = tpu.memref_slice %arg10[%dma_wait3A_24] : memref<1040xi32, #tpu.memory_space<vmem>> -> memref<1024xi32, #tpu.memory_space<vmem>>
    %dma_wait3A_26 = tpu.memref_slice %arg3[%mul3A_9] : memref<32768xi32, #tpu.memory_space<hbm>> -> memref<1024xi32, #tpu.memory_space<hbm>>
    tpu.wait_dma2 semaphore(%arg14 : memref<!tpu.dma_semaphore, #tpu.memory_space<semaphore_mem>>) src(%dma_wait3A_26 : memref<1024xi32, #tpu.memory_space<hbm>>) dst(%dma_wait3A_25 : memref<1024xi32, #tpu.memory_space<vmem>>)
    %mul3A_27 = arith.constant 2048 : i32
    %mul3A_28 = arith.muli %add3A, %mul3A_27 : i32
    %broadcast_in_dim3A = arith.constant 0.000000e+00 : f32
    %broadcast_in_dim3A_29 = vector.broadcast %broadcast_in_dim3A : f32 to vector<16xf32>
    %broadcast_in_dim3A_30 = arith.constant 1.000000e+00 : f32
    %broadcast_in_dim3A_31 = vector.broadcast %broadcast_in_dim3A_30 : f32 to vector<16xf32>
    %dma_start3A_32 = arith.constant 0 : i32
    %dma_start3A_33 = arith.constant 0 : i32
    %dma_start3A_34 = tpu.memref_slice %arg12[%dma_start3A_32, %dma_start3A_33] : memref<256x128xf32, #tpu.memory_space<vmem>> -> memref<128x128xf32, #tpu.memory_space<vmem>>
    %dma_start3A_35 = arith.constant 98304 : i32
    %dma_start3A_36 = arith.constant 0 : i32
    %dma_start3A_37 = tpu.memref_slice %arg8[%dma_start3A_35, %dma_start3A_36] : memref<98432x128xf32, #tpu.memory_space<hbm>> -> memref<128x128xf32, #tpu.memory_space<hbm>>
    %dma_start3A_38 = arith.constant 98304 : i32
    %dma_start3A_39 = arith.constant 0 : i32
    %dma_start3A_40 = tpu.memref_slice %arg8[%dma_start3A_38, %dma_start3A_39] : memref<98432x128xf32, #tpu.memory_space<hbm>> -> memref<128x128xf32, #tpu.memory_space<hbm>>
    %dma_start3A_41 = arith.constant 0 : i32
    %dma_start3A_42 = arith.constant 0 : i32
    %dma_start3A_43 = tpu.memref_slice %arg12[%dma_start3A_41, %dma_start3A_42] : memref<256x128xf32, #tpu.memory_space<vmem>> -> memref<128x128xf32, #tpu.memory_space<vmem>>
    tpu.enqueue_dma source(%dma_start3A_43 : memref<128x128xf32, #tpu.memory_space<vmem>>) target(%dma_start3A_40 : memref<128x128xf32, #tpu.memory_space<hbm>>) target_semaphore(%arg13 : memref<!tpu.dma_semaphore, #tpu.memory_space<semaphore_mem>>)
    %ge3A = arith.constant 1952 : i32
    %ge3A_44 = arith.constant 1952 : i32
    %ge3A_45 = arith.cmpi sge, %ge3A, %ge3A_44 : i32
    %convert_element_type3A = arith.extui %ge3A_45 : i1 to i32
    %cond3A = arith.constant 1 : i32
    %cond3A_46 = arith.constant 0 : i32
    %cond3A_47 = arith.cmpi ne, %convert_element_type3A, %cond3A_46 : i32
    scf.if %cond3A_47 {
      %dma_start3A_283 = arith.constant 0 : i32
      %dma_start3A_284 = arith.constant 0 : i32
      %dma_start3A_285 = arith.constant 0 : i32
      %dma_start3A_286 = tpu.memref_slice %arg11[%cond3A, %dma_start3A_283, %dma_start3A_284, %dma_start3A_285] : memref<2x5x64x128xf32, #tpu.memory_space<vmem>> -> memref<1x1x64x128xf32, #tpu.memory_space<vmem>>
      %dma_start3A_287 = tpu.memref_squeeze %dma_start3A_286 : memref<1x1x64x128xf32, #tpu.memory_space<vmem>> -> memref<64x128xf32, #tpu.memory_space<vmem>>
      %dma_start3A_288 = arith.constant 0 : i32
      %dma_start3A_289 = arith.constant 0 : i32
      %dma_start3A_290 = tpu.memref_slice %arg6[%dma_start3A_288, %dma_start3A_289] : memref<64x640xf32, #tpu.memory_space<hbm>> -> memref<64x128xf32, #tpu.memory_space<hbm>>
      %dma_start3A_291 = arith.constant 0 : i32
      %dma_start3A_292 = arith.constant 0 : i32
      %dma_start3A_293 = tpu.memref_slice %arg11[%cond3A, %dma_start3A_283, %dma_start3A_291, %dma_start3A_292] : memref<2x5x64x128xf32, #tpu.memory_space<vmem>> -> memref<1x1x64x128xf32, #tpu.memory_space<vmem>>
      %dma_start3A_294 = tpu.memref_squeeze %dma_start3A_293 : memref<1x1x64x128xf32, #tpu.memory_space<vmem>> -> memref<64x128xf32, #tpu.memory_space<vmem>>
      %dma_start3A_295 = arith.constant 0 : i32
      %dma_start3A_296 = arith.constant 0 : i32
      %dma_start3A_297 = tpu.memref_slice %arg6[%dma_start3A_295, %dma_start3A_296] : memref<64x640xf32, #tpu.memory_space<hbm>> -> memref<64x128xf32, #tpu.memory_space<hbm>>
      tpu.enqueue_dma source(%dma_start3A_297 : memref<64x128xf32, #tpu.memory_space<hbm>>) target(%dma_start3A_294 : memref<64x128xf32, #tpu.memory_space<vmem>>) target_semaphore(%arg14 : memref<!tpu.dma_semaphore, #tpu.memory_space<semaphore_mem>>)
      %dma_start3A_298 = arith.constant 1 : i32
      %dma_start3A_299 = arith.constant 0 : i32
      %dma_start3A_300 = arith.constant 0 : i32
      %dma_start3A_301 = tpu.memref_slice %arg11[%cond3A, %dma_start3A_298, %dma_start3A_299, %dma_start3A_300] : memref<2x5x64x128xf32, #tpu.memory_space<vmem>> -> memref<1x1x64x128xf32, #tpu.memory_space<vmem>>
      %dma_start3A_302 = tpu.memref_squeeze %dma_start3A_301 : memref<1x1x64x128xf32, #tpu.memory_space<vmem>> -> memref<64x128xf32, #tpu.memory_space<vmem>>
      %dma_start3A_303 = arith.constant 0 : i32
      %dma_start3A_304 = arith.constant 128 : i32
      %dma_start3A_305 = tpu.memref_slice %arg6[%dma_start3A_303, %dma_start3A_304] : memref<64x640xf32, #tpu.memory_space<hbm>> -> memref<64x128xf32, #tpu.memory_space<hbm>>
      %dma_start3A_306 = arith.constant 0 : i32
      %dma_start3A_307 = arith.constant 0 : i32
      %dma_start3A_308 = tpu.memref_slice %arg11[%cond3A, %dma_start3A_298, %dma_start3A_306, %dma_start3A_307] : memref<2x5x64x128xf32, #tpu.memory_space<vmem>> -> memref<1x1x64x128xf32, #tpu.memory_space<vmem>>
      %dma_start3A_309 = tpu.memref_squeeze %dma_start3A_308 : memref<1x1x64x128xf32, #tpu.memory_space<vmem>> -> memref<64x128xf32, #tpu.memory_space<vmem>>
      %dma_start3A_310 = arith.constant 0 : i32
      %dma_start3A_311 = arith.constant 128 : i32
      %dma_start3A_312 = tpu.memref_slice %arg6[%dma_start3A_310, %dma_start3A_311] : memref<64x640xf32, #tpu.memory_space<hbm>> -> memref<64x128xf32, #tpu.memory_space<hbm>>
      tpu.enqueue_dma source(%dma_start3A_312 : memref<64x128xf32, #tpu.memory_space<hbm>>) target(%dma_start3A_309 : memref<64x128xf32, #tpu.memory_space<vmem>>) target_semaphore(%arg14 : memref<!tpu.dma_semaphore, #tpu.memory_space<semaphore_mem>>)
      %dma_start3A_313 = arith.constant 2 : i32
      %dma_start3A_314 = arith.constant 0 : i32
      %dma_start3A_315 = arith.constant 0 : i32
      %dma_start3A_316 = tpu.memref_slice %arg11[%cond3A, %dma_start3A_313, %dma_start3A_314, %dma_start3A_315] : memref<2x5x64x128xf32, #tpu.memory_space<vmem>> -> memref<1x1x64x128xf32, #tpu.memory_space<vmem>>
      %dma_start3A_317 = tpu.memref_squeeze %dma_start3A_316 : memref<1x1x64x128xf32, #tpu.memory_space<vmem>> -> memref<64x128xf32, #tpu.memory_space<vmem>>
      %dma_start3A_318 = arith.constant 0 : i32
      %dma_start3A_319 = arith.constant 256 : i32
      %dma_start3A_320 = tpu.memref_slice %arg6[%dma_start3A_318, %dma_start3A_319] : memref<64x640xf32, #tpu.memory_space<hbm>> -> memref<64x128xf32, #tpu.memory_space<hbm>>
      %dma_start3A_321 = arith.constant 0 : i32
      %dma_start3A_322 = arith.constant 0 : i32
      %dma_start3A_323 = tpu.memref_slice %arg11[%cond3A, %dma_start3A_313, %dma_start3A_321, %dma_start3A_322] : memref<2x5x64x128xf32, #tpu.memory_space<vmem>> -> memref<1x1x64x128xf32, #tpu.memory_space<vmem>>
      %dma_start3A_324 = tpu.memref_squeeze %dma_start3A_323 : memref<1x1x64x128xf32, #tpu.memory_space<vmem>> -> memref<64x128xf32, #tpu.memory_space<vmem>>
      %dma_start3A_325 = arith.constant 0 : i32
      %dma_start3A_326 = arith.constant 256 : i32
      %dma_start3A_327 = tpu.memref_slice %arg6[%dma_start3A_325, %dma_start3A_326] : memref<64x640xf32, #tpu.memory_space<hbm>> -> memref<64x128xf32, #tpu.memory_space<hbm>>
      tpu.enqueue_dma source(%dma_start3A_327 : memref<64x128xf32, #tpu.memory_space<hbm>>) target(%dma_start3A_324 : memref<64x128xf32, #tpu.memory_space<vmem>>) target_semaphore(%arg14 : memref<!tpu.dma_semaphore, #tpu.memory_space<semaphore_mem>>)
      %dma_start3A_328 = arith.constant 3 : i32
      %dma_start3A_329 = arith.constant 0 : i32
      %dma_start3A_330 = arith.constant 0 : i32
      %dma_start3A_331 = tpu.memref_slice %arg11[%cond3A, %dma_start3A_328, %dma_start3A_329, %dma_start3A_330] : memref<2x5x64x128xf32, #tpu.memory_space<vmem>> -> memref<1x1x64x128xf32, #tpu.memory_space<vmem>>
      %dma_start3A_332 = tpu.memref_squeeze %dma_start3A_331 : memref<1x1x64x128xf32, #tpu.memory_space<vmem>> -> memref<64x128xf32, #tpu.memory_space<vmem>>
      %dma_start3A_333 = arith.constant 0 : i32
      %dma_start3A_334 = arith.constant 384 : i32
      %dma_start3A_335 = tpu.memref_slice %arg6[%dma_start3A_333, %dma_start3A_334] : memref<64x640xf32, #tpu.memory_space<hbm>> -> memref<64x128xf32, #tpu.memory_space<hbm>>
      %dma_start3A_336 = arith.constant 0 : i32
      %dma_start3A_337 = arith.constant 0 : i32
      %dma_start3A_338 = tpu.memref_slice %arg11[%cond3A, %dma_start3A_328, %dma_start3A_336, %dma_start3A_337] : memref<2x5x64x128xf32, #tpu.memory_space<vmem>> -> memref<1x1x64x128xf32, #tpu.memory_space<vmem>>
      %dma_start3A_339 = tpu.memref_squeeze %dma_start3A_338 : memref<1x1x64x128xf32, #tpu.memory_space<vmem>> -> memref<64x128xf32, #tpu.memory_space<vmem>>
      %dma_start3A_340 = arith.constant 0 : i32
      %dma_start3A_341 = arith.constant 384 : i32
      %dma_start3A_342 = tpu.memref_slice %arg6[%dma_start3A_340, %dma_start3A_341] : memref<64x640xf32, #tpu.memory_space<hbm>> -> memref<64x128xf32, #tpu.memory_space<hbm>>
      tpu.enqueue_dma source(%dma_start3A_342 : memref<64x128xf32, #tpu.memory_space<hbm>>) target(%dma_start3A_339 : memref<64x128xf32, #tpu.memory_space<vmem>>) target_semaphore(%arg14 : memref<!tpu.dma_semaphore, #tpu.memory_space<semaphore_mem>>)
      %dma_start3A_343 = arith.constant 4 : i32
      %dma_start3A_344 = arith.constant 0 : i32
      %dma_start3A_345 = arith.constant 0 : i32
      %dma_start3A_346 = tpu.memref_slice %arg11[%cond3A, %dma_start3A_343, %dma_start3A_344, %dma_start3A_345] : memref<2x5x64x128xf32, #tpu.memory_space<vmem>> -> memref<1x1x64x128xf32, #tpu.memory_space<vmem>>
      %dma_start3A_347 = tpu.memref_squeeze %dma_start3A_346 : memref<1x1x64x128xf32, #tpu.memory_space<vmem>> -> memref<64x128xf32, #tpu.memory_space<vmem>>
      %dma_start3A_348 = arith.constant 0 : i32
      %dma_start3A_349 = arith.constant 512 : i32
      %dma_start3A_350 = tpu.memref_slice %arg6[%dma_start3A_348, %dma_start3A_349] : memref<64x640xf32, #tpu.memory_space<hbm>> -> memref<64x128xf32, #tpu.memory_space<hbm>>
      %dma_start3A_351 = arith.constant 0 : i32
      %dma_start3A_352 = arith.constant 0 : i32
      %dma_start3A_353 = tpu.memref_slice %arg11[%cond3A, %dma_start3A_343, %dma_start3A_351, %dma_start3A_352] : memref<2x5x64x128xf32, #tpu.memory_space<vmem>> -> memref<1x1x64x128xf32, #tpu.memory_space<vmem>>
      %dma_start3A_354 = tpu.memref_squeeze %dma_start3A_353 : memref<1x1x64x128xf32, #tpu.memory_space<vmem>> -> memref<64x128xf32, #tpu.memory_space<vmem>>
      %dma_start3A_355 = arith.constant 0 : i32
      %dma_start3A_356 = arith.constant 512 : i32
      %dma_start3A_357 = tpu.memref_slice %arg6[%dma_start3A_355, %dma_start3A_356] : memref<64x640xf32, #tpu.memory_space<hbm>> -> memref<64x128xf32, #tpu.memory_space<hbm>>
      tpu.enqueue_dma source(%dma_start3A_357 : memref<64x128xf32, #tpu.memory_space<hbm>>) target(%dma_start3A_354 : memref<64x128xf32, #tpu.memory_space<vmem>>) target_semaphore(%arg14 : memref<!tpu.dma_semaphore, #tpu.memory_space<semaphore_mem>>)
    } else {
    }
    %lt3A = arith.constant 1952 : i32
    %lt3A_48 = arith.constant 1952 : i32
    %lt3A_49 = arith.cmpi slt, %lt3A, %lt3A_48 : i32
    %convert_element_type3A_50 = arith.extui %lt3A_49 : i1 to i32
    %cond3A_51 = arith.constant 1952 : i32
    %cond3A_52 = arith.constant 1 : i32
    %cond3A_53 = arith.constant 0 : i32
    %cond3A_54 = arith.cmpi ne, %convert_element_type3A_50, %cond3A_53 : i32
    scf.if %cond3A_54 {
      %mul3A_283 = arith.constant 512 : i32
      %mul3A_284 = arith.muli %cond3A_51, %mul3A_283 : i32
      %add3A_285 = arith.constant 0 : i32
      %add3A_286 = arith.addi %mul3A_284, %add3A_285 : i32
      %multiple_of3A = tpu.assume_multiple %add3A_286, 128 : i32
      %dma_start3A_287 = arith.constant 0 : i32
      %dma_start3A_288 = arith.constant 0 : i32
      %dma_start3A_289 = arith.constant 0 : i32
      %dma_start3A_290 = tpu.memref_slice %arg11[%cond3A_52, %dma_start3A_287, %dma_start3A_288, %dma_start3A_289] : memref<2x5x64x128xf32, #tpu.memory_space<vmem>> -> memref<1x1x64x128xf32, #tpu.memory_space<vmem>>
      %dma_start3A_291 = tpu.memref_squeeze %dma_start3A_290 : memref<1x1x64x128xf32, #tpu.memory_space<vmem>> -> memref<64x128xf32, #tpu.memory_space<vmem>>
      %dma_start3A_292 = arith.constant 0 : i32
      %dma_start3A_293 = tpu.memref_slice %arg4[%dma_start3A_292, %multiple_of3A] : memref<64x1000000xf32, #tpu.memory_space<hbm>> -> memref<64x128xf32, #tpu.memory_space<hbm>>
      %dma_start3A_294 = arith.constant 0 : i32
      %dma_start3A_295 = arith.constant 0 : i32
      %dma_start3A_296 = tpu.memref_slice %arg11[%cond3A_52, %dma_start3A_287, %dma_start3A_294, %dma_start3A_295] : memref<2x5x64x128xf32, #tpu.memory_space<vmem>> -> memref<1x1x64x128xf32, #tpu.memory_space<vmem>>
      %dma_start3A_297 = tpu.memref_squeeze %dma_start3A_296 : memref<1x1x64x128xf32, #tpu.memory_space<vmem>> -> memref<64x128xf32, #tpu.memory_space<vmem>>
      %dma_start3A_298 = arith.constant 0 : i32
      %dma_start3A_299 = tpu.memref_slice %arg4[%dma_start3A_298, %multiple_of3A] : memref<64x1000000xf32, #tpu.memory_space<hbm>> -> memref<64x128xf32, #tpu.memory_space<hbm>>
      tpu.enqueue_dma source(%dma_start3A_299 : memref<64x128xf32, #tpu.memory_space<hbm>>) target(%dma_start3A_297 : memref<64x128xf32, #tpu.memory_space<vmem>>) target_semaphore(%arg14 : memref<!tpu.dma_semaphore, #tpu.memory_space<semaphore_mem>>)
      %mul3A_300 = arith.constant 512 : i32
      %mul3A_301 = arith.muli %cond3A_51, %mul3A_300 : i32
      %add3A_302 = arith.constant 128 : i32
      %add3A_303 = arith.addi %mul3A_301, %add3A_302 : i32
      %multiple_of3A_304 = tpu.assume_multiple %add3A_303, 128 : i32
      %dma_start3A_305 = arith.constant 1 : i32
      %dma_start3A_306 = arith.constant 0 : i32
      %dma_start3A_307 = arith.constant 0 : i32
      %dma_start3A_308 = tpu.memref_slice %arg11[%cond3A_52, %dma_start3A_305, %dma_start3A_306, %dma_start3A_307] : memref<2x5x64x128xf32, #tpu.memory_space<vmem>> -> memref<1x1x64x128xf32, #tpu.memory_space<vmem>>
      %dma_start3A_309 = tpu.memref_squeeze %dma_start3A_308 : memref<1x1x64x128xf32, #tpu.memory_space<vmem>> -> memref<64x128xf32, #tpu.memory_space<vmem>>
      %dma_start3A_310 = arith.constant 0 : i32
      %dma_start3A_311 = tpu.memref_slice %arg4[%dma_start3A_310, %multiple_of3A_304] : memref<64x1000000xf32, #tpu.memory_space<hbm>> -> memref<64x128xf32, #tpu.memory_space<hbm>>
      %dma_start3A_312 = arith.constant 0 : i32
      %dma_start3A_313 = arith.constant 0 : i32
      %dma_start3A_314 = tpu.memref_slice %arg11[%cond3A_52, %dma_start3A_305, %dma_start3A_312, %dma_start3A_313] : memref<2x5x64x128xf32, #tpu.memory_space<vmem>> -> memref<1x1x64x128xf32, #tpu.memory_space<vmem>>
      %dma_start3A_315 = tpu.memref_squeeze %dma_start3A_314 : memref<1x1x64x128xf32, #tpu.memory_space<vmem>> -> memref<64x128xf32, #tpu.memory_space<vmem>>
      %dma_start3A_316 = arith.constant 0 : i32
      %dma_start3A_317 = tpu.memref_slice %arg4[%dma_start3A_316, %multiple_of3A_304] : memref<64x1000000xf32, #tpu.memory_space<hbm>> -> memref<64x128xf32, #tpu.memory_space<hbm>>
      tpu.enqueue_dma source(%dma_start3A_317 : memref<64x128xf32, #tpu.memory_space<hbm>>) target(%dma_start3A_315 : memref<64x128xf32, #tpu.memory_space<vmem>>) target_semaphore(%arg14 : memref<!tpu.dma_semaphore, #tpu.memory_space<semaphore_mem>>)
      %mul3A_318 = arith.constant 512 : i32
      %mul3A_319 = arith.muli %cond3A_51, %mul3A_318 : i32
      %add3A_320 = arith.constant 256 : i32
      %add3A_321 = arith.addi %mul3A_319, %add3A_320 : i32
      %multiple_of3A_322 = tpu.assume_multiple %add3A_321, 128 : i32
      %dma_start3A_323 = arith.constant 2 : i32
      %dma_start3A_324 = arith.constant 0 : i32
      %dma_start3A_325 = arith.constant 0 : i32
      %dma_start3A_326 = tpu.memref_slice %arg11[%cond3A_52, %dma_start3A_323, %dma_start3A_324, %dma_start3A_325] : memref<2x5x64x128xf32, #tpu.memory_space<vmem>> -> memref<1x1x64x128xf32, #tpu.memory_space<vmem>>
      %dma_start3A_327 = tpu.memref_squeeze %dma_start3A_326 : memref<1x1x64x128xf32, #tpu.memory_space<vmem>> -> memref<64x128xf32, #tpu.memory_space<vmem>>
      %dma_start3A_328 = arith.constant 0 : i32
      %dma_start3A_329 = tpu.memref_slice %arg4[%dma_start3A_328, %multiple_of3A_322] : memref<64x1000000xf32, #tpu.memory_space<hbm>> -> memref<64x128xf32, #tpu.memory_space<hbm>>
      %dma_start3A_330 = arith.constant 0 : i32
      %dma_start3A_331 = arith.constant 0 : i32
      %dma_start3A_332 = tpu.memref_slice %arg11[%cond3A_52, %dma_start3A_323, %dma_start3A_330, %dma_start3A_331] : memref<2x5x64x128xf32, #tpu.memory_space<vmem>> -> memref<1x1x64x128xf32, #tpu.memory_space<vmem>>
      %dma_start3A_333 = tpu.memref_squeeze %dma_start3A_332 : memref<1x1x64x128xf32, #tpu.memory_space<vmem>> -> memref<64x128xf32, #tpu.memory_space<vmem>>
      %dma_start3A_334 = arith.constant 0 : i32
      %dma_start3A_335 = tpu.memref_slice %arg4[%dma_start3A_334, %multiple_of3A_322] : memref<64x1000000xf32, #tpu.memory_space<hbm>> -> memref<64x128xf32, #tpu.memory_space<hbm>>
      tpu.enqueue_dma source(%dma_start3A_335 : memref<64x128xf32, #tpu.memory_space<hbm>>) target(%dma_start3A_333 : memref<64x128xf32, #tpu.memory_space<vmem>>) target_semaphore(%arg14 : memref<!tpu.dma_semaphore, #tpu.memory_space<semaphore_mem>>)
      %mul3A_336 = arith.constant 512 : i32
      %mul3A_337 = arith.muli %cond3A_51, %mul3A_336 : i32
      %add3A_338 = arith.constant 384 : i32
      %add3A_339 = arith.addi %mul3A_337, %add3A_338 : i32
      %multiple_of3A_340 = tpu.assume_multiple %add3A_339, 128 : i32
      %dma_start3A_341 = arith.constant 3 : i32
      %dma_start3A_342 = arith.constant 0 : i32
      %dma_start3A_343 = arith.constant 0 : i32
      %dma_start3A_344 = tpu.memref_slice %arg11[%cond3A_52, %dma_start3A_341, %dma_start3A_342, %dma_start3A_343] : memref<2x5x64x128xf32, #tpu.memory_space<vmem>> -> memref<1x1x64x128xf32, #tpu.memory_space<vmem>>
      %dma_start3A_345 = tpu.memref_squeeze %dma_start3A_344 : memref<1x1x64x128xf32, #tpu.memory_space<vmem>> -> memref<64x128xf32, #tpu.memory_space<vmem>>
      %dma_start3A_346 = arith.constant 0 : i32
      %dma_start3A_347 = tpu.memref_slice %arg4[%dma_start3A_346, %multiple_of3A_340] : memref<64x1000000xf32, #tpu.memory_space<hbm>> -> memref<64x128xf32, #tpu.memory_space<hbm>>
      %dma_start3A_348 = arith.constant 0 : i32
      %dma_start3A_349 = arith.constant 0 : i32
      %dma_start3A_350 = tpu.memref_slice %arg11[%cond3A_52, %dma_start3A_341, %dma_start3A_348, %dma_start3A_349] : memref<2x5x64x128xf32, #tpu.memory_space<vmem>> -> memref<1x1x64x128xf32, #tpu.memory_space<vmem>>
      %dma_start3A_351 = tpu.memref_squeeze %dma_start3A_350 : memref<1x1x64x128xf32, #tpu.memory_space<vmem>> -> memref<64x128xf32, #tpu.memory_space<vmem>>
      %dma_start3A_352 = arith.constant 0 : i32
      %dma_start3A_353 = tpu.memref_slice %arg4[%dma_start3A_352, %multiple_of3A_340] : memref<64x1000000xf32, #tpu.memory_space<hbm>> -> memref<64x128xf32, #tpu.memory_space<hbm>>
      tpu.enqueue_dma source(%dma_start3A_353 : memref<64x128xf32, #tpu.memory_space<hbm>>) target(%dma_start3A_351 : memref<64x128xf32, #tpu.memory_space<vmem>>) target_semaphore(%arg14 : memref<!tpu.dma_semaphore, #tpu.memory_space<semaphore_mem>>)
      %mul3A_354 = arith.constant 512 : i32
      %mul3A_355 = arith.muli %cond3A_51, %mul3A_354 : i32
      %add3A_356 = arith.constant 512 : i32
      %add3A_357 = arith.addi %mul3A_355, %add3A_356 : i32
      %multiple_of3A_358 = tpu.assume_multiple %add3A_357, 128 : i32
      %dma_start3A_359 = arith.constant 4 : i32
      %dma_start3A_360 = arith.constant 0 : i32
      %dma_start3A_361 = arith.constant 0 : i32
      %dma_start3A_362 = tpu.memref_slice %arg11[%cond3A_52, %dma_start3A_359, %dma_start3A_360, %dma_start3A_361] : memref<2x5x64x128xf32, #tpu.memory_space<vmem>> -> memref<1x1x64x128xf32, #tpu.memory_space<vmem>>
      %dma_start3A_363 = tpu.memref_squeeze %dma_start3A_362 : memref<1x1x64x128xf32, #tpu.memory_space<vmem>> -> memref<64x128xf32, #tpu.memory_space<vmem>>
      %dma_start3A_364 = arith.constant 0 : i32
      %dma_start3A_365 = tpu.memref_slice %arg4[%dma_start3A_364, %multiple_of3A_358] : memref<64x1000000xf32, #tpu.memory_space<hbm>> -> memref<64x128xf32, #tpu.memory_space<hbm>>
      %dma_start3A_366 = arith.constant 0 : i32
      %dma_start3A_367 = arith.constant 0 : i32
      %dma_start3A_368 = tpu.memref_slice %arg11[%cond3A_52, %dma_start3A_359, %dma_start3A_366, %dma_start3A_367] : memref<2x5x64x128xf32, #tpu.memory_space<vmem>> -> memref<1x1x64x128xf32, #tpu.memory_space<vmem>>
      %dma_start3A_369 = tpu.memref_squeeze %dma_start3A_368 : memref<1x1x64x128xf32, #tpu.memory_space<vmem>> -> memref<64x128xf32, #tpu.memory_space<vmem>>
      %dma_start3A_370 = arith.constant 0 : i32
      %dma_start3A_371 = tpu.memref_slice %arg4[%dma_start3A_370, %multiple_of3A_358] : memref<64x1000000xf32, #tpu.memory_space<hbm>> -> memref<64x128xf32, #tpu.memory_space<hbm>>
      tpu.enqueue_dma source(%dma_start3A_371 : memref<64x128xf32, #tpu.memory_space<hbm>>) target(%dma_start3A_369 : memref<64x128xf32, #tpu.memory_space<vmem>>) target_semaphore(%arg14 : memref<!tpu.dma_semaphore, #tpu.memory_space<semaphore_mem>>)
    } else {
    }
    %while3A = arith.constant 0 : i32
    %while3A_55 = arith.constant -1 : i32
    %while3A_56 = arith.constant 0 : i32
    %while3A_57 = arith.constant -2 : i32
    %while3A_58:4 = scf.while (%while3A_283 = %while3A, %while3A_284 = %while3A_55, %while3A_285 = %while3A_56, %while3A_286 = %while3A_57) : (i32, i32, i32, i32) -> (i32, i32, i32, i32) {
      %lt3A_287 = arith.constant 2048 : i32
      %lt3A_288 = arith.cmpi slt, %while3A_283, %lt3A_287 : i32
      scf.condition(%lt3A_288) %while3A_283, %while3A_284, %while3A_285, %while3A_286 : i32, i32, i32, i32
    } do {
    ^bb0(%while3A_283: i32, %while3A_284: i32, %while3A_285: i32, %while3A_286: i32):
      %get3A = arith.index_cast %while3A_283 : i32 to index
      %get3A_287 = tpu.vector_load %arg9[%get3A] {strides = array<i32>} : memref<2064xi32, #tpu.memory_space<vmem>>, vector<16xi32>,
      %slice3A = vector.extract_strided_slice %get3A_287 {offsets = [0], sizes = [1], strides = [1]} : vector<16xi32> to vector<1xi32>
      %squeeze3A = vector.extract %slice3A[0] : i32 from vector<1xi32>
      %shift_right_arithmetic3A = arith.constant 9 : i32
      %shift_right_arithmetic3A_288 = arith.shrsi %squeeze3A, %shift_right_arithmetic3A : i32
      %ge3A_289 = arith.constant 1952 : i32
      %ge3A_290 = arith.cmpi sge, %shift_right_arithmetic3A_288, %ge3A_289 : i32
      %mul3A_291 = arith.constant 512 : i32
      %mul3A_292 = arith.muli %shift_right_arithmetic3A_288, %mul3A_291 : i32
      %jit3A = arith.constant 999360 : i32
      %select_n3A = arith.select %ge3A_290, %jit3A, %mul3A_292 : i32
      %and3A = arith.constant 1 : i32
      %and3A_293 = arith.andi %shift_right_arithmetic3A_288, %and3A : i32
      %ne3A = arith.cmpi ne, %shift_right_arithmetic3A_288, %while3A_284 : i32
      %convert_element_type3A_294 = arith.extui %ne3A : i1 to i32
      %cond3A_295 = arith.constant 0 : i32
      %cond3A_296 = arith.cmpi ne, %convert_element_type3A_294, %cond3A_295 : i32
      scf.if %cond3A_296 {
        %dma_wait3A_386 = arith.constant 0 : i32
        %dma_wait3A_387 = arith.constant 0 : i32
        %dma_wait3A_388 = arith.constant 0 : i32
        %dma_wait3A_389 = arith.constant 0 : i32
        %dma_wait3A_390 = tpu.memref_slice %arg11[%dma_wait3A_386, %dma_wait3A_387, %dma_wait3A_388, %dma_wait3A_389] : memref<2x5x64x128xf32, #tpu.memory_space<vmem>> -> memref<1x1x64x128xf32, #tpu.memory_space<vmem>>
        %dma_wait3A_391 = tpu.memref_squeeze %dma_wait3A_390 : memref<1x1x64x128xf32, #tpu.memory_space<vmem>> -> memref<64x128xf32, #tpu.memory_space<vmem>>
        %dma_wait3A_392 = arith.constant 0 : i32
        %dma_wait3A_393 = arith.constant 0 : i32
        %dma_wait3A_394 = tpu.memref_slice %arg6[%dma_wait3A_392, %dma_wait3A_393] : memref<64x640xf32, #tpu.memory_space<hbm>> -> memref<64x128xf32, #tpu.memory_space<hbm>>
        %dma_wait3A_395 = arith.constant 0 : i32
        %dma_wait3A_396 = arith.constant 0 : i32
        %dma_wait3A_397 = tpu.memref_slice %arg11[%dma_wait3A_386, %dma_wait3A_387, %dma_wait3A_395, %dma_wait3A_396] : memref<2x5x64x128xf32, #tpu.memory_space<vmem>> -> memref<1x1x64x128xf32, #tpu.memory_space<vmem>>
        %dma_wait3A_398 = tpu.memref_squeeze %dma_wait3A_397 : memref<1x1x64x128xf32, #tpu.memory_space<vmem>> -> memref<64x128xf32, #tpu.memory_space<vmem>>
        %dma_wait3A_399 = arith.constant 0 : i32
        %dma_wait3A_400 = arith.constant 0 : i32
        %dma_wait3A_401 = tpu.memref_slice %arg6[%dma_wait3A_399, %dma_wait3A_400] : memref<64x640xf32, #tpu.memory_space<hbm>> -> memref<64x128xf32, #tpu.memory_space<hbm>>
        tpu.wait_dma2 semaphore(%arg14 : memref<!tpu.dma_semaphore, #tpu.memory_space<semaphore_mem>>) src(%dma_wait3A_401 : memref<64x128xf32, #tpu.memory_space<hbm>>) dst(%dma_wait3A_398 : memref<64x128xf32, #tpu.memory_space<vmem>>)
        %dma_wait3A_402 = arith.constant 0 : i32
        %dma_wait3A_403 = arith.constant 0 : i32
        %dma_wait3A_404 = arith.constant 0 : i32
        %dma_wait3A_405 = arith.constant 0 : i32
        %dma_wait3A_406 = tpu.memref_slice %arg11[%dma_wait3A_402, %dma_wait3A_403, %dma_wait3A_404, %dma_wait3A_405] : memref<2x5x64x128xf32, #tpu.memory_space<vmem>> -> memref<1x1x64x128xf32, #tpu.memory_space<vmem>>
        %dma_wait3A_407 = tpu.memref_squeeze %dma_wait3A_406 : memref<1x1x64x128xf32, #tpu.memory_space<vmem>> -> memref<64x128xf32, #tpu.memory_space<vmem>>
        %dma_wait3A_408 = arith.constant 0 : i32
        %dma_wait3A_409 = arith.constant 0 : i32
        %dma_wait3A_410 = tpu.memref_slice %arg6[%dma_wait3A_408, %dma_wait3A_409] : memref<64x640xf32, #tpu.memory_space<hbm>> -> memref<64x128xf32, #tpu.memory_space<hbm>>
        %dma_wait3A_411 = arith.constant 0 : i32
        %dma_wait3A_412 = arith.constant 0 : i32
        %dma_wait3A_413 = tpu.memref_slice %arg11[%dma_wait3A_402, %dma_wait3A_403, %dma_wait3A_411, %dma_wait3A_412] : memref<2x5x64x128xf32, #tpu.memory_space<vmem>> -> memref<1x1x64x128xf32, #tpu.memory_space<vmem>>
        %dma_wait3A_414 = tpu.memref_squeeze %dma_wait3A_413 : memref<1x1x64x128xf32, #tpu.memory_space<vmem>> -> memref<64x128xf32, #tpu.memory_space<vmem>>
        %dma_wait3A_415 = arith.constant 0 : i32
        %dma_wait3A_416 = arith.constant 0 : i32
        %dma_wait3A_417 = tpu.memref_slice %arg6[%dma_wait3A_415, %dma_wait3A_416] : memref<64x640xf32, #tpu.memory_space<hbm>> -> memref<64x128xf32, #tpu.memory_space<hbm>>
        tpu.wait_dma2 semaphore(%arg14 : memref<!tpu.dma_semaphore, #tpu.memory_space<semaphore_mem>>) src(%dma_wait3A_417 : memref<64x128xf32, #tpu.memory_space<hbm>>) dst(%dma_wait3A_414 : memref<64x128xf32, #tpu.memory_space<vmem>>)
        %dma_wait3A_418 = arith.constant 0 : i32
        %dma_wait3A_419 = arith.constant 0 : i32
        %dma_wait3A_420 = arith.constant 0 : i32
        %dma_wait3A_421 = arith.constant 0 : i32
        %dma_wait3A_422 = tpu.memref_slice %arg11[%dma_wait3A_418, %dma_wait3A_419, %dma_wait3A_420, %dma_wait3A_421] : memref<2x5x64x128xf32, #tpu.memory_space<vmem>> -> memref<1x1x64x128xf32, #tpu.memory_space<vmem>>
        %dma_wait3A_423 = tpu.memref_squeeze %dma_wait3A_422 : memref<1x1x64x128xf32, #tpu.memory_space<vmem>> -> memref<64x128xf32, #tpu.memory_space<vmem>>
        %dma_wait3A_424 = arith.constant 0 : i32
        %dma_wait3A_425 = arith.constant 0 : i32
        %dma_wait3A_426 = tpu.memref_slice %arg6[%dma_wait3A_424, %dma_wait3A_425] : memref<64x640xf32, #tpu.memory_space<hbm>> -> memref<64x128xf32, #tpu.memory_space<hbm>>
        %dma_wait3A_427 = arith.constant 0 : i32
        %dma_wait3A_428 = arith.constant 0 : i32
        %dma_wait3A_429 = tpu.memref_slice %arg11[%dma_wait3A_418, %dma_wait3A_419, %dma_wait3A_427, %dma_wait3A_428] : memref<2x5x64x128xf32, #tpu.memory_space<vmem>> -> memref<1x1x64x128xf32, #tpu.memory_space<vmem>>
        %dma_wait3A_430 = tpu.memref_squeeze %dma_wait3A_429 : memref<1x1x64x128xf32, #tpu.memory_space<vmem>> -> memref<64x128xf32, #tpu.memory_space<vmem>>
        %dma_wait3A_431 = arith.constant 0 : i32
        %dma_wait3A_432 = arith.constant 0 : i32
        %dma_wait3A_433 = tpu.memref_slice %arg6[%dma_wait3A_431, %dma_wait3A_432] : memref<64x640xf32, #tpu.memory_space<hbm>> -> memref<64x128xf32, #tpu.memory_space<hbm>>
        tpu.wait_dma2 semaphore(%arg14 : memref<!tpu.dma_semaphore, #tpu.memory_space<semaphore_mem>>) src(%dma_wait3A_433 : memref<64x128xf32, #tpu.memory_space<hbm>>) dst(%dma_wait3A_430 : memref<64x128xf32, #tpu.memory_space<vmem>>)
        %dma_wait3A_434 = arith.constant 0 : i32
        %dma_wait3A_435 = arith.constant 0 : i32
        %dma_wait3A_436 = arith.constant 0 : i32
        %dma_wait3A_437 = arith.constant 0 : i32
        %dma_wait3A_438 = tpu.memref_slice %arg11[%dma_wait3A_434, %dma_wait3A_435, %dma_wait3A_436, %dma_wait3A_437] : memref<2x5x64x128xf32, #tpu.memory_space<vmem>> -> memref<1x1x64x128xf32, #tpu.memory_space<vmem>>
        %dma_wait3A_439 = tpu.memref_squeeze %dma_wait3A_438 : memref<1x1x64x128xf32, #tpu.memory_space<vmem>> -> memref<64x128xf32, #tpu.memory_space<vmem>>
        %dma_wait3A_440 = arith.constant 0 : i32
        %dma_wait3A_441 = arith.constant 0 : i32
        %dma_wait3A_442 = tpu.memref_slice %arg6[%dma_wait3A_440, %dma_wait3A_441] : memref<64x640xf32, #tpu.memory_space<hbm>> -> memref<64x128xf32, #tpu.memory_space<hbm>>
        %dma_wait3A_443 = arith.constant 0 : i32
        %dma_wait3A_444 = arith.constant 0 : i32
        %dma_wait3A_445 = tpu.memref_slice %arg11[%dma_wait3A_434, %dma_wait3A_435, %dma_wait3A_443, %dma_wait3A_444] : memref<2x5x64x128xf32, #tpu.memory_space<vmem>> -> memref<1x1x64x128xf32, #tpu.memory_space<vmem>>
        %dma_wait3A_446 = tpu.memref_squeeze %dma_wait3A_445 : memref<1x1x64x128xf32, #tpu.memory_space<vmem>> -> memref<64x128xf32, #tpu.memory_space<vmem>>
        %dma_wait3A_447 = arith.constant 0 : i32
        %dma_wait3A_448 = arith.constant 0 : i32
        %dma_wait3A_449 = tpu.memref_slice %arg6[%dma_wait3A_447, %dma_wait3A_448] : memref<64x640xf32, #tpu.memory_space<hbm>> -> memref<64x128xf32, #tpu.memory_space<hbm>>
        tpu.wait_dma2 semaphore(%arg14 : memref<!tpu.dma_semaphore, #tpu.memory_space<semaphore_mem>>) src(%dma_wait3A_449 : memref<64x128xf32, #tpu.memory_space<hbm>>) dst(%dma_wait3A_446 : memref<64x128xf32, #tpu.memory_space<vmem>>)
        %dma_wait3A_450 = arith.constant 0 : i32
        %dma_wait3A_451 = arith.constant 0 : i32
        %dma_wait3A_452 = arith.constant 0 : i32
        %dma_wait3A_453 = arith.constant 0 : i32
        %dma_wait3A_454 = tpu.memref_slice %arg11[%dma_wait3A_450, %dma_wait3A_451, %dma_wait3A_452, %dma_wait3A_453] : memref<2x5x64x128xf32, #tpu.memory_space<vmem>> -> memref<1x1x64x128xf32, #tpu.memory_space<vmem>>
        %dma_wait3A_455 = tpu.memref_squeeze %dma_wait3A_454 : memref<1x1x64x128xf32, #tpu.memory_space<vmem>> -> memref<64x128xf32, #tpu.memory_space<vmem>>
        %dma_wait3A_456 = arith.constant 0 : i32
        %dma_wait3A_457 = arith.constant 0 : i32
        %dma_wait3A_458 = tpu.memref_slice %arg6[%dma_wait3A_456, %dma_wait3A_457] : memref<64x640xf32, #tpu.memory_space<hbm>> -> memref<64x128xf32, #tpu.memory_space<hbm>>
        %dma_wait3A_459 = arith.constant 0 : i32
        %dma_wait3A_460 = arith.constant 0 : i32
        %dma_wait3A_461 = tpu.memref_slice %arg11[%dma_wait3A_450, %dma_wait3A_451, %dma_wait3A_459, %dma_wait3A_460] : memref<2x5x64x128xf32, #tpu.memory_space<vmem>> -> memref<1x1x64x128xf32, #tpu.memory_space<vmem>>
        %dma_wait3A_462 = tpu.memref_squeeze %dma_wait3A_461 : memref<1x1x64x128xf32, #tpu.memory_space<vmem>> -> memref<64x128xf32, #tpu.memory_space<vmem>>
        %dma_wait3A_463 = arith.constant 0 : i32
        %dma_wait3A_464 = arith.constant 0 : i32
        %dma_wait3A_465 = tpu.memref_slice %arg6[%dma_wait3A_463, %dma_wait3A_464] : memref<64x640xf32, #tpu.memory_space<hbm>> -> memref<64x128xf32, #tpu.memory_space<hbm>>
        tpu.wait_dma2 semaphore(%arg14 : memref<!tpu.dma_semaphore, #tpu.memory_space<semaphore_mem>>) src(%dma_wait3A_465 : memref<64x128xf32, #tpu.memory_space<hbm>>) dst(%dma_wait3A_462 : memref<64x128xf32, #tpu.memory_space<vmem>>)
        %ne3A_466 = arith.cmpi ne, %shift_right_arithmetic3A_288, %while3A_286 : i32
        %convert_element_type3A_467 = arith.extui %ne3A_466 : i1 to i32
        %cond3A_468 = arith.constant 0 : i32
        %cond3A_469 = arith.cmpi ne, %convert_element_type3A_467, %cond3A_468 : i32
        scf.if %cond3A_469 {
          %ge3A_486 = arith.constant 1952 : i32
          %ge3A_487 = arith.cmpi sge, %shift_right_arithmetic3A_288, %ge3A_486 : i32
          %convert_element_type3A_488 = arith.extui %ge3A_487 : i1 to i32
          %cond3A_489 = arith.constant 0 : i32
          %cond3A_490 = arith.cmpi ne, %convert_element_type3A_488, %cond3A_489 : i32
          scf.if %cond3A_490 {
            %dma_start3A_576 = arith.constant 0 : i32
            %dma_start3A_577 = arith.constant 0 : i32
            %dma_start3A_578 = arith.constant 0 : i32
            %dma_start3A_579 = tpu.memref_slice %arg11[%and3A_293, %dma_start3A_576, %dma_start3A_577, %dma_start3A_578] : memref<2x5x64x128xf32, #tpu.memory_space<vmem>> -> memref<1x1x64x128xf32, #tpu.memory_space<vmem>>
            %dma_start3A_580 = tpu.memref_squeeze %dma_start3A_579 : memref<1x1x64x128xf32, #tpu.memory_space<vmem>> -> memref<64x128xf32, #tpu.memory_space<vmem>>
            %dma_start3A_581 = arith.constant 0 : i32
            %dma_start3A_582 = arith.constant 0 : i32
            %dma_start3A_583 = tpu.memref_slice %arg6[%dma_start3A_581, %dma_start3A_582] : memref<64x640xf32, #tpu.memory_space<hbm>> -> memref<64x128xf32, #tpu.memory_space<hbm>>
            %dma_start3A_584 = arith.constant 0 : i32
            %dma_start3A_585 = arith.constant 0 : i32
            %dma_start3A_586 = tpu.memref_slice %arg11[%and3A_293, %dma_start3A_576, %dma_start3A_584, %dma_start3A_585] : memref<2x5x64x128xf32, #tpu.memory_space<vmem>> -> memref<1x1x64x128xf32, #tpu.memory_space<vmem>>
            %dma_start3A_587 = tpu.memref_squeeze %dma_start3A_586 : memref<1x1x64x128xf32, #tpu.memory_space<vmem>> -> memref<64x128xf32, #tpu.memory_space<vmem>>
            %dma_start3A_588 = arith.constant 0 : i32
            %dma_start3A_589 = arith.constant 0 : i32
            %dma_start3A_590 = tpu.memref_slice %arg6[%dma_start3A_588, %dma_start3A_589] : memref<64x640xf32, #tpu.memory_space<hbm>> -> memref<64x128xf32, #tpu.memory_space<hbm>>
            tpu.enqueue_dma source(%dma_start3A_590 : memref<64x128xf32, #tpu.memory_space<hbm>>) target(%dma_start3A_587 : memref<64x128xf32, #tpu.memory_space<vmem>>) target_semaphore(%arg14 : memref<!tpu.dma_semaphore, #tpu.memory_space<semaphore_mem>>)
            %dma_start3A_591 = arith.constant 1 : i32
            %dma_start3A_592 = arith.constant 0 : i32
            %dma_start3A_593 = arith.constant 0 : i32
            %dma_start3A_594 = tpu.memref_slice %arg11[%and3A_293, %dma_start3A_591, %dma_start3A_592, %dma_start3A_593] : memref<2x5x64x128xf32, #tpu.memory_space<vmem>> -> memref<1x1x64x128xf32, #tpu.memory_space<vmem>>
            %dma_start3A_595 = tpu.memref_squeeze %dma_start3A_594 : memref<1x1x64x128xf32, #tpu.memory_space<vmem>> -> memref<64x128xf32, #tpu.memory_space<vmem>>
            %dma_start3A_596 = arith.constant 0 : i32
            %dma_start3A_597 = arith.constant 128 : i32
            %dma_start3A_598 = tpu.memref_slice %arg6[%dma_start3A_596, %dma_start3A_597] : memref<64x640xf32, #tpu.memory_space<hbm>> -> memref<64x128xf32, #tpu.memory_space<hbm>>
            %dma_start3A_599 = arith.constant 0 : i32
            %dma_start3A_600 = arith.constant 0 : i32
            %dma_start3A_601 = tpu.memref_slice %arg11[%and3A_293, %dma_start3A_591, %dma_start3A_599, %dma_start3A_600] : memref<2x5x64x128xf32, #tpu.memory_space<vmem>> -> memref<1x1x64x128xf32, #tpu.memory_space<vmem>>
            %dma_start3A_602 = tpu.memref_squeeze %dma_start3A_601 : memref<1x1x64x128xf32, #tpu.memory_space<vmem>> -> memref<64x128xf32, #tpu.memory_space<vmem>>
            %dma_start3A_603 = arith.constant 0 : i32
            %dma_start3A_604 = arith.constant 128 : i32
            %dma_start3A_605 = tpu.memref_slice %arg6[%dma_start3A_603, %dma_start3A_604] : memref<64x640xf32, #tpu.memory_space<hbm>> -> memref<64x128xf32, #tpu.memory_space<hbm>>
            tpu.enqueue_dma source(%dma_start3A_605 : memref<64x128xf32, #tpu.memory_space<hbm>>) target(%dma_start3A_602 : memref<64x128xf32, #tpu.memory_space<vmem>>) target_semaphore(%arg14 : memref<!tpu.dma_semaphore, #tpu.memory_space<semaphore_mem>>)
            %dma_start3A_606 = arith.constant 2 : i32
            %dma_start3A_607 = arith.constant 0 : i32
            %dma_start3A_608 = arith.constant 0 : i32
            %dma_start3A_609 = tpu.memref_slice %arg11[%and3A_293, %dma_start3A_606, %dma_start3A_607, %dma_start3A_608] : memref<2x5x64x128xf32, #tpu.memory_space<vmem>> -> memref<1x1x64x128xf32, #tpu.memory_space<vmem>>
            %dma_start3A_610 = tpu.memref_squeeze %dma_start3A_609 : memref<1x1x64x128xf32, #tpu.memory_space<vmem>> -> memref<64x128xf32, #tpu.memory_space<vmem>>
            %dma_start3A_611 = arith.constant 0 : i32
            %dma_start3A_612 = arith.constant 256 : i32
            %dma_start3A_613 = tpu.memref_slice %arg6[%dma_start3A_611, %dma_start3A_612] : memref<64x640xf32, #tpu.memory_space<hbm>> -> memref<64x128xf32, #tpu.memory_space<hbm>>
            %dma_start3A_614 = arith.constant 0 : i32
            %dma_start3A_615 = arith.constant 0 : i32
            %dma_start3A_616 = tpu.memref_slice %arg11[%and3A_293, %dma_start3A_606, %dma_start3A_614, %dma_start3A_615] : memref<2x5x64x128xf32, #tpu.memory_space<vmem>> -> memref<1x1x64x128xf32, #tpu.memory_space<vmem>>
            %dma_start3A_617 = tpu.memref_squeeze %dma_start3A_616 : memref<1x1x64x128xf32, #tpu.memory_space<vmem>> -> memref<64x128xf32, #tpu.memory_space<vmem>>
            %dma_start3A_618 = arith.constant 0 : i32
            %dma_start3A_619 = arith.constant 256 : i32
            %dma_start3A_620 = tpu.memref_slice %arg6[%dma_start3A_618, %dma_start3A_619] : memref<64x640xf32, #tpu.memory_space<hbm>> -> memref<64x128xf32, #tpu.memory_space<hbm>>
            tpu.enqueue_dma source(%dma_start3A_620 : memref<64x128xf32, #tpu.memory_space<hbm>>) target(%dma_start3A_617 : memref<64x128xf32, #tpu.memory_space<vmem>>) target_semaphore(%arg14 : memref<!tpu.dma_semaphore, #tpu.memory_space<semaphore_mem>>)
            %dma_start3A_621 = arith.constant 3 : i32
            %dma_start3A_622 = arith.constant 0 : i32
            %dma_start3A_623 = arith.constant 0 : i32
            %dma_start3A_624 = tpu.memref_slice %arg11[%and3A_293, %dma_start3A_621, %dma_start3A_622, %dma_start3A_623] : memref<2x5x64x128xf32, #tpu.memory_space<vmem>> -> memref<1x1x64x128xf32, #tpu.memory_space<vmem>>
            %dma_start3A_625 = tpu.memref_squeeze %dma_start3A_624 : memref<1x1x64x128xf32, #tpu.memory_space<vmem>> -> memref<64x128xf32, #tpu.memory_space<vmem>>
            %dma_start3A_626 = arith.constant 0 : i32
            %dma_start3A_627 = arith.constant 384 : i32
            %dma_start3A_628 = tpu.memref_slice %arg6[%dma_start3A_626, %dma_start3A_627] : memref<64x640xf32, #tpu.memory_space<hbm>> -> memref<64x128xf32, #tpu.memory_space<hbm>>
            %dma_start3A_629 = arith.constant 0 : i32
            %dma_start3A_630 = arith.constant 0 : i32
            %dma_start3A_631 = tpu.memref_slice %arg11[%and3A_293, %dma_start3A_621, %dma_start3A_629, %dma_start3A_630] : memref<2x5x64x128xf32, #tpu.memory_space<vmem>> -> memref<1x1x64x128xf32, #tpu.memory_space<vmem>>
            %dma_start3A_632 = tpu.memref_squeeze %dma_start3A_631 : memref<1x1x64x128xf32, #tpu.memory_space<vmem>> -> memref<64x128xf32, #tpu.memory_space<vmem>>
            %dma_start3A_633 = arith.constant 0 : i32
            %dma_start3A_634 = arith.constant 384 : i32
            %dma_start3A_635 = tpu.memref_slice %arg6[%dma_start3A_633, %dma_start3A_634] : memref<64x640xf32, #tpu.memory_space<hbm>> -> memref<64x128xf32, #tpu.memory_space<hbm>>
            tpu.enqueue_dma source(%dma_start3A_635 : memref<64x128xf32, #tpu.memory_space<hbm>>) target(%dma_start3A_632 : memref<64x128xf32, #tpu.memory_space<vmem>>) target_semaphore(%arg14 : memref<!tpu.dma_semaphore, #tpu.memory_space<semaphore_mem>>)
            %dma_start3A_636 = arith.constant 4 : i32
            %dma_start3A_637 = arith.constant 0 : i32
            %dma_start3A_638 = arith.constant 0 : i32
            %dma_start3A_639 = tpu.memref_slice %arg11[%and3A_293, %dma_start3A_636, %dma_start3A_637, %dma_start3A_638] : memref<2x5x64x128xf32, #tpu.memory_space<vmem>> -> memref<1x1x64x128xf32, #tpu.memory_space<vmem>>
            %dma_start3A_640 = tpu.memref_squeeze %dma_start3A_639 : memref<1x1x64x128xf32, #tpu.memory_space<vmem>> -> memref<64x128xf32, #tpu.memory_space<vmem>>
            %dma_start3A_641 = arith.constant 0 : i32
            %dma_start3A_642 = arith.constant 512 : i32
            %dma_start3A_643 = tpu.memref_slice %arg6[%dma_start3A_641, %dma_start3A_642] : memref<64x640xf32, #tpu.memory_space<hbm>> -> memref<64x128xf32, #tpu.memory_space<hbm>>
            %dma_start3A_644 = arith.constant 0 : i32
            %dma_start3A_645 = arith.constant 0 : i32
            %dma_start3A_646 = tpu.memref_slice %arg11[%and3A_293, %dma_start3A_636, %dma_start3A_644, %dma_start3A_645] : memref<2x5x64x128xf32, #tpu.memory_space<vmem>> -> memref<1x1x64x128xf32, #tpu.memory_space<vmem>>
            %dma_start3A_647 = tpu.memref_squeeze %dma_start3A_646 : memref<1x1x64x128xf32, #tpu.memory_space<vmem>> -> memref<64x128xf32, #tpu.memory_space<vmem>>
            %dma_start3A_648 = arith.constant 0 : i32
            %dma_start3A_649 = arith.constant 512 : i32
            %dma_start3A_650 = tpu.memref_slice %arg6[%dma_start3A_648, %dma_start3A_649] : memref<64x640xf32, #tpu.memory_space<hbm>> -> memref<64x128xf32, #tpu.memory_space<hbm>>
            tpu.enqueue_dma source(%dma_start3A_650 : memref<64x128xf32, #tpu.memory_space<hbm>>) target(%dma_start3A_647 : memref<64x128xf32, #tpu.memory_space<vmem>>) target_semaphore(%arg14 : memref<!tpu.dma_semaphore, #tpu.memory_space<semaphore_mem>>)
          } else {
          }
          %lt3A_491 = arith.constant 1952 : i32
          %lt3A_492 = arith.cmpi slt, %shift_right_arithmetic3A_288, %lt3A_491 : i32
          %convert_element_type3A_493 = arith.extui %lt3A_492 : i1 to i32
          %cond3A_494 = arith.constant 0 : i32
          %cond3A_495 = arith.cmpi ne, %convert_element_type3A_493, %cond3A_494 : i32
          scf.if %cond3A_495 {
            %mul3A_576 = arith.constant 512 : i32
            %mul3A_577 = arith.muli %shift_right_arithmetic3A_288, %mul3A_576 : i32
            %add3A_578 = arith.constant 0 : i32
            %add3A_579 = arith.addi %mul3A_577, %add3A_578 : i32
            %multiple_of3A = tpu.assume_multiple %add3A_579, 128 : i32
            %dma_start3A_580 = arith.constant 0 : i32
            %dma_start3A_581 = arith.constant 0 : i32
            %dma_start3A_582 = arith.constant 0 : i32
            %dma_start3A_583 = tpu.memref_slice %arg11[%and3A_293, %dma_start3A_580, %dma_start3A_581, %dma_start3A_582] : memref<2x5x64x128xf32, #tpu.memory_space<vmem>> -> memref<1x1x64x128xf32, #tpu.memory_space<vmem>>
            %dma_start3A_584 = tpu.memref_squeeze %dma_start3A_583 : memref<1x1x64x128xf32, #tpu.memory_space<vmem>> -> memref<64x128xf32, #tpu.memory_space<vmem>>
            %dma_start3A_585 = arith.constant 0 : i32
            %dma_start3A_586 = tpu.memref_slice %arg4[%dma_start3A_585, %multiple_of3A] : memref<64x1000000xf32, #tpu.memory_space<hbm>> -> memref<64x128xf32, #tpu.memory_space<hbm>>
            %dma_start3A_587 = arith.constant 0 : i32
            %dma_start3A_588 = arith.constant 0 : i32
            %dma_start3A_589 = tpu.memref_slice %arg11[%and3A_293, %dma_start3A_580, %dma_start3A_587, %dma_start3A_588] : memref<2x5x64x128xf32, #tpu.memory_space<vmem>> -> memref<1x1x64x128xf32, #tpu.memory_space<vmem>>
            %dma_start3A_590 = tpu.memref_squeeze %dma_start3A_589 : memref<1x1x64x128xf32, #tpu.memory_space<vmem>> -> memref<64x128xf32, #tpu.memory_space<vmem>>
            %dma_start3A_591 = arith.constant 0 : i32
            %dma_start3A_592 = tpu.memref_slice %arg4[%dma_start3A_591, %multiple_of3A] : memref<64x1000000xf32, #tpu.memory_space<hbm>> -> memref<64x128xf32, #tpu.memory_space<hbm>>
            tpu.enqueue_dma source(%dma_start3A_592 : memref<64x128xf32, #tpu.memory_space<hbm>>) target(%dma_start3A_590 : memref<64x128xf32, #tpu.memory_space<vmem>>) target_semaphore(%arg14 : memref<!tpu.dma_semaphore, #tpu.memory_space<semaphore_mem>>)
            %mul3A_593 = arith.constant 512 : i32
            %mul3A_594 = arith.muli %shift_right_arithmetic3A_288, %mul3A_593 : i32
            %add3A_595 = arith.constant 128 : i32
            %add3A_596 = arith.addi %mul3A_594, %add3A_595 : i32
            %multiple_of3A_597 = tpu.assume_multiple %add3A_596, 128 : i32
            %dma_start3A_598 = arith.constant 1 : i32
            %dma_start3A_599 = arith.constant 0 : i32
            %dma_start3A_600 = arith.constant 0 : i32
            %dma_start3A_601 = tpu.memref_slice %arg11[%and3A_293, %dma_start3A_598, %dma_start3A_599, %dma_start3A_600] : memref<2x5x64x128xf32, #tpu.memory_space<vmem>> -> memref<1x1x64x128xf32, #tpu.memory_space<vmem>>
            %dma_start3A_602 = tpu.memref_squeeze %dma_start3A_601 : memref<1x1x64x128xf32, #tpu.memory_space<vmem>> -> memref<64x128xf32, #tpu.memory_space<vmem>>
            %dma_start3A_603 = arith.constant 0 : i32
            %dma_start3A_604 = tpu.memref_slice %arg4[%dma_start3A_603, %multiple_of3A_597] : memref<64x1000000xf32, #tpu.memory_space<hbm>> -> memref<64x128xf32, #tpu.memory_space<hbm>>
            %dma_start3A_605 = arith.constant 0 : i32
            %dma_start3A_606 = arith.constant 0 : i32
            %dma_start3A_607 = tpu.memref_slice %arg11[%and3A_293, %dma_start3A_598, %dma_start3A_605, %dma_start3A_606] : memref<2x5x64x128xf32, #tpu.memory_space<vmem>> -> memref<1x1x64x128xf32, #tpu.memory_space<vmem>>
            %dma_start3A_608 = tpu.memref_squeeze %dma_start3A_607 : memref<1x1x64x128xf32, #tpu.memory_space<vmem>> -> memref<64x128xf32, #tpu.memory_space<vmem>>
            %dma_start3A_609 = arith.constant 0 : i32
            %dma_start3A_610 = tpu.memref_slice %arg4[%dma_start3A_609, %multiple_of3A_597] : memref<64x1000000xf32, #tpu.memory_space<hbm>> -> memref<64x128xf32, #tpu.memory_space<hbm>>
            tpu.enqueue_dma source(%dma_start3A_610 : memref<64x128xf32, #tpu.memory_space<hbm>>) target(%dma_start3A_608 : memref<64x128xf32, #tpu.memory_space<vmem>>) target_semaphore(%arg14 : memref<!tpu.dma_semaphore, #tpu.memory_space<semaphore_mem>>)
            %mul3A_611 = arith.constant 512 : i32
            %mul3A_612 = arith.muli %shift_right_arithmetic3A_288, %mul3A_611 : i32
            %add3A_613 = arith.constant 256 : i32
            %add3A_614 = arith.addi %mul3A_612, %add3A_613 : i32
            %multiple_of3A_615 = tpu.assume_multiple %add3A_614, 128 : i32
            %dma_start3A_616 = arith.constant 2 : i32
            %dma_start3A_617 = arith.constant 0 : i32
            %dma_start3A_618 = arith.constant 0 : i32
            %dma_start3A_619 = tpu.memref_slice %arg11[%and3A_293, %dma_start3A_616, %dma_start3A_617, %dma_start3A_618] : memref<2x5x64x128xf32, #tpu.memory_space<vmem>> -> memref<1x1x64x128xf32, #tpu.memory_space<vmem>>
            %dma_start3A_620 = tpu.memref_squeeze %dma_start3A_619 : memref<1x1x64x128xf32, #tpu.memory_space<vmem>> -> memref<64x128xf32, #tpu.memory_space<vmem>>
            %dma_start3A_621 = arith.constant 0 : i32
            %dma_start3A_622 = tpu.memref_slice %arg4[%dma_start3A_621, %multiple_of3A_615] : memref<64x1000000xf32, #tpu.memory_space<hbm>> -> memref<64x128xf32, #tpu.memory_space<hbm>>
            %dma_start3A_623 = arith.constant 0 : i32
            %dma_start3A_624 = arith.constant 0 : i32
            %dma_start3A_625 = tpu.memref_slice %arg11[%and3A_293, %dma_start3A_616, %dma_start3A_623, %dma_start3A_624] : memref<2x5x64x128xf32, #tpu.memory_space<vmem>> -> memref<1x1x64x128xf32, #tpu.memory_space<vmem>>
            %dma_start3A_626 = tpu.memref_squeeze %dma_start3A_625 : memref<1x1x64x128xf32, #tpu.memory_space<vmem>> -> memref<64x128xf32, #tpu.memory_space<vmem>>
            %dma_start3A_627 = arith.constant 0 : i32
            %dma_start3A_628 = tpu.memref_slice %arg4[%dma_start3A_627, %multiple_of3A_615] : memref<64x1000000xf32, #tpu.memory_space<hbm>> -> memref<64x128xf32, #tpu.memory_space<hbm>>
            tpu.enqueue_dma source(%dma_start3A_628 : memref<64x128xf32, #tpu.memory_space<hbm>>) target(%dma_start3A_626 : memref<64x128xf32, #tpu.memory_space<vmem>>) target_semaphore(%arg14 : memref<!tpu.dma_semaphore, #tpu.memory_space<semaphore_mem>>)
            %mul3A_629 = arith.constant 512 : i32
            %mul3A_630 = arith.muli %shift_right_arithmetic3A_288, %mul3A_629 : i32
            %add3A_631 = arith.constant 384 : i32
            %add3A_632 = arith.addi %mul3A_630, %add3A_631 : i32
            %multiple_of3A_633 = tpu.assume_multiple %add3A_632, 128 : i32
            %dma_start3A_634 = arith.constant 3 : i32
            %dma_start3A_635 = arith.constant 0 : i32
            %dma_start3A_636 = arith.constant 0 : i32
            %dma_start3A_637 = tpu.memref_slice %arg11[%and3A_293, %dma_start3A_634, %dma_start3A_635, %dma_start3A_636] : memref<2x5x64x128xf32, #tpu.memory_space<vmem>> -> memref<1x1x64x128xf32, #tpu.memory_space<vmem>>
            %dma_start3A_638 = tpu.memref_squeeze %dma_start3A_637 : memref<1x1x64x128xf32, #tpu.memory_space<vmem>> -> memref<64x128xf32, #tpu.memory_space<vmem>>
            %dma_start3A_639 = arith.constant 0 : i32
            %dma_start3A_640 = tpu.memref_slice %arg4[%dma_start3A_639, %multiple_of3A_633] : memref<64x1000000xf32, #tpu.memory_space<hbm>> -> memref<64x128xf32, #tpu.memory_space<hbm>>
            %dma_start3A_641 = arith.constant 0 : i32
            %dma_start3A_642 = arith.constant 0 : i32
            %dma_start3A_643 = tpu.memref_slice %arg11[%and3A_293, %dma_start3A_634, %dma_start3A_641, %dma_start3A_642] : memref<2x5x64x128xf32, #tpu.memory_space<vmem>> -> memref<1x1x64x128xf32, #tpu.memory_space<vmem>>
            %dma_start3A_644 = tpu.memref_squeeze %dma_start3A_643 : memref<1x1x64x128xf32, #tpu.memory_space<vmem>> -> memref<64x128xf32, #tpu.memory_space<vmem>>
            %dma_start3A_645 = arith.constant 0 : i32
            %dma_start3A_646 = tpu.memref_slice %arg4[%dma_start3A_645, %multiple_of3A_633] : memref<64x1000000xf32, #tpu.memory_space<hbm>> -> memref<64x128xf32, #tpu.memory_space<hbm>>
            tpu.enqueue_dma source(%dma_start3A_646 : memref<64x128xf32, #tpu.memory_space<hbm>>) target(%dma_start3A_644 : memref<64x128xf32, #tpu.memory_space<vmem>>) target_semaphore(%arg14 : memref<!tpu.dma_semaphore, #tpu.memory_space<semaphore_mem>>)
            %mul3A_647 = arith.constant 512 : i32
            %mul3A_648 = arith.muli %shift_right_arithmetic3A_288, %mul3A_647 : i32
            %add3A_649 = arith.constant 512 : i32
            %add3A_650 = arith.addi %mul3A_648, %add3A_649 : i32
            %multiple_of3A_651 = tpu.assume_multiple %add3A_650, 128 : i32
            %dma_start3A_652 = arith.constant 4 : i32
            %dma_start3A_653 = arith.constant 0 : i32
            %dma_start3A_654 = arith.constant 0 : i32
            %dma_start3A_655 = tpu.memref_slice %arg11[%and3A_293, %dma_start3A_652, %dma_start3A_653, %dma_start3A_654] : memref<2x5x64x128xf32, #tpu.memory_space<vmem>> -> memref<1x1x64x128xf32, #tpu.memory_space<vmem>>
            %dma_start3A_656 = tpu.memref_squeeze %dma_start3A_655 : memref<1x1x64x128xf32, #tpu.memory_space<vmem>> -> memref<64x128xf32, #tpu.memory_space<vmem>>
            %dma_start3A_657 = arith.constant 0 : i32
            %dma_start3A_658 = tpu.memref_slice %arg4[%dma_start3A_657, %multiple_of3A_651] : memref<64x1000000xf32, #tpu.memory_space<hbm>> -> memref<64x128xf32, #tpu.memory_space<hbm>>
            %dma_start3A_659 = arith.constant 0 : i32
            %dma_start3A_660 = arith.constant 0 : i32
            %dma_start3A_661 = tpu.memref_slice %arg11[%and3A_293, %dma_start3A_652, %dma_start3A_659, %dma_start3A_660] : memref<2x5x64x128xf32, #tpu.memory_space<vmem>> -> memref<1x1x64x128xf32, #tpu.memory_space<vmem>>
            %dma_start3A_662 = tpu.memref_squeeze %dma_start3A_661 : memref<1x1x64x128xf32, #tpu.memory_space<vmem>> -> memref<64x128xf32, #tpu.memory_space<vmem>>
            %dma_start3A_663 = arith.constant 0 : i32
            %dma_start3A_664 = tpu.memref_slice %arg4[%dma_start3A_663, %multiple_of3A_651] : memref<64x1000000xf32, #tpu.memory_space<hbm>> -> memref<64x128xf32, #tpu.memory_space<hbm>>
            tpu.enqueue_dma source(%dma_start3A_664 : memref<64x128xf32, #tpu.memory_space<hbm>>) target(%dma_start3A_662 : memref<64x128xf32, #tpu.memory_space<vmem>>) target_semaphore(%arg14 : memref<!tpu.dma_semaphore, #tpu.memory_space<semaphore_mem>>)
          } else {
          }
          %dma_wait3A_496 = arith.constant 0 : i32
          %dma_wait3A_497 = arith.constant 0 : i32
          %dma_wait3A_498 = arith.constant 0 : i32
          %dma_wait3A_499 = arith.constant 0 : i32
          %dma_wait3A_500 = tpu.memref_slice %arg11[%dma_wait3A_496, %dma_wait3A_497, %dma_wait3A_498, %dma_wait3A_499] : memref<2x5x64x128xf32, #tpu.memory_space<vmem>> -> memref<1x1x64x128xf32, #tpu.memory_space<vmem>>
          %dma_wait3A_501 = tpu.memref_squeeze %dma_wait3A_500 : memref<1x1x64x128xf32, #tpu.memory_space<vmem>> -> memref<64x128xf32, #tpu.memory_space<vmem>>
          %dma_wait3A_502 = arith.constant 0 : i32
          %dma_wait3A_503 = arith.constant 0 : i32
          %dma_wait3A_504 = tpu.memref_slice %arg6[%dma_wait3A_502, %dma_wait3A_503] : memref<64x640xf32, #tpu.memory_space<hbm>> -> memref<64x128xf32, #tpu.memory_space<hbm>>
          %dma_wait3A_505 = arith.constant 0 : i32
          %dma_wait3A_506 = arith.constant 0 : i32
          %dma_wait3A_507 = tpu.memref_slice %arg11[%dma_wait3A_496, %dma_wait3A_497, %dma_wait3A_505, %dma_wait3A_506] : memref<2x5x64x128xf32, #tpu.memory_space<vmem>> -> memref<1x1x64x128xf32, #tpu.memory_space<vmem>>
          %dma_wait3A_508 = tpu.memref_squeeze %dma_wait3A_507 : memref<1x1x64x128xf32, #tpu.memory_space<vmem>> -> memref<64x128xf32, #tpu.memory_space<vmem>>
          %dma_wait3A_509 = arith.constant 0 : i32
          %dma_wait3A_510 = arith.constant 0 : i32
          %dma_wait3A_511 = tpu.memref_slice %arg6[%dma_wait3A_509, %dma_wait3A_510] : memref<64x640xf32, #tpu.memory_space<hbm>> -> memref<64x128xf32, #tpu.memory_space<hbm>>
          tpu.wait_dma2 semaphore(%arg14 : memref<!tpu.dma_semaphore, #tpu.memory_space<semaphore_mem>>) src(%dma_wait3A_511 : memref<64x128xf32, #tpu.memory_space<hbm>>) dst(%dma_wait3A_508 : memref<64x128xf32, #tpu.memory_space<vmem>>)
          %dma_wait3A_512 = arith.constant 0 : i32
          %dma_wait3A_513 = arith.constant 0 : i32
          %dma_wait3A_514 = arith.constant 0 : i32
          %dma_wait3A_515 = arith.constant 0 : i32
          %dma_wait3A_516 = tpu.memref_slice %arg11[%dma_wait3A_512, %dma_wait3A_513, %dma_wait3A_514, %dma_wait3A_515] : memref<2x5x64x128xf32, #tpu.memory_space<vmem>> -> memref<1x1x64x128xf32, #tpu.memory_space<vmem>>
          %dma_wait3A_517 = tpu.memref_squeeze %dma_wait3A_516 : memref<1x1x64x128xf32, #tpu.memory_space<vmem>> -> memref<64x128xf32, #tpu.memory_space<vmem>>
          %dma_wait3A_518 = arith.constant 0 : i32
          %dma_wait3A_519 = arith.constant 0 : i32
          %dma_wait3A_520 = tpu.memref_slice %arg6[%dma_wait3A_518, %dma_wait3A_519] : memref<64x640xf32, #tpu.memory_space<hbm>> -> memref<64x128xf32, #tpu.memory_space<hbm>>
          %dma_wait3A_521 = arith.constant 0 : i32
          %dma_wait3A_522 = arith.constant 0 : i32
          %dma_wait3A_523 = tpu.memref_slice %arg11[%dma_wait3A_512, %dma_wait3A_513, %dma_wait3A_521, %dma_wait3A_522] : memref<2x5x64x128xf32, #tpu.memory_space<vmem>> -> memref<1x1x64x128xf32, #tpu.memory_space<vmem>>
          %dma_wait3A_524 = tpu.memref_squeeze %dma_wait3A_523 : memref<1x1x64x128xf32, #tpu.memory_space<vmem>> -> memref<64x128xf32, #tpu.memory_space<vmem>>
          %dma_wait3A_525 = arith.constant 0 : i32
          %dma_wait3A_526 = arith.constant 0 : i32
          %dma_wait3A_527 = tpu.memref_slice %arg6[%dma_wait3A_525, %dma_wait3A_526] : memref<64x640xf32, #tpu.memory_space<hbm>> -> memref<64x128xf32, #tpu.memory_space<hbm>>
          tpu.wait_dma2 semaphore(%arg14 : memref<!tpu.dma_semaphore, #tpu.memory_space<semaphore_mem>>) src(%dma_wait3A_527 : memref<64x128xf32, #tpu.memory_space<hbm>>) dst(%dma_wait3A_524 : memref<64x128xf32, #tpu.memory_space<vmem>>)
          %dma_wait3A_528 = arith.constant 0 : i32
          %dma_wait3A_529 = arith.constant 0 : i32
          %dma_wait3A_530 = arith.constant 0 : i32
          %dma_wait3A_531 = arith.constant 0 : i32
          %dma_wait3A_532 = tpu.memref_slice %arg11[%dma_wait3A_528, %dma_wait3A_529, %dma_wait3A_530, %dma_wait3A_531] : memref<2x5x64x128xf32, #tpu.memory_space<vmem>> -> memref<1x1x64x128xf32, #tpu.memory_space<vmem>>
          %dma_wait3A_533 = tpu.memref_squeeze %dma_wait3A_532 : memref<1x1x64x128xf32, #tpu.memory_space<vmem>> -> memref<64x128xf32, #tpu.memory_space<vmem>>
          %dma_wait3A_534 = arith.constant 0 : i32
          %dma_wait3A_535 = arith.constant 0 : i32
          %dma_wait3A_536 = tpu.memref_slice %arg6[%dma_wait3A_534, %dma_wait3A_535] : memref<64x640xf32, #tpu.memory_space<hbm>> -> memref<64x128xf32, #tpu.memory_space<hbm>>
          %dma_wait3A_537 = arith.constant 0 : i32
          %dma_wait3A_538 = arith.constant 0 : i32
          %dma_wait3A_539 = tpu.memref_slice %arg11[%dma_wait3A_528, %dma_wait3A_529, %dma_wait3A_537, %dma_wait3A_538] : memref<2x5x64x128xf32, #tpu.memory_space<vmem>> -> memref<1x1x64x128xf32, #tpu.memory_space<vmem>>
          %dma_wait3A_540 = tpu.memref_squeeze %dma_wait3A_539 : memref<1x1x64x128xf32, #tpu.memory_space<vmem>> -> memref<64x128xf32, #tpu.memory_space<vmem>>
          %dma_wait3A_541 = arith.constant 0 : i32
          %dma_wait3A_542 = arith.constant 0 : i32
          %dma_wait3A_543 = tpu.memref_slice %arg6[%dma_wait3A_541, %dma_wait3A_542] : memref<64x640xf32, #tpu.memory_space<hbm>> -> memref<64x128xf32, #tpu.memory_space<hbm>>
          tpu.wait_dma2 semaphore(%arg14 : memref<!tpu.dma_semaphore, #tpu.memory_space<semaphore_mem>>) src(%dma_wait3A_543 : memref<64x128xf32, #tpu.memory_space<hbm>>) dst(%dma_wait3A_540 : memref<64x128xf32, #tpu.memory_space<vmem>>)
          %dma_wait3A_544 = arith.constant 0 : i32
          %dma_wait3A_545 = arith.constant 0 : i32
          %dma_wait3A_546 = arith.constant 0 : i32
          %dma_wait3A_547 = arith.constant 0 : i32
          %dma_wait3A_548 = tpu.memref_slice %arg11[%dma_wait3A_544, %dma_wait3A_545, %dma_wait3A_546, %dma_wait3A_547] : memref<2x5x64x128xf32, #tpu.memory_space<vmem>> -> memref<1x1x64x128xf32, #tpu.memory_space<vmem>>
          %dma_wait3A_549 = tpu.memref_squeeze %dma_wait3A_548 : memref<1x1x64x128xf32, #tpu.memory_space<vmem>> -> memref<64x128xf32, #tpu.memory_space<vmem>>
          %dma_wait3A_550 = arith.constant 0 : i32
          %dma_wait3A_551 = arith.constant 0 : i32
          %dma_wait3A_552 = tpu.memref_slice %arg6[%dma_wait3A_550, %dma_wait3A_551] : memref<64x640xf32, #tpu.memory_space<hbm>> -> memref<64x128xf32, #tpu.memory_space<hbm>>
          %dma_wait3A_553 = arith.constant 0 : i32
          %dma_wait3A_554 = arith.constant 0 : i32
          %dma_wait3A_555 = tpu.memref_slice %arg11[%dma_wait3A_544, %dma_wait3A_545, %dma_wait3A_553, %dma_wait3A_554] : memref<2x5x64x128xf32, #tpu.memory_space<vmem>> -> memref<1x1x64x128xf32, #tpu.memory_space<vmem>>
          %dma_wait3A_556 = tpu.memref_squeeze %dma_wait3A_555 : memref<1x1x64x128xf32, #tpu.memory_space<vmem>> -> memref<64x128xf32, #tpu.memory_space<vmem>>
          %dma_wait3A_557 = arith.constant 0 : i32
          %dma_wait3A_558 = arith.constant 0 : i32
          %dma_wait3A_559 = tpu.memref_slice %arg6[%dma_wait3A_557, %dma_wait3A_558] : memref<64x640xf32, #tpu.memory_space<hbm>> -> memref<64x128xf32, #tpu.memory_space<hbm>>
          tpu.wait_dma2 semaphore(%arg14 : memref<!tpu.dma_semaphore, #tpu.memory_space<semaphore_mem>>) src(%dma_wait3A_559 : memref<64x128xf32, #tpu.memory_space<hbm>>) dst(%dma_wait3A_556 : memref<64x128xf32, #tpu.memory_space<vmem>>)
          %dma_wait3A_560 = arith.constant 0 : i32
          %dma_wait3A_561 = arith.constant 0 : i32
          %dma_wait3A_562 = arith.constant 0 : i32
          %dma_wait3A_563 = arith.constant 0 : i32
          %dma_wait3A_564 = tpu.memref_slice %arg11[%dma_wait3A_560, %dma_wait3A_561, %dma_wait3A_562, %dma_wait3A_563] : memref<2x5x64x128xf32, #tpu.memory_space<vmem>> -> memref<1x1x64x128xf32, #tpu.memory_space<vmem>>
          %dma_wait3A_565 = tpu.memref_squeeze %dma_wait3A_564 : memref<1x1x64x128xf32, #tpu.memory_space<vmem>> -> memref<64x128xf32, #tpu.memory_space<vmem>>
          %dma_wait3A_566 = arith.constant 0 : i32
          %dma_wait3A_567 = arith.constant 0 : i32
          %dma_wait3A_568 = tpu.memref_slice %arg6[%dma_wait3A_566, %dma_wait3A_567] : memref<64x640xf32, #tpu.memory_space<hbm>> -> memref<64x128xf32, #tpu.memory_space<hbm>>
          %dma_wait3A_569 = arith.constant 0 : i32
          %dma_wait3A_570 = arith.constant 0 : i32
          %dma_wait3A_571 = tpu.memref_slice %arg11[%dma_wait3A_560, %dma_wait3A_561, %dma_wait3A_569, %dma_wait3A_570] : memref<2x5x64x128xf32, #tpu.memory_space<vmem>> -> memref<1x1x64x128xf32, #tpu.memory_space<vmem>>
          %dma_wait3A_572 = tpu.memref_squeeze %dma_wait3A_571 : memref<1x1x64x128xf32, #tpu.memory_space<vmem>> -> memref<64x128xf32, #tpu.memory_space<vmem>>
          %dma_wait3A_573 = arith.constant 0 : i32
          %dma_wait3A_574 = arith.constant 0 : i32
          %dma_wait3A_575 = tpu.memref_slice %arg6[%dma_wait3A_573, %dma_wait3A_574] : memref<64x640xf32, #tpu.memory_space<hbm>> -> memref<64x128xf32, #tpu.memory_space<hbm>>
          tpu.wait_dma2 semaphore(%arg14 : memref<!tpu.dma_semaphore, #tpu.memory_space<semaphore_mem>>) src(%dma_wait3A_575 : memref<64x128xf32, #tpu.memory_space<hbm>>) dst(%dma_wait3A_572 : memref<64x128xf32, #tpu.memory_space<vmem>>)
        } else {
        }
        %add3A_470 = arith.constant 1 : i32
        %add3A_471 = arith.addi %shift_right_arithmetic3A_288, %add3A_470 : i32
        %add3A_472 = arith.constant 1 : i32
        %add3A_473 = arith.addi %shift_right_arithmetic3A_288, %add3A_472 : i32
        %and3A_474 = arith.constant 1 : i32
        %and3A_475 = arith.andi %add3A_473, %and3A_474 : i32
        %ge3A_476 = arith.constant 1952 : i32
        %ge3A_477 = arith.cmpi sge, %add3A_471, %ge3A_476 : i32
        %convert_element_type3A_478 = arith.extui %ge3A_477 : i1 to i32
        %cond3A_479 = arith.constant 0 : i32
        %cond3A_480 = arith.cmpi ne, %convert_element_type3A_478, %cond3A_479 : i32
        scf.if %cond3A_480 {
          %dma_start3A_486 = arith.constant 0 : i32
          %dma_start3A_487 = arith.constant 0 : i32
          %dma_start3A_488 = arith.constant 0 : i32
          %dma_start3A_489 = tpu.memref_slice %arg11[%and3A_475, %dma_start3A_486, %dma_start3A_487, %dma_start3A_488] : memref<2x5x64x128xf32, #tpu.memory_space<vmem>> -> memref<1x1x64x128xf32, #tpu.memory_space<vmem>>
          %dma_start3A_490 = tpu.memref_squeeze %dma_start3A_489 : memref<1x1x64x128xf32, #tpu.memory_space<vmem>> -> memref<64x128xf32, #tpu.memory_space<vmem>>
          %dma_start3A_491 = arith.constant 0 : i32
          %dma_start3A_492 = arith.constant 0 : i32
          %dma_start3A_493 = tpu.memref_slice %arg6[%dma_start3A_491, %dma_start3A_492] : memref<64x640xf32, #tpu.memory_space<hbm>> -> memref<64x128xf32, #tpu.memory_space<hbm>>
          %dma_start3A_494 = arith.constant 0 : i32
          %dma_start3A_495 = arith.constant 0 : i32
          %dma_start3A_496 = tpu.memref_slice %arg11[%and3A_475, %dma_start3A_486, %dma_start3A_494, %dma_start3A_495] : memref<2x5x64x128xf32, #tpu.memory_space<vmem>> -> memref<1x1x64x128xf32, #tpu.memory_space<vmem>>
          %dma_start3A_497 = tpu.memref_squeeze %dma_start3A_496 : memref<1x1x64x128xf32, #tpu.memory_space<vmem>> -> memref<64x128xf32, #tpu.memory_space<vmem>>
          %dma_start3A_498 = arith.constant 0 : i32
          %dma_start3A_499 = arith.constant 0 : i32
          %dma_start3A_500 = tpu.memref_slice %arg6[%dma_start3A_498, %dma_start3A_499] : memref<64x640xf32, #tpu.memory_space<hbm>> -> memref<64x128xf32, #tpu.memory_space<hbm>>
          tpu.enqueue_dma source(%dma_start3A_500 : memref<64x128xf32, #tpu.memory_space<hbm>>) target(%dma_start3A_497 : memref<64x128xf32, #tpu.memory_space<vmem>>) target_semaphore(%arg14 : memref<!tpu.dma_semaphore, #tpu.memory_space<semaphore_mem>>)
          %dma_start3A_501 = arith.constant 1 : i32
          %dma_start3A_502 = arith.constant 0 : i32
          %dma_start3A_503 = arith.constant 0 : i32
          %dma_start3A_504 = tpu.memref_slice %arg11[%and3A_475, %dma_start3A_501, %dma_start3A_502, %dma_start3A_503] : memref<2x5x64x128xf32, #tpu.memory_space<vmem>> -> memref<1x1x64x128xf32, #tpu.memory_space<vmem>>
          %dma_start3A_505 = tpu.memref_squeeze %dma_start3A_504 : memref<1x1x64x128xf32, #tpu.memory_space<vmem>> -> memref<64x128xf32, #tpu.memory_space<vmem>>
          %dma_start3A_506 = arith.constant 0 : i32
          %dma_start3A_507 = arith.constant 128 : i32
          %dma_start3A_508 = tpu.memref_slice %arg6[%dma_start3A_506, %dma_start3A_507] : memref<64x640xf32, #tpu.memory_space<hbm>> -> memref<64x128xf32, #tpu.memory_space<hbm>>
          %dma_start3A_509 = arith.constant 0 : i32
          %dma_start3A_510 = arith.constant 0 : i32
          %dma_start3A_511 = tpu.memref_slice %arg11[%and3A_475, %dma_start3A_501, %dma_start3A_509, %dma_start3A_510] : memref<2x5x64x128xf32, #tpu.memory_space<vmem>> -> memref<1x1x64x128xf32, #tpu.memory_space<vmem>>
          %dma_start3A_512 = tpu.memref_squeeze %dma_start3A_511 : memref<1x1x64x128xf32, #tpu.memory_space<vmem>> -> memref<64x128xf32, #tpu.memory_space<vmem>>
          %dma_start3A_513 = arith.constant 0 : i32
          %dma_start3A_514 = arith.constant 128 : i32
          %dma_start3A_515 = tpu.memref_slice %arg6[%dma_start3A_513, %dma_start3A_514] : memref<64x640xf32, #tpu.memory_space<hbm>> -> memref<64x128xf32, #tpu.memory_space<hbm>>
          tpu.enqueue_dma source(%dma_start3A_515 : memref<64x128xf32, #tpu.memory_space<hbm>>) target(%dma_start3A_512 : memref<64x128xf32, #tpu.memory_space<vmem>>) target_semaphore(%arg14 : memref<!tpu.dma_semaphore, #tpu.memory_space<semaphore_mem>>)
          %dma_start3A_516 = arith.constant 2 : i32
          %dma_start3A_517 = arith.constant 0 : i32
          %dma_start3A_518 = arith.constant 0 : i32
          %dma_start3A_519 = tpu.memref_slice %arg11[%and3A_475, %dma_start3A_516, %dma_start3A_517, %dma_start3A_518] : memref<2x5x64x128xf32, #tpu.memory_space<vmem>> -> memref<1x1x64x128xf32, #tpu.memory_space<vmem>>
          %dma_start3A_520 = tpu.memref_squeeze %dma_start3A_519 : memref<1x1x64x128xf32, #tpu.memory_space<vmem>> -> memref<64x128xf32, #tpu.memory_space<vmem>>
          %dma_start3A_521 = arith.constant 0 : i32
          %dma_start3A_522 = arith.constant 256 : i32
          %dma_start3A_523 = tpu.memref_slice %arg6[%dma_start3A_521, %dma_start3A_522] : memref<64x640xf32, #tpu.memory_space<hbm>> -> memref<64x128xf32, #tpu.memory_space<hbm>>
          %dma_start3A_524 = arith.constant 0 : i32
          %dma_start3A_525 = arith.constant 0 : i32
          %dma_start3A_526 = tpu.memref_slice %arg11[%and3A_475, %dma_start3A_516, %dma_start3A_524, %dma_start3A_525] : memref<2x5x64x128xf32, #tpu.memory_space<vmem>> -> memref<1x1x64x128xf32, #tpu.memory_space<vmem>>
          %dma_start3A_527 = tpu.memref_squeeze %dma_start3A_526 : memref<1x1x64x128xf32, #tpu.memory_space<vmem>> -> memref<64x128xf32, #tpu.memory_space<vmem>>
          %dma_start3A_528 = arith.constant 0 : i32
          %dma_start3A_529 = arith.constant 256 : i32
          %dma_start3A_530 = tpu.memref_slice %arg6[%dma_start3A_528, %dma_start3A_529] : memref<64x640xf32, #tpu.memory_space<hbm>> -> memref<64x128xf32, #tpu.memory_space<hbm>>
          tpu.enqueue_dma source(%dma_start3A_530 : memref<64x128xf32, #tpu.memory_space<hbm>>) target(%dma_start3A_527 : memref<64x128xf32, #tpu.memory_space<vmem>>) target_semaphore(%arg14 : memref<!tpu.dma_semaphore, #tpu.memory_space<semaphore_mem>>)
          %dma_start3A_531 = arith.constant 3 : i32
          %dma_start3A_532 = arith.constant 0 : i32
          %dma_start3A_533 = arith.constant 0 : i32
          %dma_start3A_534 = tpu.memref_slice %arg11[%and3A_475, %dma_start3A_531, %dma_start3A_532, %dma_start3A_533] : memref<2x5x64x128xf32, #tpu.memory_space<vmem>> -> memref<1x1x64x128xf32, #tpu.memory_space<vmem>>
          %dma_start3A_535 = tpu.memref_squeeze %dma_start3A_534 : memref<1x1x64x128xf32, #tpu.memory_space<vmem>> -> memref<64x128xf32, #tpu.memory_space<vmem>>
          %dma_start3A_536 = arith.constant 0 : i32
          %dma_start3A_537 = arith.constant 384 : i32
          %dma_start3A_538 = tpu.memref_slice %arg6[%dma_start3A_536, %dma_start3A_537] : memref<64x640xf32, #tpu.memory_space<hbm>> -> memref<64x128xf32, #tpu.memory_space<hbm>>
          %dma_start3A_539 = arith.constant 0 : i32
          %dma_start3A_540 = arith.constant 0 : i32
          %dma_start3A_541 = tpu.memref_slice %arg11[%and3A_475, %dma_start3A_531, %dma_start3A_539, %dma_start3A_540] : memref<2x5x64x128xf32, #tpu.memory_space<vmem>> -> memref<1x1x64x128xf32, #tpu.memory_space<vmem>>
          %dma_start3A_542 = tpu.memref_squeeze %dma_start3A_541 : memref<1x1x64x128xf32, #tpu.memory_space<vmem>> -> memref<64x128xf32, #tpu.memory_space<vmem>>
          %dma_start3A_543 = arith.constant 0 : i32
          %dma_start3A_544 = arith.constant 384 : i32
          %dma_start3A_545 = tpu.memref_slice %arg6[%dma_start3A_543, %dma_start3A_544] : memref<64x640xf32, #tpu.memory_space<hbm>> -> memref<64x128xf32, #tpu.memory_space<hbm>>
          tpu.enqueue_dma source(%dma_start3A_545 : memref<64x128xf32, #tpu.memory_space<hbm>>) target(%dma_start3A_542 : memref<64x128xf32, #tpu.memory_space<vmem>>) target_semaphore(%arg14 : memref<!tpu.dma_semaphore, #tpu.memory_space<semaphore_mem>>)
          %dma_start3A_546 = arith.constant 4 : i32
          %dma_start3A_547 = arith.constant 0 : i32
          %dma_start3A_548 = arith.constant 0 : i32
          %dma_start3A_549 = tpu.memref_slice %arg11[%and3A_475, %dma_start3A_546, %dma_start3A_547, %dma_start3A_548] : memref<2x5x64x128xf32, #tpu.memory_space<vmem>> -> memref<1x1x64x128xf32, #tpu.memory_space<vmem>>
          %dma_start3A_550 = tpu.memref_squeeze %dma_start3A_549 : memref<1x1x64x128xf32, #tpu.memory_space<vmem>> -> memref<64x128xf32, #tpu.memory_space<vmem>>
          %dma_start3A_551 = arith.constant 0 : i32
          %dma_start3A_552 = arith.constant 512 : i32
          %dma_start3A_553 = tpu.memref_slice %arg6[%dma_start3A_551, %dma_start3A_552] : memref<64x640xf32, #tpu.memory_space<hbm>> -> memref<64x128xf32, #tpu.memory_space<hbm>>
          %dma_start3A_554 = arith.constant 0 : i32
          %dma_start3A_555 = arith.constant 0 : i32
          %dma_start3A_556 = tpu.memref_slice %arg11[%and3A_475, %dma_start3A_546, %dma_start3A_554, %dma_start3A_555] : memref<2x5x64x128xf32, #tpu.memory_space<vmem>> -> memref<1x1x64x128xf32, #tpu.memory_space<vmem>>
          %dma_start3A_557 = tpu.memref_squeeze %dma_start3A_556 : memref<1x1x64x128xf32, #tpu.memory_space<vmem>> -> memref<64x128xf32, #tpu.memory_space<vmem>>
          %dma_start3A_558 = arith.constant 0 : i32
          %dma_start3A_559 = arith.constant 512 : i32
          %dma_start3A_560 = tpu.memref_slice %arg6[%dma_start3A_558, %dma_start3A_559] : memref<64x640xf32, #tpu.memory_space<hbm>> -> memref<64x128xf32, #tpu.memory_space<hbm>>
          tpu.enqueue_dma source(%dma_start3A_560 : memref<64x128xf32, #tpu.memory_space<hbm>>) target(%dma_start3A_557 : memref<64x128xf32, #tpu.memory_space<vmem>>) target_semaphore(%arg14 : memref<!tpu.dma_semaphore, #tpu.memory_space<semaphore_mem>>)
        } else {
        }
        %lt3A_481 = arith.constant 1952 : i32
        %lt3A_482 = arith.cmpi slt, %add3A_471, %lt3A_481 : i32
        %convert_element_type3A_483 = arith.extui %lt3A_482 : i1 to i32
        %cond3A_484 = arith.constant 0 : i32
        %cond3A_485 = arith.cmpi ne, %convert_element_type3A_483, %cond3A_484 : i32
        scf.if %cond3A_485 {
          %mul3A_486 = arith.constant 512 : i32
          %mul3A_487 = arith.muli %add3A_471, %mul3A_486 : i32
          %add3A_488 = arith.constant 0 : i32
          %add3A_489 = arith.addi %mul3A_487, %add3A_488 : i32
          %multiple_of3A = tpu.assume_multiple %add3A_489, 128 : i32
          %dma_start3A_490 = arith.constant 0 : i32
          %dma_start3A_491 = arith.constant 0 : i32
          %dma_start3A_492 = arith.constant 0 : i32
          %dma_start3A_493 = tpu.memref_slice %arg11[%and3A_475, %dma_start3A_490, %dma_start3A_491, %dma_start3A_492] : memref<2x5x64x128xf32, #tpu.memory_space<vmem>> -> memref<1x1x64x128xf32, #tpu.memory_space<vmem>>
          %dma_start3A_494 = tpu.memref_squeeze %dma_start3A_493 : memref<1x1x64x128xf32, #tpu.memory_space<vmem>> -> memref<64x128xf32, #tpu.memory_space<vmem>>
          %dma_start3A_495 = arith.constant 0 : i32
          %dma_start3A_496 = tpu.memref_slice %arg4[%dma_start3A_495, %multiple_of3A] : memref<64x1000000xf32, #tpu.memory_space<hbm>> -> memref<64x128xf32, #tpu.memory_space<hbm>>
          %dma_start3A_497 = arith.constant 0 : i32
          %dma_start3A_498 = arith.constant 0 : i32
          %dma_start3A_499 = tpu.memref_slice %arg11[%and3A_475, %dma_start3A_490, %dma_start3A_497, %dma_start3A_498] : memref<2x5x64x128xf32, #tpu.memory_space<vmem>> -> memref<1x1x64x128xf32, #tpu.memory_space<vmem>>
          %dma_start3A_500 = tpu.memref_squeeze %dma_start3A_499 : memref<1x1x64x128xf32, #tpu.memory_space<vmem>> -> memref<64x128xf32, #tpu.memory_space<vmem>>
          %dma_start3A_501 = arith.constant 0 : i32
          %dma_start3A_502 = tpu.memref_slice %arg4[%dma_start3A_501, %multiple_of3A] : memref<64x1000000xf32, #tpu.memory_space<hbm>> -> memref<64x128xf32, #tpu.memory_space<hbm>>
          tpu.enqueue_dma source(%dma_start3A_502 : memref<64x128xf32, #tpu.memory_space<hbm>>) target(%dma_start3A_500 : memref<64x128xf32, #tpu.memory_space<vmem>>) target_semaphore(%arg14 : memref<!tpu.dma_semaphore, #tpu.memory_space<semaphore_mem>>)
          %mul3A_503 = arith.constant 512 : i32
          %mul3A_504 = arith.muli %add3A_471, %mul3A_503 : i32
          %add3A_505 = arith.constant 128 : i32
          %add3A_506 = arith.addi %mul3A_504, %add3A_505 : i32
          %multiple_of3A_507 = tpu.assume_multiple %add3A_506, 128 : i32
          %dma_start3A_508 = arith.constant 1 : i32
          %dma_start3A_509 = arith.constant 0 : i32
          %dma_start3A_510 = arith.constant 0 : i32
          %dma_start3A_511 = tpu.memref_slice %arg11[%and3A_475, %dma_start3A_508, %dma_start3A_509, %dma_start3A_510] : memref<2x5x64x128xf32, #tpu.memory_space<vmem>> -> memref<1x1x64x128xf32, #tpu.memory_space<vmem>>
          %dma_start3A_512 = tpu.memref_squeeze %dma_start3A_511 : memref<1x1x64x128xf32, #tpu.memory_space<vmem>> -> memref<64x128xf32, #tpu.memory_space<vmem>>
          %dma_start3A_513 = arith.constant 0 : i32
          %dma_start3A_514 = tpu.memref_slice %arg4[%dma_start3A_513, %multiple_of3A_507] : memref<64x1000000xf32, #tpu.memory_space<hbm>> -> memref<64x128xf32, #tpu.memory_space<hbm>>
          %dma_start3A_515 = arith.constant 0 : i32
          %dma_start3A_516 = arith.constant 0 : i32
          %dma_start3A_517 = tpu.memref_slice %arg11[%and3A_475, %dma_start3A_508, %dma_start3A_515, %dma_start3A_516] : memref<2x5x64x128xf32, #tpu.memory_space<vmem>> -> memref<1x1x64x128xf32, #tpu.memory_space<vmem>>
          %dma_start3A_518 = tpu.memref_squeeze %dma_start3A_517 : memref<1x1x64x128xf32, #tpu.memory_space<vmem>> -> memref<64x128xf32, #tpu.memory_space<vmem>>
          %dma_start3A_519 = arith.constant 0 : i32
          %dma_start3A_520 = tpu.memref_slice %arg4[%dma_start3A_519, %multiple_of3A_507] : memref<64x1000000xf32, #tpu.memory_space<hbm>> -> memref<64x128xf32, #tpu.memory_space<hbm>>
          tpu.enqueue_dma source(%dma_start3A_520 : memref<64x128xf32, #tpu.memory_space<hbm>>) target(%dma_start3A_518 : memref<64x128xf32, #tpu.memory_space<vmem>>) target_semaphore(%arg14 : memref<!tpu.dma_semaphore, #tpu.memory_space<semaphore_mem>>)
          %mul3A_521 = arith.constant 512 : i32
          %mul3A_522 = arith.muli %add3A_471, %mul3A_521 : i32
          %add3A_523 = arith.constant 256 : i32
          %add3A_524 = arith.addi %mul3A_522, %add3A_523 : i32
          %multiple_of3A_525 = tpu.assume_multiple %add3A_524, 128 : i32
          %dma_start3A_526 = arith.constant 2 : i32
          %dma_start3A_527 = arith.constant 0 : i32
          %dma_start3A_528 = arith.constant 0 : i32
          %dma_start3A_529 = tpu.memref_slice %arg11[%and3A_475, %dma_start3A_526, %dma_start3A_527, %dma_start3A_528] : memref<2x5x64x128xf32, #tpu.memory_space<vmem>> -> memref<1x1x64x128xf32, #tpu.memory_space<vmem>>
          %dma_start3A_530 = tpu.memref_squeeze %dma_start3A_529 : memref<1x1x64x128xf32, #tpu.memory_space<vmem>> -> memref<64x128xf32, #tpu.memory_space<vmem>>
          %dma_start3A_531 = arith.constant 0 : i32
          %dma_start3A_532 = tpu.memref_slice %arg4[%dma_start3A_531, %multiple_of3A_525] : memref<64x1000000xf32, #tpu.memory_space<hbm>> -> memref<64x128xf32, #tpu.memory_space<hbm>>
          %dma_start3A_533 = arith.constant 0 : i32
          %dma_start3A_534 = arith.constant 0 : i32
          %dma_start3A_535 = tpu.memref_slice %arg11[%and3A_475, %dma_start3A_526, %dma_start3A_533, %dma_start3A_534] : memref<2x5x64x128xf32, #tpu.memory_space<vmem>> -> memref<1x1x64x128xf32, #tpu.memory_space<vmem>>
          %dma_start3A_536 = tpu.memref_squeeze %dma_start3A_535 : memref<1x1x64x128xf32, #tpu.memory_space<vmem>> -> memref<64x128xf32, #tpu.memory_space<vmem>>
          %dma_start3A_537 = arith.constant 0 : i32
          %dma_start3A_538 = tpu.memref_slice %arg4[%dma_start3A_537, %multiple_of3A_525] : memref<64x1000000xf32, #tpu.memory_space<hbm>> -> memref<64x128xf32, #tpu.memory_space<hbm>>
          tpu.enqueue_dma source(%dma_start3A_538 : memref<64x128xf32, #tpu.memory_space<hbm>>) target(%dma_start3A_536 : memref<64x128xf32, #tpu.memory_space<vmem>>) target_semaphore(%arg14 : memref<!tpu.dma_semaphore, #tpu.memory_space<semaphore_mem>>)
          %mul3A_539 = arith.constant 512 : i32
          %mul3A_540 = arith.muli %add3A_471, %mul3A_539 : i32
          %add3A_541 = arith.constant 384 : i32
          %add3A_542 = arith.addi %mul3A_540, %add3A_541 : i32
          %multiple_of3A_543 = tpu.assume_multiple %add3A_542, 128 : i32
          %dma_start3A_544 = arith.constant 3 : i32
          %dma_start3A_545 = arith.constant 0 : i32
          %dma_start3A_546 = arith.constant 0 : i32
          %dma_start3A_547 = tpu.memref_slice %arg11[%and3A_475, %dma_start3A_544, %dma_start3A_545, %dma_start3A_546] : memref<2x5x64x128xf32, #tpu.memory_space<vmem>> -> memref<1x1x64x128xf32, #tpu.memory_space<vmem>>
          %dma_start3A_548 = tpu.memref_squeeze %dma_start3A_547 : memref<1x1x64x128xf32, #tpu.memory_space<vmem>> -> memref<64x128xf32, #tpu.memory_space<vmem>>
          %dma_start3A_549 = arith.constant 0 : i32
          %dma_start3A_550 = tpu.memref_slice %arg4[%dma_start3A_549, %multiple_of3A_543] : memref<64x1000000xf32, #tpu.memory_space<hbm>> -> memref<64x128xf32, #tpu.memory_space<hbm>>
          %dma_start3A_551 = arith.constant 0 : i32
          %dma_start3A_552 = arith.constant 0 : i32
          %dma_start3A_553 = tpu.memref_slice %arg11[%and3A_475, %dma_start3A_544, %dma_start3A_551, %dma_start3A_552] : memref<2x5x64x128xf32, #tpu.memory_space<vmem>> -> memref<1x1x64x128xf32, #tpu.memory_space<vmem>>
          %dma_start3A_554 = tpu.memref_squeeze %dma_start3A_553 : memref<1x1x64x128xf32, #tpu.memory_space<vmem>> -> memref<64x128xf32, #tpu.memory_space<vmem>>
          %dma_start3A_555 = arith.constant 0 : i32
          %dma_start3A_556 = tpu.memref_slice %arg4[%dma_start3A_555, %multiple_of3A_543] : memref<64x1000000xf32, #tpu.memory_space<hbm>> -> memref<64x128xf32, #tpu.memory_space<hbm>>
          tpu.enqueue_dma source(%dma_start3A_556 : memref<64x128xf32, #tpu.memory_space<hbm>>) target(%dma_start3A_554 : memref<64x128xf32, #tpu.memory_space<vmem>>) target_semaphore(%arg14 : memref<!tpu.dma_semaphore, #tpu.memory_space<semaphore_mem>>)
          %mul3A_557 = arith.constant 512 : i32
          %mul3A_558 = arith.muli %add3A_471, %mul3A_557 : i32
          %add3A_559 = arith.constant 512 : i32
          %add3A_560 = arith.addi %mul3A_558, %add3A_559 : i32
          %multiple_of3A_561 = tpu.assume_multiple %add3A_560, 128 : i32
          %dma_start3A_562 = arith.constant 4 : i32
          %dma_start3A_563 = arith.constant 0 : i32
          %dma_start3A_564 = arith.constant 0 : i32
          %dma_start3A_565 = tpu.memref_slice %arg11[%and3A_475, %dma_start3A_562, %dma_start3A_563, %dma_start3A_564] : memref<2x5x64x128xf32, #tpu.memory_space<vmem>> -> memref<1x1x64x128xf32, #tpu.memory_space<vmem>>
          %dma_start3A_566 = tpu.memref_squeeze %dma_start3A_565 : memref<1x1x64x128xf32, #tpu.memory_space<vmem>> -> memref<64x128xf32, #tpu.memory_space<vmem>>
          %dma_start3A_567 = arith.constant 0 : i32
          %dma_start3A_568 = tpu.memref_slice %arg4[%dma_start3A_567, %multiple_of3A_561] : memref<64x1000000xf32, #tpu.memory_space<hbm>> -> memref<64x128xf32, #tpu.memory_space<hbm>>
          %dma_start3A_569 = arith.constant 0 : i32
          %dma_start3A_570 = arith.constant 0 : i32
          %dma_start3A_571 = tpu.memref_slice %arg11[%and3A_475, %dma_start3A_562, %dma_start3A_569, %dma_start3A_570] : memref<2x5x64x128xf32, #tpu.memory_space<vmem>> -> memref<1x1x64x128xf32, #tpu.memory_space<vmem>>
          %dma_start3A_572 = tpu.memref_squeeze %dma_start3A_571 : memref<1x1x64x128xf32, #tpu.memory_space<vmem>> -> memref<64x128xf32, #tpu.memory_space<vmem>>
          %dma_start3A_573 = arith.constant 0 : i32
          %dma_start3A_574 = tpu.memref_slice %arg4[%dma_start3A_573, %multiple_of3A_561] : memref<64x1000000xf32, #tpu.memory_space<hbm>> -> memref<64x128xf32, #tpu.memory_space<hbm>>
          tpu.enqueue_dma source(%dma_start3A_574 : memref<64x128xf32, #tpu.memory_space<hbm>>) target(%dma_start3A_572 : memref<64x128xf32, #tpu.memory_space<vmem>>) target_semaphore(%arg14 : memref<!tpu.dma_semaphore, #tpu.memory_space<semaphore_mem>>)
        } else {
        }
      } else {
      }
      %add3A_297 = vector.broadcast %while3A_283 : i32 to vector<16xi32>
      %add3A_298 = arith.addi %add3A_297, %iota3A : vector<16xi32>
      %lt3A_299 = arith.constant 2048 : i32
      %lt3A_300 = vector.broadcast %lt3A_299 : i32 to vector<16xi32>
      %lt3A_301 = arith.cmpi slt, %add3A_298, %lt3A_300 : vector<16xi32>
      %add3A_302 = arith.constant 640 : i32
      %add3A_303 = arith.addi %select_n3A, %add3A_302 : i32
      %lt3A_304 = vector.broadcast %add3A_303 : i32 to vector<16xi32>
      %lt3A_305 = arith.cmpi slt, %get3A_287, %lt3A_304 : vector<16xi32>
      %and3A_306 = arith.andi %lt3A_301, %lt3A_305 : vector<16xi1>
      %sub3A = vector.broadcast %select_n3A : i32 to vector<16xi32>
      %sub3A_307 = arith.subi %get3A_287, %sub3A : vector<16xi32>
      %jit3A_308 = arith.constant 0 : i32
      %broadcast_in_dim3A_309 = vector.broadcast %jit3A_308 : i32 to vector<16xi32>
      %select_n3A_310 = arith.select %and3A_306, %sub3A_307, %broadcast_in_dim3A_309 : vector<16xi1>, vector<16xi32>
      %shift_right_arithmetic3A_311 = arith.constant 7 : i32
      %shift_right_arithmetic3A_312 = vector.broadcast %shift_right_arithmetic3A_311 : i32 to vector<16xi32>
      %shift_right_arithmetic3A_313 = arith.shrsi %select_n3A_310, %shift_right_arithmetic3A_312 : vector<16xi32>
      %and3A_314 = arith.constant 127 : i32
      %and3A_315 = vector.broadcast %and3A_314 : i32 to vector<16xi32>
      %and3A_316 = arith.andi %select_n3A_310, %and3A_315 : vector<16xi32>
      %and3A_317 = arith.constant 255 : i32
      %and3A_318 = vector.broadcast %and3A_317 : i32 to vector<16xi32>
      %and3A_319 = arith.andi %add3A_298, %and3A_318 : vector<16xi32>
      %broadcast_in_dim3A_320 = arith.constant 0 : i32
      %broadcast_in_dim3A_321 = vector.broadcast %broadcast_in_dim3A_320 : i32 to vector<16xi32>
      %add3A_322 = vector.broadcast %and3A_293 : i32 to vector<16xi32>
      %add3A_323 = arith.addi %broadcast_in_dim3A_321, %add3A_322 : vector<16xi32>
      %scan3A = arith.constant 0 : i32
      %scan3A_324 = arith.constant 16 : i32
      %scan3A_325 = arith.addi %scan3A, %scan3A_324 : i32
      %scan3A_326 = arith.constant 1 : i32
      %scan3A_327 = scf.for %scan3A_386 = %scan3A to %scan3A_325 step %scan3A_326 iter_args(%scan3A_387 = %broadcast_in_dim3A_29) -> (vector<16xf32>)  : i32 {
        %mul3A_388 = arith.constant 4 : i32
        %mul3A_389 = arith.muli %scan3A_386, %mul3A_388 : i32
        %add3A_390 = arith.constant 0 : i32
        %add3A_391 = arith.addi %mul3A_389, %add3A_390 : i32
        %broadcast_in_dim3A_392 = arith.constant 0 : i32
        %broadcast_in_dim3A_393 = vector.broadcast %broadcast_in_dim3A_392 : i32 to vector<16xi32>
        %add3A_394 = vector.broadcast %add3A_391 : i32 to vector<16xi32>
        %add3A_395 = arith.addi %broadcast_in_dim3A_393, %add3A_394 : vector<16xi32>
        %gather3A = tpu.vector_load_idx %arg11[%add3A_323, %shift_right_arithmetic3A_313, %add3A_395, %and3A_316] : memref<2x5x64x128xf32, #tpu.memory_space<vmem>>[vector<16xi32>, vector<16xi32>, vector<16xi32>, vector<16xi32>], vector<16xf32>,
        tpu.vector_store_idx %arg12[%and3A_319, %add3A_395], %gather3A masked %and3A_306 : memref<256x128xf32, #tpu.memory_space<vmem>>[vector<16xi32>, vector<16xi32>], vector<16xf32>, vector<16xi1>
        %mul3A_396 = arith.mulf %gather3A, %gather3A : vector<16xf32>
        %add3A_397 = arith.addf %scan3A_387, %mul3A_396 : vector<16xf32>
        %mul3A_398 = arith.constant 4 : i32
        %mul3A_399 = arith.muli %scan3A_386, %mul3A_398 : i32
        %add3A_400 = arith.constant 1 : i32
        %add3A_401 = arith.addi %mul3A_399, %add3A_400 : i32
        %broadcast_in_dim3A_402 = arith.constant 0 : i32
        %broadcast_in_dim3A_403 = vector.broadcast %broadcast_in_dim3A_402 : i32 to vector<16xi32>
        %add3A_404 = vector.broadcast %add3A_401 : i32 to vector<16xi32>
        %add3A_405 = arith.addi %broadcast_in_dim3A_403, %add3A_404 : vector<16xi32>
        %gather3A_406 = tpu.vector_load_idx %arg11[%add3A_323, %shift_right_arithmetic3A_313, %add3A_405, %and3A_316] : memref<2x5x64x128xf32, #tpu.memory_space<vmem>>[vector<16xi32>, vector<16xi32>, vector<16xi32>, vector<16xi32>], vector<16xf32>,
        tpu.vector_store_idx %arg12[%and3A_319, %add3A_405], %gather3A_406 masked %and3A_306 : memref<256x128xf32, #tpu.memory_space<vmem>>[vector<16xi32>, vector<16xi32>], vector<16xf32>, vector<16xi1>
        %mul3A_407 = arith.mulf %gather3A_406, %gather3A_406 : vector<16xf32>
        %add3A_408 = arith.addf %add3A_397, %mul3A_407 : vector<16xf32>
        %mul3A_409 = arith.constant 4 : i32
        %mul3A_410 = arith.muli %scan3A_386, %mul3A_409 : i32
        %add3A_411 = arith.constant 2 : i32
        %add3A_412 = arith.addi %mul3A_410, %add3A_411 : i32
        %broadcast_in_dim3A_413 = arith.constant 0 : i32
        %broadcast_in_dim3A_414 = vector.broadcast %broadcast_in_dim3A_413 : i32 to vector<16xi32>
        %add3A_415 = vector.broadcast %add3A_412 : i32 to vector<16xi32>
        %add3A_416 = arith.addi %broadcast_in_dim3A_414, %add3A_415 : vector<16xi32>
        %gather3A_417 = tpu.vector_load_idx %arg11[%add3A_323, %shift_right_arithmetic3A_313, %add3A_416, %and3A_316] : memref<2x5x64x128xf32, #tpu.memory_space<vmem>>[vector<16xi32>, vector<16xi32>, vector<16xi32>, vector<16xi32>], vector<16xf32>,
        tpu.vector_store_idx %arg12[%and3A_319, %add3A_416], %gather3A_417 masked %and3A_306 : memref<256x128xf32, #tpu.memory_space<vmem>>[vector<16xi32>, vector<16xi32>], vector<16xf32>, vector<16xi1>
        %mul3A_418 = arith.mulf %gather3A_417, %gather3A_417 : vector<16xf32>
        %add3A_419 = arith.addf %add3A_408, %mul3A_418 : vector<16xf32>
        %mul3A_420 = arith.constant 4 : i32
        %mul3A_421 = arith.muli %scan3A_386, %mul3A_420 : i32
        %add3A_422 = arith.constant 3 : i32
        %add3A_423 = arith.addi %mul3A_421, %add3A_422 : i32
        %broadcast_in_dim3A_424 = arith.constant 0 : i32
        %broadcast_in_dim3A_425 = vector.broadcast %broadcast_in_dim3A_424 : i32 to vector<16xi32>
        %add3A_426 = vector.broadcast %add3A_423 : i32 to vector<16xi32>
        %add3A_427 = arith.addi %broadcast_in_dim3A_425, %add3A_426 : vector<16xi32>
        %gather3A_428 = tpu.vector_load_idx %arg11[%add3A_323, %shift_right_arithmetic3A_313, %add3A_427, %and3A_316] : memref<2x5x64x128xf32, #tpu.memory_space<vmem>>[vector<16xi32>, vector<16xi32>, vector<16xi32>, vector<16xi32>], vector<16xf32>,
        tpu.vector_store_idx %arg12[%and3A_319, %add3A_427], %gather3A_428 masked %and3A_306 : memref<256x128xf32, #tpu.memory_space<vmem>>[vector<16xi32>, vector<16xi32>], vector<16xf32>, vector<16xi1>
        %mul3A_429 = arith.mulf %gather3A_428, %gather3A_428 : vector<16xf32>
        %add3A_430 = arith.addf %add3A_419, %mul3A_429 : vector<16xf32>
        scf.yield %add3A_430 : vector<16xf32>
      }
      %scan3A_328 = arith.constant 16 : i32
      %eq3A = arith.constant 999999 : i32
      %eq3A_329 = vector.broadcast %eq3A : i32 to vector<16xi32>
      %eq3A_330 = arith.cmpi eq, %get3A_287, %eq3A_329 : vector<16xi32>
      %bitcast3A = vector.bitcast %scan3A_327 : vector<16xf32> to vector<16xi32>
      %shift_right_logical3A = arith.constant 1 : i32
      %shift_right_logical3A_331 = vector.broadcast %shift_right_logical3A : i32 to vector<16xi32>
      %shift_right_logical3A_332 = arith.shrui %bitcast3A, %shift_right_logical3A_331 : vector<16xi32>
      %sub3A_333 = arith.constant 1597463007 : i32
      %sub3A_334 = vector.broadcast %sub3A_333 : i32 to vector<16xi32>
      %sub3A_335 = arith.subi %sub3A_334, %shift_right_logical3A_332 : vector<16xi32>
      %bitcast3A_336 = vector.bitcast %sub3A_335 : vector<16xi32> to vector<16xf32>
      %mul3A_337 = arith.constant 5.000000e-01 : f32
      %mul3A_338 = vector.broadcast %mul3A_337 : f32 to vector<16xf32>
      %mul3A_339 = arith.mulf %scan3A_327, %mul3A_338 : vector<16xf32>
      %mul3A_340 = arith.mulf %mul3A_339, %bitcast3A_336 : vector<16xf32>
      %mul3A_341 = arith.mulf %mul3A_340, %bitcast3A_336 : vector<16xf32>
      %sub3A_342 = arith.constant 1.500000e+00 : f32
      %sub3A_343 = vector.broadcast %sub3A_342 : f32 to vector<16xf32>
      %sub3A_344 = arith.subf %sub3A_343, %mul3A_341 : vector<16xf32>
      %mul3A_345 = arith.mulf %bitcast3A_336, %sub3A_344 : vector<16xf32>
      %mul3A_346 = arith.mulf %mul3A_339, %mul3A_345 : vector<16xf32>
      %mul3A_347 = arith.mulf %mul3A_346, %mul3A_345 : vector<16xf32>
      %sub3A_348 = arith.constant 1.500000e+00 : f32
      %sub3A_349 = vector.broadcast %sub3A_348 : f32 to vector<16xf32>
      %sub3A_350 = arith.subf %sub3A_349, %mul3A_347 : vector<16xf32>
      %mul3A_351 = arith.mulf %mul3A_345, %sub3A_350 : vector<16xf32>
      %mul3A_352 = arith.mulf %mul3A_339, %mul3A_351 : vector<16xf32>
      %mul3A_353 = arith.mulf %mul3A_352, %mul3A_351 : vector<16xf32>
      %sub3A_354 = arith.constant 1.500000e+00 : f32
      %sub3A_355 = vector.broadcast %sub3A_354 : f32 to vector<16xf32>
      %sub3A_356 = arith.subf %sub3A_355, %mul3A_353 : vector<16xf32>
      %mul3A_357 = arith.mulf %mul3A_351, %sub3A_356 : vector<16xf32>
      %select_n3A_358 = arith.select %eq3A_330, %broadcast_in_dim3A_31, %mul3A_357 : vector<16xi1>, vector<16xf32>
      %broadcast_in_dim3A_359 = arith.constant 64 : i32
      %broadcast_in_dim3A_360 = vector.broadcast %broadcast_in_dim3A_359 : i32 to vector<16xi32>
      tpu.vector_store_idx %arg12[%and3A_319, %broadcast_in_dim3A_360], %select_n3A_358 masked %and3A_306 : memref<256x128xf32, #tpu.memory_space<vmem>>[vector<16xi32>, vector<16xi32>], vector<16xf32>, vector<16xi1>
      %convert_element_type3A_361 = arith.extui %and3A_306 : vector<16xi1> to vector<16xi32>
      %reduce_sum3A = arith.constant true
      %reduce_sum3A_362 = vector.broadcast %reduce_sum3A : i1 to vector<16xi1>
      %reduce_sum3A_363 = tpu.scan <sum>, %convert_element_type3A_361 masked %reduce_sum3A_362 : vector<16xi32>, vector<16xi1> -> vector<16xi32>
      %reduce_sum3A_364 = vector.extract %reduce_sum3A_363[15] : i32 from vector<16xi32>
      %add3A_365 = arith.addi %while3A_283, %reduce_sum3A_364 : i32
      %add3A_366 = arith.constant 1 : i32
      %add3A_367 = arith.addi %while3A_285, %add3A_366 : i32
      %mul3A_368 = arith.constant 128 : i32
      %mul3A_369 = arith.muli %add3A_367, %mul3A_368 : i32
      %ge3A_370 = arith.cmpi sge, %add3A_365, %mul3A_369 : i32
      %convert_element_type3A_371 = arith.extui %ge3A_370 : i1 to i32
      %cond3A_372 = arith.constant 0 : i32
      %cond3A_373 = arith.cmpi ne, %convert_element_type3A_371, %cond3A_372 : i32
      scf.if %cond3A_373 {
        %dma_wait3A_386 = arith.constant 0 : i32
        %dma_wait3A_387 = arith.constant 0 : i32
        %dma_wait3A_388 = tpu.memref_slice %arg12[%dma_wait3A_386, %dma_wait3A_387] : memref<256x128xf32, #tpu.memory_space<vmem>> -> memref<128x128xf32, #tpu.memory_space<vmem>>
        %dma_wait3A_389 = arith.constant 98304 : i32
        %dma_wait3A_390 = arith.constant 0 : i32
        %dma_wait3A_391 = tpu.memref_slice %arg8[%dma_wait3A_389, %dma_wait3A_390] : memref<98432x128xf32, #tpu.memory_space<hbm>> -> memref<128x128xf32, #tpu.memory_space<hbm>>
        %dma_wait3A_392 = arith.constant 98304 : i32
        %dma_wait3A_393 = arith.constant 0 : i32
        %dma_wait3A_394 = tpu.memref_slice %arg8[%dma_wait3A_392, %dma_wait3A_393] : memref<98432x128xf32, #tpu.memory_space<hbm>> -> memref<128x128xf32, #tpu.memory_space<hbm>>
        %dma_wait3A_395 = arith.constant 0 : i32
        %dma_wait3A_396 = arith.constant 0 : i32
        %dma_wait3A_397 = tpu.memref_slice %arg12[%dma_wait3A_395, %dma_wait3A_396] : memref<256x128xf32, #tpu.memory_space<vmem>> -> memref<128x128xf32, #tpu.memory_space<vmem>>
        tpu.wait_dma2 semaphore(%arg13 : memref<!tpu.dma_semaphore, #tpu.memory_space<semaphore_mem>>) src(%dma_wait3A_397 : memref<128x128xf32, #tpu.memory_space<vmem>>) dst(%dma_wait3A_394 : memref<128x128xf32, #tpu.memory_space<hbm>>)
        %and3A_398 = arith.constant 1 : i32
        %and3A_399 = arith.andi %while3A_285, %and3A_398 : i32
        %mul3A_400 = arith.constant 128 : i32
        %mul3A_401 = arith.muli %and3A_399, %mul3A_400 : i32
        %mul3A_402 = arith.constant 128 : i32
        %mul3A_403 = arith.muli %while3A_285, %mul3A_402 : i32
        %add3A_404 = arith.addi %mul3A_28, %mul3A_403 : i32
        %dma_start3A_405 = arith.constant 0 : i32
        %dma_start3A_406 = tpu.memref_slice %arg12[%mul3A_401, %dma_start3A_405] : memref<256x128xf32, #tpu.memory_space<vmem>> -> memref<128x128xf32, #tpu.memory_space<vmem>>
        %dma_start3A_407 = arith.constant 0 : i32
        %dma_start3A_408 = tpu.memref_slice %arg8[%add3A_404, %dma_start3A_407] : memref<98432x128xf32, #tpu.memory_space<hbm>> -> memref<128x128xf32, #tpu.memory_space<hbm>>
        %dma_start3A_409 = arith.constant 0 : i32
        %dma_start3A_410 = tpu.memref_slice %arg8[%add3A_404, %dma_start3A_409] : memref<98432x128xf32, #tpu.memory_space<hbm>> -> memref<128x128xf32, #tpu.memory_space<hbm>>
        %dma_start3A_411 = arith.constant 0 : i32
        %dma_start3A_412 = tpu.memref_slice %arg12[%mul3A_401, %dma_start3A_411] : memref<256x128xf32, #tpu.memory_space<vmem>> -> memref<128x128xf32, #tpu.memory_space<vmem>>
        tpu.enqueue_dma source(%dma_start3A_412 : memref<128x128xf32, #tpu.memory_space<vmem>>) target(%dma_start3A_410 : memref<128x128xf32, #tpu.memory_space<hbm>>) target_semaphore(%arg13 : memref<!tpu.dma_semaphore, #tpu.memory_space<semaphore_mem>>)
      } else {
      }
      %add3A_374 = arith.constant 1 : i32
      %add3A_375 = arith.addi %while3A_285, %add3A_374 : i32
      %mul3A_376 = arith.constant 128 : i32
      %mul3A_377 = arith.muli %add3A_375, %mul3A_376 : i32
      %ge3A_378 = arith.cmpi sge, %add3A_365, %mul3A_377 : i32
      %add3A_379 = arith.constant 1 : i32
      %add3A_380 = arith.addi %while3A_285, %add3A_379 : i32
      %select_n3A_381 = arith.select %ge3A_378, %add3A_380, %while3A_285 : i32
      %ne3A_382 = arith.cmpi ne, %shift_right_arithmetic3A_288, %while3A_284 : i32
      %add3A_383 = arith.constant 1 : i32
      %add3A_384 = arith.addi %shift_right_arithmetic3A_288, %add3A_383 : i32
      %select_n3A_385 = arith.select %ne3A_382, %add3A_384, %while3A_286 : i32
      scf.yield %add3A_365, %shift_right_arithmetic3A_288, %select_n3A_381, %select_n3A_385 : i32, i32, i32, i32
    }
    %dma_wait3A_59 = arith.constant 0 : i32
    %dma_wait3A_60 = arith.constant 0 : i32
    %dma_wait3A_61 = tpu.memref_slice %arg12[%dma_wait3A_59, %dma_wait3A_60] : memref<256x128xf32, #tpu.memory_space<vmem>> -> memref<128x128xf32, #tpu.memory_space<vmem>>
    %dma_wait3A_62 = arith.constant 98304 : i32
    %dma_wait3A_63 = arith.constant 0 : i32
    %dma_wait3A_64 = tpu.memref_slice %arg8[%dma_wait3A_62, %dma_wait3A_63] : memref<98432x128xf32, #tpu.memory_space<hbm>> -> memref<128x128xf32, #tpu.memory_space<hbm>>
    %dma_wait3A_65 = arith.constant 98304 : i32
    %dma_wait3A_66 = arith.constant 0 : i32
    %dma_wait3A_67 = tpu.memref_slice %arg8[%dma_wait3A_65, %dma_wait3A_66] : memref<98432x128xf32, #tpu.memory_space<hbm>> -> memref<128x128xf32, #tpu.memory_space<hbm>>
    %dma_wait3A_68 = arith.constant 0 : i32
    %dma_wait3A_69 = arith.constant 0 : i32
    %dma_wait3A_70 = tpu.memref_slice %arg12[%dma_wait3A_68, %dma_wait3A_69] : memref<256x128xf32, #tpu.memory_space<vmem>> -> memref<128x128xf32, #tpu.memory_space<vmem>>
    tpu.wait_dma2 semaphore(%arg13 : memref<!tpu.dma_semaphore, #tpu.memory_space<semaphore_mem>>) src(%dma_wait3A_70 : memref<128x128xf32, #tpu.memory_space<vmem>>) dst(%dma_wait3A_67 : memref<128x128xf32, #tpu.memory_space<hbm>>)
    %dma_wait3A_71 = arith.constant 0 : i32
    %dma_wait3A_72 = arith.constant 0 : i32
    %dma_wait3A_73 = arith.constant 0 : i32
    %dma_wait3A_74 = arith.constant 0 : i32
    %dma_wait3A_75 = tpu.memref_slice %arg11[%dma_wait3A_71, %dma_wait3A_72, %dma_wait3A_73, %dma_wait3A_74] : memref<2x5x64x128xf32, #tpu.memory_space<vmem>> -> memref<1x1x64x128xf32, #tpu.memory_space<vmem>>
    %dma_wait3A_76 = tpu.memref_squeeze %dma_wait3A_75 : memref<1x1x64x128xf32, #tpu.memory_space<vmem>> -> memref<64x128xf32, #tpu.memory_space<vmem>>
    %dma_wait3A_77 = arith.constant 0 : i32
    %dma_wait3A_78 = arith.constant 0 : i32
    %dma_wait3A_79 = tpu.memref_slice %arg6[%dma_wait3A_77, %dma_wait3A_78] : memref<64x640xf32, #tpu.memory_space<hbm>> -> memref<64x128xf32, #tpu.memory_space<hbm>>
    %dma_wait3A_80 = arith.constant 0 : i32
    %dma_wait3A_81 = arith.constant 0 : i32
    %dma_wait3A_82 = tpu.memref_slice %arg11[%dma_wait3A_71, %dma_wait3A_72, %dma_wait3A_80, %dma_wait3A_81] : memref<2x5x64x128xf32, #tpu.memory_space<vmem>> -> memref<1x1x64x128xf32, #tpu.memory_space<vmem>>
    %dma_wait3A_83 = tpu.memref_squeeze %dma_wait3A_82 : memref<1x1x64x128xf32, #tpu.memory_space<vmem>> -> memref<64x128xf32, #tpu.memory_space<vmem>>
    %dma_wait3A_84 = arith.constant 0 : i32
    %dma_wait3A_85 = arith.constant 0 : i32
    %dma_wait3A_86 = tpu.memref_slice %arg6[%dma_wait3A_84, %dma_wait3A_85] : memref<64x640xf32, #tpu.memory_space<hbm>> -> memref<64x128xf32, #tpu.memory_space<hbm>>
    tpu.wait_dma2 semaphore(%arg14 : memref<!tpu.dma_semaphore, #tpu.memory_space<semaphore_mem>>) src(%dma_wait3A_86 : memref<64x128xf32, #tpu.memory_space<hbm>>) dst(%dma_wait3A_83 : memref<64x128xf32, #tpu.memory_space<vmem>>)
    %dma_wait3A_87 = arith.constant 0 : i32
    %dma_wait3A_88 = arith.constant 0 : i32
    %dma_wait3A_89 = arith.constant 0 : i32
    %dma_wait3A_90 = arith.constant 0 : i32
    %dma_wait3A_91 = tpu.memref_slice %arg11[%dma_wait3A_87, %dma_wait3A_88, %dma_wait3A_89, %dma_wait3A_90] : memref<2x5x64x128xf32, #tpu.memory_space<vmem>> -> memref<1x1x64x128xf32, #tpu.memory_space<vmem>>
    %dma_wait3A_92 = tpu.memref_squeeze %dma_wait3A_91 : memref<1x1x64x128xf32, #tpu.memory_space<vmem>> -> memref<64x128xf32, #tpu.memory_space<vmem>>
    %dma_wait3A_93 = arith.constant 0 : i32
    %dma_wait3A_94 = arith.constant 0 : i32
    %dma_wait3A_95 = tpu.memref_slice %arg6[%dma_wait3A_93, %dma_wait3A_94] : memref<64x640xf32, #tpu.memory_space<hbm>> -> memref<64x128xf32, #tpu.memory_space<hbm>>
    %dma_wait3A_96 = arith.constant 0 : i32
    %dma_wait3A_97 = arith.constant 0 : i32
    %dma_wait3A_98 = tpu.memref_slice %arg11[%dma_wait3A_87, %dma_wait3A_88, %dma_wait3A_96, %dma_wait3A_97] : memref<2x5x64x128xf32, #tpu.memory_space<vmem>> -> memref<1x1x64x128xf32, #tpu.memory_space<vmem>>
    %dma_wait3A_99 = tpu.memref_squeeze %dma_wait3A_98 : memref<1x1x64x128xf32, #tpu.memory_space<vmem>> -> memref<64x128xf32, #tpu.memory_space<vmem>>
    %dma_wait3A_100 = arith.constant 0 : i32
    %dma_wait3A_101 = arith.constant 0 : i32
    %dma_wait3A_102 = tpu.memref_slice %arg6[%dma_wait3A_100, %dma_wait3A_101] : memref<64x640xf32, #tpu.memory_space<hbm>> -> memref<64x128xf32, #tpu.memory_space<hbm>>
    tpu.wait_dma2 semaphore(%arg14 : memref<!tpu.dma_semaphore, #tpu.memory_space<semaphore_mem>>) src(%dma_wait3A_102 : memref<64x128xf32, #tpu.memory_space<hbm>>) dst(%dma_wait3A_99 : memref<64x128xf32, #tpu.memory_space<vmem>>)
    %dma_wait3A_103 = arith.constant 0 : i32
    %dma_wait3A_104 = arith.constant 0 : i32
    %dma_wait3A_105 = arith.constant 0 : i32
    %dma_wait3A_106 = arith.constant 0 : i32
    %dma_wait3A_107 = tpu.memref_slice %arg11[%dma_wait3A_103, %dma_wait3A_104, %dma_wait3A_105, %dma_wait3A_106] : memref<2x5x64x128xf32, #tpu.memory_space<vmem>> -> memref<1x1x64x128xf32, #tpu.memory_space<vmem>>
    %dma_wait3A_108 = tpu.memref_squeeze %dma_wait3A_107 : memref<1x1x64x128xf32, #tpu.memory_space<vmem>> -> memref<64x128xf32, #tpu.memory_space<vmem>>
    %dma_wait3A_109 = arith.constant 0 : i32
    %dma_wait3A_110 = arith.constant 0 : i32
    %dma_wait3A_111 = tpu.memref_slice %arg6[%dma_wait3A_109, %dma_wait3A_110] : memref<64x640xf32, #tpu.memory_space<hbm>> -> memref<64x128xf32, #tpu.memory_space<hbm>>
    %dma_wait3A_112 = arith.constant 0 : i32
    %dma_wait3A_113 = arith.constant 0 : i32
    %dma_wait3A_114 = tpu.memref_slice %arg11[%dma_wait3A_103, %dma_wait3A_104, %dma_wait3A_112, %dma_wait3A_113] : memref<2x5x64x128xf32, #tpu.memory_space<vmem>> -> memref<1x1x64x128xf32, #tpu.memory_space<vmem>>
    %dma_wait3A_115 = tpu.memref_squeeze %dma_wait3A_114 : memref<1x1x64x128xf32, #tpu.memory_space<vmem>> -> memref<64x128xf32, #tpu.memory_space<vmem>>
    %dma_wait3A_116 = arith.constant 0 : i32
    %dma_wait3A_117 = arith.constant 0 : i32
    %dma_wait3A_118 = tpu.memref_slice %arg6[%dma_wait3A_116, %dma_wait3A_117] : memref<64x640xf32, #tpu.memory_space<hbm>> -> memref<64x128xf32, #tpu.memory_space<hbm>>
    tpu.wait_dma2 semaphore(%arg14 : memref<!tpu.dma_semaphore, #tpu.memory_space<semaphore_mem>>) src(%dma_wait3A_118 : memref<64x128xf32, #tpu.memory_space<hbm>>) dst(%dma_wait3A_115 : memref<64x128xf32, #tpu.memory_space<vmem>>)
    %dma_wait3A_119 = arith.constant 0 : i32
    %dma_wait3A_120 = arith.constant 0 : i32
    %dma_wait3A_121 = arith.constant 0 : i32
    %dma_wait3A_122 = arith.constant 0 : i32
    %dma_wait3A_123 = tpu.memref_slice %arg11[%dma_wait3A_119, %dma_wait3A_120, %dma_wait3A_121, %dma_wait3A_122] : memref<2x5x64x128xf32, #tpu.memory_space<vmem>> -> memref<1x1x64x128xf32, #tpu.memory_space<vmem>>
    %dma_wait3A_124 = tpu.memref_squeeze %dma_wait3A_123 : memref<1x1x64x128xf32, #tpu.memory_space<vmem>> -> memref<64x128xf32, #tpu.memory_space<vmem>>
    %dma_wait3A_125 = arith.constant 0 : i32
    %dma_wait3A_126 = arith.constant 0 : i32
    %dma_wait3A_127 = tpu.memref_slice %arg6[%dma_wait3A_125, %dma_wait3A_126] : memref<64x640xf32, #tpu.memory_space<hbm>> -> memref<64x128xf32, #tpu.memory_space<hbm>>
    %dma_wait3A_128 = arith.constant 0 : i32
    %dma_wait3A_129 = arith.constant 0 : i32
    %dma_wait3A_130 = tpu.memref_slice %arg11[%dma_wait3A_119, %dma_wait3A_120, %dma_wait3A_128, %dma_wait3A_129] : memref<2x5x64x128xf32, #tpu.memory_space<vmem>> -> memref<1x1x64x128xf32, #tpu.memory_space<vmem>>
    %dma_wait3A_131 = tpu.memref_squeeze %dma_wait3A_130 : memref<1x1x64x128xf32, #tpu.memory_space<vmem>> -> memref<64x128xf32, #tpu.memory_space<vmem>>
    %dma_wait3A_132 = arith.constant 0 : i32
    %dma_wait3A_133 = arith.constant 0 : i32
    %dma_wait3A_134 = tpu.memref_slice %arg6[%dma_wait3A_132, %dma_wait3A_133] : memref<64x640xf32, #tpu.memory_space<hbm>> -> memref<64x128xf32, #tpu.memory_space<hbm>>
    tpu.wait_dma2 semaphore(%arg14 : memref<!tpu.dma_semaphore, #tpu.memory_space<semaphore_mem>>) src(%dma_wait3A_134 : memref<64x128xf32, #tpu.memory_space<hbm>>) dst(%dma_wait3A_131 : memref<64x128xf32, #tpu.memory_space<vmem>>)
    %dma_wait3A_135 = arith.constant 0 : i32
    %dma_wait3A_136 = arith.constant 0 : i32
    %dma_wait3A_137 = arith.constant 0 : i32
    %dma_wait3A_138 = arith.constant 0 : i32
    %dma_wait3A_139 = tpu.memref_slice %arg11[%dma_wait3A_135, %dma_wait3A_136, %dma_wait3A_137, %dma_wait3A_138] : memref<2x5x64x128xf32, #tpu.memory_space<vmem>> -> memref<1x1x64x128xf32, #tpu.memory_space<vmem>>
    %dma_wait3A_140 = tpu.memref_squeeze %dma_wait3A_139 : memref<1x1x64x128xf32, #tpu.memory_space<vmem>> -> memref<64x128xf32, #tpu.memory_space<vmem>>
    %dma_wait3A_141 = arith.constant 0 : i32
    %dma_wait3A_142 = arith.constant 0 : i32
    %dma_wait3A_143 = tpu.memref_slice %arg6[%dma_wait3A_141, %dma_wait3A_142] : memref<64x640xf32, #tpu.memory_space<hbm>> -> memref<64x128xf32, #tpu.memory_space<hbm>>
    %dma_wait3A_144 = arith.constant 0 : i32
    %dma_wait3A_145 = arith.constant 0 : i32
    %dma_wait3A_146 = tpu.memref_slice %arg11[%dma_wait3A_135, %dma_wait3A_136, %dma_wait3A_144, %dma_wait3A_145] : memref<2x5x64x128xf32, #tpu.memory_space<vmem>> -> memref<1x1x64x128xf32, #tpu.memory_space<vmem>>
    %dma_wait3A_147 = tpu.memref_squeeze %dma_wait3A_146 : memref<1x1x64x128xf32, #tpu.memory_space<vmem>> -> memref<64x128xf32, #tpu.memory_space<vmem>>
    %dma_wait3A_148 = arith.constant 0 : i32
    %dma_wait3A_149 = arith.constant 0 : i32
    %dma_wait3A_150 = tpu.memref_slice %arg6[%dma_wait3A_148, %dma_wait3A_149] : memref<64x640xf32, #tpu.memory_space<hbm>> -> memref<64x128xf32, #tpu.memory_space<hbm>>
    tpu.wait_dma2 semaphore(%arg14 : memref<!tpu.dma_semaphore, #tpu.memory_space<semaphore_mem>>) src(%dma_wait3A_150 : memref<64x128xf32, #tpu.memory_space<hbm>>) dst(%dma_wait3A_147 : memref<64x128xf32, #tpu.memory_space<vmem>>)
    %mul3A_151 = arith.constant 1024 : i32
    %mul3A_152 = arith.muli %add3A, %mul3A_151 : i32
    %add3A_153 = arith.constant 65536 : i32
    %add3A_154 = arith.addi %add3A_153, %mul3A_152 : i32
    %broadcast_in_dim3A_155 = arith.constant 0.000000e+00 : f32
    %broadcast_in_dim3A_156 = vector.broadcast %broadcast_in_dim3A_155 : f32 to vector<16xf32>
    %broadcast_in_dim3A_157 = arith.constant 1.000000e+00 : f32
    %broadcast_in_dim3A_158 = vector.broadcast %broadcast_in_dim3A_157 : f32 to vector<16xf32>
    %dma_start3A_159 = arith.constant 0 : i32
    %dma_start3A_160 = arith.constant 0 : i32
    %dma_start3A_161 = tpu.memref_slice %arg12[%dma_start3A_159, %dma_start3A_160] : memref<256x128xf32, #tpu.memory_space<vmem>> -> memref<128x128xf32, #tpu.memory_space<vmem>>
    %dma_start3A_162 = arith.constant 98304 : i32
    %dma_start3A_163 = arith.constant 0 : i32
    %dma_start3A_164 = tpu.memref_slice %arg8[%dma_start3A_162, %dma_start3A_163] : memref<98432x128xf32, #tpu.memory_space<hbm>> -> memref<128x128xf32, #tpu.memory_space<hbm>>
    %dma_start3A_165 = arith.constant 98304 : i32
    %dma_start3A_166 = arith.constant 0 : i32
    %dma_start3A_167 = tpu.memref_slice %arg8[%dma_start3A_165, %dma_start3A_166] : memref<98432x128xf32, #tpu.memory_space<hbm>> -> memref<128x128xf32, #tpu.memory_space<hbm>>
    %dma_start3A_168 = arith.constant 0 : i32
    %dma_start3A_169 = arith.constant 0 : i32
    %dma_start3A_170 = tpu.memref_slice %arg12[%dma_start3A_168, %dma_start3A_169] : memref<256x128xf32, #tpu.memory_space<vmem>> -> memref<128x128xf32, #tpu.memory_space<vmem>>
    tpu.enqueue_dma source(%dma_start3A_170 : memref<128x128xf32, #tpu.memory_space<vmem>>) target(%dma_start3A_167 : memref<128x128xf32, #tpu.memory_space<hbm>>) target_semaphore(%arg13 : memref<!tpu.dma_semaphore, #tpu.memory_space<semaphore_mem>>)
    %ge3A_171 = arith.constant 1952 : i32
    %ge3A_172 = arith.constant 1952 : i32
    %ge3A_173 = arith.cmpi sge, %ge3A_171, %ge3A_172 : i32
    %convert_element_type3A_174 = arith.extui %ge3A_173 : i1 to i32
    %cond3A_175 = arith.constant 1 : i32
    %cond3A_176 = arith.constant 0 : i32
    %cond3A_177 = arith.cmpi ne, %convert_element_type3A_174, %cond3A_176 : i32
    scf.if %cond3A_177 {
      %dma_start3A_283 = arith.constant 0 : i32
      %dma_start3A_284 = arith.constant 0 : i32
      %dma_start3A_285 = arith.constant 0 : i32
      %dma_start3A_286 = tpu.memref_slice %arg11[%cond3A_175, %dma_start3A_283, %dma_start3A_284, %dma_start3A_285] : memref<2x5x64x128xf32, #tpu.memory_space<vmem>> -> memref<1x1x64x128xf32, #tpu.memory_space<vmem>>
      %dma_start3A_287 = tpu.memref_squeeze %dma_start3A_286 : memref<1x1x64x128xf32, #tpu.memory_space<vmem>> -> memref<64x128xf32, #tpu.memory_space<vmem>>
      %dma_start3A_288 = arith.constant 0 : i32
      %dma_start3A_289 = arith.constant 0 : i32
      %dma_start3A_290 = tpu.memref_slice %arg7[%dma_start3A_288, %dma_start3A_289] : memref<64x640xf32, #tpu.memory_space<hbm>> -> memref<64x128xf32, #tpu.memory_space<hbm>>
      %dma_start3A_291 = arith.constant 0 : i32
      %dma_start3A_292 = arith.constant 0 : i32
      %dma_start3A_293 = tpu.memref_slice %arg11[%cond3A_175, %dma_start3A_283, %dma_start3A_291, %dma_start3A_292] : memref<2x5x64x128xf32, #tpu.memory_space<vmem>> -> memref<1x1x64x128xf32, #tpu.memory_space<vmem>>
      %dma_start3A_294 = tpu.memref_squeeze %dma_start3A_293 : memref<1x1x64x128xf32, #tpu.memory_space<vmem>> -> memref<64x128xf32, #tpu.memory_space<vmem>>
      %dma_start3A_295 = arith.constant 0 : i32
      %dma_start3A_296 = arith.constant 0 : i32
      %dma_start3A_297 = tpu.memref_slice %arg7[%dma_start3A_295, %dma_start3A_296] : memref<64x640xf32, #tpu.memory_space<hbm>> -> memref<64x128xf32, #tpu.memory_space<hbm>>
      tpu.enqueue_dma source(%dma_start3A_297 : memref<64x128xf32, #tpu.memory_space<hbm>>) target(%dma_start3A_294 : memref<64x128xf32, #tpu.memory_space<vmem>>) target_semaphore(%arg14 : memref<!tpu.dma_semaphore, #tpu.memory_space<semaphore_mem>>)
      %dma_start3A_298 = arith.constant 1 : i32
      %dma_start3A_299 = arith.constant 0 : i32
      %dma_start3A_300 = arith.constant 0 : i32
      %dma_start3A_301 = tpu.memref_slice %arg11[%cond3A_175, %dma_start3A_298, %dma_start3A_299, %dma_start3A_300] : memref<2x5x64x128xf32, #tpu.memory_space<vmem>> -> memref<1x1x64x128xf32, #tpu.memory_space<vmem>>
      %dma_start3A_302 = tpu.memref_squeeze %dma_start3A_301 : memref<1x1x64x128xf32, #tpu.memory_space<vmem>> -> memref<64x128xf32, #tpu.memory_space<vmem>>
      %dma_start3A_303 = arith.constant 0 : i32
      %dma_start3A_304 = arith.constant 128 : i32
      %dma_start3A_305 = tpu.memref_slice %arg7[%dma_start3A_303, %dma_start3A_304] : memref<64x640xf32, #tpu.memory_space<hbm>> -> memref<64x128xf32, #tpu.memory_space<hbm>>
      %dma_start3A_306 = arith.constant 0 : i32
      %dma_start3A_307 = arith.constant 0 : i32
      %dma_start3A_308 = tpu.memref_slice %arg11[%cond3A_175, %dma_start3A_298, %dma_start3A_306, %dma_start3A_307] : memref<2x5x64x128xf32, #tpu.memory_space<vmem>> -> memref<1x1x64x128xf32, #tpu.memory_space<vmem>>
      %dma_start3A_309 = tpu.memref_squeeze %dma_start3A_308 : memref<1x1x64x128xf32, #tpu.memory_space<vmem>> -> memref<64x128xf32, #tpu.memory_space<vmem>>
      %dma_start3A_310 = arith.constant 0 : i32
      %dma_start3A_311 = arith.constant 128 : i32
      %dma_start3A_312 = tpu.memref_slice %arg7[%dma_start3A_310, %dma_start3A_311] : memref<64x640xf32, #tpu.memory_space<hbm>> -> memref<64x128xf32, #tpu.memory_space<hbm>>
      tpu.enqueue_dma source(%dma_start3A_312 : memref<64x128xf32, #tpu.memory_space<hbm>>) target(%dma_start3A_309 : memref<64x128xf32, #tpu.memory_space<vmem>>) target_semaphore(%arg14 : memref<!tpu.dma_semaphore, #tpu.memory_space<semaphore_mem>>)
      %dma_start3A_313 = arith.constant 2 : i32
      %dma_start3A_314 = arith.constant 0 : i32
      %dma_start3A_315 = arith.constant 0 : i32
      %dma_start3A_316 = tpu.memref_slice %arg11[%cond3A_175, %dma_start3A_313, %dma_start3A_314, %dma_start3A_315] : memref<2x5x64x128xf32, #tpu.memory_space<vmem>> -> memref<1x1x64x128xf32, #tpu.memory_space<vmem>>
      %dma_start3A_317 = tpu.memref_squeeze %dma_start3A_316 : memref<1x1x64x128xf32, #tpu.memory_space<vmem>> -> memref<64x128xf32, #tpu.memory_space<vmem>>
      %dma_start3A_318 = arith.constant 0 : i32
      %dma_start3A_319 = arith.constant 256 : i32
      %dma_start3A_320 = tpu.memref_slice %arg7[%dma_start3A_318, %dma_start3A_319] : memref<64x640xf32, #tpu.memory_space<hbm>> -> memref<64x128xf32, #tpu.memory_space<hbm>>
      %dma_start3A_321 = arith.constant 0 : i32
      %dma_start3A_322 = arith.constant 0 : i32
      %dma_start3A_323 = tpu.memref_slice %arg11[%cond3A_175, %dma_start3A_313, %dma_start3A_321, %dma_start3A_322] : memref<2x5x64x128xf32, #tpu.memory_space<vmem>> -> memref<1x1x64x128xf32, #tpu.memory_space<vmem>>
      %dma_start3A_324 = tpu.memref_squeeze %dma_start3A_323 : memref<1x1x64x128xf32, #tpu.memory_space<vmem>> -> memref<64x128xf32, #tpu.memory_space<vmem>>
      %dma_start3A_325 = arith.constant 0 : i32
      %dma_start3A_326 = arith.constant 256 : i32
      %dma_start3A_327 = tpu.memref_slice %arg7[%dma_start3A_325, %dma_start3A_326] : memref<64x640xf32, #tpu.memory_space<hbm>> -> memref<64x128xf32, #tpu.memory_space<hbm>>
      tpu.enqueue_dma source(%dma_start3A_327 : memref<64x128xf32, #tpu.memory_space<hbm>>) target(%dma_start3A_324 : memref<64x128xf32, #tpu.memory_space<vmem>>) target_semaphore(%arg14 : memref<!tpu.dma_semaphore, #tpu.memory_space<semaphore_mem>>)
      %dma_start3A_328 = arith.constant 3 : i32
      %dma_start3A_329 = arith.constant 0 : i32
      %dma_start3A_330 = arith.constant 0 : i32
      %dma_start3A_331 = tpu.memref_slice %arg11[%cond3A_175, %dma_start3A_328, %dma_start3A_329, %dma_start3A_330] : memref<2x5x64x128xf32, #tpu.memory_space<vmem>> -> memref<1x1x64x128xf32, #tpu.memory_space<vmem>>
      %dma_start3A_332 = tpu.memref_squeeze %dma_start3A_331 : memref<1x1x64x128xf32, #tpu.memory_space<vmem>> -> memref<64x128xf32, #tpu.memory_space<vmem>>
      %dma_start3A_333 = arith.constant 0 : i32
      %dma_start3A_334 = arith.constant 384 : i32
      %dma_start3A_335 = tpu.memref_slice %arg7[%dma_start3A_333, %dma_start3A_334] : memref<64x640xf32, #tpu.memory_space<hbm>> -> memref<64x128xf32, #tpu.memory_space<hbm>>
      %dma_start3A_336 = arith.constant 0 : i32
      %dma_start3A_337 = arith.constant 0 : i32
      %dma_start3A_338 = tpu.memref_slice %arg11[%cond3A_175, %dma_start3A_328, %dma_start3A_336, %dma_start3A_337] : memref<2x5x64x128xf32, #tpu.memory_space<vmem>> -> memref<1x1x64x128xf32, #tpu.memory_space<vmem>>
      %dma_start3A_339 = tpu.memref_squeeze %dma_start3A_338 : memref<1x1x64x128xf32, #tpu.memory_space<vmem>> -> memref<64x128xf32, #tpu.memory_space<vmem>>
      %dma_start3A_340 = arith.constant 0 : i32
      %dma_start3A_341 = arith.constant 384 : i32
      %dma_start3A_342 = tpu.memref_slice %arg7[%dma_start3A_340, %dma_start3A_341] : memref<64x640xf32, #tpu.memory_space<hbm>> -> memref<64x128xf32, #tpu.memory_space<hbm>>
      tpu.enqueue_dma source(%dma_start3A_342 : memref<64x128xf32, #tpu.memory_space<hbm>>) target(%dma_start3A_339 : memref<64x128xf32, #tpu.memory_space<vmem>>) target_semaphore(%arg14 : memref<!tpu.dma_semaphore, #tpu.memory_space<semaphore_mem>>)
      %dma_start3A_343 = arith.constant 4 : i32
      %dma_start3A_344 = arith.constant 0 : i32
      %dma_start3A_345 = arith.constant 0 : i32
      %dma_start3A_346 = tpu.memref_slice %arg11[%cond3A_175, %dma_start3A_343, %dma_start3A_344, %dma_start3A_345] : memref<2x5x64x128xf32, #tpu.memory_space<vmem>> -> memref<1x1x64x128xf32, #tpu.memory_space<vmem>>
      %dma_start3A_347 = tpu.memref_squeeze %dma_start3A_346 : memref<1x1x64x128xf32, #tpu.memory_space<vmem>> -> memref<64x128xf32, #tpu.memory_space<vmem>>
      %dma_start3A_348 = arith.constant 0 : i32
      %dma_start3A_349 = arith.constant 512 : i32
      %dma_start3A_350 = tpu.memref_slice %arg7[%dma_start3A_348, %dma_start3A_349] : memref<64x640xf32, #tpu.memory_space<hbm>> -> memref<64x128xf32, #tpu.memory_space<hbm>>
      %dma_start3A_351 = arith.constant 0 : i32
      %dma_start3A_352 = arith.constant 0 : i32
      %dma_start3A_353 = tpu.memref_slice %arg11[%cond3A_175, %dma_start3A_343, %dma_start3A_351, %dma_start3A_352] : memref<2x5x64x128xf32, #tpu.memory_space<vmem>> -> memref<1x1x64x128xf32, #tpu.memory_space<vmem>>
      %dma_start3A_354 = tpu.memref_squeeze %dma_start3A_353 : memref<1x1x64x128xf32, #tpu.memory_space<vmem>> -> memref<64x128xf32, #tpu.memory_space<vmem>>
      %dma_start3A_355 = arith.constant 0 : i32
      %dma_start3A_356 = arith.constant 512 : i32
      %dma_start3A_357 = tpu.memref_slice %arg7[%dma_start3A_355, %dma_start3A_356] : memref<64x640xf32, #tpu.memory_space<hbm>> -> memref<64x128xf32, #tpu.memory_space<hbm>>
      tpu.enqueue_dma source(%dma_start3A_357 : memref<64x128xf32, #tpu.memory_space<hbm>>) target(%dma_start3A_354 : memref<64x128xf32, #tpu.memory_space<vmem>>) target_semaphore(%arg14 : memref<!tpu.dma_semaphore, #tpu.memory_space<semaphore_mem>>)
    } else {
    }
    %lt3A_178 = arith.constant 1952 : i32
    %lt3A_179 = arith.constant 1952 : i32
    %lt3A_180 = arith.cmpi slt, %lt3A_178, %lt3A_179 : i32
    %convert_element_type3A_181 = arith.extui %lt3A_180 : i1 to i32
    %cond3A_182 = arith.constant 1952 : i32
    %cond3A_183 = arith.constant 1 : i32
    %cond3A_184 = arith.constant 0 : i32
    %cond3A_185 = arith.cmpi ne, %convert_element_type3A_181, %cond3A_184 : i32
    scf.if %cond3A_185 {
      %mul3A_283 = arith.constant 512 : i32
      %mul3A_284 = arith.muli %cond3A_182, %mul3A_283 : i32
      %add3A_285 = arith.constant 0 : i32
      %add3A_286 = arith.addi %mul3A_284, %add3A_285 : i32
      %multiple_of3A = tpu.assume_multiple %add3A_286, 128 : i32
      %dma_start3A_287 = arith.constant 0 : i32
      %dma_start3A_288 = arith.constant 0 : i32
      %dma_start3A_289 = arith.constant 0 : i32
      %dma_start3A_290 = tpu.memref_slice %arg11[%cond3A_183, %dma_start3A_287, %dma_start3A_288, %dma_start3A_289] : memref<2x5x64x128xf32, #tpu.memory_space<vmem>> -> memref<1x1x64x128xf32, #tpu.memory_space<vmem>>
      %dma_start3A_291 = tpu.memref_squeeze %dma_start3A_290 : memref<1x1x64x128xf32, #tpu.memory_space<vmem>> -> memref<64x128xf32, #tpu.memory_space<vmem>>
      %dma_start3A_292 = arith.constant 0 : i32
      %dma_start3A_293 = tpu.memref_slice %arg5[%dma_start3A_292, %multiple_of3A] : memref<64x1000000xf32, #tpu.memory_space<hbm>> -> memref<64x128xf32, #tpu.memory_space<hbm>>
      %dma_start3A_294 = arith.constant 0 : i32
      %dma_start3A_295 = arith.constant 0 : i32
      %dma_start3A_296 = tpu.memref_slice %arg11[%cond3A_183, %dma_start3A_287, %dma_start3A_294, %dma_start3A_295] : memref<2x5x64x128xf32, #tpu.memory_space<vmem>> -> memref<1x1x64x128xf32, #tpu.memory_space<vmem>>
      %dma_start3A_297 = tpu.memref_squeeze %dma_start3A_296 : memref<1x1x64x128xf32, #tpu.memory_space<vmem>> -> memref<64x128xf32, #tpu.memory_space<vmem>>
      %dma_start3A_298 = arith.constant 0 : i32
      %dma_start3A_299 = tpu.memref_slice %arg5[%dma_start3A_298, %multiple_of3A] : memref<64x1000000xf32, #tpu.memory_space<hbm>> -> memref<64x128xf32, #tpu.memory_space<hbm>>
      tpu.enqueue_dma source(%dma_start3A_299 : memref<64x128xf32, #tpu.memory_space<hbm>>) target(%dma_start3A_297 : memref<64x128xf32, #tpu.memory_space<vmem>>) target_semaphore(%arg14 : memref<!tpu.dma_semaphore, #tpu.memory_space<semaphore_mem>>)
      %mul3A_300 = arith.constant 512 : i32
      %mul3A_301 = arith.muli %cond3A_182, %mul3A_300 : i32
      %add3A_302 = arith.constant 128 : i32
      %add3A_303 = arith.addi %mul3A_301, %add3A_302 : i32
      %multiple_of3A_304 = tpu.assume_multiple %add3A_303, 128 : i32
      %dma_start3A_305 = arith.constant 1 : i32
      %dma_start3A_306 = arith.constant 0 : i32
      %dma_start3A_307 = arith.constant 0 : i32
      %dma_start3A_308 = tpu.memref_slice %arg11[%cond3A_183, %dma_start3A_305, %dma_start3A_306, %dma_start3A_307] : memref<2x5x64x128xf32, #tpu.memory_space<vmem>> -> memref<1x1x64x128xf32, #tpu.memory_space<vmem>>
      %dma_start3A_309 = tpu.memref_squeeze %dma_start3A_308 : memref<1x1x64x128xf32, #tpu.memory_space<vmem>> -> memref<64x128xf32, #tpu.memory_space<vmem>>
      %dma_start3A_310 = arith.constant 0 : i32
      %dma_start3A_311 = tpu.memref_slice %arg5[%dma_start3A_310, %multiple_of3A_304] : memref<64x1000000xf32, #tpu.memory_space<hbm>> -> memref<64x128xf32, #tpu.memory_space<hbm>>
      %dma_start3A_312 = arith.constant 0 : i32
      %dma_start3A_313 = arith.constant 0 : i32
      %dma_start3A_314 = tpu.memref_slice %arg11[%cond3A_183, %dma_start3A_305, %dma_start3A_312, %dma_start3A_313] : memref<2x5x64x128xf32, #tpu.memory_space<vmem>> -> memref<1x1x64x128xf32, #tpu.memory_space<vmem>>
      %dma_start3A_315 = tpu.memref_squeeze %dma_start3A_314 : memref<1x1x64x128xf32, #tpu.memory_space<vmem>> -> memref<64x128xf32, #tpu.memory_space<vmem>>
      %dma_start3A_316 = arith.constant 0 : i32
      %dma_start3A_317 = tpu.memref_slice %arg5[%dma_start3A_316, %multiple_of3A_304] : memref<64x1000000xf32, #tpu.memory_space<hbm>> -> memref<64x128xf32, #tpu.memory_space<hbm>>
      tpu.enqueue_dma source(%dma_start3A_317 : memref<64x128xf32, #tpu.memory_space<hbm>>) target(%dma_start3A_315 : memref<64x128xf32, #tpu.memory_space<vmem>>) target_semaphore(%arg14 : memref<!tpu.dma_semaphore, #tpu.memory_space<semaphore_mem>>)
      %mul3A_318 = arith.constant 512 : i32
      %mul3A_319 = arith.muli %cond3A_182, %mul3A_318 : i32
      %add3A_320 = arith.constant 256 : i32
      %add3A_321 = arith.addi %mul3A_319, %add3A_320 : i32
      %multiple_of3A_322 = tpu.assume_multiple %add3A_321, 128 : i32
      %dma_start3A_323 = arith.constant 2 : i32
      %dma_start3A_324 = arith.constant 0 : i32
      %dma_start3A_325 = arith.constant 0 : i32
      %dma_start3A_326 = tpu.memref_slice %arg11[%cond3A_183, %dma_start3A_323, %dma_start3A_324, %dma_start3A_325] : memref<2x5x64x128xf32, #tpu.memory_space<vmem>> -> memref<1x1x64x128xf32, #tpu.memory_space<vmem>>
      %dma_start3A_327 = tpu.memref_squeeze %dma_start3A_326 : memref<1x1x64x128xf32, #tpu.memory_space<vmem>> -> memref<64x128xf32, #tpu.memory_space<vmem>>
      %dma_start3A_328 = arith.constant 0 : i32
      %dma_start3A_329 = tpu.memref_slice %arg5[%dma_start3A_328, %multiple_of3A_322] : memref<64x1000000xf32, #tpu.memory_space<hbm>> -> memref<64x128xf32, #tpu.memory_space<hbm>>
      %dma_start3A_330 = arith.constant 0 : i32
      %dma_start3A_331 = arith.constant 0 : i32
      %dma_start3A_332 = tpu.memref_slice %arg11[%cond3A_183, %dma_start3A_323, %dma_start3A_330, %dma_start3A_331] : memref<2x5x64x128xf32, #tpu.memory_space<vmem>> -> memref<1x1x64x128xf32, #tpu.memory_space<vmem>>
      %dma_start3A_333 = tpu.memref_squeeze %dma_start3A_332 : memref<1x1x64x128xf32, #tpu.memory_space<vmem>> -> memref<64x128xf32, #tpu.memory_space<vmem>>
      %dma_start3A_334 = arith.constant 0 : i32
      %dma_start3A_335 = tpu.memref_slice %arg5[%dma_start3A_334, %multiple_of3A_322] : memref<64x1000000xf32, #tpu.memory_space<hbm>> -> memref<64x128xf32, #tpu.memory_space<hbm>>
      tpu.enqueue_dma source(%dma_start3A_335 : memref<64x128xf32, #tpu.memory_space<hbm>>) target(%dma_start3A_333 : memref<64x128xf32, #tpu.memory_space<vmem>>) target_semaphore(%arg14 : memref<!tpu.dma_semaphore, #tpu.memory_space<semaphore_mem>>)
      %mul3A_336 = arith.constant 512 : i32
      %mul3A_337 = arith.muli %cond3A_182, %mul3A_336 : i32
      %add3A_338 = arith.constant 384 : i32
      %add3A_339 = arith.addi %mul3A_337, %add3A_338 : i32
      %multiple_of3A_340 = tpu.assume_multiple %add3A_339, 128 : i32
      %dma_start3A_341 = arith.constant 3 : i32
      %dma_start3A_342 = arith.constant 0 : i32
      %dma_start3A_343 = arith.constant 0 : i32
      %dma_start3A_344 = tpu.memref_slice %arg11[%cond3A_183, %dma_start3A_341, %dma_start3A_342, %dma_start3A_343] : memref<2x5x64x128xf32, #tpu.memory_space<vmem>> -> memref<1x1x64x128xf32, #tpu.memory_space<vmem>>
      %dma_start3A_345 = tpu.memref_squeeze %dma_start3A_344 : memref<1x1x64x128xf32, #tpu.memory_space<vmem>> -> memref<64x128xf32, #tpu.memory_space<vmem>>
      %dma_start3A_346 = arith.constant 0 : i32
      %dma_start3A_347 = tpu.memref_slice %arg5[%dma_start3A_346, %multiple_of3A_340] : memref<64x1000000xf32, #tpu.memory_space<hbm>> -> memref<64x128xf32, #tpu.memory_space<hbm>>
      %dma_start3A_348 = arith.constant 0 : i32
      %dma_start3A_349 = arith.constant 0 : i32
      %dma_start3A_350 = tpu.memref_slice %arg11[%cond3A_183, %dma_start3A_341, %dma_start3A_348, %dma_start3A_349] : memref<2x5x64x128xf32, #tpu.memory_space<vmem>> -> memref<1x1x64x128xf32, #tpu.memory_space<vmem>>
      %dma_start3A_351 = tpu.memref_squeeze %dma_start3A_350 : memref<1x1x64x128xf32, #tpu.memory_space<vmem>> -> memref<64x128xf32, #tpu.memory_space<vmem>>
      %dma_start3A_352 = arith.constant 0 : i32
      %dma_start3A_353 = tpu.memref_slice %arg5[%dma_start3A_352, %multiple_of3A_340] : memref<64x1000000xf32, #tpu.memory_space<hbm>> -> memref<64x128xf32, #tpu.memory_space<hbm>>
      tpu.enqueue_dma source(%dma_start3A_353 : memref<64x128xf32, #tpu.memory_space<hbm>>) target(%dma_start3A_351 : memref<64x128xf32, #tpu.memory_space<vmem>>) target_semaphore(%arg14 : memref<!tpu.dma_semaphore, #tpu.memory_space<semaphore_mem>>)
      %mul3A_354 = arith.constant 512 : i32
      %mul3A_355 = arith.muli %cond3A_182, %mul3A_354 : i32
      %add3A_356 = arith.constant 512 : i32
      %add3A_357 = arith.addi %mul3A_355, %add3A_356 : i32
      %multiple_of3A_358 = tpu.assume_multiple %add3A_357, 128 : i32
      %dma_start3A_359 = arith.constant 4 : i32
      %dma_start3A_360 = arith.constant 0 : i32
      %dma_start3A_361 = arith.constant 0 : i32
      %dma_start3A_362 = tpu.memref_slice %arg11[%cond3A_183, %dma_start3A_359, %dma_start3A_360, %dma_start3A_361] : memref<2x5x64x128xf32, #tpu.memory_space<vmem>> -> memref<1x1x64x128xf32, #tpu.memory_space<vmem>>
      %dma_start3A_363 = tpu.memref_squeeze %dma_start3A_362 : memref<1x1x64x128xf32, #tpu.memory_space<vmem>> -> memref<64x128xf32, #tpu.memory_space<vmem>>
      %dma_start3A_364 = arith.constant 0 : i32
      %dma_start3A_365 = tpu.memref_slice %arg5[%dma_start3A_364, %multiple_of3A_358] : memref<64x1000000xf32, #tpu.memory_space<hbm>> -> memref<64x128xf32, #tpu.memory_space<hbm>>
      %dma_start3A_366 = arith.constant 0 : i32
      %dma_start3A_367 = arith.constant 0 : i32
      %dma_start3A_368 = tpu.memref_slice %arg11[%cond3A_183, %dma_start3A_359, %dma_start3A_366, %dma_start3A_367] : memref<2x5x64x128xf32, #tpu.memory_space<vmem>> -> memref<1x1x64x128xf32, #tpu.memory_space<vmem>>
      %dma_start3A_369 = tpu.memref_squeeze %dma_start3A_368 : memref<1x1x64x128xf32, #tpu.memory_space<vmem>> -> memref<64x128xf32, #tpu.memory_space<vmem>>
      %dma_start3A_370 = arith.constant 0 : i32
      %dma_start3A_371 = tpu.memref_slice %arg5[%dma_start3A_370, %multiple_of3A_358] : memref<64x1000000xf32, #tpu.memory_space<hbm>> -> memref<64x128xf32, #tpu.memory_space<hbm>>
      tpu.enqueue_dma source(%dma_start3A_371 : memref<64x128xf32, #tpu.memory_space<hbm>>) target(%dma_start3A_369 : memref<64x128xf32, #tpu.memory_space<vmem>>) target_semaphore(%arg14 : memref<!tpu.dma_semaphore, #tpu.memory_space<semaphore_mem>>)
    } else {
    }
    %while3A_186 = arith.constant 0 : i32
    %while3A_187 = arith.constant -1 : i32
    %while3A_188 = arith.constant 0 : i32
    %while3A_189 = arith.constant -2 : i32
    %while3A_190:4 = scf.while (%while3A_283 = %while3A_186, %while3A_284 = %while3A_187, %while3A_285 = %while3A_188, %while3A_286 = %while3A_189) : (i32, i32, i32, i32) -> (i32, i32, i32, i32) {
      %lt3A_287 = arith.constant 1024 : i32
      %lt3A_288 = arith.cmpi slt, %while3A_283, %lt3A_287 : i32
      scf.condition(%lt3A_288) %while3A_283, %while3A_284, %while3A_285, %while3A_286 : i32, i32, i32, i32
    } do {
    ^bb0(%while3A_283: i32, %while3A_284: i32, %while3A_285: i32, %while3A_286: i32):
      %get3A = arith.index_cast %while3A_283 : i32 to index
      %get3A_287 = tpu.vector_load %arg10[%get3A] {strides = array<i32>} : memref<1040xi32, #tpu.memory_space<vmem>>, vector<16xi32>,
      %slice3A = vector.extract_strided_slice %get3A_287 {offsets = [0], sizes = [1], strides = [1]} : vector<16xi32> to vector<1xi32>
      %squeeze3A = vector.extract %slice3A[0] : i32 from vector<1xi32>
      %shift_right_arithmetic3A = arith.constant 9 : i32
      %shift_right_arithmetic3A_288 = arith.shrsi %squeeze3A, %shift_right_arithmetic3A : i32
      %ge3A_289 = arith.constant 1952 : i32
      %ge3A_290 = arith.cmpi sge, %shift_right_arithmetic3A_288, %ge3A_289 : i32
      %mul3A_291 = arith.constant 512 : i32
      %mul3A_292 = arith.muli %shift_right_arithmetic3A_288, %mul3A_291 : i32
      %jit3A = arith.constant 999360 : i32
      %select_n3A = arith.select %ge3A_290, %jit3A, %mul3A_292 : i32
      %and3A = arith.constant 1 : i32
      %and3A_293 = arith.andi %shift_right_arithmetic3A_288, %and3A : i32
      %ne3A = arith.cmpi ne, %shift_right_arithmetic3A_288, %while3A_284 : i32
      %convert_element_type3A_294 = arith.extui %ne3A : i1 to i32
      %cond3A_295 = arith.constant 0 : i32
      %cond3A_296 = arith.cmpi ne, %convert_element_type3A_294, %cond3A_295 : i32
      scf.if %cond3A_296 {
        %dma_wait3A_356 = arith.constant 0 : i32
        %dma_wait3A_357 = arith.constant 0 : i32
        %dma_wait3A_358 = arith.constant 0 : i32
        %dma_wait3A_359 = arith.constant 0 : i32
        %dma_wait3A_360 = tpu.memref_slice %arg11[%dma_wait3A_356, %dma_wait3A_357, %dma_wait3A_358, %dma_wait3A_359] : memref<2x5x64x128xf32, #tpu.memory_space<vmem>> -> memref<1x1x64x128xf32, #tpu.memory_space<vmem>>
        %dma_wait3A_361 = tpu.memref_squeeze %dma_wait3A_360 : memref<1x1x64x128xf32, #tpu.memory_space<vmem>> -> memref<64x128xf32, #tpu.memory_space<vmem>>
        %dma_wait3A_362 = arith.constant 0 : i32
        %dma_wait3A_363 = arith.constant 0 : i32
        %dma_wait3A_364 = tpu.memref_slice %arg7[%dma_wait3A_362, %dma_wait3A_363] : memref<64x640xf32, #tpu.memory_space<hbm>> -> memref<64x128xf32, #tpu.memory_space<hbm>>
        %dma_wait3A_365 = arith.constant 0 : i32
        %dma_wait3A_366 = arith.constant 0 : i32
        %dma_wait3A_367 = tpu.memref_slice %arg11[%dma_wait3A_356, %dma_wait3A_357, %dma_wait3A_365, %dma_wait3A_366] : memref<2x5x64x128xf32, #tpu.memory_space<vmem>> -> memref<1x1x64x128xf32, #tpu.memory_space<vmem>>
        %dma_wait3A_368 = tpu.memref_squeeze %dma_wait3A_367 : memref<1x1x64x128xf32, #tpu.memory_space<vmem>> -> memref<64x128xf32, #tpu.memory_space<vmem>>
        %dma_wait3A_369 = arith.constant 0 : i32
        %dma_wait3A_370 = arith.constant 0 : i32
        %dma_wait3A_371 = tpu.memref_slice %arg7[%dma_wait3A_369, %dma_wait3A_370] : memref<64x640xf32, #tpu.memory_space<hbm>> -> memref<64x128xf32, #tpu.memory_space<hbm>>
        tpu.wait_dma2 semaphore(%arg14 : memref<!tpu.dma_semaphore, #tpu.memory_space<semaphore_mem>>) src(%dma_wait3A_371 : memref<64x128xf32, #tpu.memory_space<hbm>>) dst(%dma_wait3A_368 : memref<64x128xf32, #tpu.memory_space<vmem>>)
        %dma_wait3A_372 = arith.constant 0 : i32
        %dma_wait3A_373 = arith.constant 0 : i32
        %dma_wait3A_374 = arith.constant 0 : i32
        %dma_wait3A_375 = arith.constant 0 : i32
        %dma_wait3A_376 = tpu.memref_slice %arg11[%dma_wait3A_372, %dma_wait3A_373, %dma_wait3A_374, %dma_wait3A_375] : memref<2x5x64x128xf32, #tpu.memory_space<vmem>> -> memref<1x1x64x128xf32, #tpu.memory_space<vmem>>
        %dma_wait3A_377 = tpu.memref_squeeze %dma_wait3A_376 : memref<1x1x64x128xf32, #tpu.memory_space<vmem>> -> memref<64x128xf32, #tpu.memory_space<vmem>>
        %dma_wait3A_378 = arith.constant 0 : i32
        %dma_wait3A_379 = arith.constant 0 : i32
        %dma_wait3A_380 = tpu.memref_slice %arg7[%dma_wait3A_378, %dma_wait3A_379] : memref<64x640xf32, #tpu.memory_space<hbm>> -> memref<64x128xf32, #tpu.memory_space<hbm>>
        %dma_wait3A_381 = arith.constant 0 : i32
        %dma_wait3A_382 = arith.constant 0 : i32
        %dma_wait3A_383 = tpu.memref_slice %arg11[%dma_wait3A_372, %dma_wait3A_373, %dma_wait3A_381, %dma_wait3A_382] : memref<2x5x64x128xf32, #tpu.memory_space<vmem>> -> memref<1x1x64x128xf32, #tpu.memory_space<vmem>>
        %dma_wait3A_384 = tpu.memref_squeeze %dma_wait3A_383 : memref<1x1x64x128xf32, #tpu.memory_space<vmem>> -> memref<64x128xf32, #tpu.memory_space<vmem>>
        %dma_wait3A_385 = arith.constant 0 : i32
        %dma_wait3A_386 = arith.constant 0 : i32
        %dma_wait3A_387 = tpu.memref_slice %arg7[%dma_wait3A_385, %dma_wait3A_386] : memref<64x640xf32, #tpu.memory_space<hbm>> -> memref<64x128xf32, #tpu.memory_space<hbm>>
        tpu.wait_dma2 semaphore(%arg14 : memref<!tpu.dma_semaphore, #tpu.memory_space<semaphore_mem>>) src(%dma_wait3A_387 : memref<64x128xf32, #tpu.memory_space<hbm>>) dst(%dma_wait3A_384 : memref<64x128xf32, #tpu.memory_space<vmem>>)
        %dma_wait3A_388 = arith.constant 0 : i32
        %dma_wait3A_389 = arith.constant 0 : i32
        %dma_wait3A_390 = arith.constant 0 : i32
        %dma_wait3A_391 = arith.constant 0 : i32
        %dma_wait3A_392 = tpu.memref_slice %arg11[%dma_wait3A_388, %dma_wait3A_389, %dma_wait3A_390, %dma_wait3A_391] : memref<2x5x64x128xf32, #tpu.memory_space<vmem>> -> memref<1x1x64x128xf32, #tpu.memory_space<vmem>>
        %dma_wait3A_393 = tpu.memref_squeeze %dma_wait3A_392 : memref<1x1x64x128xf32, #tpu.memory_space<vmem>> -> memref<64x128xf32, #tpu.memory_space<vmem>>
        %dma_wait3A_394 = arith.constant 0 : i32
        %dma_wait3A_395 = arith.constant 0 : i32
        %dma_wait3A_396 = tpu.memref_slice %arg7[%dma_wait3A_394, %dma_wait3A_395] : memref<64x640xf32, #tpu.memory_space<hbm>> -> memref<64x128xf32, #tpu.memory_space<hbm>>
        %dma_wait3A_397 = arith.constant 0 : i32
        %dma_wait3A_398 = arith.constant 0 : i32
        %dma_wait3A_399 = tpu.memref_slice %arg11[%dma_wait3A_388, %dma_wait3A_389, %dma_wait3A_397, %dma_wait3A_398] : memref<2x5x64x128xf32, #tpu.memory_space<vmem>> -> memref<1x1x64x128xf32, #tpu.memory_space<vmem>>
        %dma_wait3A_400 = tpu.memref_squeeze %dma_wait3A_399 : memref<1x1x64x128xf32, #tpu.memory_space<vmem>> -> memref<64x128xf32, #tpu.memory_space<vmem>>
        %dma_wait3A_401 = arith.constant 0 : i32
        %dma_wait3A_402 = arith.constant 0 : i32
        %dma_wait3A_403 = tpu.memref_slice %arg7[%dma_wait3A_401, %dma_wait3A_402] : memref<64x640xf32, #tpu.memory_space<hbm>> -> memref<64x128xf32, #tpu.memory_space<hbm>>
        tpu.wait_dma2 semaphore(%arg14 : memref<!tpu.dma_semaphore, #tpu.memory_space<semaphore_mem>>) src(%dma_wait3A_403 : memref<64x128xf32, #tpu.memory_space<hbm>>) dst(%dma_wait3A_400 : memref<64x128xf32, #tpu.memory_space<vmem>>)
        %dma_wait3A_404 = arith.constant 0 : i32
        %dma_wait3A_405 = arith.constant 0 : i32
        %dma_wait3A_406 = arith.constant 0 : i32
        %dma_wait3A_407 = arith.constant 0 : i32
        %dma_wait3A_408 = tpu.memref_slice %arg11[%dma_wait3A_404, %dma_wait3A_405, %dma_wait3A_406, %dma_wait3A_407] : memref<2x5x64x128xf32, #tpu.memory_space<vmem>> -> memref<1x1x64x128xf32, #tpu.memory_space<vmem>>
        %dma_wait3A_409 = tpu.memref_squeeze %dma_wait3A_408 : memref<1x1x64x128xf32, #tpu.memory_space<vmem>> -> memref<64x128xf32, #tpu.memory_space<vmem>>
        %dma_wait3A_410 = arith.constant 0 : i32
        %dma_wait3A_411 = arith.constant 0 : i32
        %dma_wait3A_412 = tpu.memref_slice %arg7[%dma_wait3A_410, %dma_wait3A_411] : memref<64x640xf32, #tpu.memory_space<hbm>> -> memref<64x128xf32, #tpu.memory_space<hbm>>
        %dma_wait3A_413 = arith.constant 0 : i32
        %dma_wait3A_414 = arith.constant 0 : i32
        %dma_wait3A_415 = tpu.memref_slice %arg11[%dma_wait3A_404, %dma_wait3A_405, %dma_wait3A_413, %dma_wait3A_414] : memref<2x5x64x128xf32, #tpu.memory_space<vmem>> -> memref<1x1x64x128xf32, #tpu.memory_space<vmem>>
        %dma_wait3A_416 = tpu.memref_squeeze %dma_wait3A_415 : memref<1x1x64x128xf32, #tpu.memory_space<vmem>> -> memref<64x128xf32, #tpu.memory_space<vmem>>
        %dma_wait3A_417 = arith.constant 0 : i32
        %dma_wait3A_418 = arith.constant 0 : i32
        %dma_wait3A_419 = tpu.memref_slice %arg7[%dma_wait3A_417, %dma_wait3A_418] : memref<64x640xf32, #tpu.memory_space<hbm>> -> memref<64x128xf32, #tpu.memory_space<hbm>>
        tpu.wait_dma2 semaphore(%arg14 : memref<!tpu.dma_semaphore, #tpu.memory_space<semaphore_mem>>) src(%dma_wait3A_419 : memref<64x128xf32, #tpu.memory_space<hbm>>) dst(%dma_wait3A_416 : memref<64x128xf32, #tpu.memory_space<vmem>>)
        %dma_wait3A_420 = arith.constant 0 : i32
        %dma_wait3A_421 = arith.constant 0 : i32
        %dma_wait3A_422 = arith.constant 0 : i32
        %dma_wait3A_423 = arith.constant 0 : i32
        %dma_wait3A_424 = tpu.memref_slice %arg11[%dma_wait3A_420, %dma_wait3A_421, %dma_wait3A_422, %dma_wait3A_423] : memref<2x5x64x128xf32, #tpu.memory_space<vmem>> -> memref<1x1x64x128xf32, #tpu.memory_space<vmem>>
        %dma_wait3A_425 = tpu.memref_squeeze %dma_wait3A_424 : memref<1x1x64x128xf32, #tpu.memory_space<vmem>> -> memref<64x128xf32, #tpu.memory_space<vmem>>
        %dma_wait3A_426 = arith.constant 0 : i32
        %dma_wait3A_427 = arith.constant 0 : i32
        %dma_wait3A_428 = tpu.memref_slice %arg7[%dma_wait3A_426, %dma_wait3A_427] : memref<64x640xf32, #tpu.memory_space<hbm>> -> memref<64x128xf32, #tpu.memory_space<hbm>>
        %dma_wait3A_429 = arith.constant 0 : i32
        %dma_wait3A_430 = arith.constant 0 : i32
        %dma_wait3A_431 = tpu.memref_slice %arg11[%dma_wait3A_420, %dma_wait3A_421, %dma_wait3A_429, %dma_wait3A_430] : memref<2x5x64x128xf32, #tpu.memory_space<vmem>> -> memref<1x1x64x128xf32, #tpu.memory_space<vmem>>
        %dma_wait3A_432 = tpu.memref_squeeze %dma_wait3A_431 : memref<1x1x64x128xf32, #tpu.memory_space<vmem>> -> memref<64x128xf32, #tpu.memory_space<vmem>>
        %dma_wait3A_433 = arith.constant 0 : i32
        %dma_wait3A_434 = arith.constant 0 : i32
        %dma_wait3A_435 = tpu.memref_slice %arg7[%dma_wait3A_433, %dma_wait3A_434] : memref<64x640xf32, #tpu.memory_space<hbm>> -> memref<64x128xf32, #tpu.memory_space<hbm>>
        tpu.wait_dma2 semaphore(%arg14 : memref<!tpu.dma_semaphore, #tpu.memory_space<semaphore_mem>>) src(%dma_wait3A_435 : memref<64x128xf32, #tpu.memory_space<hbm>>) dst(%dma_wait3A_432 : memref<64x128xf32, #tpu.memory_space<vmem>>)
        %ne3A_436 = arith.cmpi ne, %shift_right_arithmetic3A_288, %while3A_286 : i32
        %convert_element_type3A_437 = arith.extui %ne3A_436 : i1 to i32
        %cond3A_438 = arith.constant 0 : i32
        %cond3A_439 = arith.cmpi ne, %convert_element_type3A_437, %cond3A_438 : i32
        scf.if %cond3A_439 {
          %ge3A_456 = arith.constant 1952 : i32
          %ge3A_457 = arith.cmpi sge, %shift_right_arithmetic3A_288, %ge3A_456 : i32
          %convert_element_type3A_458 = arith.extui %ge3A_457 : i1 to i32
          %cond3A_459 = arith.constant 0 : i32
          %cond3A_460 = arith.cmpi ne, %convert_element_type3A_458, %cond3A_459 : i32
          scf.if %cond3A_460 {
            %dma_start3A_546 = arith.constant 0 : i32
            %dma_start3A_547 = arith.constant 0 : i32
            %dma_start3A_548 = arith.constant 0 : i32
            %dma_start3A_549 = tpu.memref_slice %arg11[%and3A_293, %dma_start3A_546, %dma_start3A_547, %dma_start3A_548] : memref<2x5x64x128xf32, #tpu.memory_space<vmem>> -> memref<1x1x64x128xf32, #tpu.memory_space<vmem>>
            %dma_start3A_550 = tpu.memref_squeeze %dma_start3A_549 : memref<1x1x64x128xf32, #tpu.memory_space<vmem>> -> memref<64x128xf32, #tpu.memory_space<vmem>>
            %dma_start3A_551 = arith.constant 0 : i32
            %dma_start3A_552 = arith.constant 0 : i32
            %dma_start3A_553 = tpu.memref_slice %arg7[%dma_start3A_551, %dma_start3A_552] : memref<64x640xf32, #tpu.memory_space<hbm>> -> memref<64x128xf32, #tpu.memory_space<hbm>>
            %dma_start3A_554 = arith.constant 0 : i32
            %dma_start3A_555 = arith.constant 0 : i32
            %dma_start3A_556 = tpu.memref_slice %arg11[%and3A_293, %dma_start3A_546, %dma_start3A_554, %dma_start3A_555] : memref<2x5x64x128xf32, #tpu.memory_space<vmem>> -> memref<1x1x64x128xf32, #tpu.memory_space<vmem>>
            %dma_start3A_557 = tpu.memref_squeeze %dma_start3A_556 : memref<1x1x64x128xf32, #tpu.memory_space<vmem>> -> memref<64x128xf32, #tpu.memory_space<vmem>>
            %dma_start3A_558 = arith.constant 0 : i32
            %dma_start3A_559 = arith.constant 0 : i32
            %dma_start3A_560 = tpu.memref_slice %arg7[%dma_start3A_558, %dma_start3A_559] : memref<64x640xf32, #tpu.memory_space<hbm>> -> memref<64x128xf32, #tpu.memory_space<hbm>>
            tpu.enqueue_dma source(%dma_start3A_560 : memref<64x128xf32, #tpu.memory_space<hbm>>) target(%dma_start3A_557 : memref<64x128xf32, #tpu.memory_space<vmem>>) target_semaphore(%arg14 : memref<!tpu.dma_semaphore, #tpu.memory_space<semaphore_mem>>)
            %dma_start3A_561 = arith.constant 1 : i32
            %dma_start3A_562 = arith.constant 0 : i32
            %dma_start3A_563 = arith.constant 0 : i32
            %dma_start3A_564 = tpu.memref_slice %arg11[%and3A_293, %dma_start3A_561, %dma_start3A_562, %dma_start3A_563] : memref<2x5x64x128xf32, #tpu.memory_space<vmem>> -> memref<1x1x64x128xf32, #tpu.memory_space<vmem>>
            %dma_start3A_565 = tpu.memref_squeeze %dma_start3A_564 : memref<1x1x64x128xf32, #tpu.memory_space<vmem>> -> memref<64x128xf32, #tpu.memory_space<vmem>>
            %dma_start3A_566 = arith.constant 0 : i32
            %dma_start3A_567 = arith.constant 128 : i32
            %dma_start3A_568 = tpu.memref_slice %arg7[%dma_start3A_566, %dma_start3A_567] : memref<64x640xf32, #tpu.memory_space<hbm>> -> memref<64x128xf32, #tpu.memory_space<hbm>>
            %dma_start3A_569 = arith.constant 0 : i32
            %dma_start3A_570 = arith.constant 0 : i32
            %dma_start3A_571 = tpu.memref_slice %arg11[%and3A_293, %dma_start3A_561, %dma_start3A_569, %dma_start3A_570] : memref<2x5x64x128xf32, #tpu.memory_space<vmem>> -> memref<1x1x64x128xf32, #tpu.memory_space<vmem>>
            %dma_start3A_572 = tpu.memref_squeeze %dma_start3A_571 : memref<1x1x64x128xf32, #tpu.memory_space<vmem>> -> memref<64x128xf32, #tpu.memory_space<vmem>>
            %dma_start3A_573 = arith.constant 0 : i32
            %dma_start3A_574 = arith.constant 128 : i32
            %dma_start3A_575 = tpu.memref_slice %arg7[%dma_start3A_573, %dma_start3A_574] : memref<64x640xf32, #tpu.memory_space<hbm>> -> memref<64x128xf32, #tpu.memory_space<hbm>>
            tpu.enqueue_dma source(%dma_start3A_575 : memref<64x128xf32, #tpu.memory_space<hbm>>) target(%dma_start3A_572 : memref<64x128xf32, #tpu.memory_space<vmem>>) target_semaphore(%arg14 : memref<!tpu.dma_semaphore, #tpu.memory_space<semaphore_mem>>)
            %dma_start3A_576 = arith.constant 2 : i32
            %dma_start3A_577 = arith.constant 0 : i32
            %dma_start3A_578 = arith.constant 0 : i32
            %dma_start3A_579 = tpu.memref_slice %arg11[%and3A_293, %dma_start3A_576, %dma_start3A_577, %dma_start3A_578] : memref<2x5x64x128xf32, #tpu.memory_space<vmem>> -> memref<1x1x64x128xf32, #tpu.memory_space<vmem>>
            %dma_start3A_580 = tpu.memref_squeeze %dma_start3A_579 : memref<1x1x64x128xf32, #tpu.memory_space<vmem>> -> memref<64x128xf32, #tpu.memory_space<vmem>>
            %dma_start3A_581 = arith.constant 0 : i32
            %dma_start3A_582 = arith.constant 256 : i32
            %dma_start3A_583 = tpu.memref_slice %arg7[%dma_start3A_581, %dma_start3A_582] : memref<64x640xf32, #tpu.memory_space<hbm>> -> memref<64x128xf32, #tpu.memory_space<hbm>>
            %dma_start3A_584 = arith.constant 0 : i32
            %dma_start3A_585 = arith.constant 0 : i32
            %dma_start3A_586 = tpu.memref_slice %arg11[%and3A_293, %dma_start3A_576, %dma_start3A_584, %dma_start3A_585] : memref<2x5x64x128xf32, #tpu.memory_space<vmem>> -> memref<1x1x64x128xf32, #tpu.memory_space<vmem>>
            %dma_start3A_587 = tpu.memref_squeeze %dma_start3A_586 : memref<1x1x64x128xf32, #tpu.memory_space<vmem>> -> memref<64x128xf32, #tpu.memory_space<vmem>>
            %dma_start3A_588 = arith.constant 0 : i32
            %dma_start3A_589 = arith.constant 256 : i32
            %dma_start3A_590 = tpu.memref_slice %arg7[%dma_start3A_588, %dma_start3A_589] : memref<64x640xf32, #tpu.memory_space<hbm>> -> memref<64x128xf32, #tpu.memory_space<hbm>>
            tpu.enqueue_dma source(%dma_start3A_590 : memref<64x128xf32, #tpu.memory_space<hbm>>) target(%dma_start3A_587 : memref<64x128xf32, #tpu.memory_space<vmem>>) target_semaphore(%arg14 : memref<!tpu.dma_semaphore, #tpu.memory_space<semaphore_mem>>)
            %dma_start3A_591 = arith.constant 3 : i32
            %dma_start3A_592 = arith.constant 0 : i32
            %dma_start3A_593 = arith.constant 0 : i32
            %dma_start3A_594 = tpu.memref_slice %arg11[%and3A_293, %dma_start3A_591, %dma_start3A_592, %dma_start3A_593] : memref<2x5x64x128xf32, #tpu.memory_space<vmem>> -> memref<1x1x64x128xf32, #tpu.memory_space<vmem>>
            %dma_start3A_595 = tpu.memref_squeeze %dma_start3A_594 : memref<1x1x64x128xf32, #tpu.memory_space<vmem>> -> memref<64x128xf32, #tpu.memory_space<vmem>>
            %dma_start3A_596 = arith.constant 0 : i32
            %dma_start3A_597 = arith.constant 384 : i32
            %dma_start3A_598 = tpu.memref_slice %arg7[%dma_start3A_596, %dma_start3A_597] : memref<64x640xf32, #tpu.memory_space<hbm>> -> memref<64x128xf32, #tpu.memory_space<hbm>>
            %dma_start3A_599 = arith.constant 0 : i32
            %dma_start3A_600 = arith.constant 0 : i32
            %dma_start3A_601 = tpu.memref_slice %arg11[%and3A_293, %dma_start3A_591, %dma_start3A_599, %dma_start3A_600] : memref<2x5x64x128xf32, #tpu.memory_space<vmem>> -> memref<1x1x64x128xf32, #tpu.memory_space<vmem>>
            %dma_start3A_602 = tpu.memref_squeeze %dma_start3A_601 : memref<1x1x64x128xf32, #tpu.memory_space<vmem>> -> memref<64x128xf32, #tpu.memory_space<vmem>>
            %dma_start3A_603 = arith.constant 0 : i32
            %dma_start3A_604 = arith.constant 384 : i32
            %dma_start3A_605 = tpu.memref_slice %arg7[%dma_start3A_603, %dma_start3A_604] : memref<64x640xf32, #tpu.memory_space<hbm>> -> memref<64x128xf32, #tpu.memory_space<hbm>>
            tpu.enqueue_dma source(%dma_start3A_605 : memref<64x128xf32, #tpu.memory_space<hbm>>) target(%dma_start3A_602 : memref<64x128xf32, #tpu.memory_space<vmem>>) target_semaphore(%arg14 : memref<!tpu.dma_semaphore, #tpu.memory_space<semaphore_mem>>)
            %dma_start3A_606 = arith.constant 4 : i32
            %dma_start3A_607 = arith.constant 0 : i32
            %dma_start3A_608 = arith.constant 0 : i32
            %dma_start3A_609 = tpu.memref_slice %arg11[%and3A_293, %dma_start3A_606, %dma_start3A_607, %dma_start3A_608] : memref<2x5x64x128xf32, #tpu.memory_space<vmem>> -> memref<1x1x64x128xf32, #tpu.memory_space<vmem>>
            %dma_start3A_610 = tpu.memref_squeeze %dma_start3A_609 : memref<1x1x64x128xf32, #tpu.memory_space<vmem>> -> memref<64x128xf32, #tpu.memory_space<vmem>>
            %dma_start3A_611 = arith.constant 0 : i32
            %dma_start3A_612 = arith.constant 512 : i32
            %dma_start3A_613 = tpu.memref_slice %arg7[%dma_start3A_611, %dma_start3A_612] : memref<64x640xf32, #tpu.memory_space<hbm>> -> memref<64x128xf32, #tpu.memory_space<hbm>>
            %dma_start3A_614 = arith.constant 0 : i32
            %dma_start3A_615 = arith.constant 0 : i32
            %dma_start3A_616 = tpu.memref_slice %arg11[%and3A_293, %dma_start3A_606, %dma_start3A_614, %dma_start3A_615] : memref<2x5x64x128xf32, #tpu.memory_space<vmem>> -> memref<1x1x64x128xf32, #tpu.memory_space<vmem>>
            %dma_start3A_617 = tpu.memref_squeeze %dma_start3A_616 : memref<1x1x64x128xf32, #tpu.memory_space<vmem>> -> memref<64x128xf32, #tpu.memory_space<vmem>>
            %dma_start3A_618 = arith.constant 0 : i32
            %dma_start3A_619 = arith.constant 512 : i32
            %dma_start3A_620 = tpu.memref_slice %arg7[%dma_start3A_618, %dma_start3A_619] : memref<64x640xf32, #tpu.memory_space<hbm>> -> memref<64x128xf32, #tpu.memory_space<hbm>>
            tpu.enqueue_dma source(%dma_start3A_620 : memref<64x128xf32, #tpu.memory_space<hbm>>) target(%dma_start3A_617 : memref<64x128xf32, #tpu.memory_space<vmem>>) target_semaphore(%arg14 : memref<!tpu.dma_semaphore, #tpu.memory_space<semaphore_mem>>)
          } else {
          }
          %lt3A_461 = arith.constant 1952 : i32
          %lt3A_462 = arith.cmpi slt, %shift_right_arithmetic3A_288, %lt3A_461 : i32
          %convert_element_type3A_463 = arith.extui %lt3A_462 : i1 to i32
          %cond3A_464 = arith.constant 0 : i32
          %cond3A_465 = arith.cmpi ne, %convert_element_type3A_463, %cond3A_464 : i32
          scf.if %cond3A_465 {
            %mul3A_546 = arith.constant 512 : i32
            %mul3A_547 = arith.muli %shift_right_arithmetic3A_288, %mul3A_546 : i32
            %add3A_548 = arith.constant 0 : i32
            %add3A_549 = arith.addi %mul3A_547, %add3A_548 : i32
            %multiple_of3A = tpu.assume_multiple %add3A_549, 128 : i32
            %dma_start3A_550 = arith.constant 0 : i32
            %dma_start3A_551 = arith.constant 0 : i32
            %dma_start3A_552 = arith.constant 0 : i32
            %dma_start3A_553 = tpu.memref_slice %arg11[%and3A_293, %dma_start3A_550, %dma_start3A_551, %dma_start3A_552] : memref<2x5x64x128xf32, #tpu.memory_space<vmem>> -> memref<1x1x64x128xf32, #tpu.memory_space<vmem>>
            %dma_start3A_554 = tpu.memref_squeeze %dma_start3A_553 : memref<1x1x64x128xf32, #tpu.memory_space<vmem>> -> memref<64x128xf32, #tpu.memory_space<vmem>>
            %dma_start3A_555 = arith.constant 0 : i32
            %dma_start3A_556 = tpu.memref_slice %arg5[%dma_start3A_555, %multiple_of3A] : memref<64x1000000xf32, #tpu.memory_space<hbm>> -> memref<64x128xf32, #tpu.memory_space<hbm>>
            %dma_start3A_557 = arith.constant 0 : i32
            %dma_start3A_558 = arith.constant 0 : i32
            %dma_start3A_559 = tpu.memref_slice %arg11[%and3A_293, %dma_start3A_550, %dma_start3A_557, %dma_start3A_558] : memref<2x5x64x128xf32, #tpu.memory_space<vmem>> -> memref<1x1x64x128xf32, #tpu.memory_space<vmem>>
            %dma_start3A_560 = tpu.memref_squeeze %dma_start3A_559 : memref<1x1x64x128xf32, #tpu.memory_space<vmem>> -> memref<64x128xf32, #tpu.memory_space<vmem>>
            %dma_start3A_561 = arith.constant 0 : i32
            %dma_start3A_562 = tpu.memref_slice %arg5[%dma_start3A_561, %multiple_of3A] : memref<64x1000000xf32, #tpu.memory_space<hbm>> -> memref<64x128xf32, #tpu.memory_space<hbm>>
            tpu.enqueue_dma source(%dma_start3A_562 : memref<64x128xf32, #tpu.memory_space<hbm>>) target(%dma_start3A_560 : memref<64x128xf32, #tpu.memory_space<vmem>>) target_semaphore(%arg14 : memref<!tpu.dma_semaphore, #tpu.memory_space<semaphore_mem>>)
            %mul3A_563 = arith.constant 512 : i32
            %mul3A_564 = arith.muli %shift_right_arithmetic3A_288, %mul3A_563 : i32
            %add3A_565 = arith.constant 128 : i32
            %add3A_566 = arith.addi %mul3A_564, %add3A_565 : i32
            %multiple_of3A_567 = tpu.assume_multiple %add3A_566, 128 : i32
            %dma_start3A_568 = arith.constant 1 : i32
            %dma_start3A_569 = arith.constant 0 : i32
            %dma_start3A_570 = arith.constant 0 : i32
            %dma_start3A_571 = tpu.memref_slice %arg11[%and3A_293, %dma_start3A_568, %dma_start3A_569, %dma_start3A_570] : memref<2x5x64x128xf32, #tpu.memory_space<vmem>> -> memref<1x1x64x128xf32, #tpu.memory_space<vmem>>
            %dma_start3A_572 = tpu.memref_squeeze %dma_start3A_571 : memref<1x1x64x128xf32, #tpu.memory_space<vmem>> -> memref<64x128xf32, #tpu.memory_space<vmem>>
            %dma_start3A_573 = arith.constant 0 : i32
            %dma_start3A_574 = tpu.memref_slice %arg5[%dma_start3A_573, %multiple_of3A_567] : memref<64x1000000xf32, #tpu.memory_space<hbm>> -> memref<64x128xf32, #tpu.memory_space<hbm>>
            %dma_start3A_575 = arith.constant 0 : i32
            %dma_start3A_576 = arith.constant 0 : i32
            %dma_start3A_577 = tpu.memref_slice %arg11[%and3A_293, %dma_start3A_568, %dma_start3A_575, %dma_start3A_576] : memref<2x5x64x128xf32, #tpu.memory_space<vmem>> -> memref<1x1x64x128xf32, #tpu.memory_space<vmem>>
            %dma_start3A_578 = tpu.memref_squeeze %dma_start3A_577 : memref<1x1x64x128xf32, #tpu.memory_space<vmem>> -> memref<64x128xf32, #tpu.memory_space<vmem>>
            %dma_start3A_579 = arith.constant 0 : i32
            %dma_start3A_580 = tpu.memref_slice %arg5[%dma_start3A_579, %multiple_of3A_567] : memref<64x1000000xf32, #tpu.memory_space<hbm>> -> memref<64x128xf32, #tpu.memory_space<hbm>>
            tpu.enqueue_dma source(%dma_start3A_580 : memref<64x128xf32, #tpu.memory_space<hbm>>) target(%dma_start3A_578 : memref<64x128xf32, #tpu.memory_space<vmem>>) target_semaphore(%arg14 : memref<!tpu.dma_semaphore, #tpu.memory_space<semaphore_mem>>)
            %mul3A_581 = arith.constant 512 : i32
            %mul3A_582 = arith.muli %shift_right_arithmetic3A_288, %mul3A_581 : i32
            %add3A_583 = arith.constant 256 : i32
            %add3A_584 = arith.addi %mul3A_582, %add3A_583 : i32
            %multiple_of3A_585 = tpu.assume_multiple %add3A_584, 128 : i32
            %dma_start3A_586 = arith.constant 2 : i32
            %dma_start3A_587 = arith.constant 0 : i32
            %dma_start3A_588 = arith.constant 0 : i32
            %dma_start3A_589 = tpu.memref_slice %arg11[%and3A_293, %dma_start3A_586, %dma_start3A_587, %dma_start3A_588] : memref<2x5x64x128xf32, #tpu.memory_space<vmem>> -> memref<1x1x64x128xf32, #tpu.memory_space<vmem>>
            %dma_start3A_590 = tpu.memref_squeeze %dma_start3A_589 : memref<1x1x64x128xf32, #tpu.memory_space<vmem>> -> memref<64x128xf32, #tpu.memory_space<vmem>>
            %dma_start3A_591 = arith.constant 0 : i32
            %dma_start3A_592 = tpu.memref_slice %arg5[%dma_start3A_591, %multiple_of3A_585] : memref<64x1000000xf32, #tpu.memory_space<hbm>> -> memref<64x128xf32, #tpu.memory_space<hbm>>
            %dma_start3A_593 = arith.constant 0 : i32
            %dma_start3A_594 = arith.constant 0 : i32
            %dma_start3A_595 = tpu.memref_slice %arg11[%and3A_293, %dma_start3A_586, %dma_start3A_593, %dma_start3A_594] : memref<2x5x64x128xf32, #tpu.memory_space<vmem>> -> memref<1x1x64x128xf32, #tpu.memory_space<vmem>>
            %dma_start3A_596 = tpu.memref_squeeze %dma_start3A_595 : memref<1x1x64x128xf32, #tpu.memory_space<vmem>> -> memref<64x128xf32, #tpu.memory_space<vmem>>
            %dma_start3A_597 = arith.constant 0 : i32
            %dma_start3A_598 = tpu.memref_slice %arg5[%dma_start3A_597, %multiple_of3A_585] : memref<64x1000000xf32, #tpu.memory_space<hbm>> -> memref<64x128xf32, #tpu.memory_space<hbm>>
            tpu.enqueue_dma source(%dma_start3A_598 : memref<64x128xf32, #tpu.memory_space<hbm>>) target(%dma_start3A_596 : memref<64x128xf32, #tpu.memory_space<vmem>>) target_semaphore(%arg14 : memref<!tpu.dma_semaphore, #tpu.memory_space<semaphore_mem>>)
            %mul3A_599 = arith.constant 512 : i32
            %mul3A_600 = arith.muli %shift_right_arithmetic3A_288, %mul3A_599 : i32
            %add3A_601 = arith.constant 384 : i32
            %add3A_602 = arith.addi %mul3A_600, %add3A_601 : i32
            %multiple_of3A_603 = tpu.assume_multiple %add3A_602, 128 : i32
            %dma_start3A_604 = arith.constant 3 : i32
            %dma_start3A_605 = arith.constant 0 : i32
            %dma_start3A_606 = arith.constant 0 : i32
            %dma_start3A_607 = tpu.memref_slice %arg11[%and3A_293, %dma_start3A_604, %dma_start3A_605, %dma_start3A_606] : memref<2x5x64x128xf32, #tpu.memory_space<vmem>> -> memref<1x1x64x128xf32, #tpu.memory_space<vmem>>
            %dma_start3A_608 = tpu.memref_squeeze %dma_start3A_607 : memref<1x1x64x128xf32, #tpu.memory_space<vmem>> -> memref<64x128xf32, #tpu.memory_space<vmem>>
            %dma_start3A_609 = arith.constant 0 : i32
            %dma_start3A_610 = tpu.memref_slice %arg5[%dma_start3A_609, %multiple_of3A_603] : memref<64x1000000xf32, #tpu.memory_space<hbm>> -> memref<64x128xf32, #tpu.memory_space<hbm>>
            %dma_start3A_611 = arith.constant 0 : i32
            %dma_start3A_612 = arith.constant 0 : i32
            %dma_start3A_613 = tpu.memref_slice %arg11[%and3A_293, %dma_start3A_604, %dma_start3A_611, %dma_start3A_612] : memref<2x5x64x128xf32, #tpu.memory_space<vmem>> -> memref<1x1x64x128xf32, #tpu.memory_space<vmem>>
            %dma_start3A_614 = tpu.memref_squeeze %dma_start3A_613 : memref<1x1x64x128xf32, #tpu.memory_space<vmem>> -> memref<64x128xf32, #tpu.memory_space<vmem>>
            %dma_start3A_615 = arith.constant 0 : i32
            %dma_start3A_616 = tpu.memref_slice %arg5[%dma_start3A_615, %multiple_of3A_603] : memref<64x1000000xf32, #tpu.memory_space<hbm>> -> memref<64x128xf32, #tpu.memory_space<hbm>>
            tpu.enqueue_dma source(%dma_start3A_616 : memref<64x128xf32, #tpu.memory_space<hbm>>) target(%dma_start3A_614 : memref<64x128xf32, #tpu.memory_space<vmem>>) target_semaphore(%arg14 : memref<!tpu.dma_semaphore, #tpu.memory_space<semaphore_mem>>)
            %mul3A_617 = arith.constant 512 : i32
            %mul3A_618 = arith.muli %shift_right_arithmetic3A_288, %mul3A_617 : i32
            %add3A_619 = arith.constant 512 : i32
            %add3A_620 = arith.addi %mul3A_618, %add3A_619 : i32
            %multiple_of3A_621 = tpu.assume_multiple %add3A_620, 128 : i32
            %dma_start3A_622 = arith.constant 4 : i32
            %dma_start3A_623 = arith.constant 0 : i32
            %dma_start3A_624 = arith.constant 0 : i32
            %dma_start3A_625 = tpu.memref_slice %arg11[%and3A_293, %dma_start3A_622, %dma_start3A_623, %dma_start3A_624] : memref<2x5x64x128xf32, #tpu.memory_space<vmem>> -> memref<1x1x64x128xf32, #tpu.memory_space<vmem>>
            %dma_start3A_626 = tpu.memref_squeeze %dma_start3A_625 : memref<1x1x64x128xf32, #tpu.memory_space<vmem>> -> memref<64x128xf32, #tpu.memory_space<vmem>>
            %dma_start3A_627 = arith.constant 0 : i32
            %dma_start3A_628 = tpu.memref_slice %arg5[%dma_start3A_627, %multiple_of3A_621] : memref<64x1000000xf32, #tpu.memory_space<hbm>> -> memref<64x128xf32, #tpu.memory_space<hbm>>
            %dma_start3A_629 = arith.constant 0 : i32
            %dma_start3A_630 = arith.constant 0 : i32
            %dma_start3A_631 = tpu.memref_slice %arg11[%and3A_293, %dma_start3A_622, %dma_start3A_629, %dma_start3A_630] : memref<2x5x64x128xf32, #tpu.memory_space<vmem>> -> memref<1x1x64x128xf32, #tpu.memory_space<vmem>>
            %dma_start3A_632 = tpu.memref_squeeze %dma_start3A_631 : memref<1x1x64x128xf32, #tpu.memory_space<vmem>> -> memref<64x128xf32, #tpu.memory_space<vmem>>
            %dma_start3A_633 = arith.constant 0 : i32
            %dma_start3A_634 = tpu.memref_slice %arg5[%dma_start3A_633, %multiple_of3A_621] : memref<64x1000000xf32, #tpu.memory_space<hbm>> -> memref<64x128xf32, #tpu.memory_space<hbm>>
            tpu.enqueue_dma source(%dma_start3A_634 : memref<64x128xf32, #tpu.memory_space<hbm>>) target(%dma_start3A_632 : memref<64x128xf32, #tpu.memory_space<vmem>>) target_semaphore(%arg14 : memref<!tpu.dma_semaphore, #tpu.memory_space<semaphore_mem>>)
          } else {
          }
          %dma_wait3A_466 = arith.constant 0 : i32
          %dma_wait3A_467 = arith.constant 0 : i32
          %dma_wait3A_468 = arith.constant 0 : i32
          %dma_wait3A_469 = arith.constant 0 : i32
          %dma_wait3A_470 = tpu.memref_slice %arg11[%dma_wait3A_466, %dma_wait3A_467, %dma_wait3A_468, %dma_wait3A_469] : memref<2x5x64x128xf32, #tpu.memory_space<vmem>> -> memref<1x1x64x128xf32, #tpu.memory_space<vmem>>
          %dma_wait3A_471 = tpu.memref_squeeze %dma_wait3A_470 : memref<1x1x64x128xf32, #tpu.memory_space<vmem>> -> memref<64x128xf32, #tpu.memory_space<vmem>>
          %dma_wait3A_472 = arith.constant 0 : i32
          %dma_wait3A_473 = arith.constant 0 : i32
          %dma_wait3A_474 = tpu.memref_slice %arg7[%dma_wait3A_472, %dma_wait3A_473] : memref<64x640xf32, #tpu.memory_space<hbm>> -> memref<64x128xf32, #tpu.memory_space<hbm>>
          %dma_wait3A_475 = arith.constant 0 : i32
          %dma_wait3A_476 = arith.constant 0 : i32
          %dma_wait3A_477 = tpu.memref_slice %arg11[%dma_wait3A_466, %dma_wait3A_467, %dma_wait3A_475, %dma_wait3A_476] : memref<2x5x64x128xf32, #tpu.memory_space<vmem>> -> memref<1x1x64x128xf32, #tpu.memory_space<vmem>>
          %dma_wait3A_478 = tpu.memref_squeeze %dma_wait3A_477 : memref<1x1x64x128xf32, #tpu.memory_space<vmem>> -> memref<64x128xf32, #tpu.memory_space<vmem>>
          %dma_wait3A_479 = arith.constant 0 : i32
          %dma_wait3A_480 = arith.constant 0 : i32
          %dma_wait3A_481 = tpu.memref_slice %arg7[%dma_wait3A_479, %dma_wait3A_480] : memref<64x640xf32, #tpu.memory_space<hbm>> -> memref<64x128xf32, #tpu.memory_space<hbm>>
          tpu.wait_dma2 semaphore(%arg14 : memref<!tpu.dma_semaphore, #tpu.memory_space<semaphore_mem>>) src(%dma_wait3A_481 : memref<64x128xf32, #tpu.memory_space<hbm>>) dst(%dma_wait3A_478 : memref<64x128xf32, #tpu.memory_space<vmem>>)
          %dma_wait3A_482 = arith.constant 0 : i32
          %dma_wait3A_483 = arith.constant 0 : i32
          %dma_wait3A_484 = arith.constant 0 : i32
          %dma_wait3A_485 = arith.constant 0 : i32
          %dma_wait3A_486 = tpu.memref_slice %arg11[%dma_wait3A_482, %dma_wait3A_483, %dma_wait3A_484, %dma_wait3A_485] : memref<2x5x64x128xf32, #tpu.memory_space<vmem>> -> memref<1x1x64x128xf32, #tpu.memory_space<vmem>>
          %dma_wait3A_487 = tpu.memref_squeeze %dma_wait3A_486 : memref<1x1x64x128xf32, #tpu.memory_space<vmem>> -> memref<64x128xf32, #tpu.memory_space<vmem>>
          %dma_wait3A_488 = arith.constant 0 : i32
          %dma_wait3A_489 = arith.constant 0 : i32
          %dma_wait3A_490 = tpu.memref_slice %arg7[%dma_wait3A_488, %dma_wait3A_489] : memref<64x640xf32, #tpu.memory_space<hbm>> -> memref<64x128xf32, #tpu.memory_space<hbm>>
          %dma_wait3A_491 = arith.constant 0 : i32
          %dma_wait3A_492 = arith.constant 0 : i32
          %dma_wait3A_493 = tpu.memref_slice %arg11[%dma_wait3A_482, %dma_wait3A_483, %dma_wait3A_491, %dma_wait3A_492] : memref<2x5x64x128xf32, #tpu.memory_space<vmem>> -> memref<1x1x64x128xf32, #tpu.memory_space<vmem>>
          %dma_wait3A_494 = tpu.memref_squeeze %dma_wait3A_493 : memref<1x1x64x128xf32, #tpu.memory_space<vmem>> -> memref<64x128xf32, #tpu.memory_space<vmem>>
          %dma_wait3A_495 = arith.constant 0 : i32
          %dma_wait3A_496 = arith.constant 0 : i32
          %dma_wait3A_497 = tpu.memref_slice %arg7[%dma_wait3A_495, %dma_wait3A_496] : memref<64x640xf32, #tpu.memory_space<hbm>> -> memref<64x128xf32, #tpu.memory_space<hbm>>
          tpu.wait_dma2 semaphore(%arg14 : memref<!tpu.dma_semaphore, #tpu.memory_space<semaphore_mem>>) src(%dma_wait3A_497 : memref<64x128xf32, #tpu.memory_space<hbm>>) dst(%dma_wait3A_494 : memref<64x128xf32, #tpu.memory_space<vmem>>)
          %dma_wait3A_498 = arith.constant 0 : i32
          %dma_wait3A_499 = arith.constant 0 : i32
          %dma_wait3A_500 = arith.constant 0 : i32
          %dma_wait3A_501 = arith.constant 0 : i32
          %dma_wait3A_502 = tpu.memref_slice %arg11[%dma_wait3A_498, %dma_wait3A_499, %dma_wait3A_500, %dma_wait3A_501] : memref<2x5x64x128xf32, #tpu.memory_space<vmem>> -> memref<1x1x64x128xf32, #tpu.memory_space<vmem>>
          %dma_wait3A_503 = tpu.memref_squeeze %dma_wait3A_502 : memref<1x1x64x128xf32, #tpu.memory_space<vmem>> -> memref<64x128xf32, #tpu.memory_space<vmem>>
          %dma_wait3A_504 = arith.constant 0 : i32
          %dma_wait3A_505 = arith.constant 0 : i32
          %dma_wait3A_506 = tpu.memref_slice %arg7[%dma_wait3A_504, %dma_wait3A_505] : memref<64x640xf32, #tpu.memory_space<hbm>> -> memref<64x128xf32, #tpu.memory_space<hbm>>
          %dma_wait3A_507 = arith.constant 0 : i32
          %dma_wait3A_508 = arith.constant 0 : i32
          %dma_wait3A_509 = tpu.memref_slice %arg11[%dma_wait3A_498, %dma_wait3A_499, %dma_wait3A_507, %dma_wait3A_508] : memref<2x5x64x128xf32, #tpu.memory_space<vmem>> -> memref<1x1x64x128xf32, #tpu.memory_space<vmem>>
          %dma_wait3A_510 = tpu.memref_squeeze %dma_wait3A_509 : memref<1x1x64x128xf32, #tpu.memory_space<vmem>> -> memref<64x128xf32, #tpu.memory_space<vmem>>
          %dma_wait3A_511 = arith.constant 0 : i32
          %dma_wait3A_512 = arith.constant 0 : i32
          %dma_wait3A_513 = tpu.memref_slice %arg7[%dma_wait3A_511, %dma_wait3A_512] : memref<64x640xf32, #tpu.memory_space<hbm>> -> memref<64x128xf32, #tpu.memory_space<hbm>>
          tpu.wait_dma2 semaphore(%arg14 : memref<!tpu.dma_semaphore, #tpu.memory_space<semaphore_mem>>) src(%dma_wait3A_513 : memref<64x128xf32, #tpu.memory_space<hbm>>) dst(%dma_wait3A_510 : memref<64x128xf32, #tpu.memory_space<vmem>>)
          %dma_wait3A_514 = arith.constant 0 : i32
          %dma_wait3A_515 = arith.constant 0 : i32
          %dma_wait3A_516 = arith.constant 0 : i32
          %dma_wait3A_517 = arith.constant 0 : i32
          %dma_wait3A_518 = tpu.memref_slice %arg11[%dma_wait3A_514, %dma_wait3A_515, %dma_wait3A_516, %dma_wait3A_517] : memref<2x5x64x128xf32, #tpu.memory_space<vmem>> -> memref<1x1x64x128xf32, #tpu.memory_space<vmem>>
          %dma_wait3A_519 = tpu.memref_squeeze %dma_wait3A_518 : memref<1x1x64x128xf32, #tpu.memory_space<vmem>> -> memref<64x128xf32, #tpu.memory_space<vmem>>
          %dma_wait3A_520 = arith.constant 0 : i32
          %dma_wait3A_521 = arith.constant 0 : i32
          %dma_wait3A_522 = tpu.memref_slice %arg7[%dma_wait3A_520, %dma_wait3A_521] : memref<64x640xf32, #tpu.memory_space<hbm>> -> memref<64x128xf32, #tpu.memory_space<hbm>>
          %dma_wait3A_523 = arith.constant 0 : i32
          %dma_wait3A_524 = arith.constant 0 : i32
          %dma_wait3A_525 = tpu.memref_slice %arg11[%dma_wait3A_514, %dma_wait3A_515, %dma_wait3A_523, %dma_wait3A_524] : memref<2x5x64x128xf32, #tpu.memory_space<vmem>> -> memref<1x1x64x128xf32, #tpu.memory_space<vmem>>
          %dma_wait3A_526 = tpu.memref_squeeze %dma_wait3A_525 : memref<1x1x64x128xf32, #tpu.memory_space<vmem>> -> memref<64x128xf32, #tpu.memory_space<vmem>>
          %dma_wait3A_527 = arith.constant 0 : i32
          %dma_wait3A_528 = arith.constant 0 : i32
          %dma_wait3A_529 = tpu.memref_slice %arg7[%dma_wait3A_527, %dma_wait3A_528] : memref<64x640xf32, #tpu.memory_space<hbm>> -> memref<64x128xf32, #tpu.memory_space<hbm>>
          tpu.wait_dma2 semaphore(%arg14 : memref<!tpu.dma_semaphore, #tpu.memory_space<semaphore_mem>>) src(%dma_wait3A_529 : memref<64x128xf32, #tpu.memory_space<hbm>>) dst(%dma_wait3A_526 : memref<64x128xf32, #tpu.memory_space<vmem>>)
          %dma_wait3A_530 = arith.constant 0 : i32
          %dma_wait3A_531 = arith.constant 0 : i32
          %dma_wait3A_532 = arith.constant 0 : i32
          %dma_wait3A_533 = arith.constant 0 : i32
          %dma_wait3A_534 = tpu.memref_slice %arg11[%dma_wait3A_530, %dma_wait3A_531, %dma_wait3A_532, %dma_wait3A_533] : memref<2x5x64x128xf32, #tpu.memory_space<vmem>> -> memref<1x1x64x128xf32, #tpu.memory_space<vmem>>
          %dma_wait3A_535 = tpu.memref_squeeze %dma_wait3A_534 : memref<1x1x64x128xf32, #tpu.memory_space<vmem>> -> memref<64x128xf32, #tpu.memory_space<vmem>>
          %dma_wait3A_536 = arith.constant 0 : i32
          %dma_wait3A_537 = arith.constant 0 : i32
          %dma_wait3A_538 = tpu.memref_slice %arg7[%dma_wait3A_536, %dma_wait3A_537] : memref<64x640xf32, #tpu.memory_space<hbm>> -> memref<64x128xf32, #tpu.memory_space<hbm>>
          %dma_wait3A_539 = arith.constant 0 : i32
          %dma_wait3A_540 = arith.constant 0 : i32
          %dma_wait3A_541 = tpu.memref_slice %arg11[%dma_wait3A_530, %dma_wait3A_531, %dma_wait3A_539, %dma_wait3A_540] : memref<2x5x64x128xf32, #tpu.memory_space<vmem>> -> memref<1x1x64x128xf32, #tpu.memory_space<vmem>>
          %dma_wait3A_542 = tpu.memref_squeeze %dma_wait3A_541 : memref<1x1x64x128xf32, #tpu.memory_space<vmem>> -> memref<64x128xf32, #tpu.memory_space<vmem>>
          %dma_wait3A_543 = arith.constant 0 : i32
          %dma_wait3A_544 = arith.constant 0 : i32
          %dma_wait3A_545 = tpu.memref_slice %arg7[%dma_wait3A_543, %dma_wait3A_544] : memref<64x640xf32, #tpu.memory_space<hbm>> -> memref<64x128xf32, #tpu.memory_space<hbm>>
          tpu.wait_dma2 semaphore(%arg14 : memref<!tpu.dma_semaphore, #tpu.memory_space<semaphore_mem>>) src(%dma_wait3A_545 : memref<64x128xf32, #tpu.memory_space<hbm>>) dst(%dma_wait3A_542 : memref<64x128xf32, #tpu.memory_space<vmem>>)
        } else {
        }
        %add3A_440 = arith.constant 1 : i32
        %add3A_441 = arith.addi %shift_right_arithmetic3A_288, %add3A_440 : i32
        %add3A_442 = arith.constant 1 : i32
        %add3A_443 = arith.addi %shift_right_arithmetic3A_288, %add3A_442 : i32
        %and3A_444 = arith.constant 1 : i32
        %and3A_445 = arith.andi %add3A_443, %and3A_444 : i32
        %ge3A_446 = arith.constant 1952 : i32
        %ge3A_447 = arith.cmpi sge, %add3A_441, %ge3A_446 : i32
        %convert_element_type3A_448 = arith.extui %ge3A_447 : i1 to i32
        %cond3A_449 = arith.constant 0 : i32
        %cond3A_450 = arith.cmpi ne, %convert_element_type3A_448, %cond3A_449 : i32
        scf.if %cond3A_450 {
          %dma_start3A_456 = arith.constant 0 : i32
          %dma_start3A_457 = arith.constant 0 : i32
          %dma_start3A_458 = arith.constant 0 : i32
          %dma_start3A_459 = tpu.memref_slice %arg11[%and3A_445, %dma_start3A_456, %dma_start3A_457, %dma_start3A_458] : memref<2x5x64x128xf32, #tpu.memory_space<vmem>> -> memref<1x1x64x128xf32, #tpu.memory_space<vmem>>
          %dma_start3A_460 = tpu.memref_squeeze %dma_start3A_459 : memref<1x1x64x128xf32, #tpu.memory_space<vmem>> -> memref<64x128xf32, #tpu.memory_space<vmem>>
          %dma_start3A_461 = arith.constant 0 : i32
          %dma_start3A_462 = arith.constant 0 : i32
          %dma_start3A_463 = tpu.memref_slice %arg7[%dma_start3A_461, %dma_start3A_462] : memref<64x640xf32, #tpu.memory_space<hbm>> -> memref<64x128xf32, #tpu.memory_space<hbm>>
          %dma_start3A_464 = arith.constant 0 : i32
          %dma_start3A_465 = arith.constant 0 : i32
          %dma_start3A_466 = tpu.memref_slice %arg11[%and3A_445, %dma_start3A_456, %dma_start3A_464, %dma_start3A_465] : memref<2x5x64x128xf32, #tpu.memory_space<vmem>> -> memref<1x1x64x128xf32, #tpu.memory_space<vmem>>
          %dma_start3A_467 = tpu.memref_squeeze %dma_start3A_466 : memref<1x1x64x128xf32, #tpu.memory_space<vmem>> -> memref<64x128xf32, #tpu.memory_space<vmem>>
          %dma_start3A_468 = arith.constant 0 : i32
          %dma_start3A_469 = arith.constant 0 : i32
          %dma_start3A_470 = tpu.memref_slice %arg7[%dma_start3A_468, %dma_start3A_469] : memref<64x640xf32, #tpu.memory_space<hbm>> -> memref<64x128xf32, #tpu.memory_space<hbm>>
          tpu.enqueue_dma source(%dma_start3A_470 : memref<64x128xf32, #tpu.memory_space<hbm>>) target(%dma_start3A_467 : memref<64x128xf32, #tpu.memory_space<vmem>>) target_semaphore(%arg14 : memref<!tpu.dma_semaphore, #tpu.memory_space<semaphore_mem>>)
          %dma_start3A_471 = arith.constant 1 : i32
          %dma_start3A_472 = arith.constant 0 : i32
          %dma_start3A_473 = arith.constant 0 : i32
          %dma_start3A_474 = tpu.memref_slice %arg11[%and3A_445, %dma_start3A_471, %dma_start3A_472, %dma_start3A_473] : memref<2x5x64x128xf32, #tpu.memory_space<vmem>> -> memref<1x1x64x128xf32, #tpu.memory_space<vmem>>
          %dma_start3A_475 = tpu.memref_squeeze %dma_start3A_474 : memref<1x1x64x128xf32, #tpu.memory_space<vmem>> -> memref<64x128xf32, #tpu.memory_space<vmem>>
          %dma_start3A_476 = arith.constant 0 : i32
          %dma_start3A_477 = arith.constant 128 : i32
          %dma_start3A_478 = tpu.memref_slice %arg7[%dma_start3A_476, %dma_start3A_477] : memref<64x640xf32, #tpu.memory_space<hbm>> -> memref<64x128xf32, #tpu.memory_space<hbm>>
          %dma_start3A_479 = arith.constant 0 : i32
          %dma_start3A_480 = arith.constant 0 : i32
          %dma_start3A_481 = tpu.memref_slice %arg11[%and3A_445, %dma_start3A_471, %dma_start3A_479, %dma_start3A_480] : memref<2x5x64x128xf32, #tpu.memory_space<vmem>> -> memref<1x1x64x128xf32, #tpu.memory_space<vmem>>
          %dma_start3A_482 = tpu.memref_squeeze %dma_start3A_481 : memref<1x1x64x128xf32, #tpu.memory_space<vmem>> -> memref<64x128xf32, #tpu.memory_space<vmem>>
          %dma_start3A_483 = arith.constant 0 : i32
          %dma_start3A_484 = arith.constant 128 : i32
          %dma_start3A_485 = tpu.memref_slice %arg7[%dma_start3A_483, %dma_start3A_484] : memref<64x640xf32, #tpu.memory_space<hbm>> -> memref<64x128xf32, #tpu.memory_space<hbm>>
          tpu.enqueue_dma source(%dma_start3A_485 : memref<64x128xf32, #tpu.memory_space<hbm>>) target(%dma_start3A_482 : memref<64x128xf32, #tpu.memory_space<vmem>>) target_semaphore(%arg14 : memref<!tpu.dma_semaphore, #tpu.memory_space<semaphore_mem>>)
          %dma_start3A_486 = arith.constant 2 : i32
          %dma_start3A_487 = arith.constant 0 : i32
          %dma_start3A_488 = arith.constant 0 : i32
          %dma_start3A_489 = tpu.memref_slice %arg11[%and3A_445, %dma_start3A_486, %dma_start3A_487, %dma_start3A_488] : memref<2x5x64x128xf32, #tpu.memory_space<vmem>> -> memref<1x1x64x128xf32, #tpu.memory_space<vmem>>
          %dma_start3A_490 = tpu.memref_squeeze %dma_start3A_489 : memref<1x1x64x128xf32, #tpu.memory_space<vmem>> -> memref<64x128xf32, #tpu.memory_space<vmem>>
          %dma_start3A_491 = arith.constant 0 : i32
          %dma_start3A_492 = arith.constant 256 : i32
          %dma_start3A_493 = tpu.memref_slice %arg7[%dma_start3A_491, %dma_start3A_492] : memref<64x640xf32, #tpu.memory_space<hbm>> -> memref<64x128xf32, #tpu.memory_space<hbm>>
          %dma_start3A_494 = arith.constant 0 : i32
          %dma_start3A_495 = arith.constant 0 : i32
          %dma_start3A_496 = tpu.memref_slice %arg11[%and3A_445, %dma_start3A_486, %dma_start3A_494, %dma_start3A_495] : memref<2x5x64x128xf32, #tpu.memory_space<vmem>> -> memref<1x1x64x128xf32, #tpu.memory_space<vmem>>
          %dma_start3A_497 = tpu.memref_squeeze %dma_start3A_496 : memref<1x1x64x128xf32, #tpu.memory_space<vmem>> -> memref<64x128xf32, #tpu.memory_space<vmem>>
          %dma_start3A_498 = arith.constant 0 : i32
          %dma_start3A_499 = arith.constant 256 : i32
          %dma_start3A_500 = tpu.memref_slice %arg7[%dma_start3A_498, %dma_start3A_499] : memref<64x640xf32, #tpu.memory_space<hbm>> -> memref<64x128xf32, #tpu.memory_space<hbm>>
          tpu.enqueue_dma source(%dma_start3A_500 : memref<64x128xf32, #tpu.memory_space<hbm>>) target(%dma_start3A_497 : memref<64x128xf32, #tpu.memory_space<vmem>>) target_semaphore(%arg14 : memref<!tpu.dma_semaphore, #tpu.memory_space<semaphore_mem>>)
          %dma_start3A_501 = arith.constant 3 : i32
          %dma_start3A_502 = arith.constant 0 : i32
          %dma_start3A_503 = arith.constant 0 : i32
          %dma_start3A_504 = tpu.memref_slice %arg11[%and3A_445, %dma_start3A_501, %dma_start3A_502, %dma_start3A_503] : memref<2x5x64x128xf32, #tpu.memory_space<vmem>> -> memref<1x1x64x128xf32, #tpu.memory_space<vmem>>
          %dma_start3A_505 = tpu.memref_squeeze %dma_start3A_504 : memref<1x1x64x128xf32, #tpu.memory_space<vmem>> -> memref<64x128xf32, #tpu.memory_space<vmem>>
          %dma_start3A_506 = arith.constant 0 : i32
          %dma_start3A_507 = arith.constant 384 : i32
          %dma_start3A_508 = tpu.memref_slice %arg7[%dma_start3A_506, %dma_start3A_507] : memref<64x640xf32, #tpu.memory_space<hbm>> -> memref<64x128xf32, #tpu.memory_space<hbm>>
          %dma_start3A_509 = arith.constant 0 : i32
          %dma_start3A_510 = arith.constant 0 : i32
          %dma_start3A_511 = tpu.memref_slice %arg11[%and3A_445, %dma_start3A_501, %dma_start3A_509, %dma_start3A_510] : memref<2x5x64x128xf32, #tpu.memory_space<vmem>> -> memref<1x1x64x128xf32, #tpu.memory_space<vmem>>
          %dma_start3A_512 = tpu.memref_squeeze %dma_start3A_511 : memref<1x1x64x128xf32, #tpu.memory_space<vmem>> -> memref<64x128xf32, #tpu.memory_space<vmem>>
          %dma_start3A_513 = arith.constant 0 : i32
          %dma_start3A_514 = arith.constant 384 : i32
          %dma_start3A_515 = tpu.memref_slice %arg7[%dma_start3A_513, %dma_start3A_514] : memref<64x640xf32, #tpu.memory_space<hbm>> -> memref<64x128xf32, #tpu.memory_space<hbm>>
          tpu.enqueue_dma source(%dma_start3A_515 : memref<64x128xf32, #tpu.memory_space<hbm>>) target(%dma_start3A_512 : memref<64x128xf32, #tpu.memory_space<vmem>>) target_semaphore(%arg14 : memref<!tpu.dma_semaphore, #tpu.memory_space<semaphore_mem>>)
          %dma_start3A_516 = arith.constant 4 : i32
          %dma_start3A_517 = arith.constant 0 : i32
          %dma_start3A_518 = arith.constant 0 : i32
          %dma_start3A_519 = tpu.memref_slice %arg11[%and3A_445, %dma_start3A_516, %dma_start3A_517, %dma_start3A_518] : memref<2x5x64x128xf32, #tpu.memory_space<vmem>> -> memref<1x1x64x128xf32, #tpu.memory_space<vmem>>
          %dma_start3A_520 = tpu.memref_squeeze %dma_start3A_519 : memref<1x1x64x128xf32, #tpu.memory_space<vmem>> -> memref<64x128xf32, #tpu.memory_space<vmem>>
          %dma_start3A_521 = arith.constant 0 : i32
          %dma_start3A_522 = arith.constant 512 : i32
          %dma_start3A_523 = tpu.memref_slice %arg7[%dma_start3A_521, %dma_start3A_522] : memref<64x640xf32, #tpu.memory_space<hbm>> -> memref<64x128xf32, #tpu.memory_space<hbm>>
          %dma_start3A_524 = arith.constant 0 : i32
          %dma_start3A_525 = arith.constant 0 : i32
          %dma_start3A_526 = tpu.memref_slice %arg11[%and3A_445, %dma_start3A_516, %dma_start3A_524, %dma_start3A_525] : memref<2x5x64x128xf32, #tpu.memory_space<vmem>> -> memref<1x1x64x128xf32, #tpu.memory_space<vmem>>
          %dma_start3A_527 = tpu.memref_squeeze %dma_start3A_526 : memref<1x1x64x128xf32, #tpu.memory_space<vmem>> -> memref<64x128xf32, #tpu.memory_space<vmem>>
          %dma_start3A_528 = arith.constant 0 : i32
          %dma_start3A_529 = arith.constant 512 : i32
          %dma_start3A_530 = tpu.memref_slice %arg7[%dma_start3A_528, %dma_start3A_529] : memref<64x640xf32, #tpu.memory_space<hbm>> -> memref<64x128xf32, #tpu.memory_space<hbm>>
          tpu.enqueue_dma source(%dma_start3A_530 : memref<64x128xf32, #tpu.memory_space<hbm>>) target(%dma_start3A_527 : memref<64x128xf32, #tpu.memory_space<vmem>>) target_semaphore(%arg14 : memref<!tpu.dma_semaphore, #tpu.memory_space<semaphore_mem>>)
        } else {
        }
        %lt3A_451 = arith.constant 1952 : i32
        %lt3A_452 = arith.cmpi slt, %add3A_441, %lt3A_451 : i32
        %convert_element_type3A_453 = arith.extui %lt3A_452 : i1 to i32
        %cond3A_454 = arith.constant 0 : i32
        %cond3A_455 = arith.cmpi ne, %convert_element_type3A_453, %cond3A_454 : i32
        scf.if %cond3A_455 {
          %mul3A_456 = arith.constant 512 : i32
          %mul3A_457 = arith.muli %add3A_441, %mul3A_456 : i32
          %add3A_458 = arith.constant 0 : i32
          %add3A_459 = arith.addi %mul3A_457, %add3A_458 : i32
          %multiple_of3A = tpu.assume_multiple %add3A_459, 128 : i32
          %dma_start3A_460 = arith.constant 0 : i32
          %dma_start3A_461 = arith.constant 0 : i32
          %dma_start3A_462 = arith.constant 0 : i32
          %dma_start3A_463 = tpu.memref_slice %arg11[%and3A_445, %dma_start3A_460, %dma_start3A_461, %dma_start3A_462] : memref<2x5x64x128xf32, #tpu.memory_space<vmem>> -> memref<1x1x64x128xf32, #tpu.memory_space<vmem>>
          %dma_start3A_464 = tpu.memref_squeeze %dma_start3A_463 : memref<1x1x64x128xf32, #tpu.memory_space<vmem>> -> memref<64x128xf32, #tpu.memory_space<vmem>>
          %dma_start3A_465 = arith.constant 0 : i32
          %dma_start3A_466 = tpu.memref_slice %arg5[%dma_start3A_465, %multiple_of3A] : memref<64x1000000xf32, #tpu.memory_space<hbm>> -> memref<64x128xf32, #tpu.memory_space<hbm>>
          %dma_start3A_467 = arith.constant 0 : i32
          %dma_start3A_468 = arith.constant 0 : i32
          %dma_start3A_469 = tpu.memref_slice %arg11[%and3A_445, %dma_start3A_460, %dma_start3A_467, %dma_start3A_468] : memref<2x5x64x128xf32, #tpu.memory_space<vmem>> -> memref<1x1x64x128xf32, #tpu.memory_space<vmem>>
          %dma_start3A_470 = tpu.memref_squeeze %dma_start3A_469 : memref<1x1x64x128xf32, #tpu.memory_space<vmem>> -> memref<64x128xf32, #tpu.memory_space<vmem>>
          %dma_start3A_471 = arith.constant 0 : i32
          %dma_start3A_472 = tpu.memref_slice %arg5[%dma_start3A_471, %multiple_of3A] : memref<64x1000000xf32, #tpu.memory_space<hbm>> -> memref<64x128xf32, #tpu.memory_space<hbm>>
          tpu.enqueue_dma source(%dma_start3A_472 : memref<64x128xf32, #tpu.memory_space<hbm>>) target(%dma_start3A_470 : memref<64x128xf32, #tpu.memory_space<vmem>>) target_semaphore(%arg14 : memref<!tpu.dma_semaphore, #tpu.memory_space<semaphore_mem>>)
          %mul3A_473 = arith.constant 512 : i32
          %mul3A_474 = arith.muli %add3A_441, %mul3A_473 : i32
          %add3A_475 = arith.constant 128 : i32
          %add3A_476 = arith.addi %mul3A_474, %add3A_475 : i32
          %multiple_of3A_477 = tpu.assume_multiple %add3A_476, 128 : i32
          %dma_start3A_478 = arith.constant 1 : i32
          %dma_start3A_479 = arith.constant 0 : i32
          %dma_start3A_480 = arith.constant 0 : i32
          %dma_start3A_481 = tpu.memref_slice %arg11[%and3A_445, %dma_start3A_478, %dma_start3A_479, %dma_start3A_480] : memref<2x5x64x128xf32, #tpu.memory_space<vmem>> -> memref<1x1x64x128xf32, #tpu.memory_space<vmem>>
          %dma_start3A_482 = tpu.memref_squeeze %dma_start3A_481 : memref<1x1x64x128xf32, #tpu.memory_space<vmem>> -> memref<64x128xf32, #tpu.memory_space<vmem>>
          %dma_start3A_483 = arith.constant 0 : i32
          %dma_start3A_484 = tpu.memref_slice %arg5[%dma_start3A_483, %multiple_of3A_477] : memref<64x1000000xf32, #tpu.memory_space<hbm>> -> memref<64x128xf32, #tpu.memory_space<hbm>>
          %dma_start3A_485 = arith.constant 0 : i32
          %dma_start3A_486 = arith.constant 0 : i32
          %dma_start3A_487 = tpu.memref_slice %arg11[%and3A_445, %dma_start3A_478, %dma_start3A_485, %dma_start3A_486] : memref<2x5x64x128xf32, #tpu.memory_space<vmem>> -> memref<1x1x64x128xf32, #tpu.memory_space<vmem>>
          %dma_start3A_488 = tpu.memref_squeeze %dma_start3A_487 : memref<1x1x64x128xf32, #tpu.memory_space<vmem>> -> memref<64x128xf32, #tpu.memory_space<vmem>>
          %dma_start3A_489 = arith.constant 0 : i32
          %dma_start3A_490 = tpu.memref_slice %arg5[%dma_start3A_489, %multiple_of3A_477] : memref<64x1000000xf32, #tpu.memory_space<hbm>> -> memref<64x128xf32, #tpu.memory_space<hbm>>
          tpu.enqueue_dma source(%dma_start3A_490 : memref<64x128xf32, #tpu.memory_space<hbm>>) target(%dma_start3A_488 : memref<64x128xf32, #tpu.memory_space<vmem>>) target_semaphore(%arg14 : memref<!tpu.dma_semaphore, #tpu.memory_space<semaphore_mem>>)
          %mul3A_491 = arith.constant 512 : i32
          %mul3A_492 = arith.muli %add3A_441, %mul3A_491 : i32
          %add3A_493 = arith.constant 256 : i32
          %add3A_494 = arith.addi %mul3A_492, %add3A_493 : i32
          %multiple_of3A_495 = tpu.assume_multiple %add3A_494, 128 : i32
          %dma_start3A_496 = arith.constant 2 : i32
          %dma_start3A_497 = arith.constant 0 : i32
          %dma_start3A_498 = arith.constant 0 : i32
          %dma_start3A_499 = tpu.memref_slice %arg11[%and3A_445, %dma_start3A_496, %dma_start3A_497, %dma_start3A_498] : memref<2x5x64x128xf32, #tpu.memory_space<vmem>> -> memref<1x1x64x128xf32, #tpu.memory_space<vmem>>
          %dma_start3A_500 = tpu.memref_squeeze %dma_start3A_499 : memref<1x1x64x128xf32, #tpu.memory_space<vmem>> -> memref<64x128xf32, #tpu.memory_space<vmem>>
          %dma_start3A_501 = arith.constant 0 : i32
          %dma_start3A_502 = tpu.memref_slice %arg5[%dma_start3A_501, %multiple_of3A_495] : memref<64x1000000xf32, #tpu.memory_space<hbm>> -> memref<64x128xf32, #tpu.memory_space<hbm>>
          %dma_start3A_503 = arith.constant 0 : i32
          %dma_start3A_504 = arith.constant 0 : i32
          %dma_start3A_505 = tpu.memref_slice %arg11[%and3A_445, %dma_start3A_496, %dma_start3A_503, %dma_start3A_504] : memref<2x5x64x128xf32, #tpu.memory_space<vmem>> -> memref<1x1x64x128xf32, #tpu.memory_space<vmem>>
          %dma_start3A_506 = tpu.memref_squeeze %dma_start3A_505 : memref<1x1x64x128xf32, #tpu.memory_space<vmem>> -> memref<64x128xf32, #tpu.memory_space<vmem>>
          %dma_start3A_507 = arith.constant 0 : i32
          %dma_start3A_508 = tpu.memref_slice %arg5[%dma_start3A_507, %multiple_of3A_495] : memref<64x1000000xf32, #tpu.memory_space<hbm>> -> memref<64x128xf32, #tpu.memory_space<hbm>>
          tpu.enqueue_dma source(%dma_start3A_508 : memref<64x128xf32, #tpu.memory_space<hbm>>) target(%dma_start3A_506 : memref<64x128xf32, #tpu.memory_space<vmem>>) target_semaphore(%arg14 : memref<!tpu.dma_semaphore, #tpu.memory_space<semaphore_mem>>)
          %mul3A_509 = arith.constant 512 : i32
          %mul3A_510 = arith.muli %add3A_441, %mul3A_509 : i32
          %add3A_511 = arith.constant 384 : i32
          %add3A_512 = arith.addi %mul3A_510, %add3A_511 : i32
          %multiple_of3A_513 = tpu.assume_multiple %add3A_512, 128 : i32
          %dma_start3A_514 = arith.constant 3 : i32
          %dma_start3A_515 = arith.constant 0 : i32
          %dma_start3A_516 = arith.constant 0 : i32
          %dma_start3A_517 = tpu.memref_slice %arg11[%and3A_445, %dma_start3A_514, %dma_start3A_515, %dma_start3A_516] : memref<2x5x64x128xf32, #tpu.memory_space<vmem>> -> memref<1x1x64x128xf32, #tpu.memory_space<vmem>>
          %dma_start3A_518 = tpu.memref_squeeze %dma_start3A_517 : memref<1x1x64x128xf32, #tpu.memory_space<vmem>> -> memref<64x128xf32, #tpu.memory_space<vmem>>
          %dma_start3A_519 = arith.constant 0 : i32
          %dma_start3A_520 = tpu.memref_slice %arg5[%dma_start3A_519, %multiple_of3A_513] : memref<64x1000000xf32, #tpu.memory_space<hbm>> -> memref<64x128xf32, #tpu.memory_space<hbm>>
          %dma_start3A_521 = arith.constant 0 : i32
          %dma_start3A_522 = arith.constant 0 : i32
          %dma_start3A_523 = tpu.memref_slice %arg11[%and3A_445, %dma_start3A_514, %dma_start3A_521, %dma_start3A_522] : memref<2x5x64x128xf32, #tpu.memory_space<vmem>> -> memref<1x1x64x128xf32, #tpu.memory_space<vmem>>
          %dma_start3A_524 = tpu.memref_squeeze %dma_start3A_523 : memref<1x1x64x128xf32, #tpu.memory_space<vmem>> -> memref<64x128xf32, #tpu.memory_space<vmem>>
          %dma_start3A_525 = arith.constant 0 : i32
          %dma_start3A_526 = tpu.memref_slice %arg5[%dma_start3A_525, %multiple_of3A_513] : memref<64x1000000xf32, #tpu.memory_space<hbm>> -> memref<64x128xf32, #tpu.memory_space<hbm>>
          tpu.enqueue_dma source(%dma_start3A_526 : memref<64x128xf32, #tpu.memory_space<hbm>>) target(%dma_start3A_524 : memref<64x128xf32, #tpu.memory_space<vmem>>) target_semaphore(%arg14 : memref<!tpu.dma_semaphore, #tpu.memory_space<semaphore_mem>>)
          %mul3A_527 = arith.constant 512 : i32
          %mul3A_528 = arith.muli %add3A_441, %mul3A_527 : i32
          %add3A_529 = arith.constant 512 : i32
          %add3A_530 = arith.addi %mul3A_528, %add3A_529 : i32
          %multiple_of3A_531 = tpu.assume_multiple %add3A_530, 128 : i32
          %dma_start3A_532 = arith.constant 4 : i32
          %dma_start3A_533 = arith.constant 0 : i32
          %dma_start3A_534 = arith.constant 0 : i32
          %dma_start3A_535 = tpu.memref_slice %arg11[%and3A_445, %dma_start3A_532, %dma_start3A_533, %dma_start3A_534] : memref<2x5x64x128xf32, #tpu.memory_space<vmem>> -> memref<1x1x64x128xf32, #tpu.memory_space<vmem>>
          %dma_start3A_536 = tpu.memref_squeeze %dma_start3A_535 : memref<1x1x64x128xf32, #tpu.memory_space<vmem>> -> memref<64x128xf32, #tpu.memory_space<vmem>>
          %dma_start3A_537 = arith.constant 0 : i32
          %dma_start3A_538 = tpu.memref_slice %arg5[%dma_start3A_537, %multiple_of3A_531] : memref<64x1000000xf32, #tpu.memory_space<hbm>> -> memref<64x128xf32, #tpu.memory_space<hbm>>
          %dma_start3A_539 = arith.constant 0 : i32
          %dma_start3A_540 = arith.constant 0 : i32
          %dma_start3A_541 = tpu.memref_slice %arg11[%and3A_445, %dma_start3A_532, %dma_start3A_539, %dma_start3A_540] : memref<2x5x64x128xf32, #tpu.memory_space<vmem>> -> memref<1x1x64x128xf32, #tpu.memory_space<vmem>>
          %dma_start3A_542 = tpu.memref_squeeze %dma_start3A_541 : memref<1x1x64x128xf32, #tpu.memory_space<vmem>> -> memref<64x128xf32, #tpu.memory_space<vmem>>
          %dma_start3A_543 = arith.constant 0 : i32
          %dma_start3A_544 = tpu.memref_slice %arg5[%dma_start3A_543, %multiple_of3A_531] : memref<64x1000000xf32, #tpu.memory_space<hbm>> -> memref<64x128xf32, #tpu.memory_space<hbm>>
          tpu.enqueue_dma source(%dma_start3A_544 : memref<64x128xf32, #tpu.memory_space<hbm>>) target(%dma_start3A_542 : memref<64x128xf32, #tpu.memory_space<vmem>>) target_semaphore(%arg14 : memref<!tpu.dma_semaphore, #tpu.memory_space<semaphore_mem>>)
        } else {
        }
      } else {
      }
      %add3A_297 = vector.broadcast %while3A_283 : i32 to vector<16xi32>
      %add3A_298 = arith.addi %add3A_297, %iota3A : vector<16xi32>
      %lt3A_299 = arith.constant 1024 : i32
      %lt3A_300 = vector.broadcast %lt3A_299 : i32 to vector<16xi32>
      %lt3A_301 = arith.cmpi slt, %add3A_298, %lt3A_300 : vector<16xi32>
      %add3A_302 = arith.constant 640 : i32
      %add3A_303 = arith.addi %select_n3A, %add3A_302 : i32
      %lt3A_304 = vector.broadcast %add3A_303 : i32 to vector<16xi32>
      %lt3A_305 = arith.cmpi slt, %get3A_287, %lt3A_304 : vector<16xi32>
      %and3A_306 = arith.andi %lt3A_301, %lt3A_305 : vector<16xi1>
      %sub3A = vector.broadcast %select_n3A : i32 to vector<16xi32>
      %sub3A_307 = arith.subi %get3A_287, %sub3A : vector<16xi32>
      %jit3A_308 = arith.constant 0 : i32
      %broadcast_in_dim3A_309 = vector.broadcast %jit3A_308 : i32 to vector<16xi32>
      %select_n3A_310 = arith.select %and3A_306, %sub3A_307, %broadcast_in_dim3A_309 : vector<16xi1>, vector<16xi32>
      %shift_right_arithmetic3A_311 = arith.constant 7 : i32
      %shift_right_arithmetic3A_312 = vector.broadcast %shift_right_arithmetic3A_311 : i32 to vector<16xi32>
      %shift_right_arithmetic3A_313 = arith.shrsi %select_n3A_310, %shift_right_arithmetic3A_312 : vector<16xi32>
      %and3A_314 = arith.constant 127 : i32
      %and3A_315 = vector.broadcast %and3A_314 : i32 to vector<16xi32>
      %and3A_316 = arith.andi %select_n3A_310, %and3A_315 : vector<16xi32>
      %and3A_317 = arith.constant 255 : i32
      %and3A_318 = vector.broadcast %and3A_317 : i32 to vector<16xi32>
      %and3A_319 = arith.andi %add3A_298, %and3A_318 : vector<16xi32>
      %broadcast_in_dim3A_320 = arith.constant 0 : i32
      %broadcast_in_dim3A_321 = vector.broadcast %broadcast_in_dim3A_320 : i32 to vector<16xi32>
      %add3A_322 = vector.broadcast %and3A_293 : i32 to vector<16xi32>
      %add3A_323 = arith.addi %broadcast_in_dim3A_321, %add3A_322 : vector<16xi32>
      %scan3A = arith.constant 0 : i32
      %scan3A_324 = arith.constant 16 : i32
      %scan3A_325 = arith.addi %scan3A, %scan3A_324 : i32
      %scan3A_326 = arith.constant 1 : i32
      %scan3A_327 = scf.for %scan3A_356 = %scan3A to %scan3A_325 step %scan3A_326 iter_args(%scan3A_357 = %broadcast_in_dim3A_156) -> (vector<16xf32>)  : i32 {
        %mul3A_358 = arith.constant 4 : i32
        %mul3A_359 = arith.muli %scan3A_356, %mul3A_358 : i32
        %add3A_360 = arith.constant 0 : i32
        %add3A_361 = arith.addi %mul3A_359, %add3A_360 : i32
        %broadcast_in_dim3A_362 = arith.constant 0 : i32
        %broadcast_in_dim3A_363 = vector.broadcast %broadcast_in_dim3A_362 : i32 to vector<16xi32>
        %add3A_364 = vector.broadcast %add3A_361 : i32 to vector<16xi32>
        %add3A_365 = arith.addi %broadcast_in_dim3A_363, %add3A_364 : vector<16xi32>
        %gather3A = tpu.vector_load_idx %arg11[%add3A_323, %shift_right_arithmetic3A_313, %add3A_365, %and3A_316] : memref<2x5x64x128xf32, #tpu.memory_space<vmem>>[vector<16xi32>, vector<16xi32>, vector<16xi32>, vector<16xi32>], vector<16xf32>,
        tpu.vector_store_idx %arg12[%and3A_319, %add3A_365], %gather3A masked %and3A_306 : memref<256x128xf32, #tpu.memory_space<vmem>>[vector<16xi32>, vector<16xi32>], vector<16xf32>, vector<16xi1>
        %mul3A_366 = arith.mulf %gather3A, %gather3A : vector<16xf32>
        %add3A_367 = arith.addf %scan3A_357, %mul3A_366 : vector<16xf32>
        %mul3A_368 = arith.constant 4 : i32
        %mul3A_369 = arith.muli %scan3A_356, %mul3A_368 : i32
        %add3A_370 = arith.constant 1 : i32
        %add3A_371 = arith.addi %mul3A_369, %add3A_370 : i32
        %broadcast_in_dim3A_372 = arith.constant 0 : i32
        %broadcast_in_dim3A_373 = vector.broadcast %broadcast_in_dim3A_372 : i32 to vector<16xi32>
        %add3A_374 = vector.broadcast %add3A_371 : i32 to vector<16xi32>
        %add3A_375 = arith.addi %broadcast_in_dim3A_373, %add3A_374 : vector<16xi32>
        %gather3A_376 = tpu.vector_load_idx %arg11[%add3A_323, %shift_right_arithmetic3A_313, %add3A_375, %and3A_316] : memref<2x5x64x128xf32, #tpu.memory_space<vmem>>[vector<16xi32>, vector<16xi32>, vector<16xi32>, vector<16xi32>], vector<16xf32>,
        tpu.vector_store_idx %arg12[%and3A_319, %add3A_375], %gather3A_376 masked %and3A_306 : memref<256x128xf32, #tpu.memory_space<vmem>>[vector<16xi32>, vector<16xi32>], vector<16xf32>, vector<16xi1>
        %mul3A_377 = arith.mulf %gather3A_376, %gather3A_376 : vector<16xf32>
        %add3A_378 = arith.addf %add3A_367, %mul3A_377 : vector<16xf32>
        %mul3A_379 = arith.constant 4 : i32
        %mul3A_380 = arith.muli %scan3A_356, %mul3A_379 : i32
        %add3A_381 = arith.constant 2 : i32
        %add3A_382 = arith.addi %mul3A_380, %add3A_381 : i32
        %broadcast_in_dim3A_383 = arith.constant 0 : i32
        %broadcast_in_dim3A_384 = vector.broadcast %broadcast_in_dim3A_383 : i32 to vector<16xi32>
        %add3A_385 = vector.broadcast %add3A_382 : i32 to vector<16xi32>
        %add3A_386 = arith.addi %broadcast_in_dim3A_384, %add3A_385 : vector<16xi32>
        %gather3A_387 = tpu.vector_load_idx %arg11[%add3A_323, %shift_right_arithmetic3A_313, %add3A_386, %and3A_316] : memref<2x5x64x128xf32, #tpu.memory_space<vmem>>[vector<16xi32>, vector<16xi32>, vector<16xi32>, vector<16xi32>], vector<16xf32>,
        tpu.vector_store_idx %arg12[%and3A_319, %add3A_386], %gather3A_387 masked %and3A_306 : memref<256x128xf32, #tpu.memory_space<vmem>>[vector<16xi32>, vector<16xi32>], vector<16xf32>, vector<16xi1>
        %mul3A_388 = arith.mulf %gather3A_387, %gather3A_387 : vector<16xf32>
        %add3A_389 = arith.addf %add3A_378, %mul3A_388 : vector<16xf32>
        %mul3A_390 = arith.constant 4 : i32
        %mul3A_391 = arith.muli %scan3A_356, %mul3A_390 : i32
        %add3A_392 = arith.constant 3 : i32
        %add3A_393 = arith.addi %mul3A_391, %add3A_392 : i32
        %broadcast_in_dim3A_394 = arith.constant 0 : i32
        %broadcast_in_dim3A_395 = vector.broadcast %broadcast_in_dim3A_394 : i32 to vector<16xi32>
        %add3A_396 = vector.broadcast %add3A_393 : i32 to vector<16xi32>
        %add3A_397 = arith.addi %broadcast_in_dim3A_395, %add3A_396 : vector<16xi32>
        %gather3A_398 = tpu.vector_load_idx %arg11[%add3A_323, %shift_right_arithmetic3A_313, %add3A_397, %and3A_316] : memref<2x5x64x128xf32, #tpu.memory_space<vmem>>[vector<16xi32>, vector<16xi32>, vector<16xi32>, vector<16xi32>], vector<16xf32>,
        tpu.vector_store_idx %arg12[%and3A_319, %add3A_397], %gather3A_398 masked %and3A_306 : memref<256x128xf32, #tpu.memory_space<vmem>>[vector<16xi32>, vector<16xi32>], vector<16xf32>, vector<16xi1>
        %mul3A_399 = arith.mulf %gather3A_398, %gather3A_398 : vector<16xf32>
        %add3A_400 = arith.addf %add3A_389, %mul3A_399 : vector<16xf32>
        scf.yield %add3A_400 : vector<16xf32>
      }
      %scan3A_328 = arith.constant 16 : i32
      %broadcast_in_dim3A_329 = arith.constant 64 : i32
      %broadcast_in_dim3A_330 = vector.broadcast %broadcast_in_dim3A_329 : i32 to vector<16xi32>
      tpu.vector_store_idx %arg12[%and3A_319, %broadcast_in_dim3A_330], %broadcast_in_dim3A_158 masked %and3A_306 : memref<256x128xf32, #tpu.memory_space<vmem>>[vector<16xi32>, vector<16xi32>], vector<16xf32>, vector<16xi1>
      %convert_element_type3A_331 = arith.extui %and3A_306 : vector<16xi1> to vector<16xi32>
      %reduce_sum3A = arith.constant true
      %reduce_sum3A_332 = vector.broadcast %reduce_sum3A : i1 to vector<16xi1>
      %reduce_sum3A_333 = tpu.scan <sum>, %convert_element_type3A_331 masked %reduce_sum3A_332 : vector<16xi32>, vector<16xi1> -> vector<16xi32>
      %reduce_sum3A_334 = vector.extract %reduce_sum3A_333[15] : i32 from vector<16xi32>
      %add3A_335 = arith.addi %while3A_283, %reduce_sum3A_334 : i32
      %add3A_336 = arith.constant 1 : i32
      %add3A_337 = arith.addi %while3A_285, %add3A_336 : i32
      %mul3A_338 = arith.constant 128 : i32
      %mul3A_339 = arith.muli %add3A_337, %mul3A_338 : i32
      %ge3A_340 = arith.cmpi sge, %add3A_335, %mul3A_339 : i32
      %convert_element_type3A_341 = arith.extui %ge3A_340 : i1 to i32
      %cond3A_342 = arith.constant 0 : i32
      %cond3A_343 = arith.cmpi ne, %convert_element_type3A_341, %cond3A_342 : i32
      scf.if %cond3A_343 {
        %dma_wait3A_356 = arith.constant 0 : i32
        %dma_wait3A_357 = arith.constant 0 : i32
        %dma_wait3A_358 = tpu.memref_slice %arg12[%dma_wait3A_356, %dma_wait3A_357] : memref<256x128xf32, #tpu.memory_space<vmem>> -> memref<128x128xf32, #tpu.memory_space<vmem>>
        %dma_wait3A_359 = arith.constant 98304 : i32
        %dma_wait3A_360 = arith.constant 0 : i32
        %dma_wait3A_361 = tpu.memref_slice %arg8[%dma_wait3A_359, %dma_wait3A_360] : memref<98432x128xf32, #tpu.memory_space<hbm>> -> memref<128x128xf32, #tpu.memory_space<hbm>>
        %dma_wait3A_362 = arith.constant 98304 : i32
        %dma_wait3A_363 = arith.constant 0 : i32
        %dma_wait3A_364 = tpu.memref_slice %arg8[%dma_wait3A_362, %dma_wait3A_363] : memref<98432x128xf32, #tpu.memory_space<hbm>> -> memref<128x128xf32, #tpu.memory_space<hbm>>
        %dma_wait3A_365 = arith.constant 0 : i32
        %dma_wait3A_366 = arith.constant 0 : i32
        %dma_wait3A_367 = tpu.memref_slice %arg12[%dma_wait3A_365, %dma_wait3A_366] : memref<256x128xf32, #tpu.memory_space<vmem>> -> memref<128x128xf32, #tpu.memory_space<vmem>>
        tpu.wait_dma2 semaphore(%arg13 : memref<!tpu.dma_semaphore, #tpu.memory_space<semaphore_mem>>) src(%dma_wait3A_367 : memref<128x128xf32, #tpu.memory_space<vmem>>) dst(%dma_wait3A_364 : memref<128x128xf32, #tpu.memory_space<hbm>>)
        %and3A_368 = arith.constant 1 : i32
        %and3A_369 = arith.andi %while3A_285, %and3A_368 : i32
        %mul3A_370 = arith.constant 128 : i32
        %mul3A_371 = arith.muli %and3A_369, %mul3A_370 : i32
        %mul3A_372 = arith.constant 128 : i32
        %mul3A_373 = arith.muli %while3A_285, %mul3A_372 : i32
        %add3A_374 = arith.addi %add3A_154, %mul3A_373 : i32
        %dma_start3A_375 = arith.constant 0 : i32
        %dma_start3A_376 = tpu.memref_slice %arg12[%mul3A_371, %dma_start3A_375] : memref<256x128xf32, #tpu.memory_space<vmem>> -> memref<128x128xf32, #tpu.memory_space<vmem>>
        %dma_start3A_377 = arith.constant 0 : i32
        %dma_start3A_378 = tpu.memref_slice %arg8[%add3A_374, %dma_start3A_377] : memref<98432x128xf32, #tpu.memory_space<hbm>> -> memref<128x128xf32, #tpu.memory_space<hbm>>
        %dma_start3A_379 = arith.constant 0 : i32
        %dma_start3A_380 = tpu.memref_slice %arg8[%add3A_374, %dma_start3A_379] : memref<98432x128xf32, #tpu.memory_space<hbm>> -> memref<128x128xf32, #tpu.memory_space<hbm>>
        %dma_start3A_381 = arith.constant 0 : i32
        %dma_start3A_382 = tpu.memref_slice %arg12[%mul3A_371, %dma_start3A_381] : memref<256x128xf32, #tpu.memory_space<vmem>> -> memref<128x128xf32, #tpu.memory_space<vmem>>
        tpu.enqueue_dma source(%dma_start3A_382 : memref<128x128xf32, #tpu.memory_space<vmem>>) target(%dma_start3A_380 : memref<128x128xf32, #tpu.memory_space<hbm>>) target_semaphore(%arg13 : memref<!tpu.dma_semaphore, #tpu.memory_space<semaphore_mem>>)
      } else {
      }
      %add3A_344 = arith.constant 1 : i32
      %add3A_345 = arith.addi %while3A_285, %add3A_344 : i32
      %mul3A_346 = arith.constant 128 : i32
      %mul3A_347 = arith.muli %add3A_345, %mul3A_346 : i32
      %ge3A_348 = arith.cmpi sge, %add3A_335, %mul3A_347 : i32
      %add3A_349 = arith.constant 1 : i32
      %add3A_350 = arith.addi %while3A_285, %add3A_349 : i32
      %select_n3A_351 = arith.select %ge3A_348, %add3A_350, %while3A_285 : i32
      %ne3A_352 = arith.cmpi ne, %shift_right_arithmetic3A_288, %while3A_284 : i32
      %add3A_353 = arith.constant 1 : i32
      %add3A_354 = arith.addi %shift_right_arithmetic3A_288, %add3A_353 : i32
      %select_n3A_355 = arith.select %ne3A_352, %add3A_354, %while3A_286 : i32
      scf.yield %add3A_335, %shift_right_arithmetic3A_288, %select_n3A_351, %select_n3A_355 : i32, i32, i32, i32
    }
    %dma_wait3A_191 = arith.constant 0 : i32
    %dma_wait3A_192 = arith.constant 0 : i32
    %dma_wait3A_193 = tpu.memref_slice %arg12[%dma_wait3A_191, %dma_wait3A_192] : memref<256x128xf32, #tpu.memory_space<vmem>> -> memref<128x128xf32, #tpu.memory_space<vmem>>
    %dma_wait3A_194 = arith.constant 98304 : i32
    %dma_wait3A_195 = arith.constant 0 : i32
    %dma_wait3A_196 = tpu.memref_slice %arg8[%dma_wait3A_194, %dma_wait3A_195] : memref<98432x128xf32, #tpu.memory_space<hbm>> -> memref<128x128xf32, #tpu.memory_space<hbm>>
    %dma_wait3A_197 = arith.constant 98304 : i32
    %dma_wait3A_198 = arith.constant 0 : i32
    %dma_wait3A_199 = tpu.memref_slice %arg8[%dma_wait3A_197, %dma_wait3A_198] : memref<98432x128xf32, #tpu.memory_space<hbm>> -> memref<128x128xf32, #tpu.memory_space<hbm>>
    %dma_wait3A_200 = arith.constant 0 : i32
    %dma_wait3A_201 = arith.constant 0 : i32
    %dma_wait3A_202 = tpu.memref_slice %arg12[%dma_wait3A_200, %dma_wait3A_201] : memref<256x128xf32, #tpu.memory_space<vmem>> -> memref<128x128xf32, #tpu.memory_space<vmem>>
    tpu.wait_dma2 semaphore(%arg13 : memref<!tpu.dma_semaphore, #tpu.memory_space<semaphore_mem>>) src(%dma_wait3A_202 : memref<128x128xf32, #tpu.memory_space<vmem>>) dst(%dma_wait3A_199 : memref<128x128xf32, #tpu.memory_space<hbm>>)
    %dma_wait3A_203 = arith.constant 0 : i32
    %dma_wait3A_204 = arith.constant 0 : i32
    %dma_wait3A_205 = arith.constant 0 : i32
    %dma_wait3A_206 = arith.constant 0 : i32
    %dma_wait3A_207 = tpu.memref_slice %arg11[%dma_wait3A_203, %dma_wait3A_204, %dma_wait3A_205, %dma_wait3A_206] : memref<2x5x64x128xf32, #tpu.memory_space<vmem>> -> memref<1x1x64x128xf32, #tpu.memory_space<vmem>>
    %dma_wait3A_208 = tpu.memref_squeeze %dma_wait3A_207 : memref<1x1x64x128xf32, #tpu.memory_space<vmem>> -> memref<64x128xf32, #tpu.memory_space<vmem>>
    %dma_wait3A_209 = arith.constant 0 : i32
    %dma_wait3A_210 = arith.constant 0 : i32
    %dma_wait3A_211 = tpu.memref_slice %arg7[%dma_wait3A_209, %dma_wait3A_210] : memref<64x640xf32, #tpu.memory_space<hbm>> -> memref<64x128xf32, #tpu.memory_space<hbm>>
    %dma_wait3A_212 = arith.constant 0 : i32
    %dma_wait3A_213 = arith.constant 0 : i32
    %dma_wait3A_214 = tpu.memref_slice %arg11[%dma_wait3A_203, %dma_wait3A_204, %dma_wait3A_212, %dma_wait3A_213] : memref<2x5x64x128xf32, #tpu.memory_space<vmem>> -> memref<1x1x64x128xf32, #tpu.memory_space<vmem>>
    %dma_wait3A_215 = tpu.memref_squeeze %dma_wait3A_214 : memref<1x1x64x128xf32, #tpu.memory_space<vmem>> -> memref<64x128xf32, #tpu.memory_space<vmem>>
    %dma_wait3A_216 = arith.constant 0 : i32
    %dma_wait3A_217 = arith.constant 0 : i32
    %dma_wait3A_218 = tpu.memref_slice %arg7[%dma_wait3A_216, %dma_wait3A_217] : memref<64x640xf32, #tpu.memory_space<hbm>> -> memref<64x128xf32, #tpu.memory_space<hbm>>
    tpu.wait_dma2 semaphore(%arg14 : memref<!tpu.dma_semaphore, #tpu.memory_space<semaphore_mem>>) src(%dma_wait3A_218 : memref<64x128xf32, #tpu.memory_space<hbm>>) dst(%dma_wait3A_215 : memref<64x128xf32, #tpu.memory_space<vmem>>)
    %dma_wait3A_219 = arith.constant 0 : i32
    %dma_wait3A_220 = arith.constant 0 : i32
    %dma_wait3A_221 = arith.constant 0 : i32
    %dma_wait3A_222 = arith.constant 0 : i32
    %dma_wait3A_223 = tpu.memref_slice %arg11[%dma_wait3A_219, %dma_wait3A_220, %dma_wait3A_221, %dma_wait3A_222] : memref<2x5x64x128xf32, #tpu.memory_space<vmem>> -> memref<1x1x64x128xf32, #tpu.memory_space<vmem>>
    %dma_wait3A_224 = tpu.memref_squeeze %dma_wait3A_223 : memref<1x1x64x128xf32, #tpu.memory_space<vmem>> -> memref<64x128xf32, #tpu.memory_space<vmem>>
    %dma_wait3A_225 = arith.constant 0 : i32
    %dma_wait3A_226 = arith.constant 0 : i32
    %dma_wait3A_227 = tpu.memref_slice %arg7[%dma_wait3A_225, %dma_wait3A_226] : memref<64x640xf32, #tpu.memory_space<hbm>> -> memref<64x128xf32, #tpu.memory_space<hbm>>
    %dma_wait3A_228 = arith.constant 0 : i32
    %dma_wait3A_229 = arith.constant 0 : i32
    %dma_wait3A_230 = tpu.memref_slice %arg11[%dma_wait3A_219, %dma_wait3A_220, %dma_wait3A_228, %dma_wait3A_229] : memref<2x5x64x128xf32, #tpu.memory_space<vmem>> -> memref<1x1x64x128xf32, #tpu.memory_space<vmem>>
    %dma_wait3A_231 = tpu.memref_squeeze %dma_wait3A_230 : memref<1x1x64x128xf32, #tpu.memory_space<vmem>> -> memref<64x128xf32, #tpu.memory_space<vmem>>
    %dma_wait3A_232 = arith.constant 0 : i32
    %dma_wait3A_233 = arith.constant 0 : i32
    %dma_wait3A_234 = tpu.memref_slice %arg7[%dma_wait3A_232, %dma_wait3A_233] : memref<64x640xf32, #tpu.memory_space<hbm>> -> memref<64x128xf32, #tpu.memory_space<hbm>>
    tpu.wait_dma2 semaphore(%arg14 : memref<!tpu.dma_semaphore, #tpu.memory_space<semaphore_mem>>) src(%dma_wait3A_234 : memref<64x128xf32, #tpu.memory_space<hbm>>) dst(%dma_wait3A_231 : memref<64x128xf32, #tpu.memory_space<vmem>>)
    %dma_wait3A_235 = arith.constant 0 : i32
    %dma_wait3A_236 = arith.constant 0 : i32
    %dma_wait3A_237 = arith.constant 0 : i32
    %dma_wait3A_238 = arith.constant 0 : i32
    %dma_wait3A_239 = tpu.memref_slice %arg11[%dma_wait3A_235, %dma_wait3A_236, %dma_wait3A_237, %dma_wait3A_238] : memref<2x5x64x128xf32, #tpu.memory_space<vmem>> -> memref<1x1x64x128xf32, #tpu.memory_space<vmem>>
    %dma_wait3A_240 = tpu.memref_squeeze %dma_wait3A_239 : memref<1x1x64x128xf32, #tpu.memory_space<vmem>> -> memref<64x128xf32, #tpu.memory_space<vmem>>
    %dma_wait3A_241 = arith.constant 0 : i32
    %dma_wait3A_242 = arith.constant 0 : i32
    %dma_wait3A_243 = tpu.memref_slice %arg7[%dma_wait3A_241, %dma_wait3A_242] : memref<64x640xf32, #tpu.memory_space<hbm>> -> memref<64x128xf32, #tpu.memory_space<hbm>>
    %dma_wait3A_244 = arith.constant 0 : i32
    %dma_wait3A_245 = arith.constant 0 : i32
    %dma_wait3A_246 = tpu.memref_slice %arg11[%dma_wait3A_235, %dma_wait3A_236, %dma_wait3A_244, %dma_wait3A_245] : memref<2x5x64x128xf32, #tpu.memory_space<vmem>> -> memref<1x1x64x128xf32, #tpu.memory_space<vmem>>
    %dma_wait3A_247 = tpu.memref_squeeze %dma_wait3A_246 : memref<1x1x64x128xf32, #tpu.memory_space<vmem>> -> memref<64x128xf32, #tpu.memory_space<vmem>>
    %dma_wait3A_248 = arith.constant 0 : i32
    %dma_wait3A_249 = arith.constant 0 : i32
    %dma_wait3A_250 = tpu.memref_slice %arg7[%dma_wait3A_248, %dma_wait3A_249] : memref<64x640xf32, #tpu.memory_space<hbm>> -> memref<64x128xf32, #tpu.memory_space<hbm>>
    tpu.wait_dma2 semaphore(%arg14 : memref<!tpu.dma_semaphore, #tpu.memory_space<semaphore_mem>>) src(%dma_wait3A_250 : memref<64x128xf32, #tpu.memory_space<hbm>>) dst(%dma_wait3A_247 : memref<64x128xf32, #tpu.memory_space<vmem>>)
    %dma_wait3A_251 = arith.constant 0 : i32
    %dma_wait3A_252 = arith.constant 0 : i32
    %dma_wait3A_253 = arith.constant 0 : i32
    %dma_wait3A_254 = arith.constant 0 : i32
    %dma_wait3A_255 = tpu.memref_slice %arg11[%dma_wait3A_251, %dma_wait3A_252, %dma_wait3A_253, %dma_wait3A_254] : memref<2x5x64x128xf32, #tpu.memory_space<vmem>> -> memref<1x1x64x128xf32, #tpu.memory_space<vmem>>
    %dma_wait3A_256 = tpu.memref_squeeze %dma_wait3A_255 : memref<1x1x64x128xf32, #tpu.memory_space<vmem>> -> memref<64x128xf32, #tpu.memory_space<vmem>>
    %dma_wait3A_257 = arith.constant 0 : i32
    %dma_wait3A_258 = arith.constant 0 : i32
    %dma_wait3A_259 = tpu.memref_slice %arg7[%dma_wait3A_257, %dma_wait3A_258] : memref<64x640xf32, #tpu.memory_space<hbm>> -> memref<64x128xf32, #tpu.memory_space<hbm>>
    %dma_wait3A_260 = arith.constant 0 : i32
    %dma_wait3A_261 = arith.constant 0 : i32
    %dma_wait3A_262 = tpu.memref_slice %arg11[%dma_wait3A_251, %dma_wait3A_252, %dma_wait3A_260, %dma_wait3A_261] : memref<2x5x64x128xf32, #tpu.memory_space<vmem>> -> memref<1x1x64x128xf32, #tpu.memory_space<vmem>>
    %dma_wait3A_263 = tpu.memref_squeeze %dma_wait3A_262 : memref<1x1x64x128xf32, #tpu.memory_space<vmem>> -> memref<64x128xf32, #tpu.memory_space<vmem>>
    %dma_wait3A_264 = arith.constant 0 : i32
    %dma_wait3A_265 = arith.constant 0 : i32
    %dma_wait3A_266 = tpu.memref_slice %arg7[%dma_wait3A_264, %dma_wait3A_265] : memref<64x640xf32, #tpu.memory_space<hbm>> -> memref<64x128xf32, #tpu.memory_space<hbm>>
    tpu.wait_dma2 semaphore(%arg14 : memref<!tpu.dma_semaphore, #tpu.memory_space<semaphore_mem>>) src(%dma_wait3A_266 : memref<64x128xf32, #tpu.memory_space<hbm>>) dst(%dma_wait3A_263 : memref<64x128xf32, #tpu.memory_space<vmem>>)
    %dma_wait3A_267 = arith.constant 0 : i32
    %dma_wait3A_268 = arith.constant 0 : i32
    %dma_wait3A_269 = arith.constant 0 : i32
    %dma_wait3A_270 = arith.constant 0 : i32
    %dma_wait3A_271 = tpu.memref_slice %arg11[%dma_wait3A_267, %dma_wait3A_268, %dma_wait3A_269, %dma_wait3A_270] : memref<2x5x64x128xf32, #tpu.memory_space<vmem>> -> memref<1x1x64x128xf32, #tpu.memory_space<vmem>>
    %dma_wait3A_272 = tpu.memref_squeeze %dma_wait3A_271 : memref<1x1x64x128xf32, #tpu.memory_space<vmem>> -> memref<64x128xf32, #tpu.memory_space<vmem>>
    %dma_wait3A_273 = arith.constant 0 : i32
    %dma_wait3A_274 = arith.constant 0 : i32
    %dma_wait3A_275 = tpu.memref_slice %arg7[%dma_wait3A_273, %dma_wait3A_274] : memref<64x640xf32, #tpu.memory_space<hbm>> -> memref<64x128xf32, #tpu.memory_space<hbm>>
    %dma_wait3A_276 = arith.constant 0 : i32
    %dma_wait3A_277 = arith.constant 0 : i32
    %dma_wait3A_278 = tpu.memref_slice %arg11[%dma_wait3A_267, %dma_wait3A_268, %dma_wait3A_276, %dma_wait3A_277] : memref<2x5x64x128xf32, #tpu.memory_space<vmem>> -> memref<1x1x64x128xf32, #tpu.memory_space<vmem>>
    %dma_wait3A_279 = tpu.memref_squeeze %dma_wait3A_278 : memref<1x1x64x128xf32, #tpu.memory_space<vmem>> -> memref<64x128xf32, #tpu.memory_space<vmem>>
    %dma_wait3A_280 = arith.constant 0 : i32
    %dma_wait3A_281 = arith.constant 0 : i32
    %dma_wait3A_282 = tpu.memref_slice %arg7[%dma_wait3A_280, %dma_wait3A_281] : memref<64x640xf32, #tpu.memory_space<hbm>> -> memref<64x128xf32, #tpu.memory_space<hbm>>
    tpu.wait_dma2 semaphore(%arg14 : memref<!tpu.dma_semaphore, #tpu.memory_space<semaphore_mem>>) src(%dma_wait3A_282 : memref<64x128xf32, #tpu.memory_space<hbm>>) dst(%dma_wait3A_279 : memref<64x128xf32, #tpu.memory_space<vmem>>)
    return
  }
}

</mosaic_0001>

<sc_bundles>
// kernel: _trans_e.4.cloned.1.call-start
scs
__scs_entry_jumppad:
0x0: {  	(pc) =	sbr.rel $0x88, $3  }
0x1: {  	(tag) =	ssettag $0x0;
	lr =	simm.s32 $0x1  }
0x2: {  	[smem:$0x3F98] =	sst lr;
	_ =	strace $0xD0000000  }
0x3: {  	_ = 	snop  }
0x4: {  	_ = 	snop  }
0x5: {  	_ = 	snop  }
0x6: {  	_ = 	snop  }
0x7: {  	_ = 	snop  }
__scs_overlays_trampoline_lowered:
0x8: {  	[smem:$0x3FA7] =	sst s0  }
0x9: {  	[smem:$0x3FA8] =	sst s1  }
0xa: {  	[smem:$0x3FA9] =	sst s2  }
0xb: {  	[smem:$0x3FAA] =	sst s3  }
0xc: {  	[smem:$0x3FAB] =	sst s4  }
0xd: {  	[smem:$0x3FAC] =	sst s5  }
0xe: {  	[smem:$0x3FAD] =	sst s6  }
0xf: {  	[smem:$0x3FAE] =	sst s7  }
0x10: {  	[smem:$0x3FAF] =	sst s8  }
0x11: {  	[smem:$0x3FB0] =	sst s9;
	s0 =	simm.s32 @!p0 $0x0  }
0x12: {  	s1 =	sld [smem:$0x3F96];
	s0 =	simm.s32 @p0 $0x1  }
0x13: {  	[smem:$0x3FB1] =	sst s0;
	s0 =	simm.s32 @!p1 $0x0  }
0x14: {  	s2 =	sld [smem:$0x3F95];
	s0 =	simm.s32 @p1 $0x1  }
0x15: {  	[smem:$0x3FB2] =	sst s0;
	s0 =	simm.s32 @!p2 $0x0  }
0x16: {  	s3 =	sld [smem:$0x3FDB];
	s0 =	simm.s32 @p2 $0x1  }
0x17: {  	s4 =	simm.s32 $0x1BF5;
	[smem:$0x3FB4] =	sst s0  }
0x18: {  	s0 =	sld [smem:$0x3F97];
	_ =	swait.ge [sflag:s4], $0x0  }
0x19: {  	s7 =	sld [smem:$0x3F98]  }
0x1a: {  	s8 =	sadd.s32 $0xFFFFE003, lr  }
0x1b: {  	s9 =	sadd.s32 $0xFFFFFEF7, lr;
	s5 =	simm.s32 $0xFFFFFFFF;
	p2 =	slt.u32 s8, $0xFFFFF086  }
0x1c: {  	p1 =	slt.u32 s9, $0xF7A;
	s5 =	simm.s32 @!p2 $0x0  }
0x1d: {  	s5 =	simm.s32 @p1 $0x1;
	p0 =	seq.s32 s7, s2  }
0x1e: {  	s7 =	smul.u32 @!p0 $0xF7A, s2;
	p2 =	seq.s32 @!p0 s5, $0x0  }
0x1f: {  	s9 =	smul.u32 $0xF7A, s1;
	s8 =	simm.s32 @!p0 $0x1BF5;
	p2 =	por !p2, p0  }
0x20: {  	[sflag:s8] =	ssyncset.s32 @!p0 $0xFFFFF086;
	s6 =	sadd.s32 @!p0 s3, s7;
	s7 =	simm.s32 @!p0 $0x108  }
0x21: {  	s3 =	sadd.s32 s3, s9;
	s6 =	sadd.s32 @!p0 $0x88, s6;
	s7 =	simm.s32 @p2 $0x1082  }
0x22: {  	[simem:s7], [sflag:s8] =	dma.local @!p0 [hbm:s6], $0xF7A  }
0x23: {  	s9 =	sor.u32 $0xD0000000, s2;
	s6 =	simm.s32 $0x108;
	_ =	swait.ge @!p0 [sflag:s8], $0x0  }
0x24: {  	s3 =	sadd.s32 $0x88, s3;
	s6 =	simm.s32 @!p1 $0x1082;
	[sflag:s4] =	ssyncset.s32 $0xFFFFF086  }
0x25: {  	[simem:s6], [sflag:s4] =	dma.local [hbm:s3], $0xF7A  }
0x26: {  	[smem:$0x3F98] =	sst s1;
	(tag) =	ssettag s2;
	_ =	strace s9  }
0x27: {  	s1 =	sld [smem:$0x3FA8]  }
0x28: {  	s2 =	sld [smem:$0x3FA9]  }
0x29: {  	s4 =	sld [smem:$0x3FAB]  }
0x2a: {  	p0 =	seq.s32 s5, $0x0;
	s5 =	sld [smem:$0x3FAC]  }
0x2b: {  	s6 =	sld [smem:$0x3FAD]  }
0x2c: {  	s7 =	sld [smem:$0x3FAE]  }
0x2d: {  	s3 =	simm.s32 $0x108;
	s8 =	sld [smem:$0x3FAF]  }
0x2e: {  	s3 =	simm.s32 @!p0 $0x1082;
	s9 =	sld [smem:$0x3FB0]  }
0x2f: {  	lr =	sadd.s32 s0, s3;
	s0 =	sld [smem:$0x3FA7]  }
0x30: {  	s3 =	sld [smem:$0x3FAA]  }
0x31: {  	[smem:$0x3FB3] =	sst s10  }
0x32: {  	s10 =	sld [smem:$0x3FB1];
	_ =	sdelay $0x3  }
0x33: {  	p0 =	seq.s32 s10, $0x1;
	s10 =	sld [smem:$0x3FB3];
	_ =	sdelay $0x3  }
0x34: {  	[smem:$0x3FB3] =	sst s10  }
0x35: {  	s10 =	sld [smem:$0x3FB2];
	_ =	sdelay $0x3  }
0x36: {  	p1 =	seq.s32 s10, $0x1;
	s10 =	sld [smem:$0x3FB3];
	_ =	sdelay $0x3  }
0x37: {  	[smem:$0x3FB3] =	sst s10  }
0x38: {  	s10 =	sld [smem:$0x3FB4]  }
0x39: {  	_ = 	snop;
	(pc) =	sbr.ind lr, $3  }
0x3a: {  	_ = 	snop  }
0x3b: {  	_ = 	snop  }
0x3c: {  	p2 =	seq.s32 s10, $0x1;
	s10 =	sld [smem:$0x3FB3]  }
0x3d: {  	_ =	shalt  }
0x3e: {  	_ =	shalt  }
0x3f: {  	_ =	shalt  }
0x40: {  	_ =	shalt  }
0x41: {  	_ =	shalt  }
0x42: {  	_ =	shalt  }
0x43: {  	_ =	shalt  }
0x44: {  	_ =	shalt  }
0x45: {  	_ =	shalt  }
0x46: {  	_ =	shalt  }
0x47: {  	_ =	shalt  }
0x48: {  	_ =	shalt  }
0x49: {  	_ =	shalt  }
0x4a: {  	_ =	shalt  }
0x4b: {  	_ =	shalt  }
0x4c: {  	_ =	shalt  }
0x4d: {  	_ =	shalt  }
0x4e: {  	_ =	shalt  }
0x4f: {  	_ =	shalt  }
0x50: {  	_ =	shalt  }
0x51: {  	_ =	shalt  }
0x52: {  	_ =	shalt  }
0x53: {  	_ =	shalt  }
0x54: {  	_ =	shalt  }
0x55: {  	_ =	shalt  }
0x56: {  	_ =	shalt  }
0x57: {  	_ =	shalt  }
0x58: {  	_ =	shalt  }
0x59: {  	_ =	shalt  }
0x5a: {  	_ =	shalt  }
0x5b: {  	_ =	shalt  }
0x5c: {  	_ =	shalt  }
0x5d: {  	_ =	shalt  }
0x5e: {  	_ =	shalt  }
0x5f: {  	_ =	shalt  }
0x60: {  	_ =	shalt  }
0x61: {  	_ =	shalt  }
0x62: {  	_ =	shalt  }
0x63: {  	_ =	shalt  }
0x64: {  	_ =	shalt  }
0x65: {  	_ =	shalt  }
0x66: {  	_ =	shalt  }
0x67: {  	_ =	shalt  }
0x68: {  	_ =	shalt  }
0x69: {  	_ =	shalt  }
0x6a: {  	_ =	shalt  }
0x6b: {  	_ =	shalt  }
0x6c: {  	_ =	shalt  }
0x6d: {  	_ =	shalt  }
0x6e: {  	_ =	shalt  }
0x6f: {  	_ =	shalt  }
0x70: {  	_ =	shalt  }
0x71: {  	_ =	shalt  }
0x72: {  	_ =	shalt  }
0x73: {  	_ =	shalt  }
0x74: {  	_ =	shalt  }
0x75: {  	_ =	shalt  }
0x76: {  	_ =	shalt  }
0x77: {  	_ =	shalt  }
0x78: {  	_ =	shalt  }
0x79: {  	_ =	shalt  }
0x7a: {  	_ =	shalt  }
0x7b: {  	_ =	shalt  }
0x7c: {  	_ =	shalt  }
0x7d: {  	_ =	shalt  }
0x7e: {  	_ =	shalt  }
0x7f: {  	_ =	shalt  }
0x80: {  	_ =	shalt  }
0x81: {  	_ =	shalt  }
0x82: {  	_ =	shalt  }
0x83: {  	_ =	shalt  }
0x84: {  	_ =	shalt  }
0x85: {  	_ =	shalt  }
0x86: {  	_ =	shalt  }
0x87: {  	_ =	shalt  }
.Lfunc_end0:
.L_simem_size_0:
called_computation_lowered:
.L_overlay_start_0:
0x88: {  	s2 =	sld [smem:$0x3FD9]  }
0x89: {  	s3 =	sld [smem:$0x3FFE];
	_ =	sdelay $0x1  }
0x8a: {  	s1 =	srdreg.scid  }
0x8b: {  	s0 =	sand.u32 $0x1, s1  }
0x8c: {  	s17 =	sshll.u32 s0, $0xA;
	s2 =	sadd.s32 s3, s2  }
0x8d: {  	s2 =	sadd.s32 s2, s17  }
0x8e: {  	[smem:$0x3FBF] =	sst s2  }
0x8f: {  	_ = 	snop  }
0x90: {  	s2 =	sld [smem:$0x3FC9]  }
0x91: {  	s18 =	sld [smem:$0x3FC8]  }
0x92: {  	s4 =	sld [smem:$0x3FC4]  }
0x93: {  	s5 =	sld [smem:$0x3FC3]  }
0x94: {  	s6 =	sld [smem:$0x3FC2]  }
0x95: {  	s7 =	sld [smem:$0x3FC1];
	(tm) =	ssettm $0x1  }
0x96: {  	s8 =	sld [smem:$0x3FFB];
	_ =	sdelay $0x3  }
0x97: {  	_ =	strace s8  }
0x98: {  	s8 =	sld [smem:$0x3FFC];
	_ =	sdelay $0x3  }
0x99: {  	_ =	strace s8  }
0x9a: {  	s8 =	sld [smem:$0x3FFD];
	_ =	sdelay $0x3  }
0x9b: {  	_ =	strace s8  }
0x9c: {  	_ =	strace $0x8FFFFFFF  }
0x9d: {  	s19 =	sld [smem:$0x3FDB];
	_ =	sdelay $0x1  }
0x9e: {  	s9 =	simm.s32 $_scs_section_size  }
0x9f: {  	s10 =	simm.s32 $_size__tile_overlayer_lowered;
	s11 =	simm.s32 $_tile_overlayer_lowered  }
0xa0: {  	s22 =	simm.s32 $0x1BFF;
	s21 =	sshll.u32 s11, $0x1;
	s8 =	sadd.s32 s9, s19  }
0xa1: {  	s12 =	simm.s32 $0x0;
	s20 =	sshll.u32 s10, $0x1;
	s10 =	sadd.s32 s21, s8  }
0xa2: {  	[timem:s12], [sflag:s22] =	dma.local [hbm:s10], s20  }
0xa3: {  	_ =	swait.ge [sflag:s22], s20  }
0xa4: {  	s9 =	ssub.s32 $0x0, s20;
	[sflag:s22] =	ssyncset.done $0x0  }
0xa5: {  	[sflag:s22] =	ssyncadd.s32 s9;
	_ =	sdelay $0x1  }
0xa6: {  	s23 =	simm.s32 $0x1B8B  }
0xa7: {  	_ =	swait.ge [sflag:s23], $0x1  }
0xa8: {  	[sflag:s23] =	ssyncset.done $0x0  }
0xa9: {  	s25 =	simm.s32 $0x1B8E;
	s24 =	sld [smem:$0x3FFE];
	[sflag:s23] =	ssyncadd.s32 $0xFFFFFFFF  }
0xaa: {  	s26 =	simm.s32 $execute0_lowered;
	[smem:$0x3FD2] =	sst s25  }
0xab: {  	s10 =	sshll.u32 s26, $0x1;
	_ =	strace $0x80000046;
	[dreg:$0x1] =	wrdreg $0xFFFFFFFF  }
0xac: {  	s28 =	simm.s32 $_size_execute0_lowered;
	s8 =	sadd.s32 s8, s10;
	[dreg:$0x0] =	wrdreg $0x0  }
0xad: {  	s10 =	sshll.u32 s28, $0x1;
	[dreg:$0x2] =	wrdreg s8  }
0xae: {  	[dreg:$0x3] =	wrdreg s10  }
0xaf: {  	[dreg:$0x4] =	wrdreg $0xC0  }
0xb0: {  	_ =	task [dreg:s12], $0x5FFFF  }
0xb1: {  	[dreg:$0x1] =	wrdreg $0xFFFFFFFF  }
0xb2: {  	[dreg:$0x0] =	wrdreg $0x60  }
0xb3: {  	[dreg:$0x2] =	wrdreg s2  }
0xb4: {  	[dreg:$0x3] =	wrdreg s18  }
0xb5: {  	[dreg:$0x4] =	wrdreg s4  }
0xb6: {  	[dreg:$0x5] =	wrdreg s5  }
0xb7: {  	[dreg:$0x6] =	wrdreg s6  }
0xb8: {  	[dreg:$0x7] =	wrdreg s7  }
0xb9: {  	[dreg:$0x8] =	wrdreg s24  }
0xba: {  	[dreg:$0x9] =	wrdreg $0x9  }
0xbb: {  	_ =	task.clear_ibuf [dreg:s12], $0xAFFFF;
	_ =	strace $0x90000046  }
0xbc: {  	s29 =	simm.s32 $0x9;
	_ =	strace $0x80000048  }
0xbd: {  	_ =	swait.ge [sflag:s29], $0x1  }
0xbe: {  	[sflag:s29] =	ssyncadd.s32 $0xFFFFFFFF  }
0xbf: {  	_ =	strace $0x90000048  }
0xc0: {  	_ =	sfence  }
0xc1: {  	s30 =	sld [smem:$0x0];
	_ =	sdelay $0x2  }
0xc2: {  	s31 =	sshll.u32 s1, $0xD;
	s1 =	sshrl.u32 s1, $0x2  }
0xc3: {  	s3 =	sand.u32 $0x4000, s31;
	s1 =	sadd.s32 s1, s30  }
0xc4: {  	s0 =	sor.u32 s3, s0;
	s1 =	sshll.u32 s1, $0x11  }
0xc5: {  	s0 =	sor.u32 s1, s0  }
0xc6: {  	s0 =	sadd.s32 $0x8F2B, s0  }
0xc7: {  	[sflag:s0] =	ssyncadd.remote.s32 $0x1  }
0xc8: {  	_ =	sfence.sel $0xFFFF  }
0xc9: {  	[dreg:$0x0] =	wrdreg $0xFFFFFFFF;
	(pc) =	sbr.abs _section_cstart, $3  }
0xca: {  	[dreg:$0x1] =	wrdreg $0xFFFFFFFF  }
0xcb: {  	_ =	task.clear_ibuf [dreg:s12], $0x2FFFF;
	_ =	strace $0x9FFFFFFF  }
0xcc: {  	(tm) =	ssettm $0x7FFFFFFF  }
0xcd: {  	_ =	shalt  }
tec
execute0_lowered:
.L_overlay_start_1:
0x0: {  	(tag) =	ssettag $0x1  }
0x1: {  	s0 =	rddreg [dreg:$0x0]  }
0x2: {  	s5 =	rddreg [dreg:$0x1]  }
0x3: {  	s1 =	rddreg [dreg:$0x2]  }
0x4: {  	s2 =	rddreg [dreg:$0x3]  }
0x5: {  	s3 =	rddreg [dreg:$0x4]  }
0x6: {  	s4 =	rddreg [dreg:$0x5]  }
0x7: {  	s6 =	rddreg [dreg:$0x6];
	s9 =	simm.s32 $0x0  }
0x8: {  	s7 =	srdreg.scid;
	[smem:$0x7FF] =	sst s9;
	s13 =	sadd.s32 $0x180800, s6  }
0x9: {  	s14 =	sadd.s32 $0x80, s3;
	_ =	strace $0x80000047;
	[dreg:$0xa] =	wrdreg s13  }
0xa: {  	s8 =	stileid.u32;
	s15 =	sadd.s32 $0x100, s3;
	[dreg:$0xe] =	wrdreg s14  }
0xb: {  	s30 =	simm.s32 $0x2;
	s16 =	sadd.s32 $0x180, s3;
	[dreg:$0xf] =	wrdreg s15  }
0xc: {  	s31 =	simm.s32 $0x14D00;
	s17 =	sadd.s32 $0x200, s3;
	[dreg:$0x10] =	wrdreg s16  }
0xd: {  	s7 =	sand.u32 $0x1, s7;
	s18 =	sadd.s32 $0x80, s1;
	[dreg:$0x11] =	wrdreg s17  }
0xe: {  	s8 =	sshll.u32 s8, $0x1;
	s19 =	sadd.s32 $0x100, s1;
	[dreg:$0xb] =	wrdreg s18  }
0xf: {  	s20 =	sadd.s32 $0x180, s1;
	s21 =	sadd.s32 $0x80, s4;
	[dreg:$0xc] =	wrdreg s19  }
0x10: {  	s22 =	sadd.s32 $0x100, s4;
	s25 =	sadd.s32 $0x80, s2;
	[dreg:$0xd] =	wrdreg s20  }
0x11: {  	s28 =	sadd.s32 $0x100, s2;
	s1 =	simm.s32 $0x0;
	[dreg:$0x12] =	wrdreg s21  }
0x12: {  	s29 =	ssub.s32 $0x2, s7;
	s8 =	sor.u32 s7, s8;
	[dreg:$0x14] =	wrdreg s22  }
0x13: {  	s7 =	sadd.s32 $0x800, s6;
	s21 =	sadd.s32 $0x180, s4;
	[dreg:$0x13] =	wrdreg s25  }
0x14: {  	s22 =	sadd.s32 $0x200, s4;
	[dreg:$0x16] =	wrdreg s28;
	s11 =	sshll.u32 s8, $0x8  }
0x15: {  	s10 =	sshrl.u32 s29, $0x1;
	s12 =	sshll.u32 s8, $0x7;
	s0 =	sadd.s32 s0, s11  }
0x16: {  	s9 =	ssub.s32 s29, s10;
	s29 =	sadd.s32 $0x180, s2;
	[dreg:$0x8] =	wrdreg s0  }
0x17: {  	s24 =	sshll.u32 s8, $0x12;
	s0 =	sadd.s32 s5, s12;
	[dreg:$0x17] =	wrdreg s29  }
0x18: {  	s23 =	sshll.u32 s8, $0x11;
	s26 =	smax.u32 s9, $0x1;
	[dreg:$0x9] =	wrdreg s0  }
0x19: {  	v0 =	vlaneseq.u32;
	v1 =	vimm.s32 $0x0;
	v2 =	vimm.f32 $1.000000000e+00;
	s13 =	sor.u32 $0x800000, s23;
	s9 =	simm.s32 $0xD00;
	[dreg:$0x15] =	wrdreg s26  }
.LBB2_1:
0x1a: {  	[dreg:$0x18] =	wrdreg s1  }
0x1b: {  	s0 =	simm.s32 $0x0;
	s10 =	rddreg [dreg:$0x8]  }
0x1c: {  	[tilespmem:s0], [sflag:$0x2] =	stream.linear.gather [hbm4b:s10+s0], $0x800, $0x38;
	[tilespmem:$0x1CD00] =	vst v63  }
0x1d: {  	s11 =	rddreg [dreg:$0x9];
	s2 =	simm.s32 $0x880  }
0x1e: {  	[tilespmem:s2], [sflag:$0x2] =	stream.linear.gather [hbm4b:s11+s0], $0x400, $0x38;
	[tilespmem:$0x1CD00] =	vst v63  }
0x1f: {  	_ =	swait.ge [sflag:s30], $0x800  }
0x20: {  	[sflag:s30] =	ssyncset.done $0x0  }
0x21: {  	[sflag:s30] =	ssyncadd.s32 $0xFFFFF800  }
0x22: {  	_ =	swait.ge [sflag:s30], $0x400  }
0x23: {  	[sflag:s30] =	ssyncset.done $0x0  }
0x24: {  	s15 =	simm.s32 $0x400;
	s12 =	rddreg [dreg:$0xa];
	[sflag:s30] =	ssyncadd.s32 $0xFFFFFC00  }
0x25: {  	[hbm4b:s12+s0] =	stream.linear.scatter [tilespmem:s31], [sflag:$0x1], $0x4000, $0x38;
	[tilespmem:$0x1CD00] =	vst v63  }
0x26: {  	s16 =	simm.s32 $0x1400;
	s3 =	simm.s32 $0xAD00;
	s14 =	rddreg [dreg:$0x4]  }
0x27: {  	[tilespmem:s3], [sflag:$0x2] =	stream.strided.gather [hbm4b:s14+s15], $0x2000, s16, s15, $0x38;
	[tilespmem:$0x1CD00] =	vst v63  }
0x28: {  	s18 =	simm.s32 $0xCD00;
	s20 =	simm.s32 $0xED00;
	s17 =	rddreg [dreg:$0xe]  }
0x29: {  	[tilespmem:s18], [sflag:$0x2] =	stream.strided.gather [hbm4b:s17+s15], $0x2000, s16, s15, $0x38;
	[tilespmem:$0x1CD00] =	vst v63  }
0x2a: {  	s25 =	simm.s32 $0x10D00;
	s28 =	simm.s32 $0x12D00;
	s19 =	rddreg [dreg:$0xf]  }
0x2b: {  	[tilespmem:s20], [sflag:$0x2] =	stream.strided.gather [hbm4b:s19+s15], $0x2000, s16, s15, $0x38;
	[tilespmem:$0x1CD00] =	vst v63  }
0x2c: {  	s8 =	simm.s32 $0xFFFFFFFF;
	s6 =	simm.s32 $0xFFFFFFFE;
	s23 =	rddreg [dreg:$0x10]  }
0x2d: {  	[tilespmem:s25], [sflag:$0x2] =	stream.strided.gather [hbm4b:s23+s15], $0x2000, s16, s15, $0x38;
	[tilespmem:$0x1CD00] =	vst v63  }
0x2e: {  	s29 =	simm.s32 $0x0;
	s10 =	simm.s32 $0x0;
	s26 =	rddreg [dreg:$0x11]  }
0x2f: {  	[tilespmem:s28], [sflag:$0x2] =	stream.strided.gather [hbm4b:s26+s15], $0x2000, s16, s15, $0x38;
	[tilespmem:$0x1CD00] =	vst v63  }
.LBB2_2:
0x30: {  	v3 =	vld [tilespmem:s10+$0x0];
	_ =	sdelay $0x4  }
0x31: {  	(v2sf) =	vpush v3, $0x0;
	_ =	sdelay $0xe  }
0x32: {  	s25 =	spop (v2sf)  }
0x33: {  	s0 =	smov.u32 s8;
	s8 =	sshra.s32 s25, $0x9  }
0x34: {  	p0 =	seq.s32 s8, s0  }
.Ltmp0:
0x35: {  	_ = 	snop;
	(pc) =	sbr.rel @p0 .LBB2_4-.Ltmp0, $2  }
0x36: {  	_ =	sdelay $0x2  }
0x37: {  	s0 =	sand.u32 $0xFFFFFE00, s25;
	s5 =	sand.u32 $0x1, s8  }
0x38: {  	_ =	swait.ge [sflag:s30], $0x2000  }
0x39: {  	[sflag:s30] =	ssyncset.done $0x0  }
0x3a: {  	[sflag:s30] =	ssyncadd.s32 $0xFFFFE000  }
0x3b: {  	_ =	swait.ge [sflag:s30], $0x2000  }
0x3c: {  	[sflag:s30] =	ssyncset.done $0x0  }
0x3d: {  	[sflag:s30] =	ssyncadd.s32 $0xFFFFE000  }
0x3e: {  	_ =	swait.ge [sflag:s30], $0x2000  }
0x3f: {  	[sflag:s30] =	ssyncset.done $0x0  }
0x40: {  	[sflag:s30] =	ssyncadd.s32 $0xFFFFE000  }
0x41: {  	_ =	swait.ge [sflag:s30], $0x2000  }
0x42: {  	[sflag:s30] =	ssyncset.done $0x0  }
0x43: {  	[sflag:s30] =	ssyncadd.s32 $0xFFFFE000  }
0x44: {  	p1 =	seq.s32 s8, s6;
	_ =	swait.ge [sflag:s30], $0x2000  }
0x45: {  	s3 =	smul.u32 @!p1 $0x28000, s5;
	p2 =	slt.s32 @!p1 s8, $0x7A0;
	[sflag:s30] =	ssyncset.done $0x0  }
0x46: {  	p3 =	por !p2, p1;
	[sflag:s30] =	ssyncadd.s32 $0xFFFFE000  }
0x47: {  	s3 =	sshrl.u32 @!p1 s3, $0x2;
	s2 =	simm.s32 @!p3 $0x400;
	s18 =	rddreg [dreg:$0x2]  }
0x48: {  	s15 =	simm.s32 @!p3 $0x7A1400;
	s4 =	sor.u32 @!p1 $0xD00, s3;
	s1 =	sadd.s32 @!p3 s18, s0  }
0x49: {  	[tilespmem:s4], [sflag:$0x2] =	stream.strided.gather @!p3 [hbm4b:s1+s2], $0x2000, s15, s2, $0x38;
	[tilespmem:$0x1CD00] =	vst v63  }
0x4a: {  	s11 =	smov.u32 s24;
	s24 =	rddreg [dreg:$0xb];
	s1 =	sand.u32 @!p3 $0x1FFFFE00, s25  }
0x4b: {  	s16 =	sadd.s32 @!p3 $0x2D00, s3;
	s26 =	rddreg [dreg:$0xc];
	s17 =	sadd.s32 @!p3 s1, s24  }
0x4c: {  	[tilespmem:s16], [sflag:$0x2] =	stream.strided.gather @!p3 [hbm4b:s17+s2], $0x2000, s15, s2, $0x38;
	[tilespmem:$0x1CD00] =	vst v63  }
0x4d: {  	s28 =	rddreg [dreg:$0xd];
	s16 =	sadd.s32 @!p3 $0x4D00, s3;
	s17 =	sadd.s32 @!p3 s1, s26  }
0x4e: {  	[tilespmem:s16], [sflag:$0x2] =	stream.strided.gather @!p3 [hbm4b:s17+s2], $0x2000, s15, s2, $0x38;
	[tilespmem:$0x1CD00] =	vst v63  }
0x4f: {  	s1 =	sadd.s32 @!p3 s1, s28;
	s16 =	sadd.s32 @!p3 $0x6D00, s3  }
0x50: {  	[tilespmem:s16], [sflag:$0x2] =	stream.strided.gather @!p3 [hbm4b:s1+s2], $0x2000, s15, s2, $0x38;
	[tilespmem:$0x1CD00] =	vst v63  }
0x51: {  	s1 =	sadd.s32 @!p3 $0x200, s25  }
0x52: {  	s1 =	sand.u32 @!p3 $0x1FFFFE00, s1  }
0x53: {  	p2 =	por p2, p1;
	s16 =	sadd.s32 @!p3 $0x8D00, s3;
	s1 =	sadd.s32 @!p3 s18, s1  }
0x54: {  	[tilespmem:s16], [sflag:$0x2] =	stream.strided.gather @!p3 [hbm4b:s1+s2], $0x2000, s15, s2, $0x38;
	[tilespmem:$0x1CD00] =	vst v63  }
0x55: {  	s23 =	rddreg [dreg:$0x4];
	s1 =	simm.s32 @!p2 $0x400;
	s2 =	simm.s32 @!p2 $0x1400  }
0x56: {  	[tilespmem:s4], [sflag:$0x2] =	stream.strided.gather @!p2 [hbm4b:s23+s1], $0x2000, s2, s1, $0x38;
	[tilespmem:$0x1CD00] =	vst v63  }
0x57: {  	s12 =	rddreg [dreg:$0xe];
	s4 =	sadd.s32 @!p2 $0x2D00, s3  }
0x58: {  	[tilespmem:s4], [sflag:$0x2] =	stream.strided.gather @!p2 [hbm4b:s12+s1], $0x2000, s2, s1, $0x38;
	[tilespmem:$0x1CD00] =	vst v63  }
0x59: {  	s20 =	smov.u32 s13;
	s13 =	rddreg [dreg:$0xf];
	s4 =	sadd.s32 @!p2 $0x4D00, s3  }
0x5a: {  	[tilespmem:s4], [sflag:$0x2] =	stream.strided.gather @!p2 [hbm4b:s13+s1], $0x2000, s2, s1, $0x38;
	[tilespmem:$0x1CD00] =	vst v63  }
0x5b: {  	s14 =	rddreg [dreg:$0x10];
	s4 =	sadd.s32 @!p2 $0x6D00, s3  }
0x5c: {  	[tilespmem:s4], [sflag:$0x2] =	stream.strided.gather @!p2 [hbm4b:s14+s1], $0x2000, s2, s1, $0x38;
	[tilespmem:$0x1CD00] =	vst v63  }
0x5d: {  	s19 =	rddreg [dreg:$0x11];
	s3 =	sadd.s32 @!p2 $0x8D00, s3  }
0x5e: {  	[tilespmem:s3], [sflag:$0x2] =	stream.strided.gather @!p2 [hbm4b:s19+s1], $0x2000, s2, s1, $0x38;
	[tilespmem:$0x1CD00] =	vst v63  }
0x5f: {  	s1 =	simm.s32 @!p1 $0x2  }
0x60: {  	_ =	swait.ge @!p1 [sflag:s1], $0x2000  }
0x61: {  	[sflag:s1] =	ssyncset.done @!p1 $0x0  }
0x62: {  	[sflag:s1] =	ssyncadd.s32 @!p1 $0xFFFFE000  }
0x63: {  	_ =	swait.ge @!p1 [sflag:s1], $0x2000  }
0x64: {  	[sflag:s1] =	ssyncset.done @!p1 $0x0  }
0x65: {  	[sflag:s1] =	ssyncadd.s32 @!p1 $0xFFFFE000  }
0x66: {  	_ =	swait.ge @!p1 [sflag:s1], $0x2000  }
0x67: {  	[sflag:s1] =	ssyncset.done @!p1 $0x0  }
0x68: {  	[sflag:s1] =	ssyncadd.s32 @!p1 $0xFFFFE000  }
0x69: {  	s2 =	sadd.s32 $0x1, s8;
	_ =	swait.ge @!p1 [sflag:s1], $0x2000  }
0x6a: {  	p2 =	slt.s32 s8, $0x79F;
	s3 =	sand.u32 $0x1, s2;
	[sflag:s1] =	ssyncset.done @!p1 $0x0  }
0x6b: {  	s15 =	sshll.u32 @p2 s2, $0x9;
	s4 =	smul.u32 @p2 $0x28000, s3;
	[sflag:s1] =	ssyncadd.s32 @!p1 $0xFFFFE000  }
0x6c: {  	s17 =	simm.s32 @p2 $0x400;
	s25 =	simm.s32 @p2 $0x7A1400;
	_ =	swait.ge @!p1 [sflag:s1], $0x2000  }
0x6d: {  	s15 =	sand.u32 @p2 $0x1FFFFE00, s15;
	s4 =	sshrl.u32 @p2 s4, $0x2;
	[sflag:s1] =	ssyncset.done @!p1 $0x0  }
0x6e: {  	s16 =	sadd.s32 @p2 s18, s15;
	[sflag:s1] =	ssyncadd.s32 @!p1 $0xFFFFE000;
	s1 =	sor.u32 @p2 $0xD00, s4  }
0x6f: {  	[tilespmem:s1], [sflag:$0x2] =	stream.strided.gather @p2 [hbm4b:s16+s17], $0x2000, s25, s17, $0x38;
	[tilespmem:$0x1CD00] =	vst v63  }
0x70: {  	s1 =	sadd.s32 @p2 $0x2D00, s4;
	s16 =	sadd.s32 @p2 s15, s24  }
0x71: {  	[tilespmem:s1], [sflag:$0x2] =	stream.strided.gather @p2 [hbm4b:s16+s17], $0x2000, s25, s17, $0x38;
	[tilespmem:$0x1CD00] =	vst v63  }
0x72: {  	s1 =	sadd.s32 @p2 $0x4D00, s4;
	s16 =	sadd.s32 @p2 s15, s26  }
0x73: {  	[tilespmem:s1], [sflag:$0x2] =	stream.strided.gather @p2 [hbm4b:s16+s17], $0x2000, s25, s17, $0x38;
	[tilespmem:$0x1CD00] =	vst v63  }
0x74: {  	s1 =	sshll.u32 @p2 s2, $0xC  }
0x75: {  	s15 =	sadd.s32 @p2 s15, s28;
	s2 =	sadd.s32 @p2 $0x6D00, s4;
	s1 =	sadd.s32 @p2 $0x1000, s1  }
0x76: {  	[tilespmem:s2], [sflag:$0x2] =	stream.strided.gather @p2 [hbm4b:s15+s17], $0x2000, s25, s17, $0x38;
	[tilespmem:$0x1CD00] =	vst v63  }
0x77: {  	s1 =	sshrl.u32 @p2 s1, $0x3  }
0x78: {  	s3 =	smul.u32 @!p2 $0x28000, s3;
	s2 =	sadd.s32 @p2 $0x8D00, s4;
	s1 =	sadd.s32 @p2 s18, s1  }
0x79: {  	[tilespmem:s2], [sflag:$0x2] =	stream.strided.gather @p2 [hbm4b:s1+s17], $0x2000, s25, s17, $0x38;
	[tilespmem:$0x1CD00] =	vst v63  }
0x7a: {  	s1 =	sshrl.u32 @!p2 s3, $0x2  }
0x7b: {  	s4 =	simm.s32 @!p2 $0x1400;
	s3 =	simm.s32 @!p2 $0x400;
	s2 =	sor.u32 @!p2 $0xD00, s1  }
0x7c: {  	[tilespmem:s2], [sflag:$0x2] =	stream.strided.gather @!p2 [hbm4b:s23+s3], $0x2000, s4, s3, $0x38;
	[tilespmem:$0x1CD00] =	vst v63  }
0x7d: {  	s2 =	sadd.s32 @!p2 $0x2D00, s1  }
0x7e: {  	[tilespmem:s2], [sflag:$0x2] =	stream.strided.gather @!p2 [hbm4b:s12+s3], $0x2000, s4, s3, $0x38;
	[tilespmem:$0x1CD00] =	vst v63  }
0x7f: {  	s2 =	sadd.s32 @!p2 $0x4D00, s1  }
0x80: {  	[tilespmem:s2], [sflag:$0x2] =	stream.strided.gather @!p2 [hbm4b:s13+s3], $0x2000, s4, s3, $0x38;
	[tilespmem:$0x1CD00] =	vst v63  }
0x81: {  	s2 =	sadd.s32 @!p2 $0x6D00, s1  }
0x82: {  	[tilespmem:s2], [sflag:$0x2] =	stream.strided.gather @!p2 [hbm4b:s14+s3], $0x2000, s4, s3, $0x38;
	[tilespmem:$0x1CD00] =	vst v63  }
0x83: {  	s24 =	smov.u32 s11;
	s13 =	smov.u32 s20;
	s1 =	sadd.s32 @!p2 $0x8D00, s1  }
0x84: {  	[tilespmem:s1], [sflag:$0x2] =	stream.strided.gather @!p2 [hbm4b:s19+s3], $0x2000, s4, s3, $0x38;
	[tilespmem:$0x1CD00] =	vst v63  }
.LBB2_4:
0x85: {  	p1 =	sgt.s32 s8, $0x79F  }
0x86: {  	s0 =	simm.s32 @p1 $0xF3FC0  }
0x87: {  	v4 =	vadd.s32 s10, v0;
	v6 =	vmov s5;
	s1 =	sadd.s32 $0x280, s0  }
0x88: {  	vm0 =	vlt.s32 v4, $0x800;
	v5 =	vmov s0;
	vm1 =	vlt.s32 v3, s1  }
0x89: {  	v6 =	vmul.u32 $0xA000, v6;
	v5 =	vsub.s32 v3, v5;
	vm0 =	vmand vm0, vm1  }
0x8a: {  	v5 =	vnsel vm0, $0x0, v5  }
0x8b: {  	v6 =	vbroadcast v6, $0x0;
	v7 =	vshll.u32 v5, $0x6  }
0x8c: {  	s26 =	simm.s32 $0x0;
	v7 =	vand.u32 $0xFFFFE000, v7  }
0x8d: {  	v5 =	vand.u32 $0x7F, v5;
	v6 =	vadd.s32 v6, v7;
	v7 =	vmov s26  }
0x8e: {  	v5 =	vor.u32 v5, v6;
	v6 =	vshll.u32 v7, $0x7  }
0x8f: {  	v6 =	vadd.s32 v5, v6;
	_ =	sdelay $0x2  }
0x90: {  	s28 =	simm.s32 $0x1;
	v4 =	vshll.u32 v4, $0x7  }
0x91: {  	v4 =	vand.u32 $0x7F80, v4;
	v7 =	vmov s28  }
0x92: {  	v8 =	vor.u32 s26, v4;
	v7 =	vshll.u32 v7, $0x7;
	v6 =	vld.idx.msk [tilespmem:v6+s9+$0x0], $0xffff  }
0x93: {  	v7 =	vadd.s32 v5, v7;
	_ =	sdelay $0x2  }
0x94: {  	s2 =	simm.s32 $0x2  }
0x95: {  	[tilespmem:v8+s31+$0x0] =	vst.idx.msk vm0, v6;
	v8 =	vmov s2  }
0x96: {  	v9 =	vor.u32 s28, v4;
	v7 =	vld.idx.msk [tilespmem:v7+s9+$0x0], $0xffff;
	v8 =	vshll.u32 v8, $0x7  }
0x97: {  	v8 =	vadd.s32 v5, v8;
	_ =	sdelay $0x1  }
0x98: {  	s25 =	simm.s32 $0x3  }
0x99: {  	v11 =	vmov s25;
	v6 =	vmul.f32 v6, v6  }
0x9a: {  	v10 =	vimm.f32 $0.0e+00;
	v11 =	vshll.u32 v11, $0x7;
	[tilespmem:v9+s31+$0x0] =	vst.idx.msk vm0, v7  }
0x9b: {  	v6 =	vadd.f32 v6, v10;
	v10 =	vmul.f32 v7, v7;
	v9 =	vor.u32 s2, v4;
	v7 =	vld.idx.msk [tilespmem:v8+s9+$0x0], $0xffff  }
0x9c: {  	v8 =	vadd.s32 v5, v11;
	_ =	sdelay $0x2  }
0x9d: {  	s5 =	simm.s32 $0x8;
	s0 =	simm.s32 $0x4;
	v6 =	vadd.f32 v10, v6  }
.LBB2_5:
0x9e: {  	p1 =	sne.s32 s5, $0x3C;
	[tilespmem:v9+s31+$0x0] =	vst.idx.msk vm0, v7;
	v7 =	vmul.f32 v7, v7  }
0x9f: {  	v9 =	vmov s0;
	v8 =	vld.idx.msk [tilespmem:v8+s9+$0x0], $0xffff  }
0xa0: {  	v9 =	vshll.u32 v9, $0x7;
	v6 =	vadd.f32 v7, v6;
	v7 =	vor.u32 s25, v4  }
0xa1: {  	v9 =	vadd.s32 v5, v9;
	_ =	sdelay $0x3  }
0xa2: {  	s1 =	sadd.s32 $0x1, s0;
	[tilespmem:v7+s31+$0x0] =	vst.idx.msk vm0, v8;
	v7 =	vmul.f32 v8, v8  }
0xa3: {  	v8 =	vld.idx.msk [tilespmem:v9+s9+$0x0], $0xffff;
	v9 =	vmov s1  }
0xa4: {  	v10 =	vor.u32 s0, v4;
	v9 =	vshll.u32 v9, $0x7;
	v6 =	vadd.f32 v7, v6  }
0xa5: {  	v7 =	vadd.s32 v5, v9;
	_ =	sdelay $0x3  }
0xa6: {  	s2 =	sadd.s32 $0x2, s0;
	[tilespmem:v10+s31+$0x0] =	vst.idx.msk vm0, v8;
	v8 =	vmul.f32 v8, v8  }
0xa7: {  	v9 =	vmov s2;
	v7 =	vld.idx.msk [tilespmem:v7+s9+$0x0], $0xffff  }
0xa8: {  	v9 =	vshll.u32 v9, $0x7;
	v6 =	vadd.f32 v8, v6;
	v8 =	vor.u32 s1, v4  }
0xa9: {  	v9 =	vadd.s32 v5, v9;
	_ =	sdelay $0x3  }
0xaa: {  	s25 =	sadd.s32 $0x3, s0;
	s0 =	smov.u32 s5;
	[tilespmem:v8+s31+$0x0] =	vst.idx.msk vm0, v7;
	v8 =	vmul.f32 v7, v7  }
0xab: {  	v10 =	vmov s25;
	v7 =	vld.idx.msk [tilespmem:v9+s9+$0x0], $0xffff  }
.Ltmp1:
0xac: {  	v9 =	vor.u32 s2, v4;
	v6 =	vadd.f32 v8, v6;
	v8 =	vshll.u32 v10, $0x7;
	(pc) =	sbr.rel @p1 .LBB2_5-.Ltmp1, $2  }
0xad: {  	v8 =	vadd.s32 v5, v8;
	_ =	sdelay $0x2  }
0xae: {  	s5 =	sadd.s32 $0x4, s5  }
0xaf: {  	_ =	sdelay $0x4  }
0xb0: {  	[tilespmem:v9+s31+$0x0] =	vst.idx.msk vm0, v7;
	v46 =	vmov s0  }
0xb1: {  	v10 =	vor.u32 s25, v4;
	v8 =	vld.idx.msk [tilespmem:v8+s9+$0x0], $0xffff;
	v9 =	vshll.u32 v46, $0x7  }
0xb2: {  	v9 =	vadd.s32 v5, v9;
	_ =	sdelay $0x2  }
0xb3: {  	s1 =	sadd.s32 $0x1, s0  }
0xb4: {  	v47 =	vmov s1;
	[tilespmem:v10+s31+$0x0] =	vst.idx.msk vm0, v8  }
0xb5: {  	v11 =	vor.u32 s0, v4;
	v10 =	vshll.u32 v47, $0x7;
	v9 =	vld.idx.msk [tilespmem:v9+s9+$0x0], $0xffff  }
0xb6: {  	v10 =	vadd.s32 v5, v10;
	_ =	sdelay $0x2  }
0xb7: {  	s2 =	sadd.s32 $0x2, s0  }
0xb8: {  	v48 =	vmov s2;
	[tilespmem:v11+s31+$0x0] =	vst.idx.msk vm0, v9  }
0xb9: {  	v12 =	vor.u32 s1, v4;
	v11 =	vshll.u32 v48, $0x7;
	v10 =	vld.idx.msk [tilespmem:v10+s9+$0x0], $0xffff  }
0xba: {  	v11 =	vadd.s32 v5, v11;
	_ =	sdelay $0x2  }
0xbb: {  	s25 =	sadd.s32 $0x3, s0  }
0xbc: {  	v49 =	vmov s25;
	[tilespmem:v12+s31+$0x0] =	vst.idx.msk vm0, v10  }
0xbd: {  	v13 =	vor.u32 s2, v4;
	v12 =	vshll.u32 v49, $0x7;
	v11 =	vld.idx.msk [tilespmem:v11+s9+$0x0], $0xffff  }
0xbe: {  	v51 =	vmul.f32 v7, v7;
	v50 =	vadd.s32 v5, v12;
	_ =	sdelay $0x1  }
0xbf: {  	v6 =	vadd.f32 v51, v6;
	v52 =	vmul.f32 v8, v8;
	_ =	sdelay $0x1  }
0xc0: {  	v6 =	vadd.f32 v52, v6;
	v53 =	vmul.f32 v9, v9;
	[tilespmem:v13+s31+$0x0] =	vst.idx.msk vm0, v11  }
0xc1: {  	v5 =	vld.idx.msk [tilespmem:v50+s9+$0x0], $0xffff  }
0xc2: {  	v6 =	vadd.f32 v53, v6;
	v54 =	vmul.f32 v10, v10;
	_ =	sdelay $0x1  }
0xc3: {  	v6 =	vadd.f32 v54, v6;
	v55 =	vmul.f32 v11, v11;
	_ =	sdelay $0x1  }
0xc4: {  	v6 =	vadd.f32 v55, v6;
	v56 =	vmul.f32 v5, v5;
	_ =	sdelay $0x1  }
0xc5: {  	v6 =	vadd.f32 v56, v6;
	_ =	sdelay $0x1  }
0xc6: {  	v7 =	vshrl.u32 v6, $0x1;
	v6 =	vmul.f32 $5.000000000e-01, v6  }
0xc7: {  	v57 =	vsel vm0, $0x1, v1;
	v7 =	vsub.s32 $0x5F3759DF, v7  }
0xc8: {  	(xrf0) =	vadd.scan.msk.s32 $0xffff, v57;
	v58 =	vmul.f32 v7, v6;
	_ =	sdelay $0x1  }
0xc9: {  	v59 =	vmul.f32 v7, v58;
	_ =	sdelay $0x1  }
0xca: {  	v8 =	vsub.f32 $1.500000000e+00, v59;
	_ =	sdelay $0x1  }
0xcb: {  	v60, _, _ =	vpop (xrf0);
	v7 =	vmul.f32 v7, v8  }
0xcc: {  	(v2sf) =	vpush v60, $0xF  }
0xcd: {  	v61 =	vmul.f32 v7, v6;
	_ =	sdelay $0x1  }
0xce: {  	v8 =	vmul.f32 v61, v7;
	_ =	sdelay $0x1  }
0xcf: {  	v8 =	vsub.f32 $1.500000000e+00, v8;
	_ =	sdelay $0x1  }
0xd0: {  	v7 =	vmul.f32 v8, v7;
	_ =	sdelay $0x1  }
0xd1: {  	v6 =	vmul.f32 v7, v6;
	_ =	sdelay $0x1  }
0xd2: {  	v6 =	vmul.f32 v6, v7  }
0xd3: {  	v62 =	vor.u32 s25, v4  }
0xd4: {  	v63 =	vor.u32 $0x40, v4;
	v6 =	vsub.f32 $1.500000000e+00, v6;
	_ =	sdelay $0x1  }
0xd5: {  	s1 =	sadd.s32 $0x1, s29;
	s26 =	spop (v2sf);
	v6 =	vmul.f32 v6, v7  }
0xd6: {  	vm1 =	veq.s32 v3, $0xF423F;
	s28 =	sshll.u32 s1, $0x7;
	s10 =	sadd.s32 s10, s26  }
0xd7: {  	p1 =	slt.s32 s10, s28;
	[tilespmem:v62+s31+$0x0] =	vst.idx.msk vm0, v5;
	v3 =	vsel vm1, $0x3F800000, v6  }
0xd8: {  	s0 =	simm.s32 @!p1 $0x1;
	[tilespmem:v63+s31+$0x0] =	vst.idx.msk vm0, v3  }
0xd9: {  	s2 =	sshll.u32 @!p1 s29, $0xE;
	_ =	swait.ge @!p1 [sflag:s0], $0x4000  }
0xda: {  	s3 =	sadd.s32 @!p1 s24, s2;
	[sflag:s0] =	ssyncset.done @!p1 $0x0  }
0xdb: {  	[sflag:s0] =	ssyncadd.s32 @!p1 $0xFFFFC000;
	s0 =	sand.u32 @!p1 $0x4000, s2;
	s2 =	sshrl.u32 @!p1 s3, $0x3  }
0xdc: {  	s3 =	simm.s32 @!p1 $0x0;
	s0 =	sadd.s32 @!p1 $0x14D00, s0;
	s2 =	sadd.s32 @!p1 s7, s2  }
0xdd: {  	[hbm4b:s2+s3] =	stream.linear.scatter @!p1 [tilespmem:s0], [sflag:$0x1], $0x4000, $0x38;
	[tilespmem:$0x1CD00] =	vst v63  }
0xde: {  	s0 =	sadd.s32 $0x1, s8  }
0xdf: {  	s0 =	smov.u32 @p0 s6;
	p0 =	slt.s32 s10, $0x800  }
.Ltmp2:
0xe0: {  	_ = 	snop;
	(pc) =	sbr.rel @p0 .LBB2_2-.Ltmp2, $3  }
0xe1: {  	_ =	sdelay $0x1  }
0xe2: {  	s1 =	smov.u32 @p1 s29  }
0xe3: {  	s29 =	smov.u32 s1;
	s6 =	smov.u32 s0  }
0xe4: {  	s0 =	simm.s32 $0x1  }
0xe5: {  	_ =	swait.ge [sflag:s0], $0x4000  }
0xe6: {  	[sflag:s0] =	ssyncset.done $0x0  }
0xe7: {  	[sflag:s0] =	ssyncadd.s32 $0xFFFFC000  }
0xe8: {  	_ =	swait.ge [sflag:s30], $0x2000  }
0xe9: {  	[sflag:s30] =	ssyncset.done $0x0  }
0xea: {  	[sflag:s30] =	ssyncadd.s32 $0xFFFFE000  }
0xeb: {  	_ =	swait.ge [sflag:s30], $0x2000  }
0xec: {  	[sflag:s30] =	ssyncset.done $0x0  }
0xed: {  	[sflag:s30] =	ssyncadd.s32 $0xFFFFE000  }
0xee: {  	_ =	swait.ge [sflag:s30], $0x2000  }
0xef: {  	[sflag:s30] =	ssyncset.done $0x0  }
0xf0: {  	[sflag:s30] =	ssyncadd.s32 $0xFFFFE000  }
0xf1: {  	_ =	swait.ge [sflag:s30], $0x2000  }
0xf2: {  	[sflag:s30] =	ssyncset.done $0x0  }
0xf3: {  	[sflag:s30] =	ssyncadd.s32 $0xFFFFE000  }
0xf4: {  	_ =	swait.ge [sflag:s30], $0x2000  }
0xf5: {  	s6 =	simm.s32 $0x0;
	[sflag:s30] =	ssyncset.done $0x0  }
0xf6: {  	s1 =	simm.s32 $0x400;
	s17 =	rddreg [dreg:$0xa];
	[sflag:s30] =	ssyncadd.s32 $0xFFFFE000  }
0xf7: {  	[hbm4b:s17+s6] =	stream.linear.scatter [tilespmem:s31], [sflag:$0x1], $0x4000, $0x38;
	[tilespmem:$0x1CD00] =	vst v63  }
0xf8: {  	s2 =	simm.s32 $0x1400;
	s3 =	simm.s32 $0xAD00;
	s18 =	rddreg [dreg:$0x5]  }
0xf9: {  	[tilespmem:s3], [sflag:$0x2] =	stream.strided.gather [hbm4b:s18+s1], $0x2000, s2, s1, $0x38;
	[tilespmem:$0x1CD00] =	vst v63  }
0xfa: {  	s20 =	simm.s32 $0xCD00;
	s19 =	rddreg [dreg:$0x12]  }
0xfb: {  	[tilespmem:s20], [sflag:$0x2] =	stream.strided.gather [hbm4b:s19+s1], $0x2000, s2, s1, $0x38;
	[tilespmem:$0x1CD00] =	vst v63  }
0xfc: {  	s25 =	simm.s32 $0xED00;
	s23 =	rddreg [dreg:$0x14]  }
0xfd: {  	[tilespmem:s25], [sflag:$0x2] =	stream.strided.gather [hbm4b:s23+s1], $0x2000, s2, s1, $0x38;
	[tilespmem:$0x1CD00] =	vst v63  }
0xfe: {  	s26 =	simm.s32 $0x10D00;
	s28 =	simm.s32 $0x12D00  }
0xff: {  	[tilespmem:s26], [sflag:$0x2] =	stream.strided.gather [hbm4b:s21+s1], $0x2000, s2, s1, $0x38;
	[tilespmem:$0x1CD00] =	vst v63  }
0x100: {  	s8 =	simm.s32 $0xFFFFFFFF;
	s29 =	simm.s32 $0xFFFFFFFE;
	s10 =	simm.s32 $0x0  }
0x101: {  	[tilespmem:s28], [sflag:$0x2] =	stream.strided.gather [hbm4b:s22+s1], $0x2000, s2, s1, $0x38;
	[tilespmem:$0x1CD00] =	vst v63  }
.LBB2_8:
0x102: {  	v3 =	vld [tilespmem:s10+$0x880];
	_ =	sdelay $0x4  }
0x103: {  	(v2sf) =	vpush v3, $0x0;
	_ =	sdelay $0xe  }
0x104: {  	s25 =	spop (v2sf)  }
0x105: {  	s0 =	smov.u32 s8;
	s8 =	sshra.s32 s25, $0x9  }
0x106: {  	p0 =	seq.s32 s8, s0  }
.Ltmp3:
0x107: {  	_ = 	snop;
	(pc) =	sbr.rel @p0 .LBB2_10-.Ltmp3, $2  }
0x108: {  	_ =	sdelay $0x2  }
0x109: {  	s0 =	sand.u32 $0xFFFFFE00, s25;
	s5 =	sand.u32 $0x1, s8  }
0x10a: {  	_ =	swait.ge [sflag:s30], $0x2000  }
0x10b: {  	[sflag:s30] =	ssyncset.done $0x0  }
0x10c: {  	[sflag:s30] =	ssyncadd.s32 $0xFFFFE000  }
0x10d: {  	_ =	swait.ge [sflag:s30], $0x2000  }
0x10e: {  	[sflag:s30] =	ssyncset.done $0x0  }
0x10f: {  	[sflag:s30] =	ssyncadd.s32 $0xFFFFE000  }
0x110: {  	_ =	swait.ge [sflag:s30], $0x2000  }
0x111: {  	[sflag:s30] =	ssyncset.done $0x0  }
0x112: {  	[sflag:s30] =	ssyncadd.s32 $0xFFFFE000  }
0x113: {  	_ =	swait.ge [sflag:s30], $0x2000  }
0x114: {  	[sflag:s30] =	ssyncset.done $0x0  }
0x115: {  	[sflag:s30] =	ssyncadd.s32 $0xFFFFE000  }
0x116: {  	p1 =	seq.s32 s8, s29;
	_ =	swait.ge [sflag:s30], $0x2000  }
0x117: {  	s1 =	smul.u32 @!p1 $0x28000, s5;
	p2 =	slt.s32 @!p1 s8, $0x7A0;
	[sflag:s30] =	ssyncset.done $0x0  }
0x118: {  	p3 =	por !p2, p1;
	[sflag:s30] =	ssyncadd.s32 $0xFFFFE000  }
0x119: {  	s1 =	sshrl.u32 @!p1 s1, $0x2;
	s4 =	simm.s32 @!p3 $0x400;
	s18 =	rddreg [dreg:$0x3]  }
0x11a: {  	s15 =	simm.s32 @!p3 $0x7A1400;
	s2 =	sor.u32 @!p1 $0xD00, s1;
	s3 =	sadd.s32 @!p3 s18, s0  }
0x11b: {  	[tilespmem:s2], [sflag:$0x2] =	stream.strided.gather @!p3 [hbm4b:s3+s4], $0x2000, s15, s4, $0x38;
	[tilespmem:$0x1CD00] =	vst v63  }
0x11c: {  	s12 =	rddreg [dreg:$0x13];
	s3 =	sand.u32 @!p3 $0x1FFFFE00, s25  }
0x11d: {  	s16 =	sadd.s32 @!p3 $0x2D00, s1;
	s19 =	rddreg [dreg:$0x16];
	s17 =	sadd.s32 @!p3 s3, s12  }
0x11e: {  	[tilespmem:s16], [sflag:$0x2] =	stream.strided.gather @!p3 [hbm4b:s17+s4], $0x2000, s15, s4, $0x38;
	[tilespmem:$0x1CD00] =	vst v63  }
0x11f: {  	s20 =	rddreg [dreg:$0x17];
	s16 =	sadd.s32 @!p3 $0x4D00, s1;
	s17 =	sadd.s32 @!p3 s3, s19  }
0x120: {  	[tilespmem:s16], [sflag:$0x2] =	stream.strided.gather @!p3 [hbm4b:s17+s4], $0x2000, s15, s4, $0x38;
	[tilespmem:$0x1CD00] =	vst v63  }
0x121: {  	s3 =	sadd.s32 @!p3 s3, s20;
	s16 =	sadd.s32 @!p3 $0x6D00, s1  }
0x122: {  	[tilespmem:s16], [sflag:$0x2] =	stream.strided.gather @!p3 [hbm4b:s3+s4], $0x2000, s15, s4, $0x38;
	[tilespmem:$0x1CD00] =	vst v63  }
0x123: {  	s3 =	sadd.s32 @!p3 $0x200, s25  }
0x124: {  	s3 =	sand.u32 @!p3 $0x1FFFFE00, s3  }
0x125: {  	p2 =	por p2, p1;
	s16 =	sadd.s32 @!p3 $0x8D00, s1;
	s3 =	sadd.s32 @!p3 s18, s3  }
0x126: {  	[tilespmem:s16], [sflag:$0x2] =	stream.strided.gather @!p3 [hbm4b:s3+s4], $0x2000, s15, s4, $0x38;
	[tilespmem:$0x1CD00] =	vst v63  }
0x127: {  	s23 =	rddreg [dreg:$0x5];
	s3 =	simm.s32 @!p2 $0x400;
	s4 =	simm.s32 @!p2 $0x1400  }
0x128: {  	[tilespmem:s2], [sflag:$0x2] =	stream.strided.gather @!p2 [hbm4b:s23+s3], $0x2000, s4, s3, $0x38;
	[tilespmem:$0x1CD00] =	vst v63  }
0x129: {  	s11 =	rddreg [dreg:$0x12];
	s2 =	sadd.s32 @!p2 $0x2D00, s1  }
0x12a: {  	[tilespmem:s2], [sflag:$0x2] =	stream.strided.gather @!p2 [hbm4b:s11+s3], $0x2000, s4, s3, $0x38;
	[tilespmem:$0x1CD00] =	vst v63  }
0x12b: {  	s14 =	rddreg [dreg:$0x14];
	s2 =	sadd.s32 @!p2 $0x4D00, s1  }
0x12c: {  	[tilespmem:s2], [sflag:$0x2] =	stream.strided.gather @!p2 [hbm4b:s14+s3], $0x2000, s4, s3, $0x38;
	[tilespmem:$0x1CD00] =	vst v63  }
0x12d: {  	s2 =	sadd.s32 @!p2 $0x6D00, s1  }
0x12e: {  	[tilespmem:s2], [sflag:$0x2] =	stream.strided.gather @!p2 [hbm4b:s21+s3], $0x2000, s4, s3, $0x38;
	[tilespmem:$0x1CD00] =	vst v63  }
0x12f: {  	s1 =	sadd.s32 @!p2 $0x8D00, s1  }
0x130: {  	[tilespmem:s1], [sflag:$0x2] =	stream.strided.gather @!p2 [hbm4b:s22+s3], $0x2000, s4, s3, $0x38;
	[tilespmem:$0x1CD00] =	vst v63  }
0x131: {  	s1 =	simm.s32 @!p1 $0x2  }
0x132: {  	_ =	swait.ge @!p1 [sflag:s1], $0x2000  }
0x133: {  	[sflag:s1] =	ssyncset.done @!p1 $0x0  }
0x134: {  	[sflag:s1] =	ssyncadd.s32 @!p1 $0xFFFFE000  }
0x135: {  	_ =	swait.ge @!p1 [sflag:s1], $0x2000  }
0x136: {  	[sflag:s1] =	ssyncset.done @!p1 $0x0  }
0x137: {  	[sflag:s1] =	ssyncadd.s32 @!p1 $0xFFFFE000  }
0x138: {  	_ =	swait.ge @!p1 [sflag:s1], $0x2000  }
0x139: {  	[sflag:s1] =	ssyncset.done @!p1 $0x0  }
0x13a: {  	[sflag:s1] =	ssyncadd.s32 @!p1 $0xFFFFE000  }
0x13b: {  	s2 =	sadd.s32 $0x1, s8;
	_ =	swait.ge @!p1 [sflag:s1], $0x2000  }
0x13c: {  	s3 =	sand.u32 $0x1, s2;
	p2 =	slt.s32 s8, $0x79F;
	[sflag:s1] =	ssyncset.done @!p1 $0x0  }
0x13d: {  	s4 =	smul.u32 @p2 $0x28000, s3;
	s15 =	sshll.u32 @p2 s2, $0x9;
	[sflag:s1] =	ssyncadd.s32 @!p1 $0xFFFFE000  }
0x13e: {  	s17 =	simm.s32 @p2 $0x400;
	s25 =	simm.s32 @p2 $0x7A1400;
	_ =	swait.ge @!p1 [sflag:s1], $0x2000  }
0x13f: {  	s15 =	sand.u32 @p2 $0x1FFFFE00, s15;
	s4 =	sshrl.u32 @p2 s4, $0x2;
	[sflag:s1] =	ssyncset.done @!p1 $0x0  }
0x140: {  	s16 =	sadd.s32 @p2 s18, s15;
	[sflag:s1] =	ssyncadd.s32 @!p1 $0xFFFFE000;
	s1 =	sor.u32 @p2 $0xD00, s4  }
0x141: {  	[tilespmem:s1], [sflag:$0x2] =	stream.strided.gather @p2 [hbm4b:s16+s17], $0x2000, s25, s17, $0x38;
	[tilespmem:$0x1CD00] =	vst v63  }
0x142: {  	s1 =	sadd.s32 @p2 $0x2D00, s4;
	s16 =	sadd.s32 @p2 s15, s12  }
0x143: {  	[tilespmem:s1], [sflag:$0x2] =	stream.strided.gather @p2 [hbm4b:s16+s17], $0x2000, s25, s17, $0x38;
	[tilespmem:$0x1CD00] =	vst v63  }
0x144: {  	s1 =	sadd.s32 @p2 $0x4D00, s4;
	s16 =	sadd.s32 @p2 s15, s19  }
0x145: {  	[tilespmem:s1], [sflag:$0x2] =	stream.strided.gather @p2 [hbm4b:s16+s17], $0x2000, s25, s17, $0x38;
	[tilespmem:$0x1CD00] =	vst v63  }
0x146: {  	s1 =	sshll.u32 @p2 s2, $0xC  }
0x147: {  	s15 =	sadd.s32 @p2 s15, s20;
	s2 =	sadd.s32 @p2 $0x6D00, s4;
	s1 =	sadd.s32 @p2 $0x1000, s1  }
0x148: {  	[tilespmem:s2], [sflag:$0x2] =	stream.strided.gather @p2 [hbm4b:s15+s17], $0x2000, s25, s17, $0x38;
	[tilespmem:$0x1CD00] =	vst v63  }
0x149: {  	s1 =	sshrl.u32 @p2 s1, $0x3  }
0x14a: {  	s3 =	smul.u32 @!p2 $0x28000, s3;
	s2 =	sadd.s32 @p2 $0x8D00, s4;
	s1 =	sadd.s32 @p2 s18, s1  }
0x14b: {  	[tilespmem:s2], [sflag:$0x2] =	stream.strided.gather @p2 [hbm4b:s1+s17], $0x2000, s25, s17, $0x38;
	[tilespmem:$0x1CD00] =	vst v63  }
0x14c: {  	s1 =	sshrl.u32 @!p2 s3, $0x2  }
0x14d: {  	s4 =	simm.s32 @!p2 $0x1400;
	s3 =	simm.s32 @!p2 $0x400;
	s2 =	sor.u32 @!p2 $0xD00, s1  }
0x14e: {  	[tilespmem:s2], [sflag:$0x2] =	stream.strided.gather @!p2 [hbm4b:s23+s3], $0x2000, s4, s3, $0x38;
	[tilespmem:$0x1CD00] =	vst v63  }
0x14f: {  	s2 =	sadd.s32 @!p2 $0x2D00, s1  }
0x150: {  	[tilespmem:s2], [sflag:$0x2] =	stream.strided.gather @!p2 [hbm4b:s11+s3], $0x2000, s4, s3, $0x38;
	[tilespmem:$0x1CD00] =	vst v63  }
0x151: {  	s2 =	sadd.s32 @!p2 $0x4D00, s1  }
0x152: {  	[tilespmem:s2], [sflag:$0x2] =	stream.strided.gather @!p2 [hbm4b:s14+s3], $0x2000, s4, s3, $0x38;
	[tilespmem:$0x1CD00] =	vst v63  }
0x153: {  	s2 =	sadd.s32 @!p2 $0x6D00, s1  }
0x154: {  	[tilespmem:s2], [sflag:$0x2] =	stream.strided.gather @!p2 [hbm4b:s21+s3], $0x2000, s4, s3, $0x38;
	[tilespmem:$0x1CD00] =	vst v63  }
0x155: {  	s1 =	sadd.s32 @!p2 $0x8D00, s1  }
0x156: {  	[tilespmem:s1], [sflag:$0x2] =	stream.strided.gather @!p2 [hbm4b:s22+s3], $0x2000, s4, s3, $0x38;
	[tilespmem:$0x1CD00] =	vst v63  }
.LBB2_10:
0x157: {  	p1 =	sgt.s32 s8, $0x79F  }
0x158: {  	s0 =	simm.s32 @p1 $0xF3FC0  }
0x159: {  	v4 =	vadd.s32 s10, v0;
	v6 =	vmov s5;
	s1 =	sadd.s32 $0x280, s0  }
0x15a: {  	vm0 =	vlt.s32 v4, $0x400;
	v5 =	vmov s0;
	vm1 =	vlt.s32 v3, s1  }
0x15b: {  	v3 =	vsub.s32 v3, v5;
	v5 =	vmul.u32 $0xA000, v6;
	vm0 =	vmand vm0, vm1  }
0x15c: {  	v3 =	vnsel vm0, $0x0, v3  }
0x15d: {  	v5 =	vbroadcast v5, $0x0;
	v6 =	vshll.u32 v3, $0x6  }
0x15e: {  	s25 =	simm.s32 $0x0;
	v6 =	vand.u32 $0xFFFFE000, v6  }
0x15f: {  	v3 =	vand.u32 $0x7F, v3;
	v5 =	vadd.s32 v5, v6;
	v6 =	vmov s25  }
0x160: {  	v3 =	vor.u32 v3, v5;
	v5 =	vshll.u32 v6, $0x7  }
0x161: {  	v5 =	vadd.s32 v3, v5;
	_ =	sdelay $0x2  }
0x162: {  	s26 =	simm.s32 $0x1;
	v4 =	vshll.u32 v4, $0x7  }
0x163: {  	v4 =	vand.u32 $0x7F80, v4;
	v6 =	vmov s26  }
0x164: {  	v7 =	vor.u32 s25, v4;
	v6 =	vshll.u32 v6, $0x7;
	v5 =	vld.idx.msk [tilespmem:v5+s9+$0x0], $0xffff  }
0x165: {  	v6 =	vadd.s32 v3, v6;
	_ =	sdelay $0x2  }
0x166: {  	s28 =	simm.s32 $0x2  }
0x167: {  	[tilespmem:v7+s31+$0x0] =	vst.idx.msk vm0, v5;
	v5 =	vmov s28  }
0x168: {  	v7 =	vor.u32 s26, v4;
	v6 =	vld.idx.msk [tilespmem:v6+s9+$0x0], $0xffff;
	v5 =	vshll.u32 v5, $0x7  }
0x169: {  	v5 =	vadd.s32 v3, v5;
	_ =	sdelay $0x2  }
0x16a: {  	s25 =	simm.s32 $0x3  }
0x16b: {  	[tilespmem:v7+s31+$0x0] =	vst.idx.msk vm0, v6;
	v6 =	vmov s25  }
0x16c: {  	v7 =	vor.u32 s28, v4;
	v5 =	vld.idx.msk [tilespmem:v5+s9+$0x0], $0xffff;
	v6 =	vshll.u32 v6, $0x7  }
0x16d: {  	v8 =	vadd.s32 v3, v6;
	_ =	sdelay $0x3  }
0x16e: {  	s0 =	simm.s32 $0x4;
	[tilespmem:v7+s31+$0x0] =	vst.idx.msk vm0, v5  }
0x16f: {  	s5 =	simm.s32 $0x8;
	v6 =	vmov s0;
	v5 =	vld.idx.msk [tilespmem:v8+s9+$0x0], $0xffff  }
.LBB2_11:
0x170: {  	p1 =	sne.s32 s5, $0x3C;
	v6 =	vshll.u32 v6, $0x7;
	v7 =	vor.u32 s25, v4  }
0x171: {  	v6 =	vadd.s32 v3, v6;
	_ =	sdelay $0x3  }
0x172: {  	s1 =	sadd.s32 $0x1, s0;
	[tilespmem:v7+s31+$0x0] =	vst.idx.msk vm0, v5  }
0x173: {  	v5 =	vld.idx.msk [tilespmem:v6+s9+$0x0], $0xffff;
	v6 =	vmov s1  }
0x174: {  	v7 =	vor.u32 s0, v4;
	v6 =	vshll.u32 v6, $0x7  }
0x175: {  	v6 =	vadd.s32 v3, v6;
	_ =	sdelay $0x3  }
0x176: {  	s2 =	sadd.s32 $0x2, s0;
	[tilespmem:v7+s31+$0x0] =	vst.idx.msk vm0, v5  }
0x177: {  	v5 =	vld.idx.msk [tilespmem:v6+s9+$0x0], $0xffff;
	v6 =	vmov s2  }
0x178: {  	v7 =	vor.u32 s1, v4;
	v6 =	vshll.u32 v6, $0x7  }
0x179: {  	v6 =	vadd.s32 v3, v6;
	_ =	sdelay $0x3  }
0x17a: {  	s25 =	sadd.s32 $0x3, s0;
	s0 =	smov.u32 s5;
	[tilespmem:v7+s31+$0x0] =	vst.idx.msk vm0, v5  }
0x17b: {  	v5 =	vld.idx.msk [tilespmem:v6+s9+$0x0], $0xffff;
	v6 =	vmov s25  }
0x17c: {  	v7 =	vor.u32 s2, v4;
	v6 =	vshll.u32 v6, $0x7  }
0x17d: {  	v8 =	vadd.s32 v3, v6  }
.Ltmp4:
0x17e: {  	(pc) =	sbr.rel @p1 .LBB2_11-.Ltmp4, $3  }
0x17f: {  	_ =	sdelay $0x1  }
0x180: {  	[tilespmem:v7+s31+$0x0] =	vst.idx.msk vm0, v5  }
0x181: {  	s5 =	sadd.s32 $0x4, s5;
	v6 =	vmov s0;
	v5 =	vld.idx.msk [tilespmem:v8+s9+$0x0], $0xffff  }
0x182: {  	v6 =	vshll.u32 v6, $0x7;
	v7 =	vor.u32 s25, v4  }
0x183: {  	v6 =	vadd.s32 v3, v6;
	_ =	sdelay $0x2  }
0x184: {  	s1 =	sadd.s32 $0x1, s0;
	v8 =	vsel vm0, $0x1, v1  }
0x185: {  	v55 =	vmov s1;
	(xrf0) =	vadd.scan.msk.s32 $0xffff, v8;
	[tilespmem:v7+s31+$0x0] =	vst.idx.msk vm0, v5  }
0x186: {  	v56 =	vor.u32 s0, v4;
	v5 =	vshll.u32 v55, $0x7;
	v6 =	vld.idx.msk [tilespmem:v6+s9+$0x0], $0xffff  }
0x187: {  	v5 =	vadd.s32 v3, v5;
	_ =	sdelay $0x2  }
0x188: {  	s2 =	sadd.s32 $0x2, s0  }
0x189: {  	v57 =	vmov s2;
	v58, _, _ =	vpop (xrf0);
	[tilespmem:v56+s31+$0x0] =	vst.idx.msk vm0, v6  }
0x18a: {  	v59 =	vor.u32 s1, v4;
	(v2sf) =	vpush v58, $0xF;
	v6 =	vshll.u32 v57, $0x7;
	v5 =	vld.idx.msk [tilespmem:v5+s9+$0x0], $0xffff  }
0x18b: {  	v6 =	vadd.s32 v3, v6;
	_ =	sdelay $0x2  }
0x18c: {  	s25 =	sadd.s32 $0x3, s0  }
0x18d: {  	v60 =	vmov s25;
	[tilespmem:v59+s31+$0x0] =	vst.idx.msk vm0, v5  }
0x18e: {  	v61 =	vor.u32 s2, v4;
	v5 =	vshll.u32 v60, $0x7;
	v6 =	vld.idx.msk [tilespmem:v6+s9+$0x0], $0xffff  }
0x18f: {  	v3 =	vadd.s32 v3, v5;
	_ =	sdelay $0x3  }
0x190: {  	[tilespmem:v61+s31+$0x0] =	vst.idx.msk vm0, v6  }
0x191: {  	v62 =	vor.u32 s25, v4;
	v3 =	vld.idx.msk [tilespmem:v3+s9+$0x0], $0xffff  }
0x192: {  	v63 =	vor.u32 $0x40, v4;
	_ =	sdelay $0x1  }
0x193: {  	s1 =	sadd.s32 $0x1, s6;
	s26 =	spop (v2sf)  }
0x194: {  	s28 =	sshll.u32 s1, $0x7;
	s10 =	sadd.s32 s10, s26  }
0x195: {  	p1 =	slt.s32 s10, s28;
	[tilespmem:v62+s31+$0x0] =	vst.idx.msk vm0, v3  }
0x196: {  	s0 =	simm.s32 @!p1 $0x1;
	[tilespmem:v63+s31+$0x0] =	vst.idx.msk vm0, v2  }
0x197: {  	s2 =	sshll.u32 @!p1 s6, $0xE;
	_ =	swait.ge @!p1 [sflag:s0], $0x4000  }
0x198: {  	s3 =	sadd.s32 @!p1 s2, s13;
	[sflag:s0] =	ssyncset.done @!p1 $0x0  }
0x199: {  	[sflag:s0] =	ssyncadd.s32 @!p1 $0xFFFFC000;
	s0 =	sand.u32 @!p1 $0x4000, s2;
	s2 =	sshrl.u32 @!p1 s3, $0x3  }
0x19a: {  	s3 =	simm.s32 @!p1 $0x0;
	s0 =	sadd.s32 @!p1 $0x14D00, s0;
	s2 =	sadd.s32 @!p1 s7, s2  }
0x19b: {  	[hbm4b:s2+s3] =	stream.linear.scatter @!p1 [tilespmem:s0], [sflag:$0x1], $0x4000, $0x38;
	[tilespmem:$0x1CD00] =	vst v63  }
0x19c: {  	s0 =	sadd.s32 $0x1, s8  }
0x19d: {  	s0 =	smov.u32 @p0 s29;
	p0 =	slt.s32 s10, $0x400  }
.Ltmp5:
0x19e: {  	_ = 	snop;
	(pc) =	sbr.rel @p0 .LBB2_8-.Ltmp5, $3  }
0x19f: {  	_ =	sdelay $0x1  }
0x1a0: {  	s1 =	smov.u32 @p1 s6  }
0x1a1: {  	s6 =	smov.u32 s1;
	s29 =	smov.u32 s0  }
0x1a2: {  	s0 =	simm.s32 $0x1  }
0x1a3: {  	_ =	swait.ge [sflag:s0], $0x4000  }
0x1a4: {  	[sflag:s0] =	ssyncset.done $0x0  }
0x1a5: {  	[sflag:s0] =	ssyncadd.s32 $0xFFFFC000  }
0x1a6: {  	_ =	swait.ge [sflag:s30], $0x2000  }
0x1a7: {  	[sflag:s30] =	ssyncset.done $0x0  }
0x1a8: {  	[sflag:s30] =	ssyncadd.s32 $0xFFFFE000  }
0x1a9: {  	_ =	swait.ge [sflag:s30], $0x2000  }
0x1aa: {  	[sflag:s30] =	ssyncset.done $0x0  }
0x1ab: {  	[sflag:s30] =	ssyncadd.s32 $0xFFFFE000  }
0x1ac: {  	_ =	swait.ge [sflag:s30], $0x2000  }
0x1ad: {  	[sflag:s30] =	ssyncset.done $0x0  }
0x1ae: {  	[sflag:s30] =	ssyncadd.s32 $0xFFFFE000  }
0x1af: {  	_ =	swait.ge [sflag:s30], $0x2000  }
0x1b0: {  	[sflag:s30] =	ssyncset.done $0x0  }
0x1b1: {  	[sflag:s30] =	ssyncadd.s32 $0xFFFFE000  }
0x1b2: {  	_ =	swait.ge [sflag:s30], $0x2000  }
0x1b3: {  	s1 =	rddreg [dreg:$0x18]  }
0x1b4: {  	s29 =	rddreg [dreg:$0x15];
	s1 =	sadd.s32 $0x1, s1  }
0x1b5: {  	p0 =	sne.s32 s1, s29  }
.Ltmp6:
0x1b6: {  	_ = 	snop;
	(pc) =	sbr.rel @p0 .LBB2_1-.Ltmp6, $3  }
0x1b7: {  	_ =	sdelay $0x1  }
0x1b8: {  	[sflag:s30] =	ssyncset.done $0x0  }
0x1b9: {  	[sflag:s30] =	ssyncadd.s32 $0xFFFFE000  }
0x1ba: {  	_ =	sfence.sel $0x180000  }
0x1bb: {  	[bflag:$0x0] =	sbarrier.arrive $0xFFFF  }
0x1bc: {  	_ =	strace $0x90000047  }
0x1bd: {  	s0 =	stileid.u32;
	[bflag:$0x2] =	sbarrier.arrive $0xFFFF  }
0x1be: {  	p0 =	sne.s32 s0, $0x0;
	s0 =	rddreg [dreg:$0x7]  }
0x1bf: {  	s0 =	sadd.s32 @!p0 $0x100000, s0  }
0x1c0: {  	[sflag:s0] =	ssyncadd.tile.s32 @!p0 $0x1;
	_ =	shalt  }
.Lfunc_end2:
_tile_overlayer_lowered:
.L_overlay_start_2:
0x1c1: {  	(tag) =	ssettag $0x2  }
0x1c2: {  	s0 =	rddreg [dreg:$0x0];
	s2 =	stileid.u32  }
0x1c3: {  	s1 =	rddreg [dreg:$0x1];
	p0 =	sne.s32 s2, $0x0  }
0x1c4: {  	s3 =	rddreg [dreg:$0x2];
	[bflag:$0x3] =	sbarrier.arrive $0xFFFF;
	s2 =	simm.s32 @!p0 $0x1C03  }
0x1c5: {  	[timem:s3], [sflag:s2] =	dma.local @!p0 [hbm:s0], s1  }
0x1c6: {  	s0 =	simm.s32 @!p0 $0x3  }
0x1c7: {  	_ =	swait.ge @!p0 [sflag:s0], s1  }
0x1c8: {  	s1 =	ssub.s32 @!p0 $0x0, s1;
	[sflag:s0] =	ssyncset.done @!p0 $0x0  }
0x1c9: {  	[sflag:s0] =	ssyncadd.s32 @!p0 s1  }
0x1ca: {  	[bflag:$0x3] =	sbarrier.arrive $0xFFFF  }
0x1cb: {  	_ =	shalt  }

// kernel: _trans_e.7.cloned.1.call-start
scs
__scs_entry_jumppad:
0x0: {  	(pc) =	sbr.rel $0x88, $3  }
0x1: {  	(tag) =	ssettag $0x0;
	lr =	simm.s32 $0x1  }
0x2: {  	[smem:$0x3F98] =	sst lr;
	_ =	strace $0xD0000000  }
0x3: {  	_ = 	snop  }
0x4: {  	_ = 	snop  }
0x5: {  	_ = 	snop  }
0x6: {  	_ = 	snop  }
0x7: {  	_ = 	snop  }
__scs_overlays_trampoline_lowered:
0x8: {  	[smem:$0x3FA7] =	sst s0  }
0x9: {  	[smem:$0x3FA8] =	sst s1  }
0xa: {  	[smem:$0x3FA9] =	sst s2  }
0xb: {  	[smem:$0x3FAA] =	sst s3  }
0xc: {  	[smem:$0x3FAB] =	sst s4  }
0xd: {  	[smem:$0x3FAC] =	sst s5  }
0xe: {  	[smem:$0x3FAD] =	sst s6  }
0xf: {  	[smem:$0x3FAE] =	sst s7  }
0x10: {  	[smem:$0x3FAF] =	sst s8  }
0x11: {  	[smem:$0x3FB0] =	sst s9;
	s0 =	simm.s32 @!p0 $0x0  }
0x12: {  	s1 =	sld [smem:$0x3F96];
	s0 =	simm.s32 @p0 $0x1  }
0x13: {  	[smem:$0x3FB1] =	sst s0;
	s0 =	simm.s32 @!p1 $0x0  }
0x14: {  	s2 =	sld [smem:$0x3F95];
	s0 =	simm.s32 @p1 $0x1  }
0x15: {  	[smem:$0x3FB2] =	sst s0;
	s0 =	simm.s32 @!p2 $0x0  }
0x16: {  	s3 =	sld [smem:$0x3FDB];
	s0 =	simm.s32 @p2 $0x1  }
0x17: {  	s4 =	simm.s32 $0x1BF5;
	[smem:$0x3FB4] =	sst s0  }
0x18: {  	s0 =	sld [smem:$0x3F97];
	_ =	swait.ge [sflag:s4], $0x0  }
0x19: {  	s7 =	sld [smem:$0x3F98]  }
0x1a: {  	s8 =	sadd.s32 $0xFFFFE003, lr  }
0x1b: {  	s9 =	sadd.s32 $0xFFFFFEF7, lr;
	s5 =	simm.s32 $0xFFFFFFFF;
	p2 =	slt.u32 s8, $0xFFFFF086  }
0x1c: {  	p1 =	slt.u32 s9, $0xF7A;
	s5 =	simm.s32 @!p2 $0x0  }
0x1d: {  	s5 =	simm.s32 @p1 $0x1;
	p0 =	seq.s32 s7, s2  }
0x1e: {  	s7 =	smul.u32 @!p0 $0xF7A, s2;
	p2 =	seq.s32 @!p0 s5, $0x0  }
0x1f: {  	s9 =	smul.u32 $0xF7A, s1;
	s8 =	simm.s32 @!p0 $0x1BF5;
	p2 =	por !p2, p0  }
0x20: {  	[sflag:s8] =	ssyncset.s32 @!p0 $0xFFFFF086;
	s6 =	sadd.s32 @!p0 s3, s7;
	s7 =	simm.s32 @!p0 $0x108  }
0x21: {  	s3 =	sadd.s32 s3, s9;
	s6 =	sadd.s32 @!p0 $0x88, s6;
	s7 =	simm.s32 @p2 $0x1082  }
0x22: {  	[simem:s7], [sflag:s8] =	dma.local @!p0 [hbm:s6], $0xF7A  }
0x23: {  	s9 =	sor.u32 $0xD0000000, s2;
	s6 =	simm.s32 $0x108;
	_ =	swait.ge @!p0 [sflag:s8], $0x0  }
0x24: {  	s3 =	sadd.s32 $0x88, s3;
	s6 =	simm.s32 @!p1 $0x1082;
	[sflag:s4] =	ssyncset.s32 $0xFFFFF086  }
0x25: {  	[simem:s6], [sflag:s4] =	dma.local [hbm:s3], $0xF7A  }
0x26: {  	[smem:$0x3F98] =	sst s1;
	(tag) =	ssettag s2;
	_ =	strace s9  }
0x27: {  	s1 =	sld [smem:$0x3FA8]  }
0x28: {  	s2 =	sld [smem:$0x3FA9]  }
0x29: {  	s4 =	sld [smem:$0x3FAB]  }
0x2a: {  	p0 =	seq.s32 s5, $0x0;
	s5 =	sld [smem:$0x3FAC]  }
0x2b: {  	s6 =	sld [smem:$0x3FAD]  }
0x2c: {  	s7 =	sld [smem:$0x3FAE]  }
0x2d: {  	s3 =	simm.s32 $0x108;
	s8 =	sld [smem:$0x3FAF]  }
0x2e: {  	s3 =	simm.s32 @!p0 $0x1082;
	s9 =	sld [smem:$0x3FB0]  }
0x2f: {  	lr =	sadd.s32 s0, s3;
	s0 =	sld [smem:$0x3FA7]  }
0x30: {  	s3 =	sld [smem:$0x3FAA]  }
0x31: {  	[smem:$0x3FB3] =	sst s10  }
0x32: {  	s10 =	sld [smem:$0x3FB1];
	_ =	sdelay $0x3  }
0x33: {  	p0 =	seq.s32 s10, $0x1;
	s10 =	sld [smem:$0x3FB3];
	_ =	sdelay $0x3  }
0x34: {  	[smem:$0x3FB3] =	sst s10  }
0x35: {  	s10 =	sld [smem:$0x3FB2];
	_ =	sdelay $0x3  }
0x36: {  	p1 =	seq.s32 s10, $0x1;
	s10 =	sld [smem:$0x3FB3];
	_ =	sdelay $0x3  }
0x37: {  	[smem:$0x3FB3] =	sst s10  }
0x38: {  	s10 =	sld [smem:$0x3FB4]  }
0x39: {  	_ = 	snop;
	(pc) =	sbr.ind lr, $3  }
0x3a: {  	_ = 	snop  }
0x3b: {  	_ = 	snop  }
0x3c: {  	p2 =	seq.s32 s10, $0x1;
	s10 =	sld [smem:$0x3FB3]  }
0x3d: {  	_ =	shalt  }
0x3e: {  	_ =	shalt  }
0x3f: {  	_ =	shalt  }
0x40: {  	_ =	shalt  }
0x41: {  	_ =	shalt  }
0x42: {  	_ =	shalt  }
0x43: {  	_ =	shalt  }
0x44: {  	_ =	shalt  }
0x45: {  	_ =	shalt  }
0x46: {  	_ =	shalt  }
0x47: {  	_ =	shalt  }
0x48: {  	_ =	shalt  }
0x49: {  	_ =	shalt  }
0x4a: {  	_ =	shalt  }
0x4b: {  	_ =	shalt  }
0x4c: {  	_ =	shalt  }
0x4d: {  	_ =	shalt  }
0x4e: {  	_ =	shalt  }
0x4f: {  	_ =	shalt  }
0x50: {  	_ =	shalt  }
0x51: {  	_ =	shalt  }
0x52: {  	_ =	shalt  }
0x53: {  	_ =	shalt  }
0x54: {  	_ =	shalt  }
0x55: {  	_ =	shalt  }
0x56: {  	_ =	shalt  }
0x57: {  	_ =	shalt  }
0x58: {  	_ =	shalt  }
0x59: {  	_ =	shalt  }
0x5a: {  	_ =	shalt  }
0x5b: {  	_ =	shalt  }
0x5c: {  	_ =	shalt  }
0x5d: {  	_ =	shalt  }
0x5e: {  	_ =	shalt  }
0x5f: {  	_ =	shalt  }
0x60: {  	_ =	shalt  }
0x61: {  	_ =	shalt  }
0x62: {  	_ =	shalt  }
0x63: {  	_ =	shalt  }
0x64: {  	_ =	shalt  }
0x65: {  	_ =	shalt  }
0x66: {  	_ =	shalt  }
0x67: {  	_ =	shalt  }
0x68: {  	_ =	shalt  }
0x69: {  	_ =	shalt  }
0x6a: {  	_ =	shalt  }
0x6b: {  	_ =	shalt  }
0x6c: {  	_ =	shalt  }
0x6d: {  	_ =	shalt  }
0x6e: {  	_ =	shalt  }
0x6f: {  	_ =	shalt  }
0x70: {  	_ =	shalt  }
0x71: {  	_ =	shalt  }
0x72: {  	_ =	shalt  }
0x73: {  	_ =	shalt  }
0x74: {  	_ =	shalt  }
0x75: {  	_ =	shalt  }
0x76: {  	_ =	shalt  }
0x77: {  	_ =	shalt  }
0x78: {  	_ =	shalt  }
0x79: {  	_ =	shalt  }
0x7a: {  	_ =	shalt  }
0x7b: {  	_ =	shalt  }
0x7c: {  	_ =	shalt  }
0x7d: {  	_ =	shalt  }
0x7e: {  	_ =	shalt  }
0x7f: {  	_ =	shalt  }
0x80: {  	_ =	shalt  }
0x81: {  	_ =	shalt  }
0x82: {  	_ =	shalt  }
0x83: {  	_ =	shalt  }
0x84: {  	_ =	shalt  }
0x85: {  	_ =	shalt  }
0x86: {  	_ =	shalt  }
0x87: {  	_ =	shalt  }
.Lfunc_end0:
.L_simem_size_0:
called_computation.1_lowered:
.L_overlay_start_0:
0x88: {  	s2 =	sld [smem:$0x3FD9]  }
0x89: {  	s3 =	sld [smem:$0x3FFE];
	_ =	sdelay $0x1  }
0x8a: {  	s1 =	srdreg.scid  }
0x8b: {  	s0 =	sand.u32 $0x1, s1  }
0x8c: {  	s17 =	sshll.u32 s0, $0xA;
	s2 =	sadd.s32 s3, s2  }
0x8d: {  	s2 =	sadd.s32 s2, s17  }
0x8e: {  	[smem:$0x3FBF] =	sst s2  }
0x8f: {  	_ = 	snop  }
0x90: {  	s2 =	sld [smem:$0x3FC7]  }
0x91: {  	s18 =	sld [smem:$0x3FC6]  }
0x92: {  	s4 =	sld [smem:$0x3FC5]  }
0x93: {  	s5 =	sld [smem:$0x3FD0];
	(tm) =	ssettm $0x1  }
0x94: {  	s6 =	sld [smem:$0x3FFB];
	_ =	sdelay $0x3  }
0x95: {  	_ =	strace s6  }
0x96: {  	s6 =	sld [smem:$0x3FFC];
	_ =	sdelay $0x3  }
0x97: {  	_ =	strace s6  }
0x98: {  	s6 =	sld [smem:$0x3FFD];
	_ =	sdelay $0x3  }
0x99: {  	_ =	strace s6  }
0x9a: {  	_ =	strace $0x8FFFFFFF  }
0x9b: {  	s19 =	sld [smem:$0x3FDB];
	_ =	sdelay $0x1  }
0x9c: {  	s7 =	simm.s32 $_scs_section_size  }
0x9d: {  	s8 =	simm.s32 $_size__tile_overlayer_lowered;
	s9 =	simm.s32 $_tile_overlayer_lowered  }
0x9e: {  	s22 =	simm.s32 $0x1BFF;
	s21 =	sshll.u32 s9, $0x1;
	s6 =	sadd.s32 s7, s19  }
0x9f: {  	s10 =	simm.s32 $0x0;
	s20 =	sshll.u32 s8, $0x1;
	s8 =	sadd.s32 s21, s6  }
0xa0: {  	[timem:s10], [sflag:s22] =	dma.local [hbm:s8], s20  }
0xa1: {  	_ =	swait.ge [sflag:s22], s20  }
0xa2: {  	s7 =	ssub.s32 $0x0, s20;
	[sflag:s22] =	ssyncset.done $0x0  }
0xa3: {  	[sflag:s22] =	ssyncadd.s32 s7;
	_ =	sdelay $0x1  }
0xa4: {  	s23 =	simm.s32 $0x1B8B  }
0xa5: {  	_ =	swait.ge [sflag:s23], $0x1  }
0xa6: {  	[sflag:s23] =	ssyncset.done $0x0  }
0xa7: {  	s25 =	simm.s32 $0x1B8E;
	s24 =	sld [smem:$0x3FFE];
	[sflag:s23] =	ssyncadd.s32 $0xFFFFFFFF  }
0xa8: {  	s26 =	simm.s32 $execute0_lowered;
	[smem:$0x3FD2] =	sst s25  }
0xa9: {  	s8 =	sshll.u32 s26, $0x1;
	_ =	strace $0x80000049;
	[dreg:$0x1] =	wrdreg $0xFFFFFFFF  }
0xaa: {  	s28 =	simm.s32 $_size_execute0_lowered;
	s6 =	sadd.s32 s6, s8;
	[dreg:$0x0] =	wrdreg $0x0  }
0xab: {  	s8 =	sshll.u32 s28, $0x1;
	[dreg:$0x2] =	wrdreg s6  }
0xac: {  	[dreg:$0x3] =	wrdreg s8  }
0xad: {  	[dreg:$0x4] =	wrdreg $0xC0  }
0xae: {  	_ =	task [dreg:s10], $0x5FFFF  }
0xaf: {  	[dreg:$0x1] =	wrdreg $0xFFFFFFFF  }
0xb0: {  	[dreg:$0x0] =	wrdreg $0x60  }
0xb1: {  	[dreg:$0x2] =	wrdreg s24  }
0xb2: {  	[dreg:$0x3] =	wrdreg s2  }
0xb3: {  	[dreg:$0x4] =	wrdreg s18  }
0xb4: {  	[dreg:$0x5] =	wrdreg s4  }
0xb5: {  	[dreg:$0x6] =	wrdreg s5  }
0xb6: {  	[dreg:$0x7] =	wrdreg $0x9  }
0xb7: {  	_ =	task.clear_ibuf [dreg:s10], $0x8FFFF;
	_ =	strace $0x90000049  }
0xb8: {  	s29 =	simm.s32 $0x9;
	_ =	strace $0x8000004B  }
0xb9: {  	_ =	swait.ge [sflag:s29], $0x1  }
0xba: {  	[sflag:s29] =	ssyncadd.s32 $0xFFFFFFFF  }
0xbb: {  	_ =	strace $0x9000004B  }
0xbc: {  	_ =	sfence  }
0xbd: {  	s30 =	sld [smem:$0x0];
	_ =	sdelay $0x2  }
0xbe: {  	s31 =	sshll.u32 s1, $0xD;
	s1 =	sshrl.u32 s1, $0x2  }
0xbf: {  	s3 =	sand.u32 $0x4000, s31;
	s1 =	sadd.s32 s1, s30  }
0xc0: {  	s0 =	sor.u32 s3, s0;
	s1 =	sshll.u32 s1, $0x11  }
0xc1: {  	s0 =	sor.u32 s1, s0  }
0xc2: {  	s0 =	sadd.s32 $0x8F2B, s0  }
0xc3: {  	[sflag:s0] =	ssyncadd.remote.s32 $0x1  }
0xc4: {  	_ =	sfence.sel $0xFFFF  }
0xc5: {  	[dreg:$0x0] =	wrdreg $0xFFFFFFFF;
	(pc) =	sbr.abs _section_cstart, $3  }
0xc6: {  	[dreg:$0x1] =	wrdreg $0xFFFFFFFF  }
0xc7: {  	_ =	task.clear_ibuf [dreg:s10], $0x2FFFF;
	_ =	strace $0x9FFFFFFF  }
0xc8: {  	(tm) =	ssettm $0x7FFFFFFF  }
0xc9: {  	_ =	shalt  }
tec
execute0_lowered:
.L_overlay_start_1:
0x0: {  	(tag) =	ssettag $0x1  }
0x1: {  	s0 =	rddreg [dreg:$0x0]  }
0x2: {  	s2 =	rddreg [dreg:$0x1]  }
0x3: {  	s5 =	rddreg [dreg:$0x2]  }
0x4: {  	s6 =	rddreg [dreg:$0x3]  }
0x5: {  	s7 =	rddreg [dreg:$0x4]  }
0x6: {  	s1 =	simm.s32 $0x0;
	s3 =	srdreg.scid;
	s9 =	stileid.u32  }
0x7: {  	s11 =	simm.s32 $0xC800;
	s12 =	simm.s32 $0x1;
	s13 =	simm.s32 $0x80  }
0x8: {  	s14 =	simm.s32 $0x8000;
	s15 =	simm.s32 $0x4000;
	s30 =	simm.s32 $0xC680  }
0x9: {  	s31 =	simm.s32 $0xCA80;
	s16 =	simm.s32 $0xCB00;
	s17 =	simm.s32 $0xC380  }
0xa: {  	s18 =	simm.s32 $0xC780;
	s19 =	simm.s32 $0xCB80;
	s20 =	simm.s32 $0xCC00  }
0xb: {  	s21 =	simm.s32 $0x2;
	s22 =	simm.s32 $0x0;
	[smem:$0x7FF] =	sst s1  }
0xc: {  	s3 =	sand.u32 $0x1, s3;
	s9 =	sshll.u32 s9, $0x8;
	_ =	strace $0x8000004A  }
0xd: {  	s4 =	ssub.s32 $0x2, s3;
	s10 =	sshll.u32 s3, $0x7;
	s3 =	sadd.s32 $0x800, s0  }
0xe: {  	s0 =	simm.s32 $0xC300;
	s8 =	sshrl.u32 s4, $0x1;
	s29 =	sor.u32 s10, s9  }
0xf: {  	s9 =	simm.s32 $0xC000;
	s10 =	simm.s32 $0xC400;
	s28 =	ssub.s32 s4, s8  }
0x10: {  	v0 =	vlaneseq.u32;
	s4 =	sadd.s32 s2, s29;
	s5 =	sadd.s32 s5, s29;
	s6 =	sadd.s32 s6, s29  }
0x11: {  	v0 =	vmul.u32 $0x80, v0;
	s7 =	sadd.s32 s7, s29;
	s2 =	simm.s32 $0xC700;
	s8 =	smax.u32 s28, $0x1  }
.LBB2_1:
0x12: {  	[tilespmem:s9], [sflag:$0x1] =	stream.linear.gather [hbm4b:s4+s1], $0x400, $0x38;
	[tilespmem:$0xD000] =	vst v63  }
0x13: {  	_ = 	snop  }
0x14: {  	[tilespmem:s10], [sflag:$0x1] =	stream.linear.gather [hbm4b:s5+s1], $0x400, $0x38;
	[tilespmem:$0xD000] =	vst v63  }
0x15: {  	_ = 	snop  }
0x16: {  	[tilespmem:s11], [sflag:$0x1] =	stream.linear.gather [hbm4b:s6+s1], $0x400, $0x38;
	[tilespmem:$0xD000] =	vst v63  }
0x17: {  	_ =	swait.ge [sflag:s12], $0x400  }
0x18: {  	[sflag:s12] =	ssyncset.done $0x0  }
0x19: {  	[sflag:s12] =	ssyncadd.s32 $0xFFFFFC00  }
0x1a: {  	_ =	swait.ge [sflag:s12], $0x400  }
0x1b: {  	[sflag:s12] =	ssyncset.done $0x0  }
0x1c: {  	[sflag:s12] =	ssyncadd.s32 $0xFFFFFC00  }
0x1d: {  	_ =	swait.ge [sflag:s12], $0x400  }
0x1e: {  	[sflag:s12] =	ssyncset.done $0x0  }
0x1f: {  	[sflag:s12] =	ssyncadd.s32 $0xFFFFFC00  }
0x20: {  	[tilespmem:s1], [sflag:$0x1] =	stream.indirect.gather [hbm4b:s3+s13], $0x80, s9, s13, $0xb8;
	[tilespmem:$0xD000] =	vst v63  }
0x21: {  	_ = 	snop  }
0x22: {  	[tilespmem:s14], [sflag:$0x1] =	stream.indirect.gather [hbm4b:s3+s13], $0x80, s10, s13, $0xb8;
	[tilespmem:$0xD000] =	vst v63  }
0x23: {  	_ = 	snop  }
0x24: {  	[tilespmem:s15], [sflag:$0x1] =	stream.indirect.gather [hbm4b:s3+s13], $0x80, s11, s13, $0xb8;
	[tilespmem:$0xD000] =	vst v63  }
0x25: {  	_ =	swait.ge [sflag:s12], $0x4000  }
0x26: {  	[sflag:s12] =	ssyncset.done $0x0  }
0x27: {  	[sflag:s12] =	ssyncadd.s32 $0xFFFFC000  }
0x28: {  	_ =	swait.ge [sflag:s12], $0x4000  }
0x29: {  	[sflag:s12] =	ssyncset.done $0x0  }
0x2a: {  	[sflag:s12] =	ssyncadd.s32 $0xFFFFC000  }
0x2b: {  	_ =	swait.ge [sflag:s12], $0x4000  }
0x2c: {  	[sflag:s12] =	ssyncset.done $0x0  }
0x2d: {  	s23 =	simm.s32 $0x0;
	[sflag:s12] =	ssyncadd.s32 $0xFFFFC000  }
.LBB2_2:
0x2e: {  	s24 =	sshll.u32 s23, $0x4  }
0x2f: {  	s25 =	simm.s32 $0x0;
	v1 =	vmov s24  }
0x30: {  	v2 =	vmov s25;
	v1 =	vshll.u32 v1, $0x7  }
0x31: {  	v3 =	vor.u32 v0, v1;
	v1 =	vand.u32 $0x7C, v2  }
0x32: {  	s26 =	simm.s32 $0x3;
	v4 =	vor.u32 $0x40, v3;
	v1 =	vbroadcast v1, $0x0  }
0x33: {  	v2 =	vmov s26  }
0x34: {  	s28 =	simm.s32 $0x2;
	s29 =	simm.s32 $0x1;
	v2 =	vand.u32 $0x7F, v2;
	v6 =	vor.u32 v3, v1  }
0x35: {  	v5 =	vmov s28;
	v7 =	vbroadcast v2, $0x0;
	v1 =	vmov s29  }
0x36: {  	v5 =	vand.u32 $0x7E, v5;
	v1 =	vand.u32 $0x7D, v1  }
0x37: {  	v5 =	vbroadcast v5, $0x0;
	v7 =	vor.u32 v3, v7;
	v8 =	vbroadcast v1, $0x0;
	v2 =	vld.idx.msk [tilespmem:v4+s25+$0x0], $0xffff  }
0x38: {  	v1 =	vld.idx.msk [tilespmem:v4+s14+$0x0], $0xffff  }
0x39: {  	v4 =	vor.u32 v3, v5;
	v5 =	vor.u32 v3, v8;
	v8 =	vld.idx.msk [tilespmem:v6+s15+$0x0], $0xffff  }
0x3a: {  	v9 =	vld.idx.msk [tilespmem:v6+s14+$0x0], $0xffff  }
0x3b: {  	s28 =	simm.s32 $0x4;
	v6 =	vld.idx.msk [tilespmem:v6+s1+$0x0], $0xffff  }
0x3c: {  	v10 =	vmov s28;
	v19 =	vld.idx.msk [tilespmem:v7+s1+$0x0], $0xffff  }
0x3d: {  	v10 =	vand.u32 $0x7C, v10;
	v20 =	vld.idx.msk [tilespmem:v7+s14+$0x0], $0xffff  }
0x3e: {  	s26 =	simm.s32 $0x5;
	v10 =	vbroadcast v10, $0x0;
	v18 =	vld.idx.msk [tilespmem:v4+s1+$0x0], $0xffff  }
0x3f: {  	v16 =	vmov s26;
	s29 =	simm.s32 $0x7;
	v15 =	vld.idx.msk [tilespmem:v5+s1+$0x0], $0xffff  }
0x40: {  	s28 =	simm.s32 $0x6;
	v16 =	vand.u32 $0x7D, v16;
	v10 =	vor.u32 v3, v10;
	v14 =	vmov s29;
	v17 =	vld.idx.msk [tilespmem:v5+s14+$0x0], $0xffff  }
0x41: {  	v16 =	vbroadcast v16, $0x0;
	v13 =	vld.idx.msk [tilespmem:v5+s15+$0x0], $0xffff;
	v5 =	vand.u32 $0x7F, v14;
	v14 =	vmov s28  }
0x42: {  	v12 =	vld.idx.msk [tilespmem:v4+s14+$0x0], $0xffff;
	v5 =	vbroadcast v5, $0x0;
	v14 =	vand.u32 $0x7E, v14;
	v6 =	vmul.f32 v6, v2  }
0x43: {  	v16 =	vor.u32 v3, v16;
	v4 =	vld.idx.msk [tilespmem:v4+s15+$0x0], $0xffff;
	v9 =	vmul.f32 v9, v1;
	v14 =	vbroadcast v14, $0x0  }
0x44: {  	v11 =	vld.idx.msk [tilespmem:v7+s15+$0x0], $0xffff;
	v5 =	vor.u32 v3, v5;
	v7 =	vadd.f32 v8, v6;
	v15 =	vmul.f32 v15, v2  }
0x45: {  	v20 =	vmul.f32 v20, v1;
	v8 =	vor.u32 v3, v14;
	v14 =	vmul.f32 v17, v1  }
0x46: {  	v6 =	vld.idx.msk [tilespmem:v10+s15+$0x0], $0xffff;
	v9 =	vsub.f32 v7, v9;
	v13 =	vadd.f32 v13, v15;
	v15 =	vmul.f32 v18, v2  }
0x47: {  	v12 =	vmul.f32 v12, v1;
	v7 =	vld.idx.msk [tilespmem:v10+s14+$0x0], $0xffff;
	v18 =	vmul.f32 v19, v2  }
0x48: {  	s29 =	simm.s32 $0x8;
	v10 =	vld.idx.msk [tilespmem:v10+s1+$0x0], $0xffff;
	v19 =	vmul.f32 v9, v9;
	v13 =	vsub.f32 v13, v14;
	v14 =	vadd.f32 v4, v15  }
0x49: {  	v17 =	vimm.f32 $0.0e+00;
	v15 =	vmov s29;
	v4 =	vld.idx.msk [tilespmem:v5+s15+$0x0], $0xffff;
	v18 =	vadd.f32 v11, v18  }
0x4a: {  	s26 =	simm.s32 $0xB;
	v9 =	vld.idx.msk [tilespmem:v8+s14+$0x0], $0xffff;
	v17 =	vadd.f32 v19, v17;
	v13 =	vmul.f32 v13, v13;
	v14 =	vsub.f32 v14, v12  }
0x4b: {  	v21 =	vmov s26;
	v11 =	vld.idx.msk [tilespmem:v16+s15+$0x0], $0xffff;
	v15 =	vand.u32 $0x7C, v15  }
0x4c: {  	s28 =	simm.s32 $0x9;
	s29 =	simm.s32 $0xA;
	v12 =	vld.idx.msk [tilespmem:v16+s1+$0x0], $0xffff;
	v18 =	vsub.f32 v18, v20;
	v17 =	vadd.f32 v13, v17;
	v22 =	vmul.f32 v14, v14  }
0x4d: {  	v19 =	vmov s28;
	v15 =	vbroadcast v15, $0x0;
	v20 =	vmov s29;
	v14 =	vld.idx.msk [tilespmem:v16+s14+$0x0], $0xffff  }
0x4e: {  	v16 =	vand.u32 $0x7F, v21;
	v13 =	vld.idx.msk [tilespmem:v8+s1+$0x0], $0xffff;
	v18 =	vmul.f32 v18, v18;
	v17 =	vadd.f32 v22, v17  }
0x4f: {  	s25 =	simm.s32 $0xC;
	v15 =	vor.u32 v3, v15;
	v21 =	vand.u32 $0x7E, v20;
	v20 =	vbroadcast v16, $0x0;
	v16 =	vld.idx.msk [tilespmem:v5+s1+$0x0], $0xffff  }
.LBB2_3:
0x50: {  	p0 =	sne.s32 s25, $0x3C;
	v19 =	vand.u32 $0x7D, v19;
	v10 =	vmul.f32 v10, v2;
	v22 =	vld.idx.msk [tilespmem:v8+s15+$0x0], $0xffff;
	v17 =	vadd.f32 v18, v17  }
0x51: {  	v18 =	vbroadcast v21, $0x0;
	v8 =	vbroadcast v19, $0x0;
	v19 =	vld.idx.msk [tilespmem:v5+s14+$0x0], $0xffff;
	v5 =	vor.u32 v3, v20  }
0x52: {  	v7 =	vmul.f32 v7, v1;
	v12 =	vmul.f32 v12, v2;
	v10 =	vadd.f32 v6, v10  }
0x53: {  	v14 =	vmul.f32 v14, v1;
	v20 =	vor.u32 v3, v8;
	v8 =	vor.u32 v3, v18  }
0x54: {  	v11 =	vadd.f32 v11, v12;
	v12 =	vmul.f32 v13, v2;
	v6 =	vld.idx.msk [tilespmem:v15+s15+$0x0], $0xffff;
	v18 =	vsub.f32 v10, v7  }
0x55: {  	v13 =	vmul.f32 v9, v1;
	v9 =	vmul.f32 v16, v2;
	v7 =	vld.idx.msk [tilespmem:v15+s14+$0x0], $0xffff  }
0x56: {  	v11 =	vsub.f32 v11, v14;
	v12 =	vadd.f32 v22, v12;
	v10 =	vld.idx.msk [tilespmem:v15+s1+$0x0], $0xffff;
	v15 =	vmul.f32 v18, v18  }
0x57: {  	v14 =	vmov s25;
	v16 =	vadd.f32 v4, v9;
	v18 =	vmul.f32 v19, v1;
	v4 =	vld.idx.msk [tilespmem:v5+s15+$0x0], $0xffff  }
0x58: {  	s26 =	sadd.s32 $0x3, s25;
	v13 =	vsub.f32 v12, v13;
	v9 =	vld.idx.msk [tilespmem:v8+s14+$0x0], $0xffff;
	v15 =	vadd.f32 v15, v17;
	v17 =	vmul.f32 v11, v11  }
.Ltmp0:
0x59: {  	v21 =	vmov s26;
	v14 =	vand.u32 $0x7C, v14;
	v11 =	vld.idx.msk [tilespmem:v20+s15+$0x0], $0xffff;
	(pc) =	sbr.rel @p0 .LBB2_3-.Ltmp0, $4  }
0x5a: {  	s28 =	sadd.s32 $0x2, s25;
	s26 =	sadd.s32 $0x1, s25;
	v16 =	vsub.f32 v16, v18;
	v12 =	vld.idx.msk [tilespmem:v20+s1+$0x0], $0xffff;
	v15 =	vadd.f32 v17, v15;
	v17 =	vmul.f32 v13, v13  }
0x5b: {  	v23 =	vmov s28;
	v19 =	vmov s26;
	v22 =	vbroadcast v14, $0x0;
	v14 =	vld.idx.msk [tilespmem:v20+s14+$0x0], $0xffff  }
0x5c: {  	v18 =	vmul.f32 v16, v16;
	v20 =	vand.u32 $0x7F, v21;
	v13 =	vld.idx.msk [tilespmem:v8+s1+$0x0], $0xffff;
	v17 =	vadd.f32 v17, v15  }
0x5d: {  	s25 =	sadd.s32 $0x4, s25;
	v21 =	vand.u32 $0x7E, v23;
	v15 =	vor.u32 v3, v22;
	v20 =	vbroadcast v20, $0x0;
	v16 =	vld.idx.msk [tilespmem:v5+s1+$0x0], $0xffff  }
0x5e: {  	_ =	sdelay $0x3  }
0x5f: {  	v19 =	vand.u32 $0x7D, v19;
	v21 =	vbroadcast v21, $0x0;
	v8 =	vld.idx.msk [tilespmem:v8+s15+$0x0], $0xffff;
	v20 =	vor.u32 v3, v20  }
0x60: {  	v5 =	vld.idx.msk [tilespmem:v5+s14+$0x0], $0xffff;
	v19 =	vbroadcast v19, $0x0  }
0x61: {  	v10 =	vmul.f32 v10, v2;
	v47 =	vld.idx.msk [tilespmem:v15+s15+$0x0], $0xffff;
	v21 =	vor.u32 v3, v21  }
0x62: {  	v48 =	vld.idx.msk [tilespmem:v15+s14+$0x0], $0xffff;
	v3 =	vor.u32 v3, v19  }
0x63: {  	v7 =	vmul.f32 v7, v1;
	v49 =	vld.idx.msk [tilespmem:v15+s1+$0x0], $0xffff;
	v12 =	vmul.f32 v12, v2;
	v6 =	vadd.f32 v6, v10  }
0x64: {  	v14 =	vmul.f32 v14, v1;
	v50 =	vld.idx.msk [tilespmem:v20+s15+$0x0], $0xffff  }
0x65: {  	v11 =	vadd.f32 v11, v12;
	v51 =	vmul.f32 v13, v2;
	v6 =	vsub.f32 v6, v7;
	v56 =	vld.idx.msk [tilespmem:v20+s1+$0x0], $0xffff  }
0x66: {  	v17 =	vadd.f32 v18, v17;
	v9 =	vmul.f32 v9, v1;
	v16 =	vmul.f32 v16, v2;
	v55 =	vld.idx.msk [tilespmem:v21+s1+$0x0], $0xffff  }
0x67: {  	v11 =	vsub.f32 v11, v14;
	v8 =	vadd.f32 v8, v51;
	v6 =	vmul.f32 v6, v6;
	v54 =	vld.idx.msk [tilespmem:v3+s1+$0x0], $0xffff  }
0x68: {  	v5 =	vmul.f32 v5, v1;
	v15 =	vmul.f32 v49, v2;
	v4 =	vadd.f32 v4, v16;
	v53 =	vld.idx.msk [tilespmem:v3+s15+$0x0], $0xffff  }
0x69: {  	v11 =	vmul.f32 v11, v11;
	v8 =	vsub.f32 v8, v9;
	v3 =	vld.idx.msk [tilespmem:v3+s14+$0x0], $0xffff;
	v6 =	vadd.f32 v6, v17  }
0x6a: {  	v10 =	vmul.f32 v48, v1;
	v52 =	vld.idx.msk [tilespmem:v21+s14+$0x0], $0xffff;
	v15 =	vadd.f32 v47, v15  }
0x6b: {  	v57 =	vld.idx.msk [tilespmem:v21+s15+$0x0], $0xffff;
	v4 =	vsub.f32 v4, v5;
	v8 =	vmul.f32 v8, v8;
	v6 =	vadd.f32 v11, v6  }
0x6c: {  	v58 =	vld.idx.msk [tilespmem:v20+s14+$0x0], $0xffff;
	v12 =	vmul.f32 v54, v2  }
0x6d: {  	v59 =	vsub.f32 v15, v10;
	v4 =	vmul.f32 v4, v4;
	v6 =	vadd.f32 v8, v6  }
0x6e: {  	v9 =	vmul.f32 v55, v2;
	v3 =	vmul.f32 v3, v1;
	v60 =	vadd.f32 v53, v12  }
0x6f: {  	v61 =	vmul.f32 v52, v1;
	v2 =	vmul.f32 v56, v2;
	v4 =	vadd.f32 v4, v6  }
0x70: {  	v8 =	vmul.f32 v59, v59;
	v5 =	vadd.f32 v57, v9;
	v3 =	vsub.f32 v60, v3  }
0x71: {  	v1 =	vmul.f32 v58, v1;
	v2 =	vadd.f32 v50, v2  }
0x72: {  	v4 =	vadd.f32 v8, v4;
	v5 =	vsub.f32 v5, v61;
	v3 =	vmul.f32 v3, v3;
	_ =	sdelay $0x1  }
0x73: {  	v1 =	vsub.f32 v2, v1;
	v62 =	vmul.f32 v5, v5;
	v3 =	vadd.f32 v3, v4;
	_ =	sdelay $0x1  }
0x74: {  	v1 =	vmul.f32 v1, v1;
	v2 =	vadd.f32 v62, v3;
	_ =	sdelay $0x1  }
0x75: {  	v1 =	vadd.f32 v1, v2;
	_ =	sdelay $0x1  }
0x76: {  	v2 =	vshrl.u32 v1, $0x1;
	v3 =	vmul.f32 $5.000000000e-01, v1  }
0x77: {  	v2 =	vsub.s32 $0x5F3759DF, v2  }
0x78: {  	v63 =	vmul.f32 v2, v3;
	_ =	sdelay $0x1  }
0x79: {  	v4 =	vmul.f32 v2, v63;
	_ =	sdelay $0x1  }
0x7a: {  	v4 =	vsub.f32 $1.500000000e+00, v4;
	_ =	sdelay $0x1  }
0x7b: {  	v2 =	vmul.f32 v2, v4;
	_ =	sdelay $0x1  }
0x7c: {  	v4 =	vmul.f32 v2, v3;
	_ =	sdelay $0x1  }
0x7d: {  	v4 =	vmul.f32 v4, v2;
	_ =	sdelay $0x1  }
0x7e: {  	v4 =	vsub.f32 $1.500000000e+00, v4;
	_ =	sdelay $0x1  }
0x7f: {  	v2 =	vmul.f32 v4, v2;
	_ =	sdelay $0x1  }
0x80: {  	v3 =	vmul.f32 v2, v3;
	_ =	sdelay $0x1  }
0x81: {  	v3 =	vmul.f32 v3, v2;
	_ =	sdelay $0x1  }
0x82: {  	v3 =	vsub.f32 $1.500000000e+00, v3  }
0x83: {  	s23 =	sadd.s32 $0x1, s23  }
0x84: {  	p0 =	sne.s32 s23, $0x8;
	v2 =	vmul.f32 v3, v2  }
.Ltmp1:
0x85: {  	_ = 	snop;
	(pc) =	sbr.rel @p0 .LBB2_2-.Ltmp1, $4  }
0x86: {  	v2 =	vmul.f32 v2, v1  }
0x87: {  	vm0 =	vgt.f32 v1, $0.0e+00  }
0x88: {  	v1 =	vnsel vm0, $0x0, v2  }
0x89: {  	[tilespmem:s24+$0xCC00] =	vst v1  }
0x8a: {  	s23 =	simm.s32 $0x0;
	s24 =	simm.s32 $0xC080  }
0x8b: {  	[tilespmem:s23], [sflag:$0x1] =	stream.indirect.gather [hbm4b:s3+s13], $0x80, s24, s13, $0xb8;
	[tilespmem:$0xD000] =	vst v63  }
0x8c: {  	s28 =	simm.s32 $0xC480  }
0x8d: {  	[tilespmem:s14], [sflag:$0x1] =	stream.indirect.gather [hbm4b:s3+s13], $0x80, s28, s13, $0xb8;
	[tilespmem:$0xD000] =	vst v63  }
0x8e: {  	s29 =	simm.s32 $0xC880  }
0x8f: {  	[tilespmem:s15], [sflag:$0x1] =	stream.indirect.gather [hbm4b:s3+s13], $0x80, s29, s13, $0xb8;
	[tilespmem:$0xD000] =	vst v63  }
0x90: {  	_ =	swait.ge [sflag:s12], $0x4000  }
0x91: {  	[sflag:s12] =	ssyncset.done $0x0  }
0x92: {  	[sflag:s12] =	ssyncadd.s32 $0xFFFFC000  }
0x93: {  	_ =	swait.ge [sflag:s12], $0x4000  }
0x94: {  	[sflag:s12] =	ssyncset.done $0x0  }
0x95: {  	[sflag:s12] =	ssyncadd.s32 $0xFFFFC000  }
0x96: {  	_ =	swait.ge [sflag:s12], $0x4000  }
0x97: {  	[sflag:s12] =	ssyncset.done $0x0  }
0x98: {  	s24 =	simm.s32 $0x0;
	[sflag:s12] =	ssyncadd.s32 $0xFFFFC000  }
.LBB2_6:
0x99: {  	s25 =	sshll.u32 s24, $0x4  }
0x9a: {  	v1 =	vmov s25  }
0x9b: {  	v2 =	vmov s23;
	v1 =	vshll.u32 v1, $0x7  }
0x9c: {  	v3 =	vor.u32 v0, v1;
	v1 =	vand.u32 $0x7C, v2  }
0x9d: {  	s26 =	simm.s32 $0x3;
	v4 =	vor.u32 $0x40, v3;
	v1 =	vbroadcast v1, $0x0  }
0x9e: {  	v2 =	vmov s26  }
0x9f: {  	s29 =	simm.s32 $0x2;
	s28 =	simm.s32 $0x1;
	v2 =	vand.u32 $0x7F, v2;
	v6 =	vor.u32 v3, v1  }
0xa0: {  	v5 =	vmov s29;
	v7 =	vbroadcast v2, $0x0;
	v1 =	vmov s28  }
0xa1: {  	v5 =	vand.u32 $0x7E, v5;
	v1 =	vand.u32 $0x7D, v1  }
0xa2: {  	v5 =	vbroadcast v5, $0x0;
	v7 =	vor.u32 v3, v7;
	v8 =	vbroadcast v1, $0x0;
	v2 =	vld.idx.msk [tilespmem:v4+s23+$0x0], $0xffff  }
0xa3: {  	v1 =	vld.idx.msk [tilespmem:v4+s14+$0x0], $0xffff  }
0xa4: {  	v4 =	vor.u32 v3, v5;
	v5 =	vor.u32 v3, v8;
	v8 =	vld.idx.msk [tilespmem:v6+s15+$0x0], $0xffff  }
0xa5: {  	v9 =	vld.idx.msk [tilespmem:v6+s14+$0x0], $0xffff  }
0xa6: {  	s29 =	simm.s32 $0x4;
	v6 =	vld.idx.msk [tilespmem:v6+s1+$0x0], $0xffff  }
0xa7: {  	v10 =	vmov s29;
	v19 =	vld.idx.msk [tilespmem:v7+s1+$0x0], $0xffff  }
0xa8: {  	v10 =	vand.u32 $0x7C, v10;
	v20 =	vld.idx.msk [tilespmem:v7+s14+$0x0], $0xffff  }
0xa9: {  	s26 =	simm.s32 $0x5;
	v10 =	vbroadcast v10, $0x0;
	v18 =	vld.idx.msk [tilespmem:v4+s1+$0x0], $0xffff  }
0xaa: {  	v16 =	vmov s26;
	s28 =	simm.s32 $0x7;
	v15 =	vld.idx.msk [tilespmem:v5+s1+$0x0], $0xffff  }
0xab: {  	s29 =	simm.s32 $0x6;
	v16 =	vand.u32 $0x7D, v16;
	v10 =	vor.u32 v3, v10;
	v14 =	vmov s28;
	v17 =	vld.idx.msk [tilespmem:v5+s14+$0x0], $0xffff  }
0xac: {  	v16 =	vbroadcast v16, $0x0;
	v13 =	vld.idx.msk [tilespmem:v5+s15+$0x0], $0xffff;
	v5 =	vand.u32 $0x7F, v14;
	v14 =	vmov s29  }
0xad: {  	v12 =	vld.idx.msk [tilespmem:v4+s14+$0x0], $0xffff;
	v5 =	vbroadcast v5, $0x0;
	v14 =	vand.u32 $0x7E, v14;
	v6 =	vmul.f32 v6, v2  }
0xae: {  	v16 =	vor.u32 v3, v16;
	v4 =	vld.idx.msk [tilespmem:v4+s15+$0x0], $0xffff;
	v9 =	vmul.f32 v9, v1;
	v14 =	vbroadcast v14, $0x0  }
0xaf: {  	v11 =	vld.idx.msk [tilespmem:v7+s15+$0x0], $0xffff;
	v5 =	vor.u32 v3, v5;
	v7 =	vadd.f32 v8, v6;
	v15 =	vmul.f32 v15, v2  }
0xb0: {  	v20 =	vmul.f32 v20, v1;
	v8 =	vor.u32 v3, v14;
	v14 =	vmul.f32 v17, v1  }
0xb1: {  	v6 =	vld.idx.msk [tilespmem:v10+s15+$0x0], $0xffff;
	v9 =	vsub.f32 v7, v9;
	v13 =	vadd.f32 v13, v15;
	v15 =	vmul.f32 v18, v2  }
0xb2: {  	v12 =	vmul.f32 v12, v1;
	v7 =	vld.idx.msk [tilespmem:v10+s14+$0x0], $0xffff;
	v18 =	vmul.f32 v19, v2  }
0xb3: {  	s29 =	simm.s32 $0x8;
	v10 =	vld.idx.msk [tilespmem:v10+s1+$0x0], $0xffff;
	v19 =	vmul.f32 v9, v9;
	v13 =	vsub.f32 v13, v14;
	v14 =	vadd.f32 v4, v15  }
0xb4: {  	v17 =	vimm.f32 $0.0e+00;
	v15 =	vmov s29;
	v4 =	vld.idx.msk [tilespmem:v5+s15+$0x0], $0xffff;
	v18 =	vadd.f32 v11, v18  }
0xb5: {  	s28 =	simm.s32 $0xB;
	v9 =	vld.idx.msk [tilespmem:v8+s14+$0x0], $0xffff;
	v17 =	vadd.f32 v19, v17;
	v13 =	vmul.f32 v13, v13;
	v14 =	vsub.f32 v14, v12  }
0xb6: {  	v21 =	vmov s28;
	v11 =	vld.idx.msk [tilespmem:v16+s15+$0x0], $0xffff;
	v15 =	vand.u32 $0x7C, v15  }
0xb7: {  	s26 =	simm.s32 $0x9;
	s29 =	simm.s32 $0xA;
	v12 =	vld.idx.msk [tilespmem:v16+s1+$0x0], $0xffff;
	v18 =	vsub.f32 v18, v20;
	v17 =	vadd.f32 v13, v17;
	v22 =	vmul.f32 v14, v14  }
0xb8: {  	v19 =	vmov s26;
	v15 =	vbroadcast v15, $0x0;
	v20 =	vmov s29;
	v14 =	vld.idx.msk [tilespmem:v16+s14+$0x0], $0xffff  }
0xb9: {  	v16 =	vand.u32 $0x7F, v21;
	v13 =	vld.idx.msk [tilespmem:v8+s1+$0x0], $0xffff;
	v18 =	vmul.f32 v18, v18;
	v17 =	vadd.f32 v22, v17  }
0xba: {  	s26 =	simm.s32 $0xC;
	v15 =	vor.u32 v3, v15;
	v21 =	vand.u32 $0x7E, v20;
	v20 =	vbroadcast v16, $0x0;
	v16 =	vld.idx.msk [tilespmem:v5+s1+$0x0], $0xffff  }
.LBB2_7:
0xbb: {  	p0 =	sne.s32 s26, $0x3C;
	v19 =	vand.u32 $0x7D, v19;
	v10 =	vmul.f32 v10, v2;
	v22 =	vld.idx.msk [tilespmem:v8+s15+$0x0], $0xffff;
	v17 =	vadd.f32 v18, v17  }
0xbc: {  	v18 =	vbroadcast v21, $0x0;
	v8 =	vbroadcast v19, $0x0;
	v19 =	vld.idx.msk [tilespmem:v5+s14+$0x0], $0xffff;
	v5 =	vor.u32 v3, v20  }
0xbd: {  	v7 =	vmul.f32 v7, v1;
	v12 =	vmul.f32 v12, v2;
	v10 =	vadd.f32 v6, v10  }
0xbe: {  	v14 =	vmul.f32 v14, v1;
	v20 =	vor.u32 v3, v8;
	v8 =	vor.u32 v3, v18  }
0xbf: {  	v11 =	vadd.f32 v11, v12;
	v12 =	vmul.f32 v13, v2;
	v6 =	vld.idx.msk [tilespmem:v15+s15+$0x0], $0xffff;
	v18 =	vsub.f32 v10, v7  }
0xc0: {  	v13 =	vmul.f32 v9, v1;
	v9 =	vmul.f32 v16, v2;
	v7 =	vld.idx.msk [tilespmem:v15+s14+$0x0], $0xffff  }
0xc1: {  	v11 =	vsub.f32 v11, v14;
	v12 =	vadd.f32 v22, v12;
	v10 =	vld.idx.msk [tilespmem:v15+s1+$0x0], $0xffff;
	v15 =	vmul.f32 v18, v18  }
0xc2: {  	v14 =	vmov s26;
	v16 =	vadd.f32 v4, v9;
	v18 =	vmul.f32 v19, v1;
	v4 =	vld.idx.msk [tilespmem:v5+s15+$0x0], $0xffff  }
0xc3: {  	s28 =	sadd.s32 $0x3, s26;
	v13 =	vsub.f32 v12, v13;
	v9 =	vld.idx.msk [tilespmem:v8+s14+$0x0], $0xffff;
	v15 =	vadd.f32 v15, v17;
	v17 =	vmul.f32 v11, v11  }
.Ltmp2:
0xc4: {  	v21 =	vmov s28;
	v14 =	vand.u32 $0x7C, v14;
	v11 =	vld.idx.msk [tilespmem:v20+s15+$0x0], $0xffff;
	(pc) =	sbr.rel @p0 .LBB2_7-.Ltmp2, $4  }
0xc5: {  	s29 =	sadd.s32 $0x2, s26;
	s28 =	sadd.s32 $0x1, s26;
	v16 =	vsub.f32 v16, v18;
	v12 =	vld.idx.msk [tilespmem:v20+s1+$0x0], $0xffff;
	v15 =	vadd.f32 v17, v15;
	v17 =	vmul.f32 v13, v13  }
0xc6: {  	v23 =	vmov s29;
	v19 =	vmov s28;
	v22 =	vbroadcast v14, $0x0;
	v14 =	vld.idx.msk [tilespmem:v20+s14+$0x0], $0xffff  }
0xc7: {  	v18 =	vmul.f32 v16, v16;
	v20 =	vand.u32 $0x7F, v21;
	v13 =	vld.idx.msk [tilespmem:v8+s1+$0x0], $0xffff;
	v17 =	vadd.f32 v17, v15  }
0xc8: {  	s26 =	sadd.s32 $0x4, s26;
	v21 =	vand.u32 $0x7E, v23;
	v15 =	vor.u32 v3, v22;
	v20 =	vbroadcast v20, $0x0;
	v16 =	vld.idx.msk [tilespmem:v5+s1+$0x0], $0xffff  }
0xc9: {  	_ =	sdelay $0x3  }
0xca: {  	v19 =	vand.u32 $0x7D, v19;
	v21 =	vbroadcast v21, $0x0;
	v8 =	vld.idx.msk [tilespmem:v8+s15+$0x0], $0xffff;
	v20 =	vor.u32 v3, v20  }
0xcb: {  	v5 =	vld.idx.msk [tilespmem:v5+s14+$0x0], $0xffff;
	v19 =	vbroadcast v19, $0x0  }
0xcc: {  	v10 =	vmul.f32 v10, v2;
	v47 =	vld.idx.msk [tilespmem:v15+s15+$0x0], $0xffff;
	v21 =	vor.u32 v3, v21  }
0xcd: {  	v48 =	vld.idx.msk [tilespmem:v15+s14+$0x0], $0xffff;
	v3 =	vor.u32 v3, v19  }
0xce: {  	v7 =	vmul.f32 v7, v1;
	v49 =	vld.idx.msk [tilespmem:v15+s1+$0x0], $0xffff;
	v12 =	vmul.f32 v12, v2;
	v6 =	vadd.f32 v6, v10  }
0xcf: {  	v14 =	vmul.f32 v14, v1;
	v50 =	vld.idx.msk [tilespmem:v20+s15+$0x0], $0xffff  }
0xd0: {  	v11 =	vadd.f32 v11, v12;
	v51 =	vmul.f32 v13, v2;
	v6 =	vsub.f32 v6, v7;
	v56 =	vld.idx.msk [tilespmem:v20+s1+$0x0], $0xffff  }
0xd1: {  	v17 =	vadd.f32 v18, v17;
	v9 =	vmul.f32 v9, v1;
	v16 =	vmul.f32 v16, v2;
	v55 =	vld.idx.msk [tilespmem:v21+s1+$0x0], $0xffff  }
0xd2: {  	v11 =	vsub.f32 v11, v14;
	v8 =	vadd.f32 v8, v51;
	v6 =	vmul.f32 v6, v6;
	v54 =	vld.idx.msk [tilespmem:v3+s1+$0x0], $0xffff  }
0xd3: {  	v5 =	vmul.f32 v5, v1;
	v15 =	vmul.f32 v49, v2;
	v4 =	vadd.f32 v4, v16;
	v53 =	vld.idx.msk [tilespmem:v3+s15+$0x0], $0xffff  }
0xd4: {  	v11 =	vmul.f32 v11, v11;
	v8 =	vsub.f32 v8, v9;
	v3 =	vld.idx.msk [tilespmem:v3+s14+$0x0], $0xffff;
	v6 =	vadd.f32 v6, v17  }
0xd5: {  	v10 =	vmul.f32 v48, v1;
	v52 =	vld.idx.msk [tilespmem:v21+s14+$0x0], $0xffff;
	v15 =	vadd.f32 v47, v15  }
0xd6: {  	v57 =	vld.idx.msk [tilespmem:v21+s15+$0x0], $0xffff;
	v4 =	vsub.f32 v4, v5;
	v8 =	vmul.f32 v8, v8;
	v6 =	vadd.f32 v11, v6  }
0xd7: {  	v58 =	vld.idx.msk [tilespmem:v20+s14+$0x0], $0xffff;
	v12 =	vmul.f32 v54, v2  }
0xd8: {  	v59 =	vsub.f32 v15, v10;
	v4 =	vmul.f32 v4, v4;
	v6 =	vadd.f32 v8, v6  }
0xd9: {  	v9 =	vmul.f32 v55, v2;
	v3 =	vmul.f32 v3, v1;
	v60 =	vadd.f32 v53, v12  }
0xda: {  	v61 =	vmul.f32 v52, v1;
	v2 =	vmul.f32 v56, v2;
	v4 =	vadd.f32 v4, v6  }
0xdb: {  	v8 =	vmul.f32 v59, v59;
	v5 =	vadd.f32 v57, v9;
	v3 =	vsub.f32 v60, v3  }
0xdc: {  	v1 =	vmul.f32 v58, v1;
	v2 =	vadd.f32 v50, v2  }
0xdd: {  	v4 =	vadd.f32 v8, v4;
	v5 =	vsub.f32 v5, v61;
	v3 =	vmul.f32 v3, v3;
	_ =	sdelay $0x1  }
0xde: {  	v1 =	vsub.f32 v2, v1;
	v62 =	vmul.f32 v5, v5;
	v3 =	vadd.f32 v3, v4;
	_ =	sdelay $0x1  }
0xdf: {  	v1 =	vmul.f32 v1, v1;
	v2 =	vadd.f32 v62, v3;
	_ =	sdelay $0x1  }
0xe0: {  	v1 =	vadd.f32 v1, v2;
	_ =	sdelay $0x1  }
0xe1: {  	v2 =	vshrl.u32 v1, $0x1;
	v3 =	vmul.f32 $5.000000000e-01, v1  }
0xe2: {  	v2 =	vsub.s32 $0x5F3759DF, v2  }
0xe3: {  	v63 =	vmul.f32 v2, v3;
	_ =	sdelay $0x1  }
0xe4: {  	v4 =	vmul.f32 v2, v63;
	_ =	sdelay $0x1  }
0xe5: {  	v4 =	vsub.f32 $1.500000000e+00, v4;
	_ =	sdelay $0x1  }
0xe6: {  	v2 =	vmul.f32 v2, v4;
	_ =	sdelay $0x1  }
0xe7: {  	v4 =	vmul.f32 v2, v3;
	_ =	sdelay $0x1  }
0xe8: {  	v4 =	vmul.f32 v4, v2;
	_ =	sdelay $0x1  }
0xe9: {  	v4 =	vsub.f32 $1.500000000e+00, v4;
	_ =	sdelay $0x1  }
0xea: {  	v2 =	vmul.f32 v4, v2;
	_ =	sdelay $0x1  }
0xeb: {  	v3 =	vmul.f32 v2, v3;
	_ =	sdelay $0x1  }
0xec: {  	v3 =	vmul.f32 v3, v2;
	_ =	sdelay $0x1  }
0xed: {  	v3 =	vsub.f32 $1.500000000e+00, v3  }
0xee: {  	s24 =	sadd.s32 $0x1, s24  }
0xef: {  	p0 =	sne.s32 s24, $0x8;
	v2 =	vmul.f32 v3, v2  }
.Ltmp3:
0xf0: {  	_ = 	snop;
	(pc) =	sbr.rel @p0 .LBB2_6-.Ltmp3, $4  }
0xf1: {  	v2 =	vmul.f32 v2, v1  }
0xf2: {  	vm0 =	vgt.f32 v1, $0.0e+00  }
0xf3: {  	v1 =	vnsel vm0, $0x0, v2  }
0xf4: {  	[tilespmem:s25+$0xCC80] =	vst v1  }
0xf5: {  	s23 =	simm.s32 $0x0;
	s24 =	simm.s32 $0xC100  }
0xf6: {  	[tilespmem:s23], [sflag:$0x1] =	stream.indirect.gather [hbm4b:s3+s13], $0x80, s24, s13, $0xb8;
	[tilespmem:$0xD000] =	vst v63  }
0xf7: {  	s28 =	simm.s32 $0xC500  }
0xf8: {  	[tilespmem:s14], [sflag:$0x1] =	stream.indirect.gather [hbm4b:s3+s13], $0x80, s28, s13, $0xb8;
	[tilespmem:$0xD000] =	vst v63  }
0xf9: {  	s29 =	simm.s32 $0xC900  }
0xfa: {  	[tilespmem:s15], [sflag:$0x1] =	stream.indirect.gather [hbm4b:s3+s13], $0x80, s29, s13, $0xb8;
	[tilespmem:$0xD000] =	vst v63  }
0xfb: {  	_ =	swait.ge [sflag:s12], $0x4000  }
0xfc: {  	[sflag:s12] =	ssyncset.done $0x0  }
0xfd: {  	[sflag:s12] =	ssyncadd.s32 $0xFFFFC000  }
0xfe: {  	_ =	swait.ge [sflag:s12], $0x4000  }
0xff: {  	[sflag:s12] =	ssyncset.done $0x0  }
0x100: {  	[sflag:s12] =	ssyncadd.s32 $0xFFFFC000  }
0x101: {  	_ =	swait.ge [sflag:s12], $0x4000  }
0x102: {  	[sflag:s12] =	ssyncset.done $0x0  }
0x103: {  	s24 =	simm.s32 $0x0;
	[sflag:s12] =	ssyncadd.s32 $0xFFFFC000  }
.LBB2_10:
0x104: {  	s25 =	sshll.u32 s24, $0x4  }
0x105: {  	v1 =	vmov s25  }
0x106: {  	v2 =	vmov s23;
	v1 =	vshll.u32 v1, $0x7  }
0x107: {  	v3 =	vor.u32 v0, v1;
	v1 =	vand.u32 $0x7C, v2  }
0x108: {  	s26 =	simm.s32 $0x3;
	v4 =	vor.u32 $0x40, v3;
	v1 =	vbroadcast v1, $0x0  }
0x109: {  	v2 =	vmov s26  }
0x10a: {  	s29 =	simm.s32 $0x2;
	s28 =	simm.s32 $0x1;
	v2 =	vand.u32 $0x7F, v2;
	v6 =	vor.u32 v3, v1  }
0x10b: {  	v5 =	vmov s29;
	v7 =	vbroadcast v2, $0x0;
	v1 =	vmov s28  }
0x10c: {  	v5 =	vand.u32 $0x7E, v5;
	v1 =	vand.u32 $0x7D, v1  }
0x10d: {  	v5 =	vbroadcast v5, $0x0;
	v7 =	vor.u32 v3, v7;
	v8 =	vbroadcast v1, $0x0;
	v2 =	vld.idx.msk [tilespmem:v4+s23+$0x0], $0xffff  }
0x10e: {  	v1 =	vld.idx.msk [tilespmem:v4+s14+$0x0], $0xffff  }
0x10f: {  	v4 =	vor.u32 v3, v5;
	v5 =	vor.u32 v3, v8;
	v8 =	vld.idx.msk [tilespmem:v6+s15+$0x0], $0xffff  }
0x110: {  	v9 =	vld.idx.msk [tilespmem:v6+s14+$0x0], $0xffff  }
0x111: {  	s29 =	simm.s32 $0x4;
	v6 =	vld.idx.msk [tilespmem:v6+s1+$0x0], $0xffff  }
0x112: {  	v10 =	vmov s29;
	v19 =	vld.idx.msk [tilespmem:v7+s1+$0x0], $0xffff  }
0x113: {  	v10 =	vand.u32 $0x7C, v10;
	v20 =	vld.idx.msk [tilespmem:v7+s14+$0x0], $0xffff  }
0x114: {  	s26 =	simm.s32 $0x5;
	v10 =	vbroadcast v10, $0x0;
	v18 =	vld.idx.msk [tilespmem:v4+s1+$0x0], $0xffff  }
0x115: {  	v16 =	vmov s26;
	s28 =	simm.s32 $0x7;
	v15 =	vld.idx.msk [tilespmem:v5+s1+$0x0], $0xffff  }
0x116: {  	s29 =	simm.s32 $0x6;
	v16 =	vand.u32 $0x7D, v16;
	v10 =	vor.u32 v3, v10;
	v14 =	vmov s28;
	v17 =	vld.idx.msk [tilespmem:v5+s14+$0x0], $0xffff  }
0x117: {  	v16 =	vbroadcast v16, $0x0;
	v13 =	vld.idx.msk [tilespmem:v5+s15+$0x0], $0xffff;
	v5 =	vand.u32 $0x7F, v14;
	v14 =	vmov s29  }
0x118: {  	v12 =	vld.idx.msk [tilespmem:v4+s14+$0x0], $0xffff;
	v5 =	vbroadcast v5, $0x0;
	v14 =	vand.u32 $0x7E, v14;
	v6 =	vmul.f32 v6, v2  }
0x119: {  	v16 =	vor.u32 v3, v16;
	v4 =	vld.idx.msk [tilespmem:v4+s15+$0x0], $0xffff;
	v9 =	vmul.f32 v9, v1;
	v14 =	vbroadcast v14, $0x0  }
0x11a: {  	v11 =	vld.idx.msk [tilespmem:v7+s15+$0x0], $0xffff;
	v5 =	vor.u32 v3, v5;
	v7 =	vadd.f32 v8, v6;
	v15 =	vmul.f32 v15, v2  }
0x11b: {  	v20 =	vmul.f32 v20, v1;
	v8 =	vor.u32 v3, v14;
	v14 =	vmul.f32 v17, v1  }
0x11c: {  	v6 =	vld.idx.msk [tilespmem:v10+s15+$0x0], $0xffff;
	v9 =	vsub.f32 v7, v9;
	v13 =	vadd.f32 v13, v15;
	v15 =	vmul.f32 v18, v2  }
0x11d: {  	v12 =	vmul.f32 v12, v1;
	v7 =	vld.idx.msk [tilespmem:v10+s14+$0x0], $0xffff;
	v18 =	vmul.f32 v19, v2  }
0x11e: {  	s29 =	simm.s32 $0x8;
	v10 =	vld.idx.msk [tilespmem:v10+s1+$0x0], $0xffff;
	v19 =	vmul.f32 v9, v9;
	v13 =	vsub.f32 v13, v14;
	v14 =	vadd.f32 v4, v15  }
0x11f: {  	v17 =	vimm.f32 $0.0e+00;
	v15 =	vmov s29;
	v4 =	vld.idx.msk [tilespmem:v5+s15+$0x0], $0xffff;
	v18 =	vadd.f32 v11, v18  }
0x120: {  	s28 =	simm.s32 $0xB;
	v9 =	vld.idx.msk [tilespmem:v8+s14+$0x0], $0xffff;
	v17 =	vadd.f32 v19, v17;
	v13 =	vmul.f32 v13, v13;
	v14 =	vsub.f32 v14, v12  }
0x121: {  	v21 =	vmov s28;
	v11 =	vld.idx.msk [tilespmem:v16+s15+$0x0], $0xffff;
	v15 =	vand.u32 $0x7C, v15  }
0x122: {  	s26 =	simm.s32 $0x9;
	s29 =	simm.s32 $0xA;
	v12 =	vld.idx.msk [tilespmem:v16+s1+$0x0], $0xffff;
	v18 =	vsub.f32 v18, v20;
	v17 =	vadd.f32 v13, v17;
	v22 =	vmul.f32 v14, v14  }
0x123: {  	v19 =	vmov s26;
	v15 =	vbroadcast v15, $0x0;
	v20 =	vmov s29;
	v14 =	vld.idx.msk [tilespmem:v16+s14+$0x0], $0xffff  }
0x124: {  	v16 =	vand.u32 $0x7F, v21;
	v13 =	vld.idx.msk [tilespmem:v8+s1+$0x0], $0xffff;
	v18 =	vmul.f32 v18, v18;
	v17 =	vadd.f32 v22, v17  }
0x125: {  	s26 =	simm.s32 $0xC;
	v15 =	vor.u32 v3, v15;
	v21 =	vand.u32 $0x7E, v20;
	v20 =	vbroadcast v16, $0x0;
	v16 =	vld.idx.msk [tilespmem:v5+s1+$0x0], $0xffff  }
.LBB2_11:
0x126: {  	p0 =	sne.s32 s26, $0x3C;
	v19 =	vand.u32 $0x7D, v19;
	v10 =	vmul.f32 v10, v2;
	v22 =	vld.idx.msk [tilespmem:v8+s15+$0x0], $0xffff;
	v17 =	vadd.f32 v18, v17  }
0x127: {  	v18 =	vbroadcast v21, $0x0;
	v8 =	vbroadcast v19, $0x0;
	v19 =	vld.idx.msk [tilespmem:v5+s14+$0x0], $0xffff;
	v5 =	vor.u32 v3, v20  }
0x128: {  	v7 =	vmul.f32 v7, v1;
	v12 =	vmul.f32 v12, v2;
	v10 =	vadd.f32 v6, v10  }
0x129: {  	v14 =	vmul.f32 v14, v1;
	v20 =	vor.u32 v3, v8;
	v8 =	vor.u32 v3, v18  }
0x12a: {  	v11 =	vadd.f32 v11, v12;
	v12 =	vmul.f32 v13, v2;
	v6 =	vld.idx.msk [tilespmem:v15+s15+$0x0], $0xffff;
	v18 =	vsub.f32 v10, v7  }
0x12b: {  	v13 =	vmul.f32 v9, v1;
	v9 =	vmul.f32 v16, v2;
	v7 =	vld.idx.msk [tilespmem:v15+s14+$0x0], $0xffff  }
0x12c: {  	v11 =	vsub.f32 v11, v14;
	v12 =	vadd.f32 v22, v12;
	v10 =	vld.idx.msk [tilespmem:v15+s1+$0x0], $0xffff;
	v15 =	vmul.f32 v18, v18  }
0x12d: {  	v14 =	vmov s26;
	v16 =	vadd.f32 v4, v9;
	v18 =	vmul.f32 v19, v1;
	v4 =	vld.idx.msk [tilespmem:v5+s15+$0x0], $0xffff  }
0x12e: {  	s28 =	sadd.s32 $0x3, s26;
	v13 =	vsub.f32 v12, v13;
	v9 =	vld.idx.msk [tilespmem:v8+s14+$0x0], $0xffff;
	v15 =	vadd.f32 v15, v17;
	v17 =	vmul.f32 v11, v11  }
.Ltmp4:
0x12f: {  	v21 =	vmov s28;
	v14 =	vand.u32 $0x7C, v14;
	v11 =	vld.idx.msk [tilespmem:v20+s15+$0x0], $0xffff;
	(pc) =	sbr.rel @p0 .LBB2_11-.Ltmp4, $4  }
0x130: {  	s29 =	sadd.s32 $0x2, s26;
	s28 =	sadd.s32 $0x1, s26;
	v16 =	vsub.f32 v16, v18;
	v12 =	vld.idx.msk [tilespmem:v20+s1+$0x0], $0xffff;
	v15 =	vadd.f32 v17, v15;
	v17 =	vmul.f32 v13, v13  }
0x131: {  	v23 =	vmov s29;
	v19 =	vmov s28;
	v22 =	vbroadcast v14, $0x0;
	v14 =	vld.idx.msk [tilespmem:v20+s14+$0x0], $0xffff  }
0x132: {  	v18 =	vmul.f32 v16, v16;
	v20 =	vand.u32 $0x7F, v21;
	v13 =	vld.idx.msk [tilespmem:v8+s1+$0x0], $0xffff;
	v17 =	vadd.f32 v17, v15  }
0x133: {  	s26 =	sadd.s32 $0x4, s26;
	v21 =	vand.u32 $0x7E, v23;
	v15 =	vor.u32 v3, v22;
	v20 =	vbroadcast v20, $0x0;
	v16 =	vld.idx.msk [tilespmem:v5+s1+$0x0], $0xffff  }
0x134: {  	_ =	sdelay $0x3  }
0x135: {  	v19 =	vand.u32 $0x7D, v19;
	v21 =	vbroadcast v21, $0x0;
	v8 =	vld.idx.msk [tilespmem:v8+s15+$0x0], $0xffff;
	v20 =	vor.u32 v3, v20  }
0x136: {  	v5 =	vld.idx.msk [tilespmem:v5+s14+$0x0], $0xffff;
	v19 =	vbroadcast v19, $0x0  }
0x137: {  	v10 =	vmul.f32 v10, v2;
	v47 =	vld.idx.msk [tilespmem:v15+s15+$0x0], $0xffff;
	v21 =	vor.u32 v3, v21  }
0x138: {  	v48 =	vld.idx.msk [tilespmem:v15+s14+$0x0], $0xffff;
	v3 =	vor.u32 v3, v19  }
0x139: {  	v7 =	vmul.f32 v7, v1;
	v49 =	vld.idx.msk [tilespmem:v15+s1+$0x0], $0xffff;
	v12 =	vmul.f32 v12, v2;
	v6 =	vadd.f32 v6, v10  }
0x13a: {  	v14 =	vmul.f32 v14, v1;
	v50 =	vld.idx.msk [tilespmem:v20+s15+$0x0], $0xffff  }
0x13b: {  	v11 =	vadd.f32 v11, v12;
	v51 =	vmul.f32 v13, v2;
	v6 =	vsub.f32 v6, v7;
	v56 =	vld.idx.msk [tilespmem:v20+s1+$0x0], $0xffff  }
0x13c: {  	v17 =	vadd.f32 v18, v17;
	v9 =	vmul.f32 v9, v1;
	v16 =	vmul.f32 v16, v2;
	v55 =	vld.idx.msk [tilespmem:v21+s1+$0x0], $0xffff  }
0x13d: {  	v11 =	vsub.f32 v11, v14;
	v8 =	vadd.f32 v8, v51;
	v6 =	vmul.f32 v6, v6;
	v54 =	vld.idx.msk [tilespmem:v3+s1+$0x0], $0xffff  }
0x13e: {  	v5 =	vmul.f32 v5, v1;
	v15 =	vmul.f32 v49, v2;
	v4 =	vadd.f32 v4, v16;
	v53 =	vld.idx.msk [tilespmem:v3+s15+$0x0], $0xffff  }
0x13f: {  	v11 =	vmul.f32 v11, v11;
	v8 =	vsub.f32 v8, v9;
	v3 =	vld.idx.msk [tilespmem:v3+s14+$0x0], $0xffff;
	v6 =	vadd.f32 v6, v17  }
0x140: {  	v10 =	vmul.f32 v48, v1;
	v52 =	vld.idx.msk [tilespmem:v21+s14+$0x0], $0xffff;
	v15 =	vadd.f32 v47, v15  }
0x141: {  	v57 =	vld.idx.msk [tilespmem:v21+s15+$0x0], $0xffff;
	v4 =	vsub.f32 v4, v5;
	v8 =	vmul.f32 v8, v8;
	v6 =	vadd.f32 v11, v6  }
0x142: {  	v58 =	vld.idx.msk [tilespmem:v20+s14+$0x0], $0xffff;
	v12 =	vmul.f32 v54, v2  }
0x143: {  	v59 =	vsub.f32 v15, v10;
	v4 =	vmul.f32 v4, v4;
	v6 =	vadd.f32 v8, v6  }
0x144: {  	v9 =	vmul.f32 v55, v2;
	v3 =	vmul.f32 v3, v1;
	v60 =	vadd.f32 v53, v12  }
0x145: {  	v61 =	vmul.f32 v52, v1;
	v2 =	vmul.f32 v56, v2;
	v4 =	vadd.f32 v4, v6  }
0x146: {  	v8 =	vmul.f32 v59, v59;
	v5 =	vadd.f32 v57, v9;
	v3 =	vsub.f32 v60, v3  }
0x147: {  	v1 =	vmul.f32 v58, v1;
	v2 =	vadd.f32 v50, v2  }
0x148: {  	v4 =	vadd.f32 v8, v4;
	v5 =	vsub.f32 v5, v61;
	v3 =	vmul.f32 v3, v3;
	_ =	sdelay $0x1  }
0x149: {  	v1 =	vsub.f32 v2, v1;
	v62 =	vmul.f32 v5, v5;
	v3 =	vadd.f32 v3, v4;
	_ =	sdelay $0x1  }
0x14a: {  	v1 =	vmul.f32 v1, v1;
	v2 =	vadd.f32 v62, v3;
	_ =	sdelay $0x1  }
0x14b: {  	v1 =	vadd.f32 v1, v2;
	_ =	sdelay $0x1  }
0x14c: {  	v2 =	vshrl.u32 v1, $0x1;
	v3 =	vmul.f32 $5.000000000e-01, v1  }
0x14d: {  	v2 =	vsub.s32 $0x5F3759DF, v2  }
0x14e: {  	v63 =	vmul.f32 v2, v3;
	_ =	sdelay $0x1  }
0x14f: {  	v4 =	vmul.f32 v2, v63;
	_ =	sdelay $0x1  }
0x150: {  	v4 =	vsub.f32 $1.500000000e+00, v4;
	_ =	sdelay $0x1  }
0x151: {  	v2 =	vmul.f32 v2, v4;
	_ =	sdelay $0x1  }
0x152: {  	v4 =	vmul.f32 v2, v3;
	_ =	sdelay $0x1  }
0x153: {  	v4 =	vmul.f32 v4, v2;
	_ =	sdelay $0x1  }
0x154: {  	v4 =	vsub.f32 $1.500000000e+00, v4;
	_ =	sdelay $0x1  }
0x155: {  	v2 =	vmul.f32 v4, v2;
	_ =	sdelay $0x1  }
0x156: {  	v3 =	vmul.f32 v2, v3;
	_ =	sdelay $0x1  }
0x157: {  	v3 =	vmul.f32 v3, v2;
	_ =	sdelay $0x1  }
0x158: {  	v3 =	vsub.f32 $1.500000000e+00, v3  }
0x159: {  	s24 =	sadd.s32 $0x1, s24  }
0x15a: {  	p0 =	sne.s32 s24, $0x8;
	v2 =	vmul.f32 v3, v2  }
.Ltmp5:
0x15b: {  	_ = 	snop;
	(pc) =	sbr.rel @p0 .LBB2_10-.Ltmp5, $4  }
0x15c: {  	v2 =	vmul.f32 v2, v1  }
0x15d: {  	vm0 =	vgt.f32 v1, $0.0e+00  }
0x15e: {  	v1 =	vnsel vm0, $0x0, v2  }
0x15f: {  	[tilespmem:s25+$0xCD00] =	vst v1  }
0x160: {  	s23 =	simm.s32 $0x0;
	s24 =	simm.s32 $0xC180  }
0x161: {  	[tilespmem:s23], [sflag:$0x1] =	stream.indirect.gather [hbm4b:s3+s13], $0x80, s24, s13, $0xb8;
	[tilespmem:$0xD000] =	vst v63  }
0x162: {  	s28 =	simm.s32 $0xC580  }
0x163: {  	[tilespmem:s14], [sflag:$0x1] =	stream.indirect.gather [hbm4b:s3+s13], $0x80, s28, s13, $0xb8;
	[tilespmem:$0xD000] =	vst v63  }
0x164: {  	s29 =	simm.s32 $0xC980  }
0x165: {  	[tilespmem:s15], [sflag:$0x1] =	stream.indirect.gather [hbm4b:s3+s13], $0x80, s29, s13, $0xb8;
	[tilespmem:$0xD000] =	vst v63  }
0x166: {  	_ =	swait.ge [sflag:s12], $0x4000  }
0x167: {  	[sflag:s12] =	ssyncset.done $0x0  }
0x168: {  	[sflag:s12] =	ssyncadd.s32 $0xFFFFC000  }
0x169: {  	_ =	swait.ge [sflag:s12], $0x4000  }
0x16a: {  	[sflag:s12] =	ssyncset.done $0x0  }
0x16b: {  	[sflag:s12] =	ssyncadd.s32 $0xFFFFC000  }
0x16c: {  	_ =	swait.ge [sflag:s12], $0x4000  }
0x16d: {  	[sflag:s12] =	ssyncset.done $0x0  }
0x16e: {  	s24 =	simm.s32 $0x0;
	[sflag:s12] =	ssyncadd.s32 $0xFFFFC000  }
.LBB2_14:
0x16f: {  	s25 =	sshll.u32 s24, $0x4  }
0x170: {  	v1 =	vmov s25  }
0x171: {  	v2 =	vmov s23;
	v1 =	vshll.u32 v1, $0x7  }
0x172: {  	v3 =	vor.u32 v0, v1;
	v1 =	vand.u32 $0x7C, v2  }
0x173: {  	s26 =	simm.s32 $0x3;
	v4 =	vor.u32 $0x40, v3;
	v1 =	vbroadcast v1, $0x0  }
0x174: {  	v2 =	vmov s26  }
0x175: {  	s29 =	simm.s32 $0x2;
	s28 =	simm.s32 $0x1;
	v2 =	vand.u32 $0x7F, v2;
	v6 =	vor.u32 v3, v1  }
0x176: {  	v5 =	vmov s29;
	v7 =	vbroadcast v2, $0x0;
	v1 =	vmov s28  }
0x177: {  	v5 =	vand.u32 $0x7E, v5;
	v1 =	vand.u32 $0x7D, v1  }
0x178: {  	v5 =	vbroadcast v5, $0x0;
	v7 =	vor.u32 v3, v7;
	v8 =	vbroadcast v1, $0x0;
	v2 =	vld.idx.msk [tilespmem:v4+s23+$0x0], $0xffff  }
0x179: {  	v1 =	vld.idx.msk [tilespmem:v4+s14+$0x0], $0xffff  }
0x17a: {  	v4 =	vor.u32 v3, v5;
	v5 =	vor.u32 v3, v8;
	v8 =	vld.idx.msk [tilespmem:v6+s15+$0x0], $0xffff  }
0x17b: {  	v9 =	vld.idx.msk [tilespmem:v6+s14+$0x0], $0xffff  }
0x17c: {  	s29 =	simm.s32 $0x4;
	v6 =	vld.idx.msk [tilespmem:v6+s1+$0x0], $0xffff  }
0x17d: {  	v10 =	vmov s29;
	v19 =	vld.idx.msk [tilespmem:v7+s1+$0x0], $0xffff  }
0x17e: {  	v10 =	vand.u32 $0x7C, v10;
	v20 =	vld.idx.msk [tilespmem:v7+s14+$0x0], $0xffff  }
0x17f: {  	s26 =	simm.s32 $0x5;
	v10 =	vbroadcast v10, $0x0;
	v18 =	vld.idx.msk [tilespmem:v4+s1+$0x0], $0xffff  }
0x180: {  	v16 =	vmov s26;
	s28 =	simm.s32 $0x7;
	v15 =	vld.idx.msk [tilespmem:v5+s1+$0x0], $0xffff  }
0x181: {  	s29 =	simm.s32 $0x6;
	v16 =	vand.u32 $0x7D, v16;
	v10 =	vor.u32 v3, v10;
	v14 =	vmov s28;
	v17 =	vld.idx.msk [tilespmem:v5+s14+$0x0], $0xffff  }
0x182: {  	v16 =	vbroadcast v16, $0x0;
	v13 =	vld.idx.msk [tilespmem:v5+s15+$0x0], $0xffff;
	v5 =	vand.u32 $0x7F, v14;
	v14 =	vmov s29  }
0x183: {  	v12 =	vld.idx.msk [tilespmem:v4+s14+$0x0], $0xffff;
	v5 =	vbroadcast v5, $0x0;
	v14 =	vand.u32 $0x7E, v14;
	v6 =	vmul.f32 v6, v2  }
0x184: {  	v16 =	vor.u32 v3, v16;
	v4 =	vld.idx.msk [tilespmem:v4+s15+$0x0], $0xffff;
	v9 =	vmul.f32 v9, v1;
	v14 =	vbroadcast v14, $0x0  }
0x185: {  	v11 =	vld.idx.msk [tilespmem:v7+s15+$0x0], $0xffff;
	v5 =	vor.u32 v3, v5;
	v7 =	vadd.f32 v8, v6;
	v15 =	vmul.f32 v15, v2  }
0x186: {  	v20 =	vmul.f32 v20, v1;
	v8 =	vor.u32 v3, v14;
	v14 =	vmul.f32 v17, v1  }
0x187: {  	v6 =	vld.idx.msk [tilespmem:v10+s15+$0x0], $0xffff;
	v9 =	vsub.f32 v7, v9;
	v13 =	vadd.f32 v13, v15;
	v15 =	vmul.f32 v18, v2  }
0x188: {  	v12 =	vmul.f32 v12, v1;
	v7 =	vld.idx.msk [tilespmem:v10+s14+$0x0], $0xffff;
	v18 =	vmul.f32 v19, v2  }
0x189: {  	s29 =	simm.s32 $0x8;
	v10 =	vld.idx.msk [tilespmem:v10+s1+$0x0], $0xffff;
	v19 =	vmul.f32 v9, v9;
	v13 =	vsub.f32 v13, v14;
	v14 =	vadd.f32 v4, v15  }
0x18a: {  	v17 =	vimm.f32 $0.0e+00;
	v15 =	vmov s29;
	v4 =	vld.idx.msk [tilespmem:v5+s15+$0x0], $0xffff;
	v18 =	vadd.f32 v11, v18  }
0x18b: {  	s28 =	simm.s32 $0xB;
	v9 =	vld.idx.msk [tilespmem:v8+s14+$0x0], $0xffff;
	v17 =	vadd.f32 v19, v17;
	v13 =	vmul.f32 v13, v13;
	v14 =	vsub.f32 v14, v12  }
0x18c: {  	v21 =	vmov s28;
	v11 =	vld.idx.msk [tilespmem:v16+s15+$0x0], $0xffff;
	v15 =	vand.u32 $0x7C, v15  }
0x18d: {  	s26 =	simm.s32 $0x9;
	s29 =	simm.s32 $0xA;
	v12 =	vld.idx.msk [tilespmem:v16+s1+$0x0], $0xffff;
	v18 =	vsub.f32 v18, v20;
	v17 =	vadd.f32 v13, v17;
	v22 =	vmul.f32 v14, v14  }
0x18e: {  	v19 =	vmov s26;
	v15 =	vbroadcast v15, $0x0;
	v20 =	vmov s29;
	v14 =	vld.idx.msk [tilespmem:v16+s14+$0x0], $0xffff  }
0x18f: {  	v16 =	vand.u32 $0x7F, v21;
	v13 =	vld.idx.msk [tilespmem:v8+s1+$0x0], $0xffff;
	v18 =	vmul.f32 v18, v18;
	v17 =	vadd.f32 v22, v17  }
0x190: {  	s26 =	simm.s32 $0xC;
	v15 =	vor.u32 v3, v15;
	v21 =	vand.u32 $0x7E, v20;
	v20 =	vbroadcast v16, $0x0;
	v16 =	vld.idx.msk [tilespmem:v5+s1+$0x0], $0xffff  }
.LBB2_15:
0x191: {  	p0 =	sne.s32 s26, $0x3C;
	v19 =	vand.u32 $0x7D, v19;
	v10 =	vmul.f32 v10, v2;
	v22 =	vld.idx.msk [tilespmem:v8+s15+$0x0], $0xffff;
	v17 =	vadd.f32 v18, v17  }
0x192: {  	v18 =	vbroadcast v21, $0x0;
	v8 =	vbroadcast v19, $0x0;
	v19 =	vld.idx.msk [tilespmem:v5+s14+$0x0], $0xffff;
	v5 =	vor.u32 v3, v20  }
0x193: {  	v7 =	vmul.f32 v7, v1;
	v12 =	vmul.f32 v12, v2;
	v10 =	vadd.f32 v6, v10  }
0x194: {  	v14 =	vmul.f32 v14, v1;
	v20 =	vor.u32 v3, v8;
	v8 =	vor.u32 v3, v18  }
0x195: {  	v11 =	vadd.f32 v11, v12;
	v12 =	vmul.f32 v13, v2;
	v6 =	vld.idx.msk [tilespmem:v15+s15+$0x0], $0xffff;
	v18 =	vsub.f32 v10, v7  }
0x196: {  	v13 =	vmul.f32 v9, v1;
	v9 =	vmul.f32 v16, v2;
	v7 =	vld.idx.msk [tilespmem:v15+s14+$0x0], $0xffff  }
0x197: {  	v11 =	vsub.f32 v11, v14;
	v12 =	vadd.f32 v22, v12;
	v10 =	vld.idx.msk [tilespmem:v15+s1+$0x0], $0xffff;
	v15 =	vmul.f32 v18, v18  }
0x198: {  	v14 =	vmov s26;
	v16 =	vadd.f32 v4, v9;
	v18 =	vmul.f32 v19, v1;
	v4 =	vld.idx.msk [tilespmem:v5+s15+$0x0], $0xffff  }
0x199: {  	s28 =	sadd.s32 $0x3, s26;
	v13 =	vsub.f32 v12, v13;
	v9 =	vld.idx.msk [tilespmem:v8+s14+$0x0], $0xffff;
	v15 =	vadd.f32 v15, v17;
	v17 =	vmul.f32 v11, v11  }
.Ltmp6:
0x19a: {  	v21 =	vmov s28;
	v14 =	vand.u32 $0x7C, v14;
	v11 =	vld.idx.msk [tilespmem:v20+s15+$0x0], $0xffff;
	(pc) =	sbr.rel @p0 .LBB2_15-.Ltmp6, $4  }
0x19b: {  	s29 =	sadd.s32 $0x2, s26;
	s28 =	sadd.s32 $0x1, s26;
	v16 =	vsub.f32 v16, v18;
	v12 =	vld.idx.msk [tilespmem:v20+s1+$0x0], $0xffff;
	v15 =	vadd.f32 v17, v15;
	v17 =	vmul.f32 v13, v13  }
0x19c: {  	v23 =	vmov s29;
	v19 =	vmov s28;
	v22 =	vbroadcast v14, $0x0;
	v14 =	vld.idx.msk [tilespmem:v20+s14+$0x0], $0xffff  }
0x19d: {  	v18 =	vmul.f32 v16, v16;
	v20 =	vand.u32 $0x7F, v21;
	v13 =	vld.idx.msk [tilespmem:v8+s1+$0x0], $0xffff;
	v17 =	vadd.f32 v17, v15  }
0x19e: {  	s26 =	sadd.s32 $0x4, s26;
	v21 =	vand.u32 $0x7E, v23;
	v15 =	vor.u32 v3, v22;
	v20 =	vbroadcast v20, $0x0;
	v16 =	vld.idx.msk [tilespmem:v5+s1+$0x0], $0xffff  }
0x19f: {  	_ =	sdelay $0x3  }
0x1a0: {  	v19 =	vand.u32 $0x7D, v19;
	v21 =	vbroadcast v21, $0x0;
	v8 =	vld.idx.msk [tilespmem:v8+s15+$0x0], $0xffff;
	v20 =	vor.u32 v3, v20  }
0x1a1: {  	v5 =	vld.idx.msk [tilespmem:v5+s14+$0x0], $0xffff;
	v19 =	vbroadcast v19, $0x0  }
0x1a2: {  	v10 =	vmul.f32 v10, v2;
	v47 =	vld.idx.msk [tilespmem:v15+s15+$0x0], $0xffff;
	v21 =	vor.u32 v3, v21  }
0x1a3: {  	v48 =	vld.idx.msk [tilespmem:v15+s14+$0x0], $0xffff;
	v3 =	vor.u32 v3, v19  }
0x1a4: {  	v7 =	vmul.f32 v7, v1;
	v49 =	vld.idx.msk [tilespmem:v15+s1+$0x0], $0xffff;
	v12 =	vmul.f32 v12, v2;
	v6 =	vadd.f32 v6, v10  }
0x1a5: {  	v14 =	vmul.f32 v14, v1;
	v50 =	vld.idx.msk [tilespmem:v20+s15+$0x0], $0xffff  }
0x1a6: {  	v11 =	vadd.f32 v11, v12;
	v51 =	vmul.f32 v13, v2;
	v6 =	vsub.f32 v6, v7;
	v56 =	vld.idx.msk [tilespmem:v20+s1+$0x0], $0xffff  }
0x1a7: {  	v17 =	vadd.f32 v18, v17;
	v9 =	vmul.f32 v9, v1;
	v16 =	vmul.f32 v16, v2;
	v55 =	vld.idx.msk [tilespmem:v21+s1+$0x0], $0xffff  }
0x1a8: {  	v11 =	vsub.f32 v11, v14;
	v8 =	vadd.f32 v8, v51;
	v6 =	vmul.f32 v6, v6;
	v54 =	vld.idx.msk [tilespmem:v3+s1+$0x0], $0xffff  }
0x1a9: {  	v5 =	vmul.f32 v5, v1;
	v15 =	vmul.f32 v49, v2;
	v4 =	vadd.f32 v4, v16;
	v53 =	vld.idx.msk [tilespmem:v3+s15+$0x0], $0xffff  }
0x1aa: {  	v11 =	vmul.f32 v11, v11;
	v8 =	vsub.f32 v8, v9;
	v3 =	vld.idx.msk [tilespmem:v3+s14+$0x0], $0xffff;
	v6 =	vadd.f32 v6, v17  }
0x1ab: {  	v10 =	vmul.f32 v48, v1;
	v52 =	vld.idx.msk [tilespmem:v21+s14+$0x0], $0xffff;
	v15 =	vadd.f32 v47, v15  }
0x1ac: {  	v57 =	vld.idx.msk [tilespmem:v21+s15+$0x0], $0xffff;
	v4 =	vsub.f32 v4, v5;
	v8 =	vmul.f32 v8, v8;
	v6 =	vadd.f32 v11, v6  }
0x1ad: {  	v58 =	vld.idx.msk [tilespmem:v20+s14+$0x0], $0xffff;
	v12 =	vmul.f32 v54, v2  }
0x1ae: {  	v59 =	vsub.f32 v15, v10;
	v4 =	vmul.f32 v4, v4;
	v6 =	vadd.f32 v8, v6  }
0x1af: {  	v9 =	vmul.f32 v55, v2;
	v3 =	vmul.f32 v3, v1;
	v60 =	vadd.f32 v53, v12  }
0x1b0: {  	v61 =	vmul.f32 v52, v1;
	v2 =	vmul.f32 v56, v2;
	v4 =	vadd.f32 v4, v6  }
0x1b1: {  	v8 =	vmul.f32 v59, v59;
	v5 =	vadd.f32 v57, v9;
	v3 =	vsub.f32 v60, v3  }
0x1b2: {  	v1 =	vmul.f32 v58, v1;
	v2 =	vadd.f32 v50, v2  }
0x1b3: {  	v4 =	vadd.f32 v8, v4;
	v5 =	vsub.f32 v5, v61;
	v3 =	vmul.f32 v3, v3;
	_ =	sdelay $0x1  }
0x1b4: {  	v1 =	vsub.f32 v2, v1;
	v62 =	vmul.f32 v5, v5;
	v3 =	vadd.f32 v3, v4;
	_ =	sdelay $0x1  }
0x1b5: {  	v1 =	vmul.f32 v1, v1;
	v2 =	vadd.f32 v62, v3;
	_ =	sdelay $0x1  }
0x1b6: {  	v1 =	vadd.f32 v1, v2;
	_ =	sdelay $0x1  }
0x1b7: {  	v2 =	vshrl.u32 v1, $0x1;
	v3 =	vmul.f32 $5.000000000e-01, v1  }
0x1b8: {  	v2 =	vsub.s32 $0x5F3759DF, v2  }
0x1b9: {  	v63 =	vmul.f32 v2, v3;
	_ =	sdelay $0x1  }
0x1ba: {  	v4 =	vmul.f32 v2, v63;
	_ =	sdelay $0x1  }
0x1bb: {  	v4 =	vsub.f32 $1.500000000e+00, v4;
	_ =	sdelay $0x1  }
0x1bc: {  	v2 =	vmul.f32 v2, v4;
	_ =	sdelay $0x1  }
0x1bd: {  	v4 =	vmul.f32 v2, v3;
	_ =	sdelay $0x1  }
0x1be: {  	v4 =	vmul.f32 v4, v2;
	_ =	sdelay $0x1  }
0x1bf: {  	v4 =	vsub.f32 $1.500000000e+00, v4;
	_ =	sdelay $0x1  }
0x1c0: {  	v2 =	vmul.f32 v4, v2;
	_ =	sdelay $0x1  }
0x1c1: {  	v3 =	vmul.f32 v2, v3;
	_ =	sdelay $0x1  }
0x1c2: {  	v3 =	vmul.f32 v3, v2;
	_ =	sdelay $0x1  }
0x1c3: {  	v3 =	vsub.f32 $1.500000000e+00, v3  }
0x1c4: {  	s24 =	sadd.s32 $0x1, s24  }
0x1c5: {  	p0 =	sne.s32 s24, $0x8;
	v2 =	vmul.f32 v3, v2  }
.Ltmp7:
0x1c6: {  	_ = 	snop;
	(pc) =	sbr.rel @p0 .LBB2_14-.Ltmp7, $4  }
0x1c7: {  	v2 =	vmul.f32 v2, v1  }
0x1c8: {  	vm0 =	vgt.f32 v1, $0.0e+00  }
0x1c9: {  	v1 =	vnsel vm0, $0x0, v2  }
0x1ca: {  	[tilespmem:s25+$0xCD80] =	vst v1  }
0x1cb: {  	s23 =	simm.s32 $0x0;
	s24 =	simm.s32 $0xC200  }
0x1cc: {  	[tilespmem:s23], [sflag:$0x1] =	stream.indirect.gather [hbm4b:s3+s13], $0x80, s24, s13, $0xb8;
	[tilespmem:$0xD000] =	vst v63  }
0x1cd: {  	s28 =	simm.s32 $0xC600  }
0x1ce: {  	[tilespmem:s14], [sflag:$0x1] =	stream.indirect.gather [hbm4b:s3+s13], $0x80, s28, s13, $0xb8;
	[tilespmem:$0xD000] =	vst v63  }
0x1cf: {  	s29 =	simm.s32 $0xCA00  }
0x1d0: {  	[tilespmem:s15], [sflag:$0x1] =	stream.indirect.gather [hbm4b:s3+s13], $0x80, s29, s13, $0xb8;
	[tilespmem:$0xD000] =	vst v63  }
0x1d1: {  	_ =	swait.ge [sflag:s12], $0x4000  }
0x1d2: {  	[sflag:s12] =	ssyncset.done $0x0  }
0x1d3: {  	[sflag:s12] =	ssyncadd.s32 $0xFFFFC000  }
0x1d4: {  	_ =	swait.ge [sflag:s12], $0x4000  }
0x1d5: {  	[sflag:s12] =	ssyncset.done $0x0  }
0x1d6: {  	[sflag:s12] =	ssyncadd.s32 $0xFFFFC000  }
0x1d7: {  	_ =	swait.ge [sflag:s12], $0x4000  }
0x1d8: {  	[sflag:s12] =	ssyncset.done $0x0  }
0x1d9: {  	s24 =	simm.s32 $0x0;
	[sflag:s12] =	ssyncadd.s32 $0xFFFFC000  }
.LBB2_18:
0x1da: {  	s25 =	sshll.u32 s24, $0x4  }
0x1db: {  	v1 =	vmov s25  }
0x1dc: {  	v2 =	vmov s23;
	v1 =	vshll.u32 v1, $0x7  }
0x1dd: {  	v3 =	vor.u32 v0, v1;
	v1 =	vand.u32 $0x7C, v2  }
0x1de: {  	s26 =	simm.s32 $0x3;
	v4 =	vor.u32 $0x40, v3;
	v1 =	vbroadcast v1, $0x0  }
0x1df: {  	v2 =	vmov s26  }
0x1e0: {  	s29 =	simm.s32 $0x2;
	s28 =	simm.s32 $0x1;
	v2 =	vand.u32 $0x7F, v2;
	v6 =	vor.u32 v3, v1  }
0x1e1: {  	v5 =	vmov s29;
	v7 =	vbroadcast v2, $0x0;
	v1 =	vmov s28  }
0x1e2: {  	v5 =	vand.u32 $0x7E, v5;
	v1 =	vand.u32 $0x7D, v1  }
0x1e3: {  	v5 =	vbroadcast v5, $0x0;
	v7 =	vor.u32 v3, v7;
	v8 =	vbroadcast v1, $0x0;
	v2 =	vld.idx.msk [tilespmem:v4+s23+$0x0], $0xffff  }
0x1e4: {  	v1 =	vld.idx.msk [tilespmem:v4+s14+$0x0], $0xffff  }
0x1e5: {  	v4 =	vor.u32 v3, v5;
	v5 =	vor.u32 v3, v8;
	v8 =	vld.idx.msk [tilespmem:v6+s15+$0x0], $0xffff  }
0x1e6: {  	v9 =	vld.idx.msk [tilespmem:v6+s14+$0x0], $0xffff  }
0x1e7: {  	s29 =	simm.s32 $0x4;
	v6 =	vld.idx.msk [tilespmem:v6+s1+$0x0], $0xffff  }
0x1e8: {  	v10 =	vmov s29;
	v19 =	vld.idx.msk [tilespmem:v7+s1+$0x0], $0xffff  }
0x1e9: {  	v10 =	vand.u32 $0x7C, v10;
	v20 =	vld.idx.msk [tilespmem:v7+s14+$0x0], $0xffff  }
0x1ea: {  	s26 =	simm.s32 $0x5;
	v10 =	vbroadcast v10, $0x0;
	v18 =	vld.idx.msk [tilespmem:v4+s1+$0x0], $0xffff  }
0x1eb: {  	v16 =	vmov s26;
	s28 =	simm.s32 $0x7;
	v15 =	vld.idx.msk [tilespmem:v5+s1+$0x0], $0xffff  }
0x1ec: {  	s29 =	simm.s32 $0x6;
	v16 =	vand.u32 $0x7D, v16;
	v10 =	vor.u32 v3, v10;
	v14 =	vmov s28;
	v17 =	vld.idx.msk [tilespmem:v5+s14+$0x0], $0xffff  }
0x1ed: {  	v16 =	vbroadcast v16, $0x0;
	v13 =	vld.idx.msk [tilespmem:v5+s15+$0x0], $0xffff;
	v5 =	vand.u32 $0x7F, v14;
	v14 =	vmov s29  }
0x1ee: {  	v12 =	vld.idx.msk [tilespmem:v4+s14+$0x0], $0xffff;
	v5 =	vbroadcast v5, $0x0;
	v14 =	vand.u32 $0x7E, v14;
	v6 =	vmul.f32 v6, v2  }
0x1ef: {  	v16 =	vor.u32 v3, v16;
	v4 =	vld.idx.msk [tilespmem:v4+s15+$0x0], $0xffff;
	v9 =	vmul.f32 v9, v1;
	v14 =	vbroadcast v14, $0x0  }
0x1f0: {  	v11 =	vld.idx.msk [tilespmem:v7+s15+$0x0], $0xffff;
	v5 =	vor.u32 v3, v5;
	v7 =	vadd.f32 v8, v6;
	v15 =	vmul.f32 v15, v2  }
0x1f1: {  	v20 =	vmul.f32 v20, v1;
	v8 =	vor.u32 v3, v14;
	v14 =	vmul.f32 v17, v1  }
0x1f2: {  	v6 =	vld.idx.msk [tilespmem:v10+s15+$0x0], $0xffff;
	v9 =	vsub.f32 v7, v9;
	v13 =	vadd.f32 v13, v15;
	v15 =	vmul.f32 v18, v2  }
0x1f3: {  	v12 =	vmul.f32 v12, v1;
	v7 =	vld.idx.msk [tilespmem:v10+s14+$0x0], $0xffff;
	v18 =	vmul.f32 v19, v2  }
0x1f4: {  	s29 =	simm.s32 $0x8;
	v10 =	vld.idx.msk [tilespmem:v10+s1+$0x0], $0xffff;
	v19 =	vmul.f32 v9, v9;
	v13 =	vsub.f32 v13, v14;
	v14 =	vadd.f32 v4, v15  }
0x1f5: {  	v17 =	vimm.f32 $0.0e+00;
	v15 =	vmov s29;
	v4 =	vld.idx.msk [tilespmem:v5+s15+$0x0], $0xffff;
	v18 =	vadd.f32 v11, v18  }
0x1f6: {  	s28 =	simm.s32 $0xB;
	v9 =	vld.idx.msk [tilespmem:v8+s14+$0x0], $0xffff;
	v17 =	vadd.f32 v19, v17;
	v13 =	vmul.f32 v13, v13;
	v14 =	vsub.f32 v14, v12  }
0x1f7: {  	v21 =	vmov s28;
	v11 =	vld.idx.msk [tilespmem:v16+s15+$0x0], $0xffff;
	v15 =	vand.u32 $0x7C, v15  }
0x1f8: {  	s26 =	simm.s32 $0x9;
	s29 =	simm.s32 $0xA;
	v12 =	vld.idx.msk [tilespmem:v16+s1+$0x0], $0xffff;
	v18 =	vsub.f32 v18, v20;
	v17 =	vadd.f32 v13, v17;
	v22 =	vmul.f32 v14, v14  }
0x1f9: {  	v19 =	vmov s26;
	v15 =	vbroadcast v15, $0x0;
	v20 =	vmov s29;
	v14 =	vld.idx.msk [tilespmem:v16+s14+$0x0], $0xffff  }
0x1fa: {  	v16 =	vand.u32 $0x7F, v21;
	v13 =	vld.idx.msk [tilespmem:v8+s1+$0x0], $0xffff;
	v18 =	vmul.f32 v18, v18;
	v17 =	vadd.f32 v22, v17  }
0x1fb: {  	s26 =	simm.s32 $0xC;
	v15 =	vor.u32 v3, v15;
	v21 =	vand.u32 $0x7E, v20;
	v20 =	vbroadcast v16, $0x0;
	v16 =	vld.idx.msk [tilespmem:v5+s1+$0x0], $0xffff  }
.LBB2_19:
0x1fc: {  	p0 =	sne.s32 s26, $0x3C;
	v19 =	vand.u32 $0x7D, v19;
	v10 =	vmul.f32 v10, v2;
	v22 =	vld.idx.msk [tilespmem:v8+s15+$0x0], $0xffff;
	v17 =	vadd.f32 v18, v17  }
0x1fd: {  	v18 =	vbroadcast v21, $0x0;
	v8 =	vbroadcast v19, $0x0;
	v19 =	vld.idx.msk [tilespmem:v5+s14+$0x0], $0xffff;
	v5 =	vor.u32 v3, v20  }
0x1fe: {  	v7 =	vmul.f32 v7, v1;
	v12 =	vmul.f32 v12, v2;
	v10 =	vadd.f32 v6, v10  }
0x1ff: {  	v14 =	vmul.f32 v14, v1;
	v20 =	vor.u32 v3, v8;
	v8 =	vor.u32 v3, v18  }
0x200: {  	v11 =	vadd.f32 v11, v12;
	v12 =	vmul.f32 v13, v2;
	v6 =	vld.idx.msk [tilespmem:v15+s15+$0x0], $0xffff;
	v18 =	vsub.f32 v10, v7  }
0x201: {  	v13 =	vmul.f32 v9, v1;
	v9 =	vmul.f32 v16, v2;
	v7 =	vld.idx.msk [tilespmem:v15+s14+$0x0], $0xffff  }
0x202: {  	v11 =	vsub.f32 v11, v14;
	v12 =	vadd.f32 v22, v12;
	v10 =	vld.idx.msk [tilespmem:v15+s1+$0x0], $0xffff;
	v15 =	vmul.f32 v18, v18  }
0x203: {  	v14 =	vmov s26;
	v16 =	vadd.f32 v4, v9;
	v18 =	vmul.f32 v19, v1;
	v4 =	vld.idx.msk [tilespmem:v5+s15+$0x0], $0xffff  }
0x204: {  	s28 =	sadd.s32 $0x3, s26;
	v13 =	vsub.f32 v12, v13;
	v9 =	vld.idx.msk [tilespmem:v8+s14+$0x0], $0xffff;
	v15 =	vadd.f32 v15, v17;
	v17 =	vmul.f32 v11, v11  }
.Ltmp8:
0x205: {  	v21 =	vmov s28;
	v14 =	vand.u32 $0x7C, v14;
	v11 =	vld.idx.msk [tilespmem:v20+s15+$0x0], $0xffff;
	(pc) =	sbr.rel @p0 .LBB2_19-.Ltmp8, $4  }
0x206: {  	s29 =	sadd.s32 $0x2, s26;
	s28 =	sadd.s32 $0x1, s26;
	v16 =	vsub.f32 v16, v18;
	v12 =	vld.idx.msk [tilespmem:v20+s1+$0x0], $0xffff;
	v15 =	vadd.f32 v17, v15;
	v17 =	vmul.f32 v13, v13  }
0x207: {  	v23 =	vmov s29;
	v19 =	vmov s28;
	v22 =	vbroadcast v14, $0x0;
	v14 =	vld.idx.msk [tilespmem:v20+s14+$0x0], $0xffff  }
0x208: {  	v18 =	vmul.f32 v16, v16;
	v20 =	vand.u32 $0x7F, v21;
	v13 =	vld.idx.msk [tilespmem:v8+s1+$0x0], $0xffff;
	v17 =	vadd.f32 v17, v15  }
0x209: {  	s26 =	sadd.s32 $0x4, s26;
	v21 =	vand.u32 $0x7E, v23;
	v15 =	vor.u32 v3, v22;
	v20 =	vbroadcast v20, $0x0;
	v16 =	vld.idx.msk [tilespmem:v5+s1+$0x0], $0xffff  }
0x20a: {  	_ =	sdelay $0x3  }
0x20b: {  	v19 =	vand.u32 $0x7D, v19;
	v21 =	vbroadcast v21, $0x0;
	v8 =	vld.idx.msk [tilespmem:v8+s15+$0x0], $0xffff;
	v20 =	vor.u32 v3, v20  }
0x20c: {  	v5 =	vld.idx.msk [tilespmem:v5+s14+$0x0], $0xffff;
	v19 =	vbroadcast v19, $0x0  }
0x20d: {  	v10 =	vmul.f32 v10, v2;
	v47 =	vld.idx.msk [tilespmem:v15+s15+$0x0], $0xffff;
	v21 =	vor.u32 v3, v21  }
0x20e: {  	v48 =	vld.idx.msk [tilespmem:v15+s14+$0x0], $0xffff;
	v3 =	vor.u32 v3, v19  }
0x20f: {  	v7 =	vmul.f32 v7, v1;
	v49 =	vld.idx.msk [tilespmem:v15+s1+$0x0], $0xffff;
	v12 =	vmul.f32 v12, v2;
	v6 =	vadd.f32 v6, v10  }
0x210: {  	v14 =	vmul.f32 v14, v1;
	v50 =	vld.idx.msk [tilespmem:v20+s15+$0x0], $0xffff  }
0x211: {  	v11 =	vadd.f32 v11, v12;
	v51 =	vmul.f32 v13, v2;
	v6 =	vsub.f32 v6, v7;
	v56 =	vld.idx.msk [tilespmem:v20+s1+$0x0], $0xffff  }
0x212: {  	v17 =	vadd.f32 v18, v17;
	v9 =	vmul.f32 v9, v1;
	v16 =	vmul.f32 v16, v2;
	v55 =	vld.idx.msk [tilespmem:v21+s1+$0x0], $0xffff  }
0x213: {  	v11 =	vsub.f32 v11, v14;
	v8 =	vadd.f32 v8, v51;
	v6 =	vmul.f32 v6, v6;
	v54 =	vld.idx.msk [tilespmem:v3+s1+$0x0], $0xffff  }
0x214: {  	v5 =	vmul.f32 v5, v1;
	v15 =	vmul.f32 v49, v2;
	v4 =	vadd.f32 v4, v16;
	v53 =	vld.idx.msk [tilespmem:v3+s15+$0x0], $0xffff  }
0x215: {  	v11 =	vmul.f32 v11, v11;
	v8 =	vsub.f32 v8, v9;
	v3 =	vld.idx.msk [tilespmem:v3+s14+$0x0], $0xffff;
	v6 =	vadd.f32 v6, v17  }
0x216: {  	v10 =	vmul.f32 v48, v1;
	v52 =	vld.idx.msk [tilespmem:v21+s14+$0x0], $0xffff;
	v15 =	vadd.f32 v47, v15  }
0x217: {  	v57 =	vld.idx.msk [tilespmem:v21+s15+$0x0], $0xffff;
	v4 =	vsub.f32 v4, v5;
	v8 =	vmul.f32 v8, v8;
	v6 =	vadd.f32 v11, v6  }
0x218: {  	v58 =	vld.idx.msk [tilespmem:v20+s14+$0x0], $0xffff;
	v12 =	vmul.f32 v54, v2  }
0x219: {  	v59 =	vsub.f32 v15, v10;
	v4 =	vmul.f32 v4, v4;
	v6 =	vadd.f32 v8, v6  }
0x21a: {  	v9 =	vmul.f32 v55, v2;
	v3 =	vmul.f32 v3, v1;
	v60 =	vadd.f32 v53, v12  }
0x21b: {  	v61 =	vmul.f32 v52, v1;
	v2 =	vmul.f32 v56, v2;
	v4 =	vadd.f32 v4, v6  }
0x21c: {  	v8 =	vmul.f32 v59, v59;
	v5 =	vadd.f32 v57, v9;
	v3 =	vsub.f32 v60, v3  }
0x21d: {  	v1 =	vmul.f32 v58, v1;
	v2 =	vadd.f32 v50, v2  }
0x21e: {  	v4 =	vadd.f32 v8, v4;
	v5 =	vsub.f32 v5, v61;
	v3 =	vmul.f32 v3, v3;
	_ =	sdelay $0x1  }
0x21f: {  	v1 =	vsub.f32 v2, v1;
	v62 =	vmul.f32 v5, v5;
	v3 =	vadd.f32 v3, v4;
	_ =	sdelay $0x1  }
0x220: {  	v1 =	vmul.f32 v1, v1;
	v2 =	vadd.f32 v62, v3;
	_ =	sdelay $0x1  }
0x221: {  	v1 =	vadd.f32 v1, v2;
	_ =	sdelay $0x1  }
0x222: {  	v2 =	vshrl.u32 v1, $0x1;
	v3 =	vmul.f32 $5.000000000e-01, v1  }
0x223: {  	v2 =	vsub.s32 $0x5F3759DF, v2  }
0x224: {  	v63 =	vmul.f32 v2, v3;
	_ =	sdelay $0x1  }
0x225: {  	v4 =	vmul.f32 v2, v63;
	_ =	sdelay $0x1  }
0x226: {  	v4 =	vsub.f32 $1.500000000e+00, v4;
	_ =	sdelay $0x1  }
0x227: {  	v2 =	vmul.f32 v2, v4;
	_ =	sdelay $0x1  }
0x228: {  	v4 =	vmul.f32 v2, v3;
	_ =	sdelay $0x1  }
0x229: {  	v4 =	vmul.f32 v4, v2;
	_ =	sdelay $0x1  }
0x22a: {  	v4 =	vsub.f32 $1.500000000e+00, v4;
	_ =	sdelay $0x1  }
0x22b: {  	v2 =	vmul.f32 v4, v2;
	_ =	sdelay $0x1  }
0x22c: {  	v3 =	vmul.f32 v2, v3;
	_ =	sdelay $0x1  }
0x22d: {  	v3 =	vmul.f32 v3, v2;
	_ =	sdelay $0x1  }
0x22e: {  	v3 =	vsub.f32 $1.500000000e+00, v3  }
0x22f: {  	s24 =	sadd.s32 $0x1, s24  }
0x230: {  	p0 =	sne.s32 s24, $0x8;
	v2 =	vmul.f32 v3, v2  }
.Ltmp9:
0x231: {  	_ = 	snop;
	(pc) =	sbr.rel @p0 .LBB2_18-.Ltmp9, $4  }
0x232: {  	v2 =	vmul.f32 v2, v1  }
0x233: {  	vm0 =	vgt.f32 v1, $0.0e+00  }
0x234: {  	v1 =	vnsel vm0, $0x0, v2  }
0x235: {  	[tilespmem:s25+$0xCE00] =	vst v1  }
0x236: {  	s23 =	simm.s32 $0x0;
	s24 =	simm.s32 $0xC280  }
0x237: {  	[tilespmem:s23], [sflag:$0x1] =	stream.indirect.gather [hbm4b:s3+s13], $0x80, s24, s13, $0xb8;
	[tilespmem:$0xD000] =	vst v63  }
0x238: {  	_ = 	snop  }
0x239: {  	[tilespmem:s14], [sflag:$0x1] =	stream.indirect.gather [hbm4b:s3+s13], $0x80, s30, s13, $0xb8;
	[tilespmem:$0xD000] =	vst v63  }
0x23a: {  	_ = 	snop  }
0x23b: {  	[tilespmem:s15], [sflag:$0x1] =	stream.indirect.gather [hbm4b:s3+s13], $0x80, s31, s13, $0xb8;
	[tilespmem:$0xD000] =	vst v63  }
0x23c: {  	_ =	swait.ge [sflag:s12], $0x4000  }
0x23d: {  	[sflag:s12] =	ssyncset.done $0x0  }
0x23e: {  	[sflag:s12] =	ssyncadd.s32 $0xFFFFC000  }
0x23f: {  	_ =	swait.ge [sflag:s12], $0x4000  }
0x240: {  	[sflag:s12] =	ssyncset.done $0x0  }
0x241: {  	[sflag:s12] =	ssyncadd.s32 $0xFFFFC000  }
0x242: {  	_ =	swait.ge [sflag:s12], $0x4000  }
0x243: {  	[sflag:s12] =	ssyncset.done $0x0  }
0x244: {  	s24 =	simm.s32 $0x0;
	[sflag:s12] =	ssyncadd.s32 $0xFFFFC000  }
.LBB2_22:
0x245: {  	s25 =	sshll.u32 s24, $0x4  }
0x246: {  	v1 =	vmov s25  }
0x247: {  	v2 =	vmov s23;
	v1 =	vshll.u32 v1, $0x7  }
0x248: {  	v3 =	vor.u32 v0, v1;
	v1 =	vand.u32 $0x7C, v2  }
0x249: {  	s26 =	simm.s32 $0x3;
	v4 =	vor.u32 $0x40, v3;
	v1 =	vbroadcast v1, $0x0  }
0x24a: {  	v2 =	vmov s26  }
0x24b: {  	s29 =	simm.s32 $0x2;
	s28 =	simm.s32 $0x1;
	v2 =	vand.u32 $0x7F, v2;
	v6 =	vor.u32 v3, v1  }
0x24c: {  	v5 =	vmov s29;
	v7 =	vbroadcast v2, $0x0;
	v1 =	vmov s28  }
0x24d: {  	v5 =	vand.u32 $0x7E, v5;
	v1 =	vand.u32 $0x7D, v1  }
0x24e: {  	v5 =	vbroadcast v5, $0x0;
	v7 =	vor.u32 v3, v7;
	v8 =	vbroadcast v1, $0x0;
	v2 =	vld.idx.msk [tilespmem:v4+s23+$0x0], $0xffff  }
0x24f: {  	v1 =	vld.idx.msk [tilespmem:v4+s14+$0x0], $0xffff  }
0x250: {  	v4 =	vor.u32 v3, v5;
	v5 =	vor.u32 v3, v8;
	v8 =	vld.idx.msk [tilespmem:v6+s15+$0x0], $0xffff  }
0x251: {  	v9 =	vld.idx.msk [tilespmem:v6+s14+$0x0], $0xffff  }
0x252: {  	s29 =	simm.s32 $0x4;
	v6 =	vld.idx.msk [tilespmem:v6+s1+$0x0], $0xffff  }
0x253: {  	v10 =	vmov s29;
	v19 =	vld.idx.msk [tilespmem:v7+s1+$0x0], $0xffff  }
0x254: {  	v10 =	vand.u32 $0x7C, v10;
	v20 =	vld.idx.msk [tilespmem:v7+s14+$0x0], $0xffff  }
0x255: {  	s26 =	simm.s32 $0x5;
	v10 =	vbroadcast v10, $0x0;
	v18 =	vld.idx.msk [tilespmem:v4+s1+$0x0], $0xffff  }
0x256: {  	v16 =	vmov s26;
	s28 =	simm.s32 $0x7;
	v15 =	vld.idx.msk [tilespmem:v5+s1+$0x0], $0xffff  }
0x257: {  	s29 =	simm.s32 $0x6;
	v16 =	vand.u32 $0x7D, v16;
	v10 =	vor.u32 v3, v10;
	v14 =	vmov s28;
	v17 =	vld.idx.msk [tilespmem:v5+s14+$0x0], $0xffff  }
0x258: {  	v16 =	vbroadcast v16, $0x0;
	v13 =	vld.idx.msk [tilespmem:v5+s15+$0x0], $0xffff;
	v5 =	vand.u32 $0x7F, v14;
	v14 =	vmov s29  }
0x259: {  	v12 =	vld.idx.msk [tilespmem:v4+s14+$0x0], $0xffff;
	v5 =	vbroadcast v5, $0x0;
	v14 =	vand.u32 $0x7E, v14;
	v6 =	vmul.f32 v6, v2  }
0x25a: {  	v16 =	vor.u32 v3, v16;
	v4 =	vld.idx.msk [tilespmem:v4+s15+$0x0], $0xffff;
	v9 =	vmul.f32 v9, v1;
	v14 =	vbroadcast v14, $0x0  }
0x25b: {  	v11 =	vld.idx.msk [tilespmem:v7+s15+$0x0], $0xffff;
	v5 =	vor.u32 v3, v5;
	v7 =	vadd.f32 v8, v6;
	v15 =	vmul.f32 v15, v2  }
0x25c: {  	v20 =	vmul.f32 v20, v1;
	v8 =	vor.u32 v3, v14;
	v14 =	vmul.f32 v17, v1  }
0x25d: {  	v6 =	vld.idx.msk [tilespmem:v10+s15+$0x0], $0xffff;
	v9 =	vsub.f32 v7, v9;
	v13 =	vadd.f32 v13, v15;
	v15 =	vmul.f32 v18, v2  }
0x25e: {  	v12 =	vmul.f32 v12, v1;
	v7 =	vld.idx.msk [tilespmem:v10+s14+$0x0], $0xffff;
	v18 =	vmul.f32 v19, v2  }
0x25f: {  	s29 =	simm.s32 $0x8;
	v10 =	vld.idx.msk [tilespmem:v10+s1+$0x0], $0xffff;
	v19 =	vmul.f32 v9, v9;
	v13 =	vsub.f32 v13, v14;
	v14 =	vadd.f32 v4, v15  }
0x260: {  	v17 =	vimm.f32 $0.0e+00;
	v15 =	vmov s29;
	v4 =	vld.idx.msk [tilespmem:v5+s15+$0x0], $0xffff;
	v18 =	vadd.f32 v11, v18  }
0x261: {  	s28 =	simm.s32 $0xB;
	v9 =	vld.idx.msk [tilespmem:v8+s14+$0x0], $0xffff;
	v17 =	vadd.f32 v19, v17;
	v13 =	vmul.f32 v13, v13;
	v14 =	vsub.f32 v14, v12  }
0x262: {  	v21 =	vmov s28;
	v11 =	vld.idx.msk [tilespmem:v16+s15+$0x0], $0xffff;
	v15 =	vand.u32 $0x7C, v15  }
0x263: {  	s26 =	simm.s32 $0x9;
	s29 =	simm.s32 $0xA;
	v12 =	vld.idx.msk [tilespmem:v16+s1+$0x0], $0xffff;
	v18 =	vsub.f32 v18, v20;
	v17 =	vadd.f32 v13, v17;
	v22 =	vmul.f32 v14, v14  }
0x264: {  	v19 =	vmov s26;
	v15 =	vbroadcast v15, $0x0;
	v20 =	vmov s29;
	v14 =	vld.idx.msk [tilespmem:v16+s14+$0x0], $0xffff  }
0x265: {  	v16 =	vand.u32 $0x7F, v21;
	v13 =	vld.idx.msk [tilespmem:v8+s1+$0x0], $0xffff;
	v18 =	vmul.f32 v18, v18;
	v17 =	vadd.f32 v22, v17  }
0x266: {  	s26 =	simm.s32 $0xC;
	v15 =	vor.u32 v3, v15;
	v21 =	vand.u32 $0x7E, v20;
	v20 =	vbroadcast v16, $0x0;
	v16 =	vld.idx.msk [tilespmem:v5+s1+$0x0], $0xffff  }
.LBB2_23:
0x267: {  	p0 =	sne.s32 s26, $0x3C;
	v19 =	vand.u32 $0x7D, v19;
	v10 =	vmul.f32 v10, v2;
	v22 =	vld.idx.msk [tilespmem:v8+s15+$0x0], $0xffff;
	v17 =	vadd.f32 v18, v17  }
0x268: {  	v18 =	vbroadcast v21, $0x0;
	v8 =	vbroadcast v19, $0x0;
	v19 =	vld.idx.msk [tilespmem:v5+s14+$0x0], $0xffff;
	v5 =	vor.u32 v3, v20  }
0x269: {  	v7 =	vmul.f32 v7, v1;
	v12 =	vmul.f32 v12, v2;
	v10 =	vadd.f32 v6, v10  }
0x26a: {  	v14 =	vmul.f32 v14, v1;
	v20 =	vor.u32 v3, v8;
	v8 =	vor.u32 v3, v18  }
0x26b: {  	v11 =	vadd.f32 v11, v12;
	v12 =	vmul.f32 v13, v2;
	v6 =	vld.idx.msk [tilespmem:v15+s15+$0x0], $0xffff;
	v18 =	vsub.f32 v10, v7  }
0x26c: {  	v13 =	vmul.f32 v9, v1;
	v9 =	vmul.f32 v16, v2;
	v7 =	vld.idx.msk [tilespmem:v15+s14+$0x0], $0xffff  }
0x26d: {  	v11 =	vsub.f32 v11, v14;
	v12 =	vadd.f32 v22, v12;
	v10 =	vld.idx.msk [tilespmem:v15+s1+$0x0], $0xffff;
	v15 =	vmul.f32 v18, v18  }
0x26e: {  	v14 =	vmov s26;
	v16 =	vadd.f32 v4, v9;
	v18 =	vmul.f32 v19, v1;
	v4 =	vld.idx.msk [tilespmem:v5+s15+$0x0], $0xffff  }
0x26f: {  	s28 =	sadd.s32 $0x3, s26;
	v13 =	vsub.f32 v12, v13;
	v9 =	vld.idx.msk [tilespmem:v8+s14+$0x0], $0xffff;
	v15 =	vadd.f32 v15, v17;
	v17 =	vmul.f32 v11, v11  }
.Ltmp10:
0x270: {  	v21 =	vmov s28;
	v14 =	vand.u32 $0x7C, v14;
	v11 =	vld.idx.msk [tilespmem:v20+s15+$0x0], $0xffff;
	(pc) =	sbr.rel @p0 .LBB2_23-.Ltmp10, $4  }
0x271: {  	s29 =	sadd.s32 $0x2, s26;
	s28 =	sadd.s32 $0x1, s26;
	v16 =	vsub.f32 v16, v18;
	v12 =	vld.idx.msk [tilespmem:v20+s1+$0x0], $0xffff;
	v15 =	vadd.f32 v17, v15;
	v17 =	vmul.f32 v13, v13  }
0x272: {  	v23 =	vmov s29;
	v19 =	vmov s28;
	v22 =	vbroadcast v14, $0x0;
	v14 =	vld.idx.msk [tilespmem:v20+s14+$0x0], $0xffff  }
0x273: {  	v18 =	vmul.f32 v16, v16;
	v20 =	vand.u32 $0x7F, v21;
	v13 =	vld.idx.msk [tilespmem:v8+s1+$0x0], $0xffff;
	v17 =	vadd.f32 v17, v15  }
0x274: {  	s26 =	sadd.s32 $0x4, s26;
	v21 =	vand.u32 $0x7E, v23;
	v15 =	vor.u32 v3, v22;
	v20 =	vbroadcast v20, $0x0;
	v16 =	vld.idx.msk [tilespmem:v5+s1+$0x0], $0xffff  }
0x275: {  	_ =	sdelay $0x3  }
0x276: {  	v19 =	vand.u32 $0x7D, v19;
	v21 =	vbroadcast v21, $0x0;
	v8 =	vld.idx.msk [tilespmem:v8+s15+$0x0], $0xffff;
	v20 =	vor.u32 v3, v20  }
0x277: {  	v5 =	vld.idx.msk [tilespmem:v5+s14+$0x0], $0xffff;
	v19 =	vbroadcast v19, $0x0  }
0x278: {  	v10 =	vmul.f32 v10, v2;
	v47 =	vld.idx.msk [tilespmem:v15+s15+$0x0], $0xffff;
	v21 =	vor.u32 v3, v21  }
0x279: {  	v48 =	vld.idx.msk [tilespmem:v15+s14+$0x0], $0xffff;
	v3 =	vor.u32 v3, v19  }
0x27a: {  	v7 =	vmul.f32 v7, v1;
	v49 =	vld.idx.msk [tilespmem:v15+s1+$0x0], $0xffff;
	v12 =	vmul.f32 v12, v2;
	v6 =	vadd.f32 v6, v10  }
0x27b: {  	v14 =	vmul.f32 v14, v1;
	v50 =	vld.idx.msk [tilespmem:v20+s15+$0x0], $0xffff  }
0x27c: {  	v11 =	vadd.f32 v11, v12;
	v51 =	vmul.f32 v13, v2;
	v6 =	vsub.f32 v6, v7;
	v56 =	vld.idx.msk [tilespmem:v20+s1+$0x0], $0xffff  }
0x27d: {  	v17 =	vadd.f32 v18, v17;
	v9 =	vmul.f32 v9, v1;
	v16 =	vmul.f32 v16, v2;
	v55 =	vld.idx.msk [tilespmem:v21+s1+$0x0], $0xffff  }
0x27e: {  	v11 =	vsub.f32 v11, v14;
	v8 =	vadd.f32 v8, v51;
	v6 =	vmul.f32 v6, v6;
	v54 =	vld.idx.msk [tilespmem:v3+s1+$0x0], $0xffff  }
0x27f: {  	v5 =	vmul.f32 v5, v1;
	v15 =	vmul.f32 v49, v2;
	v4 =	vadd.f32 v4, v16;
	v53 =	vld.idx.msk [tilespmem:v3+s15+$0x0], $0xffff  }
0x280: {  	v11 =	vmul.f32 v11, v11;
	v8 =	vsub.f32 v8, v9;
	v3 =	vld.idx.msk [tilespmem:v3+s14+$0x0], $0xffff;
	v6 =	vadd.f32 v6, v17  }
0x281: {  	v10 =	vmul.f32 v48, v1;
	v52 =	vld.idx.msk [tilespmem:v21+s14+$0x0], $0xffff;
	v15 =	vadd.f32 v47, v15  }
0x282: {  	v57 =	vld.idx.msk [tilespmem:v21+s15+$0x0], $0xffff;
	v4 =	vsub.f32 v4, v5;
	v8 =	vmul.f32 v8, v8;
	v6 =	vadd.f32 v11, v6  }
0x283: {  	v58 =	vld.idx.msk [tilespmem:v20+s14+$0x0], $0xffff;
	v12 =	vmul.f32 v54, v2  }
0x284: {  	v59 =	vsub.f32 v15, v10;
	v4 =	vmul.f32 v4, v4;
	v6 =	vadd.f32 v8, v6  }
0x285: {  	v9 =	vmul.f32 v55, v2;
	v3 =	vmul.f32 v3, v1;
	v60 =	vadd.f32 v53, v12  }
0x286: {  	v61 =	vmul.f32 v52, v1;
	v2 =	vmul.f32 v56, v2;
	v4 =	vadd.f32 v4, v6  }
0x287: {  	v8 =	vmul.f32 v59, v59;
	v5 =	vadd.f32 v57, v9;
	v3 =	vsub.f32 v60, v3  }
0x288: {  	v1 =	vmul.f32 v58, v1;
	v2 =	vadd.f32 v50, v2  }
0x289: {  	v4 =	vadd.f32 v8, v4;
	v5 =	vsub.f32 v5, v61;
	v3 =	vmul.f32 v3, v3;
	_ =	sdelay $0x1  }
0x28a: {  	v1 =	vsub.f32 v2, v1;
	v62 =	vmul.f32 v5, v5;
	v3 =	vadd.f32 v3, v4;
	_ =	sdelay $0x1  }
0x28b: {  	v1 =	vmul.f32 v1, v1;
	v2 =	vadd.f32 v62, v3;
	_ =	sdelay $0x1  }
0x28c: {  	v1 =	vadd.f32 v1, v2;
	_ =	sdelay $0x1  }
0x28d: {  	v2 =	vshrl.u32 v1, $0x1;
	v3 =	vmul.f32 $5.000000000e-01, v1  }
0x28e: {  	v2 =	vsub.s32 $0x5F3759DF, v2  }
0x28f: {  	v63 =	vmul.f32 v2, v3;
	_ =	sdelay $0x1  }
0x290: {  	v4 =	vmul.f32 v2, v63;
	_ =	sdelay $0x1  }
0x291: {  	v4 =	vsub.f32 $1.500000000e+00, v4;
	_ =	sdelay $0x1  }
0x292: {  	v2 =	vmul.f32 v2, v4;
	_ =	sdelay $0x1  }
0x293: {  	v4 =	vmul.f32 v2, v3;
	_ =	sdelay $0x1  }
0x294: {  	v4 =	vmul.f32 v4, v2;
	_ =	sdelay $0x1  }
0x295: {  	v4 =	vsub.f32 $1.500000000e+00, v4;
	_ =	sdelay $0x1  }
0x296: {  	v2 =	vmul.f32 v4, v2;
	_ =	sdelay $0x1  }
0x297: {  	v3 =	vmul.f32 v2, v3;
	_ =	sdelay $0x1  }
0x298: {  	v3 =	vmul.f32 v3, v2;
	_ =	sdelay $0x1  }
0x299: {  	v3 =	vsub.f32 $1.500000000e+00, v3  }
0x29a: {  	s24 =	sadd.s32 $0x1, s24  }
0x29b: {  	p0 =	sne.s32 s24, $0x8;
	v2 =	vmul.f32 v3, v2  }
.Ltmp11:
0x29c: {  	_ = 	snop;
	(pc) =	sbr.rel @p0 .LBB2_22-.Ltmp11, $4  }
0x29d: {  	v2 =	vmul.f32 v2, v1  }
0x29e: {  	vm0 =	vgt.f32 v1, $0.0e+00  }
0x29f: {  	v1 =	vnsel vm0, $0x0, v2  }
0x2a0: {  	[tilespmem:s25+$0xCE80] =	vst v1  }
0x2a1: {  	s23 =	simm.s32 $0x0  }
0x2a2: {  	[tilespmem:s23], [sflag:$0x1] =	stream.indirect.gather [hbm4b:s3+s13], $0x80, s0, s13, $0xb8;
	[tilespmem:$0xD000] =	vst v63  }
0x2a3: {  	_ = 	snop  }
0x2a4: {  	[tilespmem:s14], [sflag:$0x1] =	stream.indirect.gather [hbm4b:s3+s13], $0x80, s2, s13, $0xb8;
	[tilespmem:$0xD000] =	vst v63  }
0x2a5: {  	_ = 	snop  }
0x2a6: {  	[tilespmem:s15], [sflag:$0x1] =	stream.indirect.gather [hbm4b:s3+s13], $0x80, s16, s13, $0xb8;
	[tilespmem:$0xD000] =	vst v63  }
0x2a7: {  	_ =	swait.ge [sflag:s12], $0x4000  }
0x2a8: {  	[sflag:s12] =	ssyncset.done $0x0  }
0x2a9: {  	[sflag:s12] =	ssyncadd.s32 $0xFFFFC000  }
0x2aa: {  	_ =	swait.ge [sflag:s12], $0x4000  }
0x2ab: {  	[sflag:s12] =	ssyncset.done $0x0  }
0x2ac: {  	[sflag:s12] =	ssyncadd.s32 $0xFFFFC000  }
0x2ad: {  	_ =	swait.ge [sflag:s12], $0x4000  }
0x2ae: {  	[sflag:s12] =	ssyncset.done $0x0  }
0x2af: {  	s24 =	simm.s32 $0x0;
	[sflag:s12] =	ssyncadd.s32 $0xFFFFC000  }
.LBB2_26:
0x2b0: {  	s25 =	sshll.u32 s24, $0x4  }
0x2b1: {  	v1 =	vmov s25  }
0x2b2: {  	v2 =	vmov s23;
	v1 =	vshll.u32 v1, $0x7  }
0x2b3: {  	v3 =	vor.u32 v0, v1;
	v1 =	vand.u32 $0x7C, v2  }
0x2b4: {  	s26 =	simm.s32 $0x3;
	v4 =	vor.u32 $0x40, v3;
	v1 =	vbroadcast v1, $0x0  }
0x2b5: {  	v2 =	vmov s26  }
0x2b6: {  	s29 =	simm.s32 $0x2;
	s28 =	simm.s32 $0x1;
	v2 =	vand.u32 $0x7F, v2;
	v6 =	vor.u32 v3, v1  }
0x2b7: {  	v5 =	vmov s29;
	v7 =	vbroadcast v2, $0x0;
	v1 =	vmov s28  }
0x2b8: {  	v5 =	vand.u32 $0x7E, v5;
	v1 =	vand.u32 $0x7D, v1  }
0x2b9: {  	v5 =	vbroadcast v5, $0x0;
	v7 =	vor.u32 v3, v7;
	v8 =	vbroadcast v1, $0x0;
	v2 =	vld.idx.msk [tilespmem:v4+s23+$0x0], $0xffff  }
0x2ba: {  	v1 =	vld.idx.msk [tilespmem:v4+s14+$0x0], $0xffff  }
0x2bb: {  	v4 =	vor.u32 v3, v5;
	v5 =	vor.u32 v3, v8;
	v8 =	vld.idx.msk [tilespmem:v6+s15+$0x0], $0xffff  }
0x2bc: {  	v9 =	vld.idx.msk [tilespmem:v6+s14+$0x0], $0xffff  }
0x2bd: {  	s29 =	simm.s32 $0x4;
	v6 =	vld.idx.msk [tilespmem:v6+s1+$0x0], $0xffff  }
0x2be: {  	v10 =	vmov s29;
	v19 =	vld.idx.msk [tilespmem:v7+s1+$0x0], $0xffff  }
0x2bf: {  	v10 =	vand.u32 $0x7C, v10;
	v20 =	vld.idx.msk [tilespmem:v7+s14+$0x0], $0xffff  }
0x2c0: {  	s26 =	simm.s32 $0x5;
	v10 =	vbroadcast v10, $0x0;
	v18 =	vld.idx.msk [tilespmem:v4+s1+$0x0], $0xffff  }
0x2c1: {  	v16 =	vmov s26;
	s28 =	simm.s32 $0x7;
	v15 =	vld.idx.msk [tilespmem:v5+s1+$0x0], $0xffff  }
0x2c2: {  	s29 =	simm.s32 $0x6;
	v16 =	vand.u32 $0x7D, v16;
	v10 =	vor.u32 v3, v10;
	v14 =	vmov s28;
	v17 =	vld.idx.msk [tilespmem:v5+s14+$0x0], $0xffff  }
0x2c3: {  	v16 =	vbroadcast v16, $0x0;
	v13 =	vld.idx.msk [tilespmem:v5+s15+$0x0], $0xffff;
	v5 =	vand.u32 $0x7F, v14;
	v14 =	vmov s29  }
0x2c4: {  	v12 =	vld.idx.msk [tilespmem:v4+s14+$0x0], $0xffff;
	v5 =	vbroadcast v5, $0x0;
	v14 =	vand.u32 $0x7E, v14;
	v6 =	vmul.f32 v6, v2  }
0x2c5: {  	v16 =	vor.u32 v3, v16;
	v4 =	vld.idx.msk [tilespmem:v4+s15+$0x0], $0xffff;
	v9 =	vmul.f32 v9, v1;
	v14 =	vbroadcast v14, $0x0  }
0x2c6: {  	v11 =	vld.idx.msk [tilespmem:v7+s15+$0x0], $0xffff;
	v5 =	vor.u32 v3, v5;
	v7 =	vadd.f32 v8, v6;
	v15 =	vmul.f32 v15, v2  }
0x2c7: {  	v20 =	vmul.f32 v20, v1;
	v8 =	vor.u32 v3, v14;
	v14 =	vmul.f32 v17, v1  }
0x2c8: {  	v6 =	vld.idx.msk [tilespmem:v10+s15+$0x0], $0xffff;
	v9 =	vsub.f32 v7, v9;
	v13 =	vadd.f32 v13, v15;
	v15 =	vmul.f32 v18, v2  }
0x2c9: {  	v12 =	vmul.f32 v12, v1;
	v7 =	vld.idx.msk [tilespmem:v10+s14+$0x0], $0xffff;
	v18 =	vmul.f32 v19, v2  }
0x2ca: {  	s29 =	simm.s32 $0x8;
	v10 =	vld.idx.msk [tilespmem:v10+s1+$0x0], $0xffff;
	v19 =	vmul.f32 v9, v9;
	v13 =	vsub.f32 v13, v14;
	v14 =	vadd.f32 v4, v15  }
0x2cb: {  	v17 =	vimm.f32 $0.0e+00;
	v15 =	vmov s29;
	v4 =	vld.idx.msk [tilespmem:v5+s15+$0x0], $0xffff;
	v18 =	vadd.f32 v11, v18  }
0x2cc: {  	s28 =	simm.s32 $0xB;
	v9 =	vld.idx.msk [tilespmem:v8+s14+$0x0], $0xffff;
	v17 =	vadd.f32 v19, v17;
	v13 =	vmul.f32 v13, v13;
	v14 =	vsub.f32 v14, v12  }
0x2cd: {  	v21 =	vmov s28;
	v11 =	vld.idx.msk [tilespmem:v16+s15+$0x0], $0xffff;
	v15 =	vand.u32 $0x7C, v15  }
0x2ce: {  	s26 =	simm.s32 $0x9;
	s29 =	simm.s32 $0xA;
	v12 =	vld.idx.msk [tilespmem:v16+s1+$0x0], $0xffff;
	v18 =	vsub.f32 v18, v20;
	v17 =	vadd.f32 v13, v17;
	v22 =	vmul.f32 v14, v14  }
0x2cf: {  	v19 =	vmov s26;
	v15 =	vbroadcast v15, $0x0;
	v20 =	vmov s29;
	v14 =	vld.idx.msk [tilespmem:v16+s14+$0x0], $0xffff  }
0x2d0: {  	v16 =	vand.u32 $0x7F, v21;
	v13 =	vld.idx.msk [tilespmem:v8+s1+$0x0], $0xffff;
	v18 =	vmul.f32 v18, v18;
	v17 =	vadd.f32 v22, v17  }
0x2d1: {  	s26 =	simm.s32 $0xC;
	v15 =	vor.u32 v3, v15;
	v21 =	vand.u32 $0x7E, v20;
	v20 =	vbroadcast v16, $0x0;
	v16 =	vld.idx.msk [tilespmem:v5+s1+$0x0], $0xffff  }
.LBB2_27:
0x2d2: {  	p0 =	sne.s32 s26, $0x3C;
	v19 =	vand.u32 $0x7D, v19;
	v10 =	vmul.f32 v10, v2;
	v22 =	vld.idx.msk [tilespmem:v8+s15+$0x0], $0xffff;
	v17 =	vadd.f32 v18, v17  }
0x2d3: {  	v18 =	vbroadcast v21, $0x0;
	v8 =	vbroadcast v19, $0x0;
	v19 =	vld.idx.msk [tilespmem:v5+s14+$0x0], $0xffff;
	v5 =	vor.u32 v3, v20  }
0x2d4: {  	v7 =	vmul.f32 v7, v1;
	v12 =	vmul.f32 v12, v2;
	v10 =	vadd.f32 v6, v10  }
0x2d5: {  	v14 =	vmul.f32 v14, v1;
	v20 =	vor.u32 v3, v8;
	v8 =	vor.u32 v3, v18  }
0x2d6: {  	v11 =	vadd.f32 v11, v12;
	v12 =	vmul.f32 v13, v2;
	v6 =	vld.idx.msk [tilespmem:v15+s15+$0x0], $0xffff;
	v18 =	vsub.f32 v10, v7  }
0x2d7: {  	v13 =	vmul.f32 v9, v1;
	v9 =	vmul.f32 v16, v2;
	v7 =	vld.idx.msk [tilespmem:v15+s14+$0x0], $0xffff  }
0x2d8: {  	v11 =	vsub.f32 v11, v14;
	v12 =	vadd.f32 v22, v12;
	v10 =	vld.idx.msk [tilespmem:v15+s1+$0x0], $0xffff;
	v15 =	vmul.f32 v18, v18  }
0x2d9: {  	v14 =	vmov s26;
	v16 =	vadd.f32 v4, v9;
	v18 =	vmul.f32 v19, v1;
	v4 =	vld.idx.msk [tilespmem:v5+s15+$0x0], $0xffff  }
0x2da: {  	s28 =	sadd.s32 $0x3, s26;
	v13 =	vsub.f32 v12, v13;
	v9 =	vld.idx.msk [tilespmem:v8+s14+$0x0], $0xffff;
	v15 =	vadd.f32 v15, v17;
	v17 =	vmul.f32 v11, v11  }
.Ltmp12:
0x2db: {  	v21 =	vmov s28;
	v14 =	vand.u32 $0x7C, v14;
	v11 =	vld.idx.msk [tilespmem:v20+s15+$0x0], $0xffff;
	(pc) =	sbr.rel @p0 .LBB2_27-.Ltmp12, $4  }
0x2dc: {  	s29 =	sadd.s32 $0x2, s26;
	s28 =	sadd.s32 $0x1, s26;
	v16 =	vsub.f32 v16, v18;
	v12 =	vld.idx.msk [tilespmem:v20+s1+$0x0], $0xffff;
	v15 =	vadd.f32 v17, v15;
	v17 =	vmul.f32 v13, v13  }
0x2dd: {  	v23 =	vmov s29;
	v19 =	vmov s28;
	v22 =	vbroadcast v14, $0x0;
	v14 =	vld.idx.msk [tilespmem:v20+s14+$0x0], $0xffff  }
0x2de: {  	v18 =	vmul.f32 v16, v16;
	v20 =	vand.u32 $0x7F, v21;
	v13 =	vld.idx.msk [tilespmem:v8+s1+$0x0], $0xffff;
	v17 =	vadd.f32 v17, v15  }
0x2df: {  	s26 =	sadd.s32 $0x4, s26;
	v21 =	vand.u32 $0x7E, v23;
	v15 =	vor.u32 v3, v22;
	v20 =	vbroadcast v20, $0x0;
	v16 =	vld.idx.msk [tilespmem:v5+s1+$0x0], $0xffff  }
0x2e0: {  	_ =	sdelay $0x3  }
0x2e1: {  	v19 =	vand.u32 $0x7D, v19;
	v21 =	vbroadcast v21, $0x0;
	v8 =	vld.idx.msk [tilespmem:v8+s15+$0x0], $0xffff;
	v20 =	vor.u32 v3, v20  }
0x2e2: {  	v5 =	vld.idx.msk [tilespmem:v5+s14+$0x0], $0xffff;
	v19 =	vbroadcast v19, $0x0  }
0x2e3: {  	v10 =	vmul.f32 v10, v2;
	v47 =	vld.idx.msk [tilespmem:v15+s15+$0x0], $0xffff;
	v21 =	vor.u32 v3, v21  }
0x2e4: {  	v48 =	vld.idx.msk [tilespmem:v15+s14+$0x0], $0xffff;
	v3 =	vor.u32 v3, v19  }
0x2e5: {  	v7 =	vmul.f32 v7, v1;
	v49 =	vld.idx.msk [tilespmem:v15+s1+$0x0], $0xffff;
	v12 =	vmul.f32 v12, v2;
	v6 =	vadd.f32 v6, v10  }
0x2e6: {  	v14 =	vmul.f32 v14, v1;
	v50 =	vld.idx.msk [tilespmem:v20+s15+$0x0], $0xffff  }
0x2e7: {  	v11 =	vadd.f32 v11, v12;
	v51 =	vmul.f32 v13, v2;
	v6 =	vsub.f32 v6, v7;
	v56 =	vld.idx.msk [tilespmem:v20+s1+$0x0], $0xffff  }
0x2e8: {  	v17 =	vadd.f32 v18, v17;
	v9 =	vmul.f32 v9, v1;
	v16 =	vmul.f32 v16, v2;
	v55 =	vld.idx.msk [tilespmem:v21+s1+$0x0], $0xffff  }
0x2e9: {  	v11 =	vsub.f32 v11, v14;
	v8 =	vadd.f32 v8, v51;
	v6 =	vmul.f32 v6, v6;
	v54 =	vld.idx.msk [tilespmem:v3+s1+$0x0], $0xffff  }
0x2ea: {  	v5 =	vmul.f32 v5, v1;
	v15 =	vmul.f32 v49, v2;
	v4 =	vadd.f32 v4, v16;
	v53 =	vld.idx.msk [tilespmem:v3+s15+$0x0], $0xffff  }
0x2eb: {  	v11 =	vmul.f32 v11, v11;
	v8 =	vsub.f32 v8, v9;
	v3 =	vld.idx.msk [tilespmem:v3+s14+$0x0], $0xffff;
	v6 =	vadd.f32 v6, v17  }
0x2ec: {  	v10 =	vmul.f32 v48, v1;
	v52 =	vld.idx.msk [tilespmem:v21+s14+$0x0], $0xffff;
	v15 =	vadd.f32 v47, v15  }
0x2ed: {  	v57 =	vld.idx.msk [tilespmem:v21+s15+$0x0], $0xffff;
	v4 =	vsub.f32 v4, v5;
	v8 =	vmul.f32 v8, v8;
	v6 =	vadd.f32 v11, v6  }
0x2ee: {  	v58 =	vld.idx.msk [tilespmem:v20+s14+$0x0], $0xffff;
	v12 =	vmul.f32 v54, v2  }
0x2ef: {  	v59 =	vsub.f32 v15, v10;
	v4 =	vmul.f32 v4, v4;
	v6 =	vadd.f32 v8, v6  }
0x2f0: {  	v9 =	vmul.f32 v55, v2;
	v3 =	vmul.f32 v3, v1;
	v60 =	vadd.f32 v53, v12  }
0x2f1: {  	v61 =	vmul.f32 v52, v1;
	v2 =	vmul.f32 v56, v2;
	v4 =	vadd.f32 v4, v6  }
0x2f2: {  	v8 =	vmul.f32 v59, v59;
	v5 =	vadd.f32 v57, v9;
	v3 =	vsub.f32 v60, v3  }
0x2f3: {  	v1 =	vmul.f32 v58, v1;
	v2 =	vadd.f32 v50, v2  }
0x2f4: {  	v4 =	vadd.f32 v8, v4;
	v5 =	vsub.f32 v5, v61;
	v3 =	vmul.f32 v3, v3;
	_ =	sdelay $0x1  }
0x2f5: {  	v1 =	vsub.f32 v2, v1;
	v62 =	vmul.f32 v5, v5;
	v3 =	vadd.f32 v3, v4;
	_ =	sdelay $0x1  }
0x2f6: {  	v1 =	vmul.f32 v1, v1;
	v2 =	vadd.f32 v62, v3;
	_ =	sdelay $0x1  }
0x2f7: {  	v1 =	vadd.f32 v1, v2;
	_ =	sdelay $0x1  }
0x2f8: {  	v2 =	vshrl.u32 v1, $0x1;
	v3 =	vmul.f32 $5.000000000e-01, v1  }
0x2f9: {  	v2 =	vsub.s32 $0x5F3759DF, v2  }
0x2fa: {  	v63 =	vmul.f32 v2, v3;
	_ =	sdelay $0x1  }
0x2fb: {  	v4 =	vmul.f32 v2, v63;
	_ =	sdelay $0x1  }
0x2fc: {  	v4 =	vsub.f32 $1.500000000e+00, v4;
	_ =	sdelay $0x1  }
0x2fd: {  	v2 =	vmul.f32 v2, v4;
	_ =	sdelay $0x1  }
0x2fe: {  	v4 =	vmul.f32 v2, v3;
	_ =	sdelay $0x1  }
0x2ff: {  	v4 =	vmul.f32 v4, v2;
	_ =	sdelay $0x1  }
0x300: {  	v4 =	vsub.f32 $1.500000000e+00, v4;
	_ =	sdelay $0x1  }
0x301: {  	v2 =	vmul.f32 v4, v2;
	_ =	sdelay $0x1  }
0x302: {  	v3 =	vmul.f32 v2, v3;
	_ =	sdelay $0x1  }
0x303: {  	v3 =	vmul.f32 v3, v2;
	_ =	sdelay $0x1  }
0x304: {  	v3 =	vsub.f32 $1.500000000e+00, v3  }
0x305: {  	s24 =	sadd.s32 $0x1, s24  }
0x306: {  	p0 =	sne.s32 s24, $0x8;
	v2 =	vmul.f32 v3, v2  }
.Ltmp13:
0x307: {  	_ = 	snop;
	(pc) =	sbr.rel @p0 .LBB2_26-.Ltmp13, $4  }
0x308: {  	v2 =	vmul.f32 v2, v1  }
0x309: {  	vm0 =	vgt.f32 v1, $0.0e+00  }
0x30a: {  	v1 =	vnsel vm0, $0x0, v2  }
0x30b: {  	[tilespmem:s25+$0xCF00] =	vst v1  }
0x30c: {  	s23 =	simm.s32 $0x0  }
0x30d: {  	[tilespmem:s23], [sflag:$0x1] =	stream.indirect.gather [hbm4b:s3+s13], $0x80, s17, s13, $0xb8;
	[tilespmem:$0xD000] =	vst v63  }
0x30e: {  	_ = 	snop  }
0x30f: {  	[tilespmem:s14], [sflag:$0x1] =	stream.indirect.gather [hbm4b:s3+s13], $0x80, s18, s13, $0xb8;
	[tilespmem:$0xD000] =	vst v63  }
0x310: {  	_ = 	snop  }
0x311: {  	[tilespmem:s15], [sflag:$0x1] =	stream.indirect.gather [hbm4b:s3+s13], $0x80, s19, s13, $0xb8;
	[tilespmem:$0xD000] =	vst v63  }
0x312: {  	_ =	swait.ge [sflag:s12], $0x4000  }
0x313: {  	[sflag:s12] =	ssyncset.done $0x0  }
0x314: {  	[sflag:s12] =	ssyncadd.s32 $0xFFFFC000  }
0x315: {  	_ =	swait.ge [sflag:s12], $0x4000  }
0x316: {  	[sflag:s12] =	ssyncset.done $0x0  }
0x317: {  	[sflag:s12] =	ssyncadd.s32 $0xFFFFC000  }
0x318: {  	_ =	swait.ge [sflag:s12], $0x4000  }
0x319: {  	[sflag:s12] =	ssyncset.done $0x0  }
0x31a: {  	s24 =	simm.s32 $0x0;
	[sflag:s12] =	ssyncadd.s32 $0xFFFFC000  }
.LBB2_30:
0x31b: {  	s25 =	sshll.u32 s24, $0x4  }
0x31c: {  	v1 =	vmov s25  }
0x31d: {  	v2 =	vmov s23;
	v1 =	vshll.u32 v1, $0x7  }
0x31e: {  	v3 =	vor.u32 v0, v1;
	v1 =	vand.u32 $0x7C, v2  }
0x31f: {  	s26 =	simm.s32 $0x3;
	v4 =	vor.u32 $0x40, v3;
	v1 =	vbroadcast v1, $0x0  }
0x320: {  	v2 =	vmov s26  }
0x321: {  	s29 =	simm.s32 $0x2;
	s28 =	simm.s32 $0x1;
	v2 =	vand.u32 $0x7F, v2;
	v6 =	vor.u32 v3, v1  }
0x322: {  	v5 =	vmov s29;
	v7 =	vbroadcast v2, $0x0;
	v1 =	vmov s28  }
0x323: {  	v5 =	vand.u32 $0x7E, v5;
	v1 =	vand.u32 $0x7D, v1  }
0x324: {  	v5 =	vbroadcast v5, $0x0;
	v7 =	vor.u32 v3, v7;
	v8 =	vbroadcast v1, $0x0;
	v2 =	vld.idx.msk [tilespmem:v4+s23+$0x0], $0xffff  }
0x325: {  	v1 =	vld.idx.msk [tilespmem:v4+s14+$0x0], $0xffff  }
0x326: {  	v4 =	vor.u32 v3, v5;
	v5 =	vor.u32 v3, v8;
	v8 =	vld.idx.msk [tilespmem:v6+s15+$0x0], $0xffff  }
0x327: {  	v9 =	vld.idx.msk [tilespmem:v6+s14+$0x0], $0xffff  }
0x328: {  	s29 =	simm.s32 $0x4;
	v6 =	vld.idx.msk [tilespmem:v6+s1+$0x0], $0xffff  }
0x329: {  	v10 =	vmov s29;
	v19 =	vld.idx.msk [tilespmem:v7+s1+$0x0], $0xffff  }
0x32a: {  	v10 =	vand.u32 $0x7C, v10;
	v20 =	vld.idx.msk [tilespmem:v7+s14+$0x0], $0xffff  }
0x32b: {  	s26 =	simm.s32 $0x5;
	v10 =	vbroadcast v10, $0x0;
	v18 =	vld.idx.msk [tilespmem:v4+s1+$0x0], $0xffff  }
0x32c: {  	v16 =	vmov s26;
	s28 =	simm.s32 $0x7;
	v15 =	vld.idx.msk [tilespmem:v5+s1+$0x0], $0xffff  }
0x32d: {  	s29 =	simm.s32 $0x6;
	v16 =	vand.u32 $0x7D, v16;
	v10 =	vor.u32 v3, v10;
	v14 =	vmov s28;
	v17 =	vld.idx.msk [tilespmem:v5+s14+$0x0], $0xffff  }
0x32e: {  	v16 =	vbroadcast v16, $0x0;
	v13 =	vld.idx.msk [tilespmem:v5+s15+$0x0], $0xffff;
	v5 =	vand.u32 $0x7F, v14;
	v14 =	vmov s29  }
0x32f: {  	v12 =	vld.idx.msk [tilespmem:v4+s14+$0x0], $0xffff;
	v5 =	vbroadcast v5, $0x0;
	v14 =	vand.u32 $0x7E, v14;
	v6 =	vmul.f32 v6, v2  }
0x330: {  	v16 =	vor.u32 v3, v16;
	v4 =	vld.idx.msk [tilespmem:v4+s15+$0x0], $0xffff;
	v9 =	vmul.f32 v9, v1;
	v14 =	vbroadcast v14, $0x0  }
0x331: {  	v11 =	vld.idx.msk [tilespmem:v7+s15+$0x0], $0xffff;
	v5 =	vor.u32 v3, v5;
	v7 =	vadd.f32 v8, v6;
	v15 =	vmul.f32 v15, v2  }
0x332: {  	v20 =	vmul.f32 v20, v1;
	v8 =	vor.u32 v3, v14;
	v14 =	vmul.f32 v17, v1  }
0x333: {  	v6 =	vld.idx.msk [tilespmem:v10+s15+$0x0], $0xffff;
	v9 =	vsub.f32 v7, v9;
	v13 =	vadd.f32 v13, v15;
	v15 =	vmul.f32 v18, v2  }
0x334: {  	v12 =	vmul.f32 v12, v1;
	v7 =	vld.idx.msk [tilespmem:v10+s14+$0x0], $0xffff;
	v18 =	vmul.f32 v19, v2  }
0x335: {  	s29 =	simm.s32 $0x8;
	v10 =	vld.idx.msk [tilespmem:v10+s1+$0x0], $0xffff;
	v19 =	vmul.f32 v9, v9;
	v13 =	vsub.f32 v13, v14;
	v14 =	vadd.f32 v4, v15  }
0x336: {  	v17 =	vimm.f32 $0.0e+00;
	v15 =	vmov s29;
	v4 =	vld.idx.msk [tilespmem:v5+s15+$0x0], $0xffff;
	v18 =	vadd.f32 v11, v18  }
0x337: {  	s28 =	simm.s32 $0xB;
	v9 =	vld.idx.msk [tilespmem:v8+s14+$0x0], $0xffff;
	v17 =	vadd.f32 v19, v17;
	v13 =	vmul.f32 v13, v13;
	v14 =	vsub.f32 v14, v12  }
0x338: {  	v21 =	vmov s28;
	v11 =	vld.idx.msk [tilespmem:v16+s15+$0x0], $0xffff;
	v15 =	vand.u32 $0x7C, v15  }
0x339: {  	s26 =	simm.s32 $0x9;
	s29 =	simm.s32 $0xA;
	v12 =	vld.idx.msk [tilespmem:v16+s1+$0x0], $0xffff;
	v18 =	vsub.f32 v18, v20;
	v17 =	vadd.f32 v13, v17;
	v22 =	vmul.f32 v14, v14  }
0x33a: {  	v19 =	vmov s26;
	v15 =	vbroadcast v15, $0x0;
	v20 =	vmov s29;
	v14 =	vld.idx.msk [tilespmem:v16+s14+$0x0], $0xffff  }
0x33b: {  	v16 =	vand.u32 $0x7F, v21;
	v13 =	vld.idx.msk [tilespmem:v8+s1+$0x0], $0xffff;
	v18 =	vmul.f32 v18, v18;
	v17 =	vadd.f32 v22, v17  }
0x33c: {  	s26 =	simm.s32 $0xC;
	v15 =	vor.u32 v3, v15;
	v21 =	vand.u32 $0x7E, v20;
	v20 =	vbroadcast v16, $0x0;
	v16 =	vld.idx.msk [tilespmem:v5+s1+$0x0], $0xffff  }
.LBB2_31:
0x33d: {  	p0 =	sne.s32 s26, $0x3C;
	v19 =	vand.u32 $0x7D, v19;
	v10 =	vmul.f32 v10, v2;
	v22 =	vld.idx.msk [tilespmem:v8+s15+$0x0], $0xffff;
	v17 =	vadd.f32 v18, v17  }
0x33e: {  	v18 =	vbroadcast v21, $0x0;
	v8 =	vbroadcast v19, $0x0;
	v19 =	vld.idx.msk [tilespmem:v5+s14+$0x0], $0xffff;
	v5 =	vor.u32 v3, v20  }
0x33f: {  	v7 =	vmul.f32 v7, v1;
	v12 =	vmul.f32 v12, v2;
	v10 =	vadd.f32 v6, v10  }
0x340: {  	v14 =	vmul.f32 v14, v1;
	v20 =	vor.u32 v3, v8;
	v8 =	vor.u32 v3, v18  }
0x341: {  	v11 =	vadd.f32 v11, v12;
	v12 =	vmul.f32 v13, v2;
	v6 =	vld.idx.msk [tilespmem:v15+s15+$0x0], $0xffff;
	v18 =	vsub.f32 v10, v7  }
0x342: {  	v13 =	vmul.f32 v9, v1;
	v9 =	vmul.f32 v16, v2;
	v7 =	vld.idx.msk [tilespmem:v15+s14+$0x0], $0xffff  }
0x343: {  	v11 =	vsub.f32 v11, v14;
	v12 =	vadd.f32 v22, v12;
	v10 =	vld.idx.msk [tilespmem:v15+s1+$0x0], $0xffff;
	v15 =	vmul.f32 v18, v18  }
0x344: {  	v14 =	vmov s26;
	v16 =	vadd.f32 v4, v9;
	v18 =	vmul.f32 v19, v1;
	v4 =	vld.idx.msk [tilespmem:v5+s15+$0x0], $0xffff  }
0x345: {  	s28 =	sadd.s32 $0x3, s26;
	v13 =	vsub.f32 v12, v13;
	v9 =	vld.idx.msk [tilespmem:v8+s14+$0x0], $0xffff;
	v15 =	vadd.f32 v15, v17;
	v17 =	vmul.f32 v11, v11  }
.Ltmp14:
0x346: {  	v21 =	vmov s28;
	v14 =	vand.u32 $0x7C, v14;
	v11 =	vld.idx.msk [tilespmem:v20+s15+$0x0], $0xffff;
	(pc) =	sbr.rel @p0 .LBB2_31-.Ltmp14, $4  }
0x347: {  	s29 =	sadd.s32 $0x2, s26;
	s28 =	sadd.s32 $0x1, s26;
	v16 =	vsub.f32 v16, v18;
	v12 =	vld.idx.msk [tilespmem:v20+s1+$0x0], $0xffff;
	v15 =	vadd.f32 v17, v15;
	v17 =	vmul.f32 v13, v13  }
0x348: {  	v23 =	vmov s29;
	v19 =	vmov s28;
	v22 =	vbroadcast v14, $0x0;
	v14 =	vld.idx.msk [tilespmem:v20+s14+$0x0], $0xffff  }
0x349: {  	v18 =	vmul.f32 v16, v16;
	v20 =	vand.u32 $0x7F, v21;
	v13 =	vld.idx.msk [tilespmem:v8+s1+$0x0], $0xffff;
	v17 =	vadd.f32 v17, v15  }
0x34a: {  	s26 =	sadd.s32 $0x4, s26;
	v21 =	vand.u32 $0x7E, v23;
	v15 =	vor.u32 v3, v22;
	v20 =	vbroadcast v20, $0x0;
	v16 =	vld.idx.msk [tilespmem:v5+s1+$0x0], $0xffff  }
0x34b: {  	_ =	sdelay $0x3  }
0x34c: {  	v19 =	vand.u32 $0x7D, v19;
	v21 =	vbroadcast v21, $0x0;
	v8 =	vld.idx.msk [tilespmem:v8+s15+$0x0], $0xffff;
	v20 =	vor.u32 v3, v20  }
0x34d: {  	v5 =	vld.idx.msk [tilespmem:v5+s14+$0x0], $0xffff;
	v19 =	vbroadcast v19, $0x0  }
0x34e: {  	v10 =	vmul.f32 v10, v2;
	v47 =	vld.idx.msk [tilespmem:v15+s15+$0x0], $0xffff;
	v21 =	vor.u32 v3, v21  }
0x34f: {  	v48 =	vld.idx.msk [tilespmem:v15+s14+$0x0], $0xffff;
	v3 =	vor.u32 v3, v19  }
0x350: {  	v7 =	vmul.f32 v7, v1;
	v49 =	vld.idx.msk [tilespmem:v15+s1+$0x0], $0xffff;
	v12 =	vmul.f32 v12, v2;
	v6 =	vadd.f32 v6, v10  }
0x351: {  	v14 =	vmul.f32 v14, v1;
	v50 =	vld.idx.msk [tilespmem:v20+s15+$0x0], $0xffff  }
0x352: {  	v11 =	vadd.f32 v11, v12;
	v51 =	vmul.f32 v13, v2;
	v6 =	vsub.f32 v6, v7;
	v56 =	vld.idx.msk [tilespmem:v20+s1+$0x0], $0xffff  }
0x353: {  	v17 =	vadd.f32 v18, v17;
	v9 =	vmul.f32 v9, v1;
	v16 =	vmul.f32 v16, v2;
	v55 =	vld.idx.msk [tilespmem:v21+s1+$0x0], $0xffff  }
0x354: {  	v11 =	vsub.f32 v11, v14;
	v8 =	vadd.f32 v8, v51;
	v6 =	vmul.f32 v6, v6;
	v54 =	vld.idx.msk [tilespmem:v3+s1+$0x0], $0xffff  }
0x355: {  	v5 =	vmul.f32 v5, v1;
	v15 =	vmul.f32 v49, v2;
	v4 =	vadd.f32 v4, v16;
	v53 =	vld.idx.msk [tilespmem:v3+s15+$0x0], $0xffff  }
0x356: {  	v11 =	vmul.f32 v11, v11;
	v8 =	vsub.f32 v8, v9;
	v3 =	vld.idx.msk [tilespmem:v3+s14+$0x0], $0xffff;
	v6 =	vadd.f32 v6, v17  }
0x357: {  	v10 =	vmul.f32 v48, v1;
	v52 =	vld.idx.msk [tilespmem:v21+s14+$0x0], $0xffff;
	v15 =	vadd.f32 v47, v15  }
0x358: {  	v57 =	vld.idx.msk [tilespmem:v21+s15+$0x0], $0xffff;
	v4 =	vsub.f32 v4, v5;
	v8 =	vmul.f32 v8, v8;
	v6 =	vadd.f32 v11, v6  }
0x359: {  	v58 =	vld.idx.msk [tilespmem:v20+s14+$0x0], $0xffff;
	v12 =	vmul.f32 v54, v2  }
0x35a: {  	v59 =	vsub.f32 v15, v10;
	v4 =	vmul.f32 v4, v4;
	v6 =	vadd.f32 v8, v6  }
0x35b: {  	v9 =	vmul.f32 v55, v2;
	v3 =	vmul.f32 v3, v1;
	v60 =	vadd.f32 v53, v12  }
0x35c: {  	v61 =	vmul.f32 v52, v1;
	v2 =	vmul.f32 v56, v2;
	v4 =	vadd.f32 v4, v6  }
0x35d: {  	v8 =	vmul.f32 v59, v59;
	v5 =	vadd.f32 v57, v9;
	v3 =	vsub.f32 v60, v3  }
0x35e: {  	v1 =	vmul.f32 v58, v1;
	v2 =	vadd.f32 v50, v2  }
0x35f: {  	v4 =	vadd.f32 v8, v4;
	v5 =	vsub.f32 v5, v61;
	v3 =	vmul.f32 v3, v3;
	_ =	sdelay $0x1  }
0x360: {  	v1 =	vsub.f32 v2, v1;
	v62 =	vmul.f32 v5, v5;
	v3 =	vadd.f32 v3, v4;
	_ =	sdelay $0x1  }
0x361: {  	v1 =	vmul.f32 v1, v1;
	v2 =	vadd.f32 v62, v3;
	_ =	sdelay $0x1  }
0x362: {  	v1 =	vadd.f32 v1, v2;
	_ =	sdelay $0x1  }
0x363: {  	v2 =	vshrl.u32 v1, $0x1;
	v3 =	vmul.f32 $5.000000000e-01, v1  }
0x364: {  	v2 =	vsub.s32 $0x5F3759DF, v2  }
0x365: {  	v63 =	vmul.f32 v2, v3;
	_ =	sdelay $0x1  }
0x366: {  	v4 =	vmul.f32 v2, v63;
	_ =	sdelay $0x1  }
0x367: {  	v4 =	vsub.f32 $1.500000000e+00, v4;
	_ =	sdelay $0x1  }
0x368: {  	v2 =	vmul.f32 v2, v4;
	_ =	sdelay $0x1  }
0x369: {  	v4 =	vmul.f32 v2, v3;
	_ =	sdelay $0x1  }
0x36a: {  	v4 =	vmul.f32 v4, v2;
	_ =	sdelay $0x1  }
0x36b: {  	v4 =	vsub.f32 $1.500000000e+00, v4;
	_ =	sdelay $0x1  }
0x36c: {  	v2 =	vmul.f32 v4, v2;
	_ =	sdelay $0x1  }
0x36d: {  	v3 =	vmul.f32 v2, v3;
	_ =	sdelay $0x1  }
0x36e: {  	v3 =	vmul.f32 v3, v2;
	_ =	sdelay $0x1  }
0x36f: {  	v3 =	vsub.f32 $1.500000000e+00, v3  }
0x370: {  	s24 =	sadd.s32 $0x1, s24  }
0x371: {  	p0 =	sne.s32 s24, $0x8;
	v2 =	vmul.f32 v3, v2  }
.Ltmp15:
0x372: {  	_ = 	snop;
	(pc) =	sbr.rel @p0 .LBB2_30-.Ltmp15, $4  }
0x373: {  	v2 =	vmul.f32 v2, v1  }
0x374: {  	vm0 =	vgt.f32 v1, $0.0e+00  }
0x375: {  	v1 =	vnsel vm0, $0x0, v2  }
0x376: {  	[tilespmem:s25+$0xCF80] =	vst v1  }
0x377: {  	s22 =	sadd.s32 $0x1, s22  }
0x378: {  	p0 =	sne.s32 s22, s8  }
.Ltmp16:
0x379: {  	_ = 	snop;
	(pc) =	sbr.rel @p0 .LBB2_1-.Ltmp16, $4  }
0x37a: {  	[hbm4b:s7+s1] =	stream.linear.scatter [tilespmem:s20], [sflag:$0x2], $0x400, $0x38;
	[tilespmem:$0xD000] =	vst v63  }
0x37b: {  	_ =	swait.ge [sflag:s21], $0x400  }
0x37c: {  	[sflag:s21] =	ssyncset.done $0x0  }
0x37d: {  	[sflag:s21] =	ssyncadd.s32 $0xFFFFFC00  }
0x37e: {  	_ =	sfence.sel $0x180000  }
0x37f: {  	[bflag:$0x0] =	sbarrier.arrive $0xFFFF  }
0x380: {  	_ =	strace $0x9000004A  }
0x381: {  	s0 =	stileid.u32;
	[bflag:$0x2] =	sbarrier.arrive $0xFFFF  }
0x382: {  	p0 =	sne.s32 s0, $0x0;
	s0 =	rddreg [dreg:$0x5]  }
0x383: {  	s0 =	sadd.s32 @!p0 $0x100000, s0  }
0x384: {  	[sflag:s0] =	ssyncadd.tile.s32 @!p0 $0x1;
	_ =	shalt  }
.Lfunc_end2:
_tile_overlayer_lowered:
.L_overlay_start_2:
0x385: {  	(tag) =	ssettag $0x2  }
0x386: {  	s0 =	rddreg [dreg:$0x0];
	s2 =	stileid.u32  }
0x387: {  	s1 =	rddreg [dreg:$0x1];
	p0 =	sne.s32 s2, $0x0  }
0x388: {  	s3 =	rddreg [dreg:$0x2];
	[bflag:$0x3] =	sbarrier.arrive $0xFFFF;
	s2 =	simm.s32 @!p0 $0x1C02  }
0x389: {  	[timem:s3], [sflag:s2] =	dma.local @!p0 [hbm:s0], s1  }
0x38a: {  	s0 =	simm.s32 @!p0 $0x2  }
0x38b: {  	_ =	swait.ge @!p0 [sflag:s0], s1  }
0x38c: {  	s1 =	ssub.s32 @!p0 $0x0, s1;
	[sflag:s0] =	ssyncset.done @!p0 $0x0  }
0x38d: {  	[sflag:s0] =	ssyncadd.s32 @!p0 s1  }
0x38e: {  	[bflag:$0x3] =	sbarrier.arrive $0xFFFF  }
0x38f: {  	_ =	shalt  }

</sc_bundles>
